<compile_context>
chip_gen: v7x
topology: tpu7x:2x2x1
jax: 0.10.2.dev20260603
libtpu: 0.0.44.dev20260713+nightly
codegen_flags: <defaults>
</compile_context>

<pallas_src>
import functools

import jax
import jax.numpy as jnp
from jax import lax
from jax.experimental import pallas as pl
from jax.experimental.pallas import tpu as pltpu
from jax.experimental.pallas import tpu_sc as plsc

HEXD = 128
B, T, N = 2, 10000, 100000
R = B * N
NW = 32
CHUNK = 128
K_CHUNKS = 49
ROWS_PER_W = CHUNK * K_CHUNKS
R_PAD = NW * ROWS_PER_W
MM_BLK = 2000


def _proj_body(hex_ref, wt_ref, b_ref, p_ref):
    h = hex_ref[...]
    p = jnp.dot(h, wt_ref[...], preferred_element_type=jnp.float32)
    p_ref[0] = p[:, 0:HEXD] + b_ref[...]
    p_ref[1] = p[:, HEXD:2 * HEXD]
    p_ref[2] = p[:, 2 * HEXD:3 * HEXD]


def _project(hex_flat, wt, b2d):
    rows = hex_flat.shape[0]
    grid = (rows // MM_BLK,)
    return pl.pallas_call(
        _proj_body,
        grid=grid,
        in_specs=[
            pl.BlockSpec((MM_BLK, HEXD), lambda i: (i, 0)),
            pl.BlockSpec((HEXD, 3 * HEXD), lambda i: (0, 0)),
            pl.BlockSpec((1, HEXD), lambda i: (0, 0)),
        ],
        out_specs=pl.BlockSpec((3, MM_BLK, HEXD), lambda i: (0, i, 0)),
        out_shape=jax.ShapeDtypeStruct((3, rows, HEXD), jnp.float32),
    )(hex_flat, wt, b2d)


def _gather_sum_body(nc, p0, p1, p2, idxf, out,
                     iv0, iv1, iv2, a0, a1, a2, b0, b1, b2, sema, semb):
    wid = lax.axis_index("c") * (NW // nc) + lax.axis_index("s")
    rbase = wid * ROWS_PER_W

    pltpu.sync_copy(idxf.at[pl.ds(0 * R_PAD + wid * ROWS_PER_W, ROWS_PER_W)], iv0)
    pltpu.sync_copy(idxf.at[pl.ds(1 * R_PAD + wid * ROWS_PER_W, ROWS_PER_W)], iv1)
    pltpu.sync_copy(idxf.at[pl.ds(2 * R_PAD + wid * ROWS_PER_W, ROWS_PER_W)], iv2)

    def fetch(k, g0, g1, g2, sem):
        sl = pl.ds(k * CHUNK, CHUNK)
        pltpu.async_copy(p0.at[iv0.at[sl]], g0, sem)
        pltpu.async_copy(p1.at[iv1.at[sl]], g1, sem)
        pltpu.async_copy(p2.at[iv2.at[sl]], g2, sem)

    def finish(k, g0, g1, g2, sem):
        pltpu.make_async_copy(p0.at[iv0.at[pl.ds(0, CHUNK)]], g0, sem).wait()
        pltpu.make_async_copy(p0.at[iv0.at[pl.ds(0, CHUNK)]], g1, sem).wait()
        pltpu.make_async_copy(p0.at[iv0.at[pl.ds(0, CHUNK)]], g2, sem).wait()

        def row_body(r, c2):
            for s in range(HEXD // 16):
                sl = pl.ds(s * 16, 16)
                g0[r, sl] = g0[r, sl] + g1[r, sl] + g2[r, sl]
            return c2

        lax.fori_loop(0, CHUNK, row_body, 0, unroll=2)
        pltpu.sync_copy(g0, out.at[pl.ds(rbase + k * CHUNK, CHUNK)])

    fetch(0, a0, a1, a2, sema)

    def pair_body(kk, carry):
        ka = 2 * kk
        kb = 2 * kk + 1
        fetch(kb, b0, b1, b2, semb)
        finish(ka, a0, a1, a2, sema)
        fetch(kb + 1, a0, a1, a2, sema)
        finish(kb, b0, b1, b2, semb)
        return carry

    npairs = jnp.where(wid < NW - 1, K_CHUNKS // 2, 21)
    lax.fori_loop(0, npairs, pair_body, 0)

    @pl.when(wid < NW - 1)
    def _():
        finish(K_CHUNKS - 1, a0, a1, a2, sema)

    @pl.when(wid == NW - 1)
    def _():
        finish(42, a0, a1, a2, sema)
        fetch(43, b0, b1, b2, semb)
        pltpu.make_async_copy(p0.at[iv0.at[pl.ds(0, CHUNK)]], b0, semb).wait()
        pltpu.make_async_copy(p0.at[iv0.at[pl.ds(0, CHUNK)]], b1, semb).wait()
        pltpu.make_async_copy(p0.at[iv0.at[pl.ds(0, CHUNK)]], b2, semb).wait()

        def row_body(r, c2):
            for s in range(HEXD // 16):
                sl = pl.ds(s * 16, 16)
                b0[r, sl] = b0[r, sl] + b1[r, sl] + b2[r, sl]
            return c2

        lax.fori_loop(0, 64, row_body, 0, unroll=2)
        pltpu.sync_copy(b0.at[pl.ds(0, 64)],
                        out.at[pl.ds(rbase + 43 * CHUNK, 64)])


def _gather_sum(p0, p1, p2, idx_workers):
    mesh = plsc.VectorSubcoreMesh(core_axis_name="c", subcore_axis_name="s")
    f = pl.kernel(
        functools.partial(_gather_sum_body, mesh.num_cores),
        out_type=jax.ShapeDtypeStruct((R, HEXD), jnp.float32),
        mesh=mesh,
        scratch_types=[
            pltpu.VMEM((ROWS_PER_W,), jnp.int32),
            pltpu.VMEM((ROWS_PER_W,), jnp.int32),
            pltpu.VMEM((ROWS_PER_W,), jnp.int32),
            pltpu.VMEM((CHUNK, HEXD), jnp.float32),
            pltpu.VMEM((CHUNK, HEXD), jnp.float32),
            pltpu.VMEM((CHUNK, HEXD), jnp.float32),
            pltpu.VMEM((CHUNK, HEXD), jnp.float32),
            pltpu.VMEM((CHUNK, HEXD), jnp.float32),
            pltpu.VMEM((CHUNK, HEXD), jnp.float32),
            pltpu.SemaphoreType.DMA,
            pltpu.SemaphoreType.DMA,
        ],
    )
    return f(p0, p1, p2, idx_workers)


def kernel(hex_feats, vertex_to_hex, W, b):
    Bb, Tt, D = hex_feats.shape
    Nn = vertex_to_hex.shape[0]
    hex_flat = hex_feats.reshape(Bb * Tt, D)
    wt = W.reshape(D, 3, D).transpose(2, 1, 0).reshape(D, 3 * D)
    b2d = b[None, :]

    pstack = _project(hex_flat, wt, b2d)
    p0, p1, p2 = pstack[0], pstack[1], pstack[2]

    idx = jnp.clip(vertex_to_hex.astype(jnp.int32), 0, Tt - 1)
    offs = (jnp.arange(Bb, dtype=jnp.int32) * Tt)[:, None]
    pad = jnp.zeros((R_PAD - Bb * Nn,), jnp.int32)
    flat = [
        jnp.concatenate([(idx[:, j][None, :] + offs).reshape(-1), pad])
        for j in range(3)
    ]
    idx_flat = jnp.concatenate(flat)

    out = _gather_sum(p0, p1, p2, idx_flat)
    return out.reshape(Bb, Nn, D)

# --- scband reference (transcript-rebuilt; emitter-appended) ---
"""Pipeline reference for scband-inflate-hex-to-vertex-77618648973579 (READ-ONLY COPY).

The authoritative reference and input builder live on the scoring server;
editing this copy changes nothing except your own understanding.
"""

import jax, jax.numpy as jnp
import numpy as np

HEX_DIM = 128
VERTEX_DIM = 128
B, T, N = 2, 10000, 100000


def setup_inputs(seed: int = 0) -> dict:
    key = jax.random.key(seed)
    k1, k2, k3, k4 = jax.random.split(key, 4)
    hex_feats = jax.random.normal(k1, (B, T, HEX_DIM), dtype=jnp.float32)
    vertex_to_hex = jax.random.randint(k2, (N, 3), 0, T, dtype=jnp.int64)
    # Linear(hex_dim*3 -> vertex_dim) parameters
    bound = 1.0 / np.sqrt(HEX_DIM * 3)
    W = jax.random.uniform(k3, (VERTEX_DIM, HEX_DIM * 3), dtype=jnp.float32, minval=-bound, maxval=bound)
    b = jax.random.uniform(k4, (VERTEX_DIM,), dtype=jnp.float32, minval=-bound, maxval=bound)
    return {"hex_feats": hex_feats, "vertex_to_hex": vertex_to_hex, "W": W, "b": b}


def reference(hex_feats, vertex_to_hex, W, b):
    Bb, Tt, D = hex_feats.shape
    Nn = vertex_to_hex.shape[0]
    mask = (vertex_to_hex >= 0).astype(jnp.float32)
    safe_idx = jnp.clip(vertex_to_hex, 0, None)
    # gather: (B, N*3, D) -> (B, N, 3, D)
    gathered = jnp.take(hex_feats, safe_idx.reshape(-1), axis=1).reshape(Bb, Nn, 3, D)
    gathered = gathered * mask[None, :, :, None]
    gathered = gathered.reshape(Bb, Nn, 3 * D)
    return gathered @ W.T + b

if __name__ == "__main__":
    import jax
    _d = setup_inputs()
    print(jax.jit(kernel)(*tuple(_d.values())))

</pallas_src>

<mosaic_0001>
#map = affine_map<(d0, d1) -> (0, 0)>
#map1 = affine_map<(d0, d1) -> (0)>
module attributes {stable_mosaic.version = 14 : i64} {
  func.func @_gather_sum_body(%arg0: i32, %arg1: i32, %arg2: memref<20000x128xf32, #tpu.memory_space<hbm>>, %arg3: memref<20000x128xf32, #tpu.memory_space<hbm>>, %arg4: memref<20000x128xf32, #tpu.memory_space<hbm>>, %arg5: memref<602112xi32, #tpu.memory_space<hbm>>, %arg6: memref<200000x128xf32, #tpu.memory_space<hbm>>, %arg7: memref<6272xi32, #tpu.memory_space<vmem>>, %arg8: memref<6272xi32, #tpu.memory_space<vmem>>, %arg9: memref<6272xi32, #tpu.memory_space<vmem>>, %arg10: memref<128x128xf32, #tpu.memory_space<vmem>>, %arg11: memref<128x128xf32, #tpu.memory_space<vmem>>, %arg12: memref<128x128xf32, #tpu.memory_space<vmem>>, %arg13: memref<128x128xf32, #tpu.memory_space<vmem>>, %arg14: memref<128x128xf32, #tpu.memory_space<vmem>>, %arg15: memref<128x128xf32, #tpu.memory_space<vmem>>, %arg16: memref<!tpu.dma_semaphore, #tpu.memory_space<semaphore_mem>>, %arg17: memref<!tpu.dma_semaphore, #tpu.memory_space<semaphore_mem>>) attributes {dimension_semantics = [#tpu.dimension_semantics<core_parallel>, #tpu.dimension_semantics<subcore_parallel>], iteration_bounds = array<i64: 2, 16>, scalar_prefetch = 0 : i64, scratch_operands = 11 : i64, tpu.core_type = #tpu.core_type<sc_vector_subcore>, window_params = [{transform_indices = #map}, {transform_indices = #map}, {transform_indices = #map}, {transform_indices = #map1}, {transform_indices = #map}]} {
    %mul3A = arith.constant 16 : i32
    %mul3A_0 = arith.muli %arg0, %mul3A : i32
    %add3A = arith.addi %mul3A_0, %arg1 : i32
    %mul3A_1 = arith.constant 6272 : i32
    %mul3A_2 = arith.muli %add3A, %mul3A_1 : i32
    %mul3A_3 = arith.constant 6272 : i32
    %mul3A_4 = arith.muli %add3A, %mul3A_3 : i32
    %add3A_5 = arith.constant 0 : i32
    %add3A_6 = arith.addi %add3A_5, %mul3A_4 : i32
    "tpu.region"() ({
      %run_scoped3A = tpu.sem_alloc : memref<!tpu.dma_semaphore, #tpu.memory_space<semaphore_mem>>
      %dma_start3A_47 = tpu.memref_slice %arg5[%add3A_6] : memref<602112xi32, #tpu.memory_space<hbm>> -> memref<6272xi32, #tpu.memory_space<hbm>>
      %dma_start3A_48 = tpu.memref_slice %arg5[%add3A_6] : memref<602112xi32, #tpu.memory_space<hbm>> -> memref<6272xi32, #tpu.memory_space<hbm>>
      tpu.enqueue_dma source(%dma_start3A_48 : memref<6272xi32, #tpu.memory_space<hbm>>) target(%arg7 : memref<6272xi32, #tpu.memory_space<vmem>>) target_semaphore(%run_scoped3A : memref<!tpu.dma_semaphore, #tpu.memory_space<semaphore_mem>>)
      %dma_wait3A = tpu.memref_slice %arg5[%add3A_6] : memref<602112xi32, #tpu.memory_space<hbm>> -> memref<6272xi32, #tpu.memory_space<hbm>>
      %dma_wait3A_49 = tpu.memref_slice %arg5[%add3A_6] : memref<602112xi32, #tpu.memory_space<hbm>> -> memref<6272xi32, #tpu.memory_space<hbm>>
      tpu.wait_dma2 semaphore(%run_scoped3A : memref<!tpu.dma_semaphore, #tpu.memory_space<semaphore_mem>>) src(%dma_wait3A_49 : memref<6272xi32, #tpu.memory_space<hbm>>) dst(%arg7 : memref<6272xi32, #tpu.memory_space<vmem>>)
      tpu.yield
    }) : () -> ()
    %mul3A_7 = arith.constant 6272 : i32
    %mul3A_8 = arith.muli %add3A, %mul3A_7 : i32
    %add3A_9 = arith.constant 200704 : i32
    %add3A_10 = arith.addi %add3A_9, %mul3A_8 : i32
    "tpu.region"() ({
      %run_scoped3A = tpu.sem_alloc : memref<!tpu.dma_semaphore, #tpu.memory_space<semaphore_mem>>
      %dma_start3A_47 = tpu.memref_slice %arg5[%add3A_10] : memref<602112xi32, #tpu.memory_space<hbm>> -> memref<6272xi32, #tpu.memory_space<hbm>>
      %dma_start3A_48 = tpu.memref_slice %arg5[%add3A_10] : memref<602112xi32, #tpu.memory_space<hbm>> -> memref<6272xi32, #tpu.memory_space<hbm>>
      tpu.enqueue_dma source(%dma_start3A_48 : memref<6272xi32, #tpu.memory_space<hbm>>) target(%arg8 : memref<6272xi32, #tpu.memory_space<vmem>>) target_semaphore(%run_scoped3A : memref<!tpu.dma_semaphore, #tpu.memory_space<semaphore_mem>>)
      %dma_wait3A = tpu.memref_slice %arg5[%add3A_10] : memref<602112xi32, #tpu.memory_space<hbm>> -> memref<6272xi32, #tpu.memory_space<hbm>>
      %dma_wait3A_49 = tpu.memref_slice %arg5[%add3A_10] : memref<602112xi32, #tpu.memory_space<hbm>> -> memref<6272xi32, #tpu.memory_space<hbm>>
      tpu.wait_dma2 semaphore(%run_scoped3A : memref<!tpu.dma_semaphore, #tpu.memory_space<semaphore_mem>>) src(%dma_wait3A_49 : memref<6272xi32, #tpu.memory_space<hbm>>) dst(%arg8 : memref<6272xi32, #tpu.memory_space<vmem>>)
      tpu.yield
    }) : () -> ()
    %mul3A_11 = arith.constant 6272 : i32
    %mul3A_12 = arith.muli %add3A, %mul3A_11 : i32
    %add3A_13 = arith.constant 401408 : i32
    %add3A_14 = arith.addi %add3A_13, %mul3A_12 : i32
    "tpu.region"() ({
      %run_scoped3A = tpu.sem_alloc : memref<!tpu.dma_semaphore, #tpu.memory_space<semaphore_mem>>
      %dma_start3A_47 = tpu.memref_slice %arg5[%add3A_14] : memref<602112xi32, #tpu.memory_space<hbm>> -> memref<6272xi32, #tpu.memory_space<hbm>>
      %dma_start3A_48 = tpu.memref_slice %arg5[%add3A_14] : memref<602112xi32, #tpu.memory_space<hbm>> -> memref<6272xi32, #tpu.memory_space<hbm>>
      tpu.enqueue_dma source(%dma_start3A_48 : memref<6272xi32, #tpu.memory_space<hbm>>) target(%arg9 : memref<6272xi32, #tpu.memory_space<vmem>>) target_semaphore(%run_scoped3A : memref<!tpu.dma_semaphore, #tpu.memory_space<semaphore_mem>>)
      %dma_wait3A = tpu.memref_slice %arg5[%add3A_14] : memref<602112xi32, #tpu.memory_space<hbm>> -> memref<6272xi32, #tpu.memory_space<hbm>>
      %dma_wait3A_49 = tpu.memref_slice %arg5[%add3A_14] : memref<602112xi32, #tpu.memory_space<hbm>> -> memref<6272xi32, #tpu.memory_space<hbm>>
      tpu.wait_dma2 semaphore(%run_scoped3A : memref<!tpu.dma_semaphore, #tpu.memory_space<semaphore_mem>>) src(%dma_wait3A_49 : memref<6272xi32, #tpu.memory_space<hbm>>) dst(%arg9 : memref<6272xi32, #tpu.memory_space<vmem>>)
      tpu.yield
    }) : () -> ()
    %dma_start3A = arith.constant 0 : i32
    %dma_start3A_15 = tpu.memref_slice %arg7[%dma_start3A] : memref<6272xi32, #tpu.memory_space<vmem>> -> memref<128xi32, #tpu.memory_space<vmem>>
    %dma_start3A_16 = arith.constant 0 : i32
    %dma_start3A_17 = arith.constant 0 : i32
    %dma_start3A_18 = tpu.memref_slice %arg2[%dma_start3A_16, %dma_start3A_17] : memref<20000x128xf32, #tpu.memory_space<hbm>> -> memref<20000x128xf32, #tpu.memory_space<hbm>>
    tpu.enqueue_indirect_dma source(%dma_start3A_18 : memref<20000x128xf32, #tpu.memory_space<hbm>>) target(%arg10 : memref<128x128xf32, #tpu.memory_space<vmem>>) offsets(%dma_start3A_15 : memref<128xi32, #tpu.memory_space<vmem>>) semaphore(%arg16 : memref<!tpu.dma_semaphore, #tpu.memory_space<semaphore_mem>>)
    %dma_start3A_19 = arith.constant 0 : i32
    %dma_start3A_20 = tpu.memref_slice %arg8[%dma_start3A_19] : memref<6272xi32, #tpu.memory_space<vmem>> -> memref<128xi32, #tpu.memory_space<vmem>>
    %dma_start3A_21 = arith.constant 0 : i32
    %dma_start3A_22 = arith.constant 0 : i32
    %dma_start3A_23 = tpu.memref_slice %arg3[%dma_start3A_21, %dma_start3A_22] : memref<20000x128xf32, #tpu.memory_space<hbm>> -> memref<20000x128xf32, #tpu.memory_space<hbm>>
    tpu.enqueue_indirect_dma source(%dma_start3A_23 : memref<20000x128xf32, #tpu.memory_space<hbm>>) target(%arg11 : memref<128x128xf32, #tpu.memory_space<vmem>>) offsets(%dma_start3A_20 : memref<128xi32, #tpu.memory_space<vmem>>) semaphore(%arg16 : memref<!tpu.dma_semaphore, #tpu.memory_space<semaphore_mem>>)
    %dma_start3A_24 = arith.constant 0 : i32
    %dma_start3A_25 = tpu.memref_slice %arg9[%dma_start3A_24] : memref<6272xi32, #tpu.memory_space<vmem>> -> memref<128xi32, #tpu.memory_space<vmem>>
    %dma_start3A_26 = arith.constant 0 : i32
    %dma_start3A_27 = arith.constant 0 : i32
    %dma_start3A_28 = tpu.memref_slice %arg4[%dma_start3A_26, %dma_start3A_27] : memref<20000x128xf32, #tpu.memory_space<hbm>> -> memref<20000x128xf32, #tpu.memory_space<hbm>>
    tpu.enqueue_indirect_dma source(%dma_start3A_28 : memref<20000x128xf32, #tpu.memory_space<hbm>>) target(%arg12 : memref<128x128xf32, #tpu.memory_space<vmem>>) offsets(%dma_start3A_25 : memref<128xi32, #tpu.memory_space<vmem>>) semaphore(%arg16 : memref<!tpu.dma_semaphore, #tpu.memory_space<semaphore_mem>>)
    %lt3A = arith.constant 31 : i32
    %lt3A_29 = arith.cmpi slt, %add3A, %lt3A : i32
    %jit3A = arith.constant 24 : i32
    %jit3A_30 = arith.constant 21 : i32
    %select_n3A = arith.select %lt3A_29, %jit3A, %jit3A_30 : i32
    %while3A = arith.constant 0 : i32
    %while3A_31 = arith.constant 0 : i32
    %while3A_32 = arith.subi %select_n3A, %while3A_31 : i32
    %while3A_33 = arith.addi %while3A_31, %while3A_32 : i32
    %while3A_34 = arith.constant 1 : i32
    %while3A_35 = arith.divsi %while3A_32, %while3A_34 : i32
    %while3A_36 = arith.muli %while3A_35, %while3A_34 : i32
    %while3A_37 = arith.addi %while3A_31, %while3A_36 : i32
    %while3A_38 = arith.constant 1 : i32
    scf.for %while3A_47 = %while3A_31 to %while3A_37 step %while3A_38  : i32 {
      %mul3A_48 = arith.constant 2 : i32
      %mul3A_49 = arith.muli %mul3A_48, %while3A_47 : i32
      %mul3A_50 = arith.constant 2 : i32
      %mul3A_51 = arith.muli %mul3A_50, %while3A_47 : i32
      %add3A_52 = arith.constant 1 : i32
      %add3A_53 = arith.addi %mul3A_51, %add3A_52 : i32
      %mul3A_54 = arith.constant 128 : i32
      %mul3A_55 = arith.muli %add3A_53, %mul3A_54 : i32
      %dma_start3A_56 = tpu.memref_slice %arg7[%mul3A_55] : memref<6272xi32, #tpu.memory_space<vmem>> -> memref<128xi32, #tpu.memory_space<vmem>>
      %dma_start3A_57 = arith.constant 0 : i32
      %dma_start3A_58 = arith.constant 0 : i32
      %dma_start3A_59 = tpu.memref_slice %arg2[%dma_start3A_57, %dma_start3A_58] : memref<20000x128xf32, #tpu.memory_space<hbm>> -> memref<20000x128xf32, #tpu.memory_space<hbm>>
      tpu.enqueue_indirect_dma source(%dma_start3A_59 : memref<20000x128xf32, #tpu.memory_space<hbm>>) target(%arg13 : memref<128x128xf32, #tpu.memory_space<vmem>>) offsets(%dma_start3A_56 : memref<128xi32, #tpu.memory_space<vmem>>) semaphore(%arg17 : memref<!tpu.dma_semaphore, #tpu.memory_space<semaphore_mem>>)
      %dma_start3A_60 = tpu.memref_slice %arg8[%mul3A_55] : memref<6272xi32, #tpu.memory_space<vmem>> -> memref<128xi32, #tpu.memory_space<vmem>>
      %dma_start3A_61 = arith.constant 0 : i32
      %dma_start3A_62 = arith.constant 0 : i32
      %dma_start3A_63 = tpu.memref_slice %arg3[%dma_start3A_61, %dma_start3A_62] : memref<20000x128xf32, #tpu.memory_space<hbm>> -> memref<20000x128xf32, #tpu.memory_space<hbm>>
      tpu.enqueue_indirect_dma source(%dma_start3A_63 : memref<20000x128xf32, #tpu.memory_space<hbm>>) target(%arg14 : memref<128x128xf32, #tpu.memory_space<vmem>>) offsets(%dma_start3A_60 : memref<128xi32, #tpu.memory_space<vmem>>) semaphore(%arg17 : memref<!tpu.dma_semaphore, #tpu.memory_space<semaphore_mem>>)
      %dma_start3A_64 = tpu.memref_slice %arg9[%mul3A_55] : memref<6272xi32, #tpu.memory_space<vmem>> -> memref<128xi32, #tpu.memory_space<vmem>>
      %dma_start3A_65 = arith.constant 0 : i32
      %dma_start3A_66 = arith.constant 0 : i32
      %dma_start3A_67 = tpu.memref_slice %arg4[%dma_start3A_65, %dma_start3A_66] : memref<20000x128xf32, #tpu.memory_space<hbm>> -> memref<20000x128xf32, #tpu.memory_space<hbm>>
      tpu.enqueue_indirect_dma source(%dma_start3A_67 : memref<20000x128xf32, #tpu.memory_space<hbm>>) target(%arg15 : memref<128x128xf32, #tpu.memory_space<vmem>>) offsets(%dma_start3A_64 : memref<128xi32, #tpu.memory_space<vmem>>) semaphore(%arg17 : memref<!tpu.dma_semaphore, #tpu.memory_space<semaphore_mem>>)
      %dma_wait3A = arith.constant 0 : i32
      %dma_wait3A_68 = tpu.memref_slice %arg7[%dma_wait3A] : memref<6272xi32, #tpu.memory_space<vmem>> -> memref<128xi32, #tpu.memory_space<vmem>>
      %dma_wait3A_69 = arith.constant 0 : i32
      %dma_wait3A_70 = arith.constant 0 : i32
      %dma_wait3A_71 = tpu.memref_slice %arg2[%dma_wait3A_69, %dma_wait3A_70] : memref<20000x128xf32, #tpu.memory_space<hbm>> -> memref<20000x128xf32, #tpu.memory_space<hbm>>
      tpu.wait_indirect_dma semaphore(%arg16 : memref<!tpu.dma_semaphore, #tpu.memory_space<semaphore_mem>>) src(%dma_wait3A_71 : memref<20000x128xf32, #tpu.memory_space<hbm>>) dst(%arg10 : memref<128x128xf32, #tpu.memory_space<vmem>>)
      %dma_wait3A_72 = arith.constant 0 : i32
      %dma_wait3A_73 = tpu.memref_slice %arg7[%dma_wait3A_72] : memref<6272xi32, #tpu.memory_space<vmem>> -> memref<128xi32, #tpu.memory_space<vmem>>
      %dma_wait3A_74 = arith.constant 0 : i32
      %dma_wait3A_75 = arith.constant 0 : i32
      %dma_wait3A_76 = tpu.memref_slice %arg2[%dma_wait3A_74, %dma_wait3A_75] : memref<20000x128xf32, #tpu.memory_space<hbm>> -> memref<20000x128xf32, #tpu.memory_space<hbm>>
      tpu.wait_indirect_dma semaphore(%arg16 : memref<!tpu.dma_semaphore, #tpu.memory_space<semaphore_mem>>) src(%dma_wait3A_76 : memref<20000x128xf32, #tpu.memory_space<hbm>>) dst(%arg11 : memref<128x128xf32, #tpu.memory_space<vmem>>)
      %dma_wait3A_77 = arith.constant 0 : i32
      %dma_wait3A_78 = tpu.memref_slice %arg7[%dma_wait3A_77] : memref<6272xi32, #tpu.memory_space<vmem>> -> memref<128xi32, #tpu.memory_space<vmem>>
      %dma_wait3A_79 = arith.constant 0 : i32
      %dma_wait3A_80 = arith.constant 0 : i32
      %dma_wait3A_81 = tpu.memref_slice %arg2[%dma_wait3A_79, %dma_wait3A_80] : memref<20000x128xf32, #tpu.memory_space<hbm>> -> memref<20000x128xf32, #tpu.memory_space<hbm>>
      tpu.wait_indirect_dma semaphore(%arg16 : memref<!tpu.dma_semaphore, #tpu.memory_space<semaphore_mem>>) src(%dma_wait3A_81 : memref<20000x128xf32, #tpu.memory_space<hbm>>) dst(%arg12 : memref<128x128xf32, #tpu.memory_space<vmem>>)
      %scan3A = arith.constant 0 : i32
      %scan3A_82 = arith.constant 0 : i32
      %scan3A_83 = arith.constant 128 : i32
      %scan3A_84 = arith.addi %scan3A_82, %scan3A_83 : i32
      %scan3A_85 = arith.constant 2 : i32
      scf.for %scan3A_130 = %scan3A_82 to %scan3A_84 step %scan3A_85  : i32 {
        %get3A = arith.index_cast %scan3A_130 : i32 to index
        %get3A_131 = arith.constant 0 : index
        %get3A_132 = tpu.vector_load %arg10[%get3A, %get3A_131] {strides = array<i32>} : memref<128x128xf32, #tpu.memory_space<vmem>>, vector<1x16xf32>,
        %get3A_133 = vector.shape_cast %get3A_132 : vector<1x16xf32> to vector<16xf32>
        %get3A_134 = arith.index_cast %scan3A_130 : i32 to index
        %get3A_135 = arith.constant 0 : index
        %get3A_136 = tpu.vector_load %arg11[%get3A_134, %get3A_135] {strides = array<i32>} : memref<128x128xf32, #tpu.memory_space<vmem>>, vector<1x16xf32>,
        %get3A_137 = vector.shape_cast %get3A_136 : vector<1x16xf32> to vector<16xf32>
        %add3A_138 = arith.addf %get3A_133, %get3A_137 : vector<16xf32>
        %get3A_139 = arith.index_cast %scan3A_130 : i32 to index
        %get3A_140 = arith.constant 0 : index
        %get3A_141 = tpu.vector_load %arg12[%get3A_139, %get3A_140] {strides = array<i32>} : memref<128x128xf32, #tpu.memory_space<vmem>>, vector<1x16xf32>,
        %get3A_142 = vector.shape_cast %get3A_141 : vector<1x16xf32> to vector<16xf32>
        %add3A_143 = arith.addf %add3A_138, %get3A_142 : vector<16xf32>
        %swap3A = arith.index_cast %scan3A_130 : i32 to index
        %swap3A_144 = arith.constant 0 : index
        %swap3A_145 = tpu.vector_load %arg10[%swap3A, %swap3A_144] {strides = array<i32>} : memref<128x128xf32, #tpu.memory_space<vmem>>, vector<1x16xf32>,
        %swap3A_146 = vector.shape_cast %swap3A_145 : vector<1x16xf32> to vector<16xf32>
        %swap3A_147 = vector.shape_cast %add3A_143 : vector<16xf32> to vector<1x16xf32>
        tpu.vector_store %arg10[%swap3A, %swap3A_144], %swap3A_147 {strides = array<i32>} : memref<128x128xf32, #tpu.memory_space<vmem>>, vector<1x16xf32>,
        %get3A_148 = arith.index_cast %scan3A_130 : i32 to index
        %get3A_149 = arith.constant 16 : index
        %get3A_150 = tpu.vector_load %arg10[%get3A_148, %get3A_149] {strides = array<i32>} : memref<128x128xf32, #tpu.memory_space<vmem>>, vector<1x16xf32>,
        %get3A_151 = vector.shape_cast %get3A_150 : vector<1x16xf32> to vector<16xf32>
        %get3A_152 = arith.index_cast %scan3A_130 : i32 to index
        %get3A_153 = arith.constant 16 : index
        %get3A_154 = tpu.vector_load %arg11[%get3A_152, %get3A_153] {strides = array<i32>} : memref<128x128xf32, #tpu.memory_space<vmem>>, vector<1x16xf32>,
        %get3A_155 = vector.shape_cast %get3A_154 : vector<1x16xf32> to vector<16xf32>
        %add3A_156 = arith.addf %get3A_151, %get3A_155 : vector<16xf32>
        %get3A_157 = arith.index_cast %scan3A_130 : i32 to index
        %get3A_158 = arith.constant 16 : index
        %get3A_159 = tpu.vector_load %arg12[%get3A_157, %get3A_158] {strides = array<i32>} : memref<128x128xf32, #tpu.memory_space<vmem>>, vector<1x16xf32>,
        %get3A_160 = vector.shape_cast %get3A_159 : vector<1x16xf32> to vector<16xf32>
        %add3A_161 = arith.addf %add3A_156, %get3A_160 : vector<16xf32>
        %swap3A_162 = arith.index_cast %scan3A_130 : i32 to index
        %swap3A_163 = arith.constant 16 : index
        %swap3A_164 = tpu.vector_load %arg10[%swap3A_162, %swap3A_163] {strides = array<i32>} : memref<128x128xf32, #tpu.memory_space<vmem>>, vector<1x16xf32>,
        %swap3A_165 = vector.shape_cast %swap3A_164 : vector<1x16xf32> to vector<16xf32>
        %swap3A_166 = vector.shape_cast %add3A_161 : vector<16xf32> to vector<1x16xf32>
        tpu.vector_store %arg10[%swap3A_162, %swap3A_163], %swap3A_166 {strides = array<i32>} : memref<128x128xf32, #tpu.memory_space<vmem>>, vector<1x16xf32>,
        %get3A_167 = arith.index_cast %scan3A_130 : i32 to index
        %get3A_168 = arith.constant 32 : index
        %get3A_169 = tpu.vector_load %arg10[%get3A_167, %get3A_168] {strides = array<i32>} : memref<128x128xf32, #tpu.memory_space<vmem>>, vector<1x16xf32>,
        %get3A_170 = vector.shape_cast %get3A_169 : vector<1x16xf32> to vector<16xf32>
        %get3A_171 = arith.index_cast %scan3A_130 : i32 to index
        %get3A_172 = arith.constant 32 : index
        %get3A_173 = tpu.vector_load %arg11[%get3A_171, %get3A_172] {strides = array<i32>} : memref<128x128xf32, #tpu.memory_space<vmem>>, vector<1x16xf32>,
        %get3A_174 = vector.shape_cast %get3A_173 : vector<1x16xf32> to vector<16xf32>
        %add3A_175 = arith.addf %get3A_170, %get3A_174 : vector<16xf32>
        %get3A_176 = arith.index_cast %scan3A_130 : i32 to index
        %get3A_177 = arith.constant 32 : index
        %get3A_178 = tpu.vector_load %arg12[%get3A_176, %get3A_177] {strides = array<i32>} : memref<128x128xf32, #tpu.memory_space<vmem>>, vector<1x16xf32>,
        %get3A_179 = vector.shape_cast %get3A_178 : vector<1x16xf32> to vector<16xf32>
        %add3A_180 = arith.addf %add3A_175, %get3A_179 : vector<16xf32>
        %swap3A_181 = arith.index_cast %scan3A_130 : i32 to index
        %swap3A_182 = arith.constant 32 : index
        %swap3A_183 = tpu.vector_load %arg10[%swap3A_181, %swap3A_182] {strides = array<i32>} : memref<128x128xf32, #tpu.memory_space<vmem>>, vector<1x16xf32>,
        %swap3A_184 = vector.shape_cast %swap3A_183 : vector<1x16xf32> to vector<16xf32>
        %swap3A_185 = vector.shape_cast %add3A_180 : vector<16xf32> to vector<1x16xf32>
        tpu.vector_store %arg10[%swap3A_181, %swap3A_182], %swap3A_185 {strides = array<i32>} : memref<128x128xf32, #tpu.memory_space<vmem>>, vector<1x16xf32>,
        %get3A_186 = arith.index_cast %scan3A_130 : i32 to index
        %get3A_187 = arith.constant 48 : index
        %get3A_188 = tpu.vector_load %arg10[%get3A_186, %get3A_187] {strides = array<i32>} : memref<128x128xf32, #tpu.memory_space<vmem>>, vector<1x16xf32>,
        %get3A_189 = vector.shape_cast %get3A_188 : vector<1x16xf32> to vector<16xf32>
        %get3A_190 = arith.index_cast %scan3A_130 : i32 to index
        %get3A_191 = arith.constant 48 : index
        %get3A_192 = tpu.vector_load %arg11[%get3A_190, %get3A_191] {strides = array<i32>} : memref<128x128xf32, #tpu.memory_space<vmem>>, vector<1x16xf32>,
        %get3A_193 = vector.shape_cast %get3A_192 : vector<1x16xf32> to vector<16xf32>
        %add3A_194 = arith.addf %get3A_189, %get3A_193 : vector<16xf32>
        %get3A_195 = arith.index_cast %scan3A_130 : i32 to index
        %get3A_196 = arith.constant 48 : index
        %get3A_197 = tpu.vector_load %arg12[%get3A_195, %get3A_196] {strides = array<i32>} : memref<128x128xf32, #tpu.memory_space<vmem>>, vector<1x16xf32>,
        %get3A_198 = vector.shape_cast %get3A_197 : vector<1x16xf32> to vector<16xf32>
        %add3A_199 = arith.addf %add3A_194, %get3A_198 : vector<16xf32>
        %swap3A_200 = arith.index_cast %scan3A_130 : i32 to index
        %swap3A_201 = arith.constant 48 : index
        %swap3A_202 = tpu.vector_load %arg10[%swap3A_200, %swap3A_201] {strides = array<i32>} : memref<128x128xf32, #tpu.memory_space<vmem>>, vector<1x16xf32>,
        %swap3A_203 = vector.shape_cast %swap3A_202 : vector<1x16xf32> to vector<16xf32>
        %swap3A_204 = vector.shape_cast %add3A_199 : vector<16xf32> to vector<1x16xf32>
        tpu.vector_store %arg10[%swap3A_200, %swap3A_201], %swap3A_204 {strides = array<i32>} : memref<128x128xf32, #tpu.memory_space<vmem>>, vector<1x16xf32>,
        %get3A_205 = arith.index_cast %scan3A_130 : i32 to index
        %get3A_206 = arith.constant 64 : index
        %get3A_207 = tpu.vector_load %arg10[%get3A_205, %get3A_206] {strides = array<i32>} : memref<128x128xf32, #tpu.memory_space<vmem>>, vector<1x16xf32>,
        %get3A_208 = vector.shape_cast %get3A_207 : vector<1x16xf32> to vector<16xf32>
        %get3A_209 = arith.index_cast %scan3A_130 : i32 to index
        %get3A_210 = arith.constant 64 : index
        %get3A_211 = tpu.vector_load %arg11[%get3A_209, %get3A_210] {strides = array<i32>} : memref<128x128xf32, #tpu.memory_space<vmem>>, vector<1x16xf32>,
        %get3A_212 = vector.shape_cast %get3A_211 : vector<1x16xf32> to vector<16xf32>
        %add3A_213 = arith.addf %get3A_208, %get3A_212 : vector<16xf32>
        %get3A_214 = arith.index_cast %scan3A_130 : i32 to index
        %get3A_215 = arith.constant 64 : index
        %get3A_216 = tpu.vector_load %arg12[%get3A_214, %get3A_215] {strides = array<i32>} : memref<128x128xf32, #tpu.memory_space<vmem>>, vector<1x16xf32>,
        %get3A_217 = vector.shape_cast %get3A_216 : vector<1x16xf32> to vector<16xf32>
        %add3A_218 = arith.addf %add3A_213, %get3A_217 : vector<16xf32>
        %swap3A_219 = arith.index_cast %scan3A_130 : i32 to index
        %swap3A_220 = arith.constant 64 : index
        %swap3A_221 = tpu.vector_load %arg10[%swap3A_219, %swap3A_220] {strides = array<i32>} : memref<128x128xf32, #tpu.memory_space<vmem>>, vector<1x16xf32>,
        %swap3A_222 = vector.shape_cast %swap3A_221 : vector<1x16xf32> to vector<16xf32>
        %swap3A_223 = vector.shape_cast %add3A_218 : vector<16xf32> to vector<1x16xf32>
        tpu.vector_store %arg10[%swap3A_219, %swap3A_220], %swap3A_223 {strides = array<i32>} : memref<128x128xf32, #tpu.memory_space<vmem>>, vector<1x16xf32>,
        %get3A_224 = arith.index_cast %scan3A_130 : i32 to index
        %get3A_225 = arith.constant 80 : index
        %get3A_226 = tpu.vector_load %arg10[%get3A_224, %get3A_225] {strides = array<i32>} : memref<128x128xf32, #tpu.memory_space<vmem>>, vector<1x16xf32>,
        %get3A_227 = vector.shape_cast %get3A_226 : vector<1x16xf32> to vector<16xf32>
        %get3A_228 = arith.index_cast %scan3A_130 : i32 to index
        %get3A_229 = arith.constant 80 : index
        %get3A_230 = tpu.vector_load %arg11[%get3A_228, %get3A_229] {strides = array<i32>} : memref<128x128xf32, #tpu.memory_space<vmem>>, vector<1x16xf32>,
        %get3A_231 = vector.shape_cast %get3A_230 : vector<1x16xf32> to vector<16xf32>
        %add3A_232 = arith.addf %get3A_227, %get3A_231 : vector<16xf32>
        %get3A_233 = arith.index_cast %scan3A_130 : i32 to index
        %get3A_234 = arith.constant 80 : index
        %get3A_235 = tpu.vector_load %arg12[%get3A_233, %get3A_234] {strides = array<i32>} : memref<128x128xf32, #tpu.memory_space<vmem>>, vector<1x16xf32>,
        %get3A_236 = vector.shape_cast %get3A_235 : vector<1x16xf32> to vector<16xf32>
        %add3A_237 = arith.addf %add3A_232, %get3A_236 : vector<16xf32>
        %swap3A_238 = arith.index_cast %scan3A_130 : i32 to index
        %swap3A_239 = arith.constant 80 : index
        %swap3A_240 = tpu.vector_load %arg10[%swap3A_238, %swap3A_239] {strides = array<i32>} : memref<128x128xf32, #tpu.memory_space<vmem>>, vector<1x16xf32>,
        %swap3A_241 = vector.shape_cast %swap3A_240 : vector<1x16xf32> to vector<16xf32>
        %swap3A_242 = vector.shape_cast %add3A_237 : vector<16xf32> to vector<1x16xf32>
        tpu.vector_store %arg10[%swap3A_238, %swap3A_239], %swap3A_242 {strides = array<i32>} : memref<128x128xf32, #tpu.memory_space<vmem>>, vector<1x16xf32>,
        %get3A_243 = arith.index_cast %scan3A_130 : i32 to index
        %get3A_244 = arith.constant 96 : index
        %get3A_245 = tpu.vector_load %arg10[%get3A_243, %get3A_244] {strides = array<i32>} : memref<128x128xf32, #tpu.memory_space<vmem>>, vector<1x16xf32>,
        %get3A_246 = vector.shape_cast %get3A_245 : vector<1x16xf32> to vector<16xf32>
        %get3A_247 = arith.index_cast %scan3A_130 : i32 to index
        %get3A_248 = arith.constant 96 : index
        %get3A_249 = tpu.vector_load %arg11[%get3A_247, %get3A_248] {strides = array<i32>} : memref<128x128xf32, #tpu.memory_space<vmem>>, vector<1x16xf32>,
        %get3A_250 = vector.shape_cast %get3A_249 : vector<1x16xf32> to vector<16xf32>
        %add3A_251 = arith.addf %get3A_246, %get3A_250 : vector<16xf32>
        %get3A_252 = arith.index_cast %scan3A_130 : i32 to index
        %get3A_253 = arith.constant 96 : index
        %get3A_254 = tpu.vector_load %arg12[%get3A_252, %get3A_253] {strides = array<i32>} : memref<128x128xf32, #tpu.memory_space<vmem>>, vector<1x16xf32>,
        %get3A_255 = vector.shape_cast %get3A_254 : vector<1x16xf32> to vector<16xf32>
        %add3A_256 = arith.addf %add3A_251, %get3A_255 : vector<16xf32>
        %swap3A_257 = arith.index_cast %scan3A_130 : i32 to index
        %swap3A_258 = arith.constant 96 : index
        %swap3A_259 = tpu.vector_load %arg10[%swap3A_257, %swap3A_258] {strides = array<i32>} : memref<128x128xf32, #tpu.memory_space<vmem>>, vector<1x16xf32>,
        %swap3A_260 = vector.shape_cast %swap3A_259 : vector<1x16xf32> to vector<16xf32>
        %swap3A_261 = vector.shape_cast %add3A_256 : vector<16xf32> to vector<1x16xf32>
        tpu.vector_store %arg10[%swap3A_257, %swap3A_258], %swap3A_261 {strides = array<i32>} : memref<128x128xf32, #tpu.memory_space<vmem>>, vector<1x16xf32>,
        %get3A_262 = arith.index_cast %scan3A_130 : i32 to index
        %get3A_263 = arith.constant 112 : index
        %get3A_264 = tpu.vector_load %arg10[%get3A_262, %get3A_263] {strides = array<i32>} : memref<128x128xf32, #tpu.memory_space<vmem>>, vector<1x16xf32>,
        %get3A_265 = vector.shape_cast %get3A_264 : vector<1x16xf32> to vector<16xf32>
        %get3A_266 = arith.index_cast %scan3A_130 : i32 to index
        %get3A_267 = arith.constant 112 : index
        %get3A_268 = tpu.vector_load %arg11[%get3A_266, %get3A_267] {strides = array<i32>} : memref<128x128xf32, #tpu.memory_space<vmem>>, vector<1x16xf32>,
        %get3A_269 = vector.shape_cast %get3A_268 : vector<1x16xf32> to vector<16xf32>
        %add3A_270 = arith.addf %get3A_265, %get3A_269 : vector<16xf32>
        %get3A_271 = arith.index_cast %scan3A_130 : i32 to index
        %get3A_272 = arith.constant 112 : index
        %get3A_273 = tpu.vector_load %arg12[%get3A_271, %get3A_272] {strides = array<i32>} : memref<128x128xf32, #tpu.memory_space<vmem>>, vector<1x16xf32>,
        %get3A_274 = vector.shape_cast %get3A_273 : vector<1x16xf32> to vector<16xf32>
        %add3A_275 = arith.addf %add3A_270, %get3A_274 : vector<16xf32>
        %swap3A_276 = arith.index_cast %scan3A_130 : i32 to index
        %swap3A_277 = arith.constant 112 : index
        %swap3A_278 = tpu.vector_load %arg10[%swap3A_276, %swap3A_277] {strides = array<i32>} : memref<128x128xf32, #tpu.memory_space<vmem>>, vector<1x16xf32>,
        %swap3A_279 = vector.shape_cast %swap3A_278 : vector<1x16xf32> to vector<16xf32>
        %swap3A_280 = vector.shape_cast %add3A_275 : vector<16xf32> to vector<1x16xf32>
        tpu.vector_store %arg10[%swap3A_276, %swap3A_277], %swap3A_280 {strides = array<i32>} : memref<128x128xf32, #tpu.memory_space<vmem>>, vector<1x16xf32>,
        %scan3A_281 = arith.constant 1 : i32
        %scan3A_282 = arith.addi %scan3A_130, %scan3A_281 : i32
        %get3A_283 = arith.index_cast %scan3A_282 : i32 to index
        %get3A_284 = arith.constant 0 : index
        %get3A_285 = tpu.vector_load %arg10[%get3A_283, %get3A_284] {strides = array<i32>} : memref<128x128xf32, #tpu.memory_space<vmem>>, vector<1x16xf32>,
        %get3A_286 = vector.shape_cast %get3A_285 : vector<1x16xf32> to vector<16xf32>
        %get3A_287 = arith.index_cast %scan3A_282 : i32 to index
        %get3A_288 = arith.constant 0 : index
        %get3A_289 = tpu.vector_load %arg11[%get3A_287, %get3A_288] {strides = array<i32>} : memref<128x128xf32, #tpu.memory_space<vmem>>, vector<1x16xf32>,
        %get3A_290 = vector.shape_cast %get3A_289 : vector<1x16xf32> to vector<16xf32>
        %add3A_291 = arith.addf %get3A_286, %get3A_290 : vector<16xf32>
        %get3A_292 = arith.index_cast %scan3A_282 : i32 to index
        %get3A_293 = arith.constant 0 : index
        %get3A_294 = tpu.vector_load %arg12[%get3A_292, %get3A_293] {strides = array<i32>} : memref<128x128xf32, #tpu.memory_space<vmem>>, vector<1x16xf32>,
        %get3A_295 = vector.shape_cast %get3A_294 : vector<1x16xf32> to vector<16xf32>
        %add3A_296 = arith.addf %add3A_291, %get3A_295 : vector<16xf32>
        %swap3A_297 = arith.index_cast %scan3A_282 : i32 to index
        %swap3A_298 = arith.constant 0 : index
        %swap3A_299 = tpu.vector_load %arg10[%swap3A_297, %swap3A_298] {strides = array<i32>} : memref<128x128xf32, #tpu.memory_space<vmem>>, vector<1x16xf32>,
        %swap3A_300 = vector.shape_cast %swap3A_299 : vector<1x16xf32> to vector<16xf32>
        %swap3A_301 = vector.shape_cast %add3A_296 : vector<16xf32> to vector<1x16xf32>
        tpu.vector_store %arg10[%swap3A_297, %swap3A_298], %swap3A_301 {strides = array<i32>} : memref<128x128xf32, #tpu.memory_space<vmem>>, vector<1x16xf32>,
        %get3A_302 = arith.index_cast %scan3A_282 : i32 to index
        %get3A_303 = arith.constant 16 : index
        %get3A_304 = tpu.vector_load %arg10[%get3A_302, %get3A_303] {strides = array<i32>} : memref<128x128xf32, #tpu.memory_space<vmem>>, vector<1x16xf32>,
        %get3A_305 = vector.shape_cast %get3A_304 : vector<1x16xf32> to vector<16xf32>
        %get3A_306 = arith.index_cast %scan3A_282 : i32 to index
        %get3A_307 = arith.constant 16 : index
        %get3A_308 = tpu.vector_load %arg11[%get3A_306, %get3A_307] {strides = array<i32>} : memref<128x128xf32, #tpu.memory_space<vmem>>, vector<1x16xf32>,
        %get3A_309 = vector.shape_cast %get3A_308 : vector<1x16xf32> to vector<16xf32>
        %add3A_310 = arith.addf %get3A_305, %get3A_309 : vector<16xf32>
        %get3A_311 = arith.index_cast %scan3A_282 : i32 to index
        %get3A_312 = arith.constant 16 : index
        %get3A_313 = tpu.vector_load %arg12[%get3A_311, %get3A_312] {strides = array<i32>} : memref<128x128xf32, #tpu.memory_space<vmem>>, vector<1x16xf32>,
        %get3A_314 = vector.shape_cast %get3A_313 : vector<1x16xf32> to vector<16xf32>
        %add3A_315 = arith.addf %add3A_310, %get3A_314 : vector<16xf32>
        %swap3A_316 = arith.index_cast %scan3A_282 : i32 to index
        %swap3A_317 = arith.constant 16 : index
        %swap3A_318 = tpu.vector_load %arg10[%swap3A_316, %swap3A_317] {strides = array<i32>} : memref<128x128xf32, #tpu.memory_space<vmem>>, vector<1x16xf32>,
        %swap3A_319 = vector.shape_cast %swap3A_318 : vector<1x16xf32> to vector<16xf32>
        %swap3A_320 = vector.shape_cast %add3A_315 : vector<16xf32> to vector<1x16xf32>
        tpu.vector_store %arg10[%swap3A_316, %swap3A_317], %swap3A_320 {strides = array<i32>} : memref<128x128xf32, #tpu.memory_space<vmem>>, vector<1x16xf32>,
        %get3A_321 = arith.index_cast %scan3A_282 : i32 to index
        %get3A_322 = arith.constant 32 : index
        %get3A_323 = tpu.vector_load %arg10[%get3A_321, %get3A_322] {strides = array<i32>} : memref<128x128xf32, #tpu.memory_space<vmem>>, vector<1x16xf32>,
        %get3A_324 = vector.shape_cast %get3A_323 : vector<1x16xf32> to vector<16xf32>
        %get3A_325 = arith.index_cast %scan3A_282 : i32 to index
        %get3A_326 = arith.constant 32 : index
        %get3A_327 = tpu.vector_load %arg11[%get3A_325, %get3A_326] {strides = array<i32>} : memref<128x128xf32, #tpu.memory_space<vmem>>, vector<1x16xf32>,
        %get3A_328 = vector.shape_cast %get3A_327 : vector<1x16xf32> to vector<16xf32>
        %add3A_329 = arith.addf %get3A_324, %get3A_328 : vector<16xf32>
        %get3A_330 = arith.index_cast %scan3A_282 : i32 to index
        %get3A_331 = arith.constant 32 : index
        %get3A_332 = tpu.vector_load %arg12[%get3A_330, %get3A_331] {strides = array<i32>} : memref<128x128xf32, #tpu.memory_space<vmem>>, vector<1x16xf32>,
        %get3A_333 = vector.shape_cast %get3A_332 : vector<1x16xf32> to vector<16xf32>
        %add3A_334 = arith.addf %add3A_329, %get3A_333 : vector<16xf32>
        %swap3A_335 = arith.index_cast %scan3A_282 : i32 to index
        %swap3A_336 = arith.constant 32 : index
        %swap3A_337 = tpu.vector_load %arg10[%swap3A_335, %swap3A_336] {strides = array<i32>} : memref<128x128xf32, #tpu.memory_space<vmem>>, vector<1x16xf32>,
        %swap3A_338 = vector.shape_cast %swap3A_337 : vector<1x16xf32> to vector<16xf32>
        %swap3A_339 = vector.shape_cast %add3A_334 : vector<16xf32> to vector<1x16xf32>
        tpu.vector_store %arg10[%swap3A_335, %swap3A_336], %swap3A_339 {strides = array<i32>} : memref<128x128xf32, #tpu.memory_space<vmem>>, vector<1x16xf32>,
        %get3A_340 = arith.index_cast %scan3A_282 : i32 to index
        %get3A_341 = arith.constant 48 : index
        %get3A_342 = tpu.vector_load %arg10[%get3A_340, %get3A_341] {strides = array<i32>} : memref<128x128xf32, #tpu.memory_space<vmem>>, vector<1x16xf32>,
        %get3A_343 = vector.shape_cast %get3A_342 : vector<1x16xf32> to vector<16xf32>
        %get3A_344 = arith.index_cast %scan3A_282 : i32 to index
        %get3A_345 = arith.constant 48 : index
        %get3A_346 = tpu.vector_load %arg11[%get3A_344, %get3A_345] {strides = array<i32>} : memref<128x128xf32, #tpu.memory_space<vmem>>, vector<1x16xf32>,
        %get3A_347 = vector.shape_cast %get3A_346 : vector<1x16xf32> to vector<16xf32>
        %add3A_348 = arith.addf %get3A_343, %get3A_347 : vector<16xf32>
        %get3A_349 = arith.index_cast %scan3A_282 : i32 to index
        %get3A_350 = arith.constant 48 : index
        %get3A_351 = tpu.vector_load %arg12[%get3A_349, %get3A_350] {strides = array<i32>} : memref<128x128xf32, #tpu.memory_space<vmem>>, vector<1x16xf32>,
        %get3A_352 = vector.shape_cast %get3A_351 : vector<1x16xf32> to vector<16xf32>
        %add3A_353 = arith.addf %add3A_348, %get3A_352 : vector<16xf32>
        %swap3A_354 = arith.index_cast %scan3A_282 : i32 to index
        %swap3A_355 = arith.constant 48 : index
        %swap3A_356 = tpu.vector_load %arg10[%swap3A_354, %swap3A_355] {strides = array<i32>} : memref<128x128xf32, #tpu.memory_space<vmem>>, vector<1x16xf32>,
        %swap3A_357 = vector.shape_cast %swap3A_356 : vector<1x16xf32> to vector<16xf32>
        %swap3A_358 = vector.shape_cast %add3A_353 : vector<16xf32> to vector<1x16xf32>
        tpu.vector_store %arg10[%swap3A_354, %swap3A_355], %swap3A_358 {strides = array<i32>} : memref<128x128xf32, #tpu.memory_space<vmem>>, vector<1x16xf32>,
        %get3A_359 = arith.index_cast %scan3A_282 : i32 to index
        %get3A_360 = arith.constant 64 : index
        %get3A_361 = tpu.vector_load %arg10[%get3A_359, %get3A_360] {strides = array<i32>} : memref<128x128xf32, #tpu.memory_space<vmem>>, vector<1x16xf32>,
        %get3A_362 = vector.shape_cast %get3A_361 : vector<1x16xf32> to vector<16xf32>
        %get3A_363 = arith.index_cast %scan3A_282 : i32 to index
        %get3A_364 = arith.constant 64 : index
        %get3A_365 = tpu.vector_load %arg11[%get3A_363, %get3A_364] {strides = array<i32>} : memref<128x128xf32, #tpu.memory_space<vmem>>, vector<1x16xf32>,
        %get3A_366 = vector.shape_cast %get3A_365 : vector<1x16xf32> to vector<16xf32>
        %add3A_367 = arith.addf %get3A_362, %get3A_366 : vector<16xf32>
        %get3A_368 = arith.index_cast %scan3A_282 : i32 to index
        %get3A_369 = arith.constant 64 : index
        %get3A_370 = tpu.vector_load %arg12[%get3A_368, %get3A_369] {strides = array<i32>} : memref<128x128xf32, #tpu.memory_space<vmem>>, vector<1x16xf32>,
        %get3A_371 = vector.shape_cast %get3A_370 : vector<1x16xf32> to vector<16xf32>
        %add3A_372 = arith.addf %add3A_367, %get3A_371 : vector<16xf32>
        %swap3A_373 = arith.index_cast %scan3A_282 : i32 to index
        %swap3A_374 = arith.constant 64 : index
        %swap3A_375 = tpu.vector_load %arg10[%swap3A_373, %swap3A_374] {strides = array<i32>} : memref<128x128xf32, #tpu.memory_space<vmem>>, vector<1x16xf32>,
        %swap3A_376 = vector.shape_cast %swap3A_375 : vector<1x16xf32> to vector<16xf32>
        %swap3A_377 = vector.shape_cast %add3A_372 : vector<16xf32> to vector<1x16xf32>
        tpu.vector_store %arg10[%swap3A_373, %swap3A_374], %swap3A_377 {strides = array<i32>} : memref<128x128xf32, #tpu.memory_space<vmem>>, vector<1x16xf32>,
        %get3A_378 = arith.index_cast %scan3A_282 : i32 to index
        %get3A_379 = arith.constant 80 : index
        %get3A_380 = tpu.vector_load %arg10[%get3A_378, %get3A_379] {strides = array<i32>} : memref<128x128xf32, #tpu.memory_space<vmem>>, vector<1x16xf32>,
        %get3A_381 = vector.shape_cast %get3A_380 : vector<1x16xf32> to vector<16xf32>
        %get3A_382 = arith.index_cast %scan3A_282 : i32 to index
        %get3A_383 = arith.constant 80 : index
        %get3A_384 = tpu.vector_load %arg11[%get3A_382, %get3A_383] {strides = array<i32>} : memref<128x128xf32, #tpu.memory_space<vmem>>, vector<1x16xf32>,
        %get3A_385 = vector.shape_cast %get3A_384 : vector<1x16xf32> to vector<16xf32>
        %add3A_386 = arith.addf %get3A_381, %get3A_385 : vector<16xf32>
        %get3A_387 = arith.index_cast %scan3A_282 : i32 to index
        %get3A_388 = arith.constant 80 : index
        %get3A_389 = tpu.vector_load %arg12[%get3A_387, %get3A_388] {strides = array<i32>} : memref<128x128xf32, #tpu.memory_space<vmem>>, vector<1x16xf32>,
        %get3A_390 = vector.shape_cast %get3A_389 : vector<1x16xf32> to vector<16xf32>
        %add3A_391 = arith.addf %add3A_386, %get3A_390 : vector<16xf32>
        %swap3A_392 = arith.index_cast %scan3A_282 : i32 to index
        %swap3A_393 = arith.constant 80 : index
        %swap3A_394 = tpu.vector_load %arg10[%swap3A_392, %swap3A_393] {strides = array<i32>} : memref<128x128xf32, #tpu.memory_space<vmem>>, vector<1x16xf32>,
        %swap3A_395 = vector.shape_cast %swap3A_394 : vector<1x16xf32> to vector<16xf32>
        %swap3A_396 = vector.shape_cast %add3A_391 : vector<16xf32> to vector<1x16xf32>
        tpu.vector_store %arg10[%swap3A_392, %swap3A_393], %swap3A_396 {strides = array<i32>} : memref<128x128xf32, #tpu.memory_space<vmem>>, vector<1x16xf32>,
        %get3A_397 = arith.index_cast %scan3A_282 : i32 to index
        %get3A_398 = arith.constant 96 : index
        %get3A_399 = tpu.vector_load %arg10[%get3A_397, %get3A_398] {strides = array<i32>} : memref<128x128xf32, #tpu.memory_space<vmem>>, vector<1x16xf32>,
        %get3A_400 = vector.shape_cast %get3A_399 : vector<1x16xf32> to vector<16xf32>
        %get3A_401 = arith.index_cast %scan3A_282 : i32 to index
        %get3A_402 = arith.constant 96 : index
        %get3A_403 = tpu.vector_load %arg11[%get3A_401, %get3A_402] {strides = array<i32>} : memref<128x128xf32, #tpu.memory_space<vmem>>, vector<1x16xf32>,
        %get3A_404 = vector.shape_cast %get3A_403 : vector<1x16xf32> to vector<16xf32>
        %add3A_405 = arith.addf %get3A_400, %get3A_404 : vector<16xf32>
        %get3A_406 = arith.index_cast %scan3A_282 : i32 to index
        %get3A_407 = arith.constant 96 : index
        %get3A_408 = tpu.vector_load %arg12[%get3A_406, %get3A_407] {strides = array<i32>} : memref<128x128xf32, #tpu.memory_space<vmem>>, vector<1x16xf32>,
        %get3A_409 = vector.shape_cast %get3A_408 : vector<1x16xf32> to vector<16xf32>
        %add3A_410 = arith.addf %add3A_405, %get3A_409 : vector<16xf32>
        %swap3A_411 = arith.index_cast %scan3A_282 : i32 to index
        %swap3A_412 = arith.constant 96 : index
        %swap3A_413 = tpu.vector_load %arg10[%swap3A_411, %swap3A_412] {strides = array<i32>} : memref<128x128xf32, #tpu.memory_space<vmem>>, vector<1x16xf32>,
        %swap3A_414 = vector.shape_cast %swap3A_413 : vector<1x16xf32> to vector<16xf32>
        %swap3A_415 = vector.shape_cast %add3A_410 : vector<16xf32> to vector<1x16xf32>
        tpu.vector_store %arg10[%swap3A_411, %swap3A_412], %swap3A_415 {strides = array<i32>} : memref<128x128xf32, #tpu.memory_space<vmem>>, vector<1x16xf32>,
        %get3A_416 = arith.index_cast %scan3A_282 : i32 to index
        %get3A_417 = arith.constant 112 : index
        %get3A_418 = tpu.vector_load %arg10[%get3A_416, %get3A_417] {strides = array<i32>} : memref<128x128xf32, #tpu.memory_space<vmem>>, vector<1x16xf32>,
        %get3A_419 = vector.shape_cast %get3A_418 : vector<1x16xf32> to vector<16xf32>
        %get3A_420 = arith.index_cast %scan3A_282 : i32 to index
        %get3A_421 = arith.constant 112 : index
        %get3A_422 = tpu.vector_load %arg11[%get3A_420, %get3A_421] {strides = array<i32>} : memref<128x128xf32, #tpu.memory_space<vmem>>, vector<1x16xf32>,
        %get3A_423 = vector.shape_cast %get3A_422 : vector<1x16xf32> to vector<16xf32>
        %add3A_424 = arith.addf %get3A_419, %get3A_423 : vector<16xf32>
        %get3A_425 = arith.index_cast %scan3A_282 : i32 to index
        %get3A_426 = arith.constant 112 : index
        %get3A_427 = tpu.vector_load %arg12[%get3A_425, %get3A_426] {strides = array<i32>} : memref<128x128xf32, #tpu.memory_space<vmem>>, vector<1x16xf32>,
        %get3A_428 = vector.shape_cast %get3A_427 : vector<1x16xf32> to vector<16xf32>
        %add3A_429 = arith.addf %add3A_424, %get3A_428 : vector<16xf32>
        %swap3A_430 = arith.index_cast %scan3A_282 : i32 to index
        %swap3A_431 = arith.constant 112 : index
        %swap3A_432 = tpu.vector_load %arg10[%swap3A_430, %swap3A_431] {strides = array<i32>} : memref<128x128xf32, #tpu.memory_space<vmem>>, vector<1x16xf32>,
        %swap3A_433 = vector.shape_cast %swap3A_432 : vector<1x16xf32> to vector<16xf32>
        %swap3A_434 = vector.shape_cast %add3A_429 : vector<16xf32> to vector<1x16xf32>
        tpu.vector_store %arg10[%swap3A_430, %swap3A_431], %swap3A_434 {strides = array<i32>} : memref<128x128xf32, #tpu.memory_space<vmem>>, vector<1x16xf32>,
      }
      %scan3A_86 = arith.constant 128 : i32
      %mul3A_87 = arith.constant 128 : i32
      %mul3A_88 = arith.muli %mul3A_49, %mul3A_87 : i32
      %add3A_89 = arith.addi %mul3A_2, %mul3A_88 : i32
      "tpu.region"() ({
        %run_scoped3A = tpu.sem_alloc : memref<!tpu.dma_semaphore, #tpu.memory_space<semaphore_mem>>
        %dma_start3A_130 = arith.constant 0 : i32
        %dma_start3A_131 = tpu.memref_slice %arg6[%add3A_89, %dma_start3A_130] : memref<200000x128xf32, #tpu.memory_space<hbm>> -> memref<128x128xf32, #tpu.memory_space<hbm>>
        %dma_start3A_132 = arith.constant 0 : i32
        %dma_start3A_133 = tpu.memref_slice %arg6[%add3A_89, %dma_start3A_132] : memref<200000x128xf32, #tpu.memory_space<hbm>> -> memref<128x128xf32, #tpu.memory_space<hbm>>
        tpu.enqueue_dma source(%arg10 : memref<128x128xf32, #tpu.memory_space<vmem>>) target(%dma_start3A_133 : memref<128x128xf32, #tpu.memory_space<hbm>>) target_semaphore(%run_scoped3A : memref<!tpu.dma_semaphore, #tpu.memory_space<semaphore_mem>>)
        %dma_wait3A_134 = arith.constant 0 : i32
        %dma_wait3A_135 = tpu.memref_slice %arg6[%add3A_89, %dma_wait3A_134] : memref<200000x128xf32, #tpu.memory_space<hbm>> -> memref<128x128xf32, #tpu.memory_space<hbm>>
        %dma_wait3A_136 = arith.constant 0 : i32
        %dma_wait3A_137 = tpu.memref_slice %arg6[%add3A_89, %dma_wait3A_136] : memref<200000x128xf32, #tpu.memory_space<hbm>> -> memref<128x128xf32, #tpu.memory_space<hbm>>
        tpu.wait_dma2 semaphore(%run_scoped3A : memref<!tpu.dma_semaphore, #tpu.memory_space<semaphore_mem>>) src(%arg10 : memref<128x128xf32, #tpu.memory_space<vmem>>) dst(%dma_wait3A_137 : memref<128x128xf32, #tpu.memory_space<hbm>>)
        tpu.yield
      }) : () -> ()
      %add3A_90 = arith.constant 1 : i32
      %add3A_91 = arith.addi %add3A_53, %add3A_90 : i32
      %mul3A_92 = arith.constant 128 : i32
      %mul3A_93 = arith.muli %add3A_91, %mul3A_92 : i32
      %dma_start3A_94 = tpu.memref_slice %arg7[%mul3A_93] : memref<6272xi32, #tpu.memory_space<vmem>> -> memref<128xi32, #tpu.memory_space<vmem>>
      %dma_start3A_95 = arith.constant 0 : i32
      %dma_start3A_96 = arith.constant 0 : i32
      %dma_start3A_97 = tpu.memref_slice %arg2[%dma_start3A_95, %dma_start3A_96] : memref<20000x128xf32, #tpu.memory_space<hbm>> -> memref<20000x128xf32, #tpu.memory_space<hbm>>
      tpu.enqueue_indirect_dma source(%dma_start3A_97 : memref<20000x128xf32, #tpu.memory_space<hbm>>) target(%arg10 : memref<128x128xf32, #tpu.memory_space<vmem>>) offsets(%dma_start3A_94 : memref<128xi32, #tpu.memory_space<vmem>>) semaphore(%arg16 : memref<!tpu.dma_semaphore, #tpu.memory_space<semaphore_mem>>)
      %dma_start3A_98 = tpu.memref_slice %arg8[%mul3A_93] : memref<6272xi32, #tpu.memory_space<vmem>> -> memref<128xi32, #tpu.memory_space<vmem>>
      %dma_start3A_99 = arith.constant 0 : i32
      %dma_start3A_100 = arith.constant 0 : i32
      %dma_start3A_101 = tpu.memref_slice %arg3[%dma_start3A_99, %dma_start3A_100] : memref<20000x128xf32, #tpu.memory_space<hbm>> -> memref<20000x128xf32, #tpu.memory_space<hbm>>
      tpu.enqueue_indirect_dma source(%dma_start3A_101 : memref<20000x128xf32, #tpu.memory_space<hbm>>) target(%arg11 : memref<128x128xf32, #tpu.memory_space<vmem>>) offsets(%dma_start3A_98 : memref<128xi32, #tpu.memory_space<vmem>>) semaphore(%arg16 : memref<!tpu.dma_semaphore, #tpu.memory_space<semaphore_mem>>)
      %dma_start3A_102 = tpu.memref_slice %arg9[%mul3A_93] : memref<6272xi32, #tpu.memory_space<vmem>> -> memref<128xi32, #tpu.memory_space<vmem>>
      %dma_start3A_103 = arith.constant 0 : i32
      %dma_start3A_104 = arith.constant 0 : i32
      %dma_start3A_105 = tpu.memref_slice %arg4[%dma_start3A_103, %dma_start3A_104] : memref<20000x128xf32, #tpu.memory_space<hbm>> -> memref<20000x128xf32, #tpu.memory_space<hbm>>
      tpu.enqueue_indirect_dma source(%dma_start3A_105 : memref<20000x128xf32, #tpu.memory_space<hbm>>) target(%arg12 : memref<128x128xf32, #tpu.memory_space<vmem>>) offsets(%dma_start3A_102 : memref<128xi32, #tpu.memory_space<vmem>>) semaphore(%arg16 : memref<!tpu.dma_semaphore, #tpu.memory_space<semaphore_mem>>)
      %dma_wait3A_106 = arith.constant 0 : i32
      %dma_wait3A_107 = tpu.memref_slice %arg7[%dma_wait3A_106] : memref<6272xi32, #tpu.memory_space<vmem>> -> memref<128xi32, #tpu.memory_space<vmem>>
      %dma_wait3A_108 = arith.constant 0 : i32
      %dma_wait3A_109 = arith.constant 0 : i32
      %dma_wait3A_110 = tpu.memref_slice %arg2[%dma_wait3A_108, %dma_wait3A_109] : memref<20000x128xf32, #tpu.memory_space<hbm>> -> memref<20000x128xf32, #tpu.memory_space<hbm>>
      tpu.wait_indirect_dma semaphore(%arg17 : memref<!tpu.dma_semaphore, #tpu.memory_space<semaphore_mem>>) src(%dma_wait3A_110 : memref<20000x128xf32, #tpu.memory_space<hbm>>) dst(%arg13 : memref<128x128xf32, #tpu.memory_space<vmem>>)
      %dma_wait3A_111 = arith.constant 0 : i32
      %dma_wait3A_112 = tpu.memref_slice %arg7[%dma_wait3A_111] : memref<6272xi32, #tpu.memory_space<vmem>> -> memref<128xi32, #tpu.memory_space<vmem>>
      %dma_wait3A_113 = arith.constant 0 : i32
      %dma_wait3A_114 = arith.constant 0 : i32
      %dma_wait3A_115 = tpu.memref_slice %arg2[%dma_wait3A_113, %dma_wait3A_114] : memref<20000x128xf32, #tpu.memory_space<hbm>> -> memref<20000x128xf32, #tpu.memory_space<hbm>>
      tpu.wait_indirect_dma semaphore(%arg17 : memref<!tpu.dma_semaphore, #tpu.memory_space<semaphore_mem>>) src(%dma_wait3A_115 : memref<20000x128xf32, #tpu.memory_space<hbm>>) dst(%arg14 : memref<128x128xf32, #tpu.memory_space<vmem>>)
      %dma_wait3A_116 = arith.constant 0 : i32
      %dma_wait3A_117 = tpu.memref_slice %arg7[%dma_wait3A_116] : memref<6272xi32, #tpu.memory_space<vmem>> -> memref<128xi32, #tpu.memory_space<vmem>>
      %dma_wait3A_118 = arith.constant 0 : i32
      %dma_wait3A_119 = arith.constant 0 : i32
      %dma_wait3A_120 = tpu.memref_slice %arg2[%dma_wait3A_118, %dma_wait3A_119] : memref<20000x128xf32, #tpu.memory_space<hbm>> -> memref<20000x128xf32, #tpu.memory_space<hbm>>
      tpu.wait_indirect_dma semaphore(%arg17 : memref<!tpu.dma_semaphore, #tpu.memory_space<semaphore_mem>>) src(%dma_wait3A_120 : memref<20000x128xf32, #tpu.memory_space<hbm>>) dst(%arg15 : memref<128x128xf32, #tpu.memory_space<vmem>>)
      %scan3A_121 = arith.constant 0 : i32
      %scan3A_122 = arith.constant 0 : i32
      %scan3A_123 = arith.constant 128 : i32
      %scan3A_124 = arith.addi %scan3A_122, %scan3A_123 : i32
      %scan3A_125 = arith.constant 2 : i32
      scf.for %scan3A_130 = %scan3A_122 to %scan3A_124 step %scan3A_125  : i32 {
        %get3A = arith.index_cast %scan3A_130 : i32 to index
        %get3A_131 = arith.constant 0 : index
        %get3A_132 = tpu.vector_load %arg13[%get3A, %get3A_131] {strides = array<i32>} : memref<128x128xf32, #tpu.memory_space<vmem>>, vector<1x16xf32>,
        %get3A_133 = vector.shape_cast %get3A_132 : vector<1x16xf32> to vector<16xf32>
        %get3A_134 = arith.index_cast %scan3A_130 : i32 to index
        %get3A_135 = arith.constant 0 : index
        %get3A_136 = tpu.vector_load %arg14[%get3A_134, %get3A_135] {strides = array<i32>} : memref<128x128xf32, #tpu.memory_space<vmem>>, vector<1x16xf32>,
        %get3A_137 = vector.shape_cast %get3A_136 : vector<1x16xf32> to vector<16xf32>
        %add3A_138 = arith.addf %get3A_133, %get3A_137 : vector<16xf32>
        %get3A_139 = arith.index_cast %scan3A_130 : i32 to index
        %get3A_140 = arith.constant 0 : index
        %get3A_141 = tpu.vector_load %arg15[%get3A_139, %get3A_140] {strides = array<i32>} : memref<128x128xf32, #tpu.memory_space<vmem>>, vector<1x16xf32>,
        %get3A_142 = vector.shape_cast %get3A_141 : vector<1x16xf32> to vector<16xf32>
        %add3A_143 = arith.addf %add3A_138, %get3A_142 : vector<16xf32>
        %swap3A = arith.index_cast %scan3A_130 : i32 to index
        %swap3A_144 = arith.constant 0 : index
        %swap3A_145 = tpu.vector_load %arg13[%swap3A, %swap3A_144] {strides = array<i32>} : memref<128x128xf32, #tpu.memory_space<vmem>>, vector<1x16xf32>,
        %swap3A_146 = vector.shape_cast %swap3A_145 : vector<1x16xf32> to vector<16xf32>
        %swap3A_147 = vector.shape_cast %add3A_143 : vector<16xf32> to vector<1x16xf32>
        tpu.vector_store %arg13[%swap3A, %swap3A_144], %swap3A_147 {strides = array<i32>} : memref<128x128xf32, #tpu.memory_space<vmem>>, vector<1x16xf32>,
        %get3A_148 = arith.index_cast %scan3A_130 : i32 to index
        %get3A_149 = arith.constant 16 : index
        %get3A_150 = tpu.vector_load %arg13[%get3A_148, %get3A_149] {strides = array<i32>} : memref<128x128xf32, #tpu.memory_space<vmem>>, vector<1x16xf32>,
        %get3A_151 = vector.shape_cast %get3A_150 : vector<1x16xf32> to vector<16xf32>
        %get3A_152 = arith.index_cast %scan3A_130 : i32 to index
        %get3A_153 = arith.constant 16 : index
        %get3A_154 = tpu.vector_load %arg14[%get3A_152, %get3A_153] {strides = array<i32>} : memref<128x128xf32, #tpu.memory_space<vmem>>, vector<1x16xf32>,
        %get3A_155 = vector.shape_cast %get3A_154 : vector<1x16xf32> to vector<16xf32>
        %add3A_156 = arith.addf %get3A_151, %get3A_155 : vector<16xf32>
        %get3A_157 = arith.index_cast %scan3A_130 : i32 to index
        %get3A_158 = arith.constant 16 : index
        %get3A_159 = tpu.vector_load %arg15[%get3A_157, %get3A_158] {strides = array<i32>} : memref<128x128xf32, #tpu.memory_space<vmem>>, vector<1x16xf32>,
        %get3A_160 = vector.shape_cast %get3A_159 : vector<1x16xf32> to vector<16xf32>
        %add3A_161 = arith.addf %add3A_156, %get3A_160 : vector<16xf32>
        %swap3A_162 = arith.index_cast %scan3A_130 : i32 to index
        %swap3A_163 = arith.constant 16 : index
        %swap3A_164 = tpu.vector_load %arg13[%swap3A_162, %swap3A_163] {strides = array<i32>} : memref<128x128xf32, #tpu.memory_space<vmem>>, vector<1x16xf32>,
        %swap3A_165 = vector.shape_cast %swap3A_164 : vector<1x16xf32> to vector<16xf32>
        %swap3A_166 = vector.shape_cast %add3A_161 : vector<16xf32> to vector<1x16xf32>
        tpu.vector_store %arg13[%swap3A_162, %swap3A_163], %swap3A_166 {strides = array<i32>} : memref<128x128xf32, #tpu.memory_space<vmem>>, vector<1x16xf32>,
        %get3A_167 = arith.index_cast %scan3A_130 : i32 to index
        %get3A_168 = arith.constant 32 : index
        %get3A_169 = tpu.vector_load %arg13[%get3A_167, %get3A_168] {strides = array<i32>} : memref<128x128xf32, #tpu.memory_space<vmem>>, vector<1x16xf32>,
        %get3A_170 = vector.shape_cast %get3A_169 : vector<1x16xf32> to vector<16xf32>
        %get3A_171 = arith.index_cast %scan3A_130 : i32 to index
        %get3A_172 = arith.constant 32 : index
        %get3A_173 = tpu.vector_load %arg14[%get3A_171, %get3A_172] {strides = array<i32>} : memref<128x128xf32, #tpu.memory_space<vmem>>, vector<1x16xf32>,
        %get3A_174 = vector.shape_cast %get3A_173 : vector<1x16xf32> to vector<16xf32>
        %add3A_175 = arith.addf %get3A_170, %get3A_174 : vector<16xf32>
        %get3A_176 = arith.index_cast %scan3A_130 : i32 to index
        %get3A_177 = arith.constant 32 : index
        %get3A_178 = tpu.vector_load %arg15[%get3A_176, %get3A_177] {strides = array<i32>} : memref<128x128xf32, #tpu.memory_space<vmem>>, vector<1x16xf32>,
        %get3A_179 = vector.shape_cast %get3A_178 : vector<1x16xf32> to vector<16xf32>
        %add3A_180 = arith.addf %add3A_175, %get3A_179 : vector<16xf32>
        %swap3A_181 = arith.index_cast %scan3A_130 : i32 to index
        %swap3A_182 = arith.constant 32 : index
        %swap3A_183 = tpu.vector_load %arg13[%swap3A_181, %swap3A_182] {strides = array<i32>} : memref<128x128xf32, #tpu.memory_space<vmem>>, vector<1x16xf32>,
        %swap3A_184 = vector.shape_cast %swap3A_183 : vector<1x16xf32> to vector<16xf32>
        %swap3A_185 = vector.shape_cast %add3A_180 : vector<16xf32> to vector<1x16xf32>
        tpu.vector_store %arg13[%swap3A_181, %swap3A_182], %swap3A_185 {strides = array<i32>} : memref<128x128xf32, #tpu.memory_space<vmem>>, vector<1x16xf32>,
        %get3A_186 = arith.index_cast %scan3A_130 : i32 to index
        %get3A_187 = arith.constant 48 : index
        %get3A_188 = tpu.vector_load %arg13[%get3A_186, %get3A_187] {strides = array<i32>} : memref<128x128xf32, #tpu.memory_space<vmem>>, vector<1x16xf32>,
        %get3A_189 = vector.shape_cast %get3A_188 : vector<1x16xf32> to vector<16xf32>
        %get3A_190 = arith.index_cast %scan3A_130 : i32 to index
        %get3A_191 = arith.constant 48 : index
        %get3A_192 = tpu.vector_load %arg14[%get3A_190, %get3A_191] {strides = array<i32>} : memref<128x128xf32, #tpu.memory_space<vmem>>, vector<1x16xf32>,
        %get3A_193 = vector.shape_cast %get3A_192 : vector<1x16xf32> to vector<16xf32>
        %add3A_194 = arith.addf %get3A_189, %get3A_193 : vector<16xf32>
        %get3A_195 = arith.index_cast %scan3A_130 : i32 to index
        %get3A_196 = arith.constant 48 : index
        %get3A_197 = tpu.vector_load %arg15[%get3A_195, %get3A_196] {strides = array<i32>} : memref<128x128xf32, #tpu.memory_space<vmem>>, vector<1x16xf32>,
        %get3A_198 = vector.shape_cast %get3A_197 : vector<1x16xf32> to vector<16xf32>
        %add3A_199 = arith.addf %add3A_194, %get3A_198 : vector<16xf32>
        %swap3A_200 = arith.index_cast %scan3A_130 : i32 to index
        %swap3A_201 = arith.constant 48 : index
        %swap3A_202 = tpu.vector_load %arg13[%swap3A_200, %swap3A_201] {strides = array<i32>} : memref<128x128xf32, #tpu.memory_space<vmem>>, vector<1x16xf32>,
        %swap3A_203 = vector.shape_cast %swap3A_202 : vector<1x16xf32> to vector<16xf32>
        %swap3A_204 = vector.shape_cast %add3A_199 : vector<16xf32> to vector<1x16xf32>
        tpu.vector_store %arg13[%swap3A_200, %swap3A_201], %swap3A_204 {strides = array<i32>} : memref<128x128xf32, #tpu.memory_space<vmem>>, vector<1x16xf32>,
        %get3A_205 = arith.index_cast %scan3A_130 : i32 to index
        %get3A_206 = arith.constant 64 : index
        %get3A_207 = tpu.vector_load %arg13[%get3A_205, %get3A_206] {strides = array<i32>} : memref<128x128xf32, #tpu.memory_space<vmem>>, vector<1x16xf32>,
        %get3A_208 = vector.shape_cast %get3A_207 : vector<1x16xf32> to vector<16xf32>
        %get3A_209 = arith.index_cast %scan3A_130 : i32 to index
        %get3A_210 = arith.constant 64 : index
        %get3A_211 = tpu.vector_load %arg14[%get3A_209, %get3A_210] {strides = array<i32>} : memref<128x128xf32, #tpu.memory_space<vmem>>, vector<1x16xf32>,
        %get3A_212 = vector.shape_cast %get3A_211 : vector<1x16xf32> to vector<16xf32>
        %add3A_213 = arith.addf %get3A_208, %get3A_212 : vector<16xf32>
        %get3A_214 = arith.index_cast %scan3A_130 : i32 to index
        %get3A_215 = arith.constant 64 : index
        %get3A_216 = tpu.vector_load %arg15[%get3A_214, %get3A_215] {strides = array<i32>} : memref<128x128xf32, #tpu.memory_space<vmem>>, vector<1x16xf32>,
        %get3A_217 = vector.shape_cast %get3A_216 : vector<1x16xf32> to vector<16xf32>
        %add3A_218 = arith.addf %add3A_213, %get3A_217 : vector<16xf32>
        %swap3A_219 = arith.index_cast %scan3A_130 : i32 to index
        %swap3A_220 = arith.constant 64 : index
        %swap3A_221 = tpu.vector_load %arg13[%swap3A_219, %swap3A_220] {strides = array<i32>} : memref<128x128xf32, #tpu.memory_space<vmem>>, vector<1x16xf32>,
        %swap3A_222 = vector.shape_cast %swap3A_221 : vector<1x16xf32> to vector<16xf32>
        %swap3A_223 = vector.shape_cast %add3A_218 : vector<16xf32> to vector<1x16xf32>
        tpu.vector_store %arg13[%swap3A_219, %swap3A_220], %swap3A_223 {strides = array<i32>} : memref<128x128xf32, #tpu.memory_space<vmem>>, vector<1x16xf32>,
        %get3A_224 = arith.index_cast %scan3A_130 : i32 to index
        %get3A_225 = arith.constant 80 : index
        %get3A_226 = tpu.vector_load %arg13[%get3A_224, %get3A_225] {strides = array<i32>} : memref<128x128xf32, #tpu.memory_space<vmem>>, vector<1x16xf32>,
        %get3A_227 = vector.shape_cast %get3A_226 : vector<1x16xf32> to vector<16xf32>
        %get3A_228 = arith.index_cast %scan3A_130 : i32 to index
        %get3A_229 = arith.constant 80 : index
        %get3A_230 = tpu.vector_load %arg14[%get3A_228, %get3A_229] {strides = array<i32>} : memref<128x128xf32, #tpu.memory_space<vmem>>, vector<1x16xf32>,
        %get3A_231 = vector.shape_cast %get3A_230 : vector<1x16xf32> to vector<16xf32>
        %add3A_232 = arith.addf %get3A_227, %get3A_231 : vector<16xf32>
        %get3A_233 = arith.index_cast %scan3A_130 : i32 to index
        %get3A_234 = arith.constant 80 : index
        %get3A_235 = tpu.vector_load %arg15[%get3A_233, %get3A_234] {strides = array<i32>} : memref<128x128xf32, #tpu.memory_space<vmem>>, vector<1x16xf32>,
        %get3A_236 = vector.shape_cast %get3A_235 : vector<1x16xf32> to vector<16xf32>
        %add3A_237 = arith.addf %add3A_232, %get3A_236 : vector<16xf32>
        %swap3A_238 = arith.index_cast %scan3A_130 : i32 to index
        %swap3A_239 = arith.constant 80 : index
        %swap3A_240 = tpu.vector_load %arg13[%swap3A_238, %swap3A_239] {strides = array<i32>} : memref<128x128xf32, #tpu.memory_space<vmem>>, vector<1x16xf32>,
        %swap3A_241 = vector.shape_cast %swap3A_240 : vector<1x16xf32> to vector<16xf32>
        %swap3A_242 = vector.shape_cast %add3A_237 : vector<16xf32> to vector<1x16xf32>
        tpu.vector_store %arg13[%swap3A_238, %swap3A_239], %swap3A_242 {strides = array<i32>} : memref<128x128xf32, #tpu.memory_space<vmem>>, vector<1x16xf32>,
        %get3A_243 = arith.index_cast %scan3A_130 : i32 to index
        %get3A_244 = arith.constant 96 : index
        %get3A_245 = tpu.vector_load %arg13[%get3A_243, %get3A_244] {strides = array<i32>} : memref<128x128xf32, #tpu.memory_space<vmem>>, vector<1x16xf32>,
        %get3A_246 = vector.shape_cast %get3A_245 : vector<1x16xf32> to vector<16xf32>
        %get3A_247 = arith.index_cast %scan3A_130 : i32 to index
        %get3A_248 = arith.constant 96 : index
        %get3A_249 = tpu.vector_load %arg14[%get3A_247, %get3A_248] {strides = array<i32>} : memref<128x128xf32, #tpu.memory_space<vmem>>, vector<1x16xf32>,
        %get3A_250 = vector.shape_cast %get3A_249 : vector<1x16xf32> to vector<16xf32>
        %add3A_251 = arith.addf %get3A_246, %get3A_250 : vector<16xf32>
        %get3A_252 = arith.index_cast %scan3A_130 : i32 to index
        %get3A_253 = arith.constant 96 : index
        %get3A_254 = tpu.vector_load %arg15[%get3A_252, %get3A_253] {strides = array<i32>} : memref<128x128xf32, #tpu.memory_space<vmem>>, vector<1x16xf32>,
        %get3A_255 = vector.shape_cast %get3A_254 : vector<1x16xf32> to vector<16xf32>
        %add3A_256 = arith.addf %add3A_251, %get3A_255 : vector<16xf32>
        %swap3A_257 = arith.index_cast %scan3A_130 : i32 to index
        %swap3A_258 = arith.constant 96 : index
        %swap3A_259 = tpu.vector_load %arg13[%swap3A_257, %swap3A_258] {strides = array<i32>} : memref<128x128xf32, #tpu.memory_space<vmem>>, vector<1x16xf32>,
        %swap3A_260 = vector.shape_cast %swap3A_259 : vector<1x16xf32> to vector<16xf32>
        %swap3A_261 = vector.shape_cast %add3A_256 : vector<16xf32> to vector<1x16xf32>
        tpu.vector_store %arg13[%swap3A_257, %swap3A_258], %swap3A_261 {strides = array<i32>} : memref<128x128xf32, #tpu.memory_space<vmem>>, vector<1x16xf32>,
        %get3A_262 = arith.index_cast %scan3A_130 : i32 to index
        %get3A_263 = arith.constant 112 : index
        %get3A_264 = tpu.vector_load %arg13[%get3A_262, %get3A_263] {strides = array<i32>} : memref<128x128xf32, #tpu.memory_space<vmem>>, vector<1x16xf32>,
        %get3A_265 = vector.shape_cast %get3A_264 : vector<1x16xf32> to vector<16xf32>
        %get3A_266 = arith.index_cast %scan3A_130 : i32 to index
        %get3A_267 = arith.constant 112 : index
        %get3A_268 = tpu.vector_load %arg14[%get3A_266, %get3A_267] {strides = array<i32>} : memref<128x128xf32, #tpu.memory_space<vmem>>, vector<1x16xf32>,
        %get3A_269 = vector.shape_cast %get3A_268 : vector<1x16xf32> to vector<16xf32>
        %add3A_270 = arith.addf %get3A_265, %get3A_269 : vector<16xf32>
        %get3A_271 = arith.index_cast %scan3A_130 : i32 to index
        %get3A_272 = arith.constant 112 : index
        %get3A_273 = tpu.vector_load %arg15[%get3A_271, %get3A_272] {strides = array<i32>} : memref<128x128xf32, #tpu.memory_space<vmem>>, vector<1x16xf32>,
        %get3A_274 = vector.shape_cast %get3A_273 : vector<1x16xf32> to vector<16xf32>
        %add3A_275 = arith.addf %add3A_270, %get3A_274 : vector<16xf32>
        %swap3A_276 = arith.index_cast %scan3A_130 : i32 to index
        %swap3A_277 = arith.constant 112 : index
        %swap3A_278 = tpu.vector_load %arg13[%swap3A_276, %swap3A_277] {strides = array<i32>} : memref<128x128xf32, #tpu.memory_space<vmem>>, vector<1x16xf32>,
        %swap3A_279 = vector.shape_cast %swap3A_278 : vector<1x16xf32> to vector<16xf32>
        %swap3A_280 = vector.shape_cast %add3A_275 : vector<16xf32> to vector<1x16xf32>
        tpu.vector_store %arg13[%swap3A_276, %swap3A_277], %swap3A_280 {strides = array<i32>} : memref<128x128xf32, #tpu.memory_space<vmem>>, vector<1x16xf32>,
        %scan3A_281 = arith.constant 1 : i32
        %scan3A_282 = arith.addi %scan3A_130, %scan3A_281 : i32
        %get3A_283 = arith.index_cast %scan3A_282 : i32 to index
        %get3A_284 = arith.constant 0 : index
        %get3A_285 = tpu.vector_load %arg13[%get3A_283, %get3A_284] {strides = array<i32>} : memref<128x128xf32, #tpu.memory_space<vmem>>, vector<1x16xf32>,
        %get3A_286 = vector.shape_cast %get3A_285 : vector<1x16xf32> to vector<16xf32>
        %get3A_287 = arith.index_cast %scan3A_282 : i32 to index
        %get3A_288 = arith.constant 0 : index
        %get3A_289 = tpu.vector_load %arg14[%get3A_287, %get3A_288] {strides = array<i32>} : memref<128x128xf32, #tpu.memory_space<vmem>>, vector<1x16xf32>,
        %get3A_290 = vector.shape_cast %get3A_289 : vector<1x16xf32> to vector<16xf32>
        %add3A_291 = arith.addf %get3A_286, %get3A_290 : vector<16xf32>
        %get3A_292 = arith.index_cast %scan3A_282 : i32 to index
        %get3A_293 = arith.constant 0 : index
        %get3A_294 = tpu.vector_load %arg15[%get3A_292, %get3A_293] {strides = array<i32>} : memref<128x128xf32, #tpu.memory_space<vmem>>, vector<1x16xf32>,
        %get3A_295 = vector.shape_cast %get3A_294 : vector<1x16xf32> to vector<16xf32>
        %add3A_296 = arith.addf %add3A_291, %get3A_295 : vector<16xf32>
        %swap3A_297 = arith.index_cast %scan3A_282 : i32 to index
        %swap3A_298 = arith.constant 0 : index
        %swap3A_299 = tpu.vector_load %arg13[%swap3A_297, %swap3A_298] {strides = array<i32>} : memref<128x128xf32, #tpu.memory_space<vmem>>, vector<1x16xf32>,
        %swap3A_300 = vector.shape_cast %swap3A_299 : vector<1x16xf32> to vector<16xf32>
        %swap3A_301 = vector.shape_cast %add3A_296 : vector<16xf32> to vector<1x16xf32>
        tpu.vector_store %arg13[%swap3A_297, %swap3A_298], %swap3A_301 {strides = array<i32>} : memref<128x128xf32, #tpu.memory_space<vmem>>, vector<1x16xf32>,
        %get3A_302 = arith.index_cast %scan3A_282 : i32 to index
        %get3A_303 = arith.constant 16 : index
        %get3A_304 = tpu.vector_load %arg13[%get3A_302, %get3A_303] {strides = array<i32>} : memref<128x128xf32, #tpu.memory_space<vmem>>, vector<1x16xf32>,
        %get3A_305 = vector.shape_cast %get3A_304 : vector<1x16xf32> to vector<16xf32>
        %get3A_306 = arith.index_cast %scan3A_282 : i32 to index
        %get3A_307 = arith.constant 16 : index
        %get3A_308 = tpu.vector_load %arg14[%get3A_306, %get3A_307] {strides = array<i32>} : memref<128x128xf32, #tpu.memory_space<vmem>>, vector<1x16xf32>,
        %get3A_309 = vector.shape_cast %get3A_308 : vector<1x16xf32> to vector<16xf32>
        %add3A_310 = arith.addf %get3A_305, %get3A_309 : vector<16xf32>
        %get3A_311 = arith.index_cast %scan3A_282 : i32 to index
        %get3A_312 = arith.constant 16 : index
        %get3A_313 = tpu.vector_load %arg15[%get3A_311, %get3A_312] {strides = array<i32>} : memref<128x128xf32, #tpu.memory_space<vmem>>, vector<1x16xf32>,
        %get3A_314 = vector.shape_cast %get3A_313 : vector<1x16xf32> to vector<16xf32>
        %add3A_315 = arith.addf %add3A_310, %get3A_314 : vector<16xf32>
        %swap3A_316 = arith.index_cast %scan3A_282 : i32 to index
        %swap3A_317 = arith.constant 16 : index
        %swap3A_318 = tpu.vector_load %arg13[%swap3A_316, %swap3A_317] {strides = array<i32>} : memref<128x128xf32, #tpu.memory_space<vmem>>, vector<1x16xf32>,
        %swap3A_319 = vector.shape_cast %swap3A_318 : vector<1x16xf32> to vector<16xf32>
        %swap3A_320 = vector.shape_cast %add3A_315 : vector<16xf32> to vector<1x16xf32>
        tpu.vector_store %arg13[%swap3A_316, %swap3A_317], %swap3A_320 {strides = array<i32>} : memref<128x128xf32, #tpu.memory_space<vmem>>, vector<1x16xf32>,
        %get3A_321 = arith.index_cast %scan3A_282 : i32 to index
        %get3A_322 = arith.constant 32 : index
        %get3A_323 = tpu.vector_load %arg13[%get3A_321, %get3A_322] {strides = array<i32>} : memref<128x128xf32, #tpu.memory_space<vmem>>, vector<1x16xf32>,
        %get3A_324 = vector.shape_cast %get3A_323 : vector<1x16xf32> to vector<16xf32>
        %get3A_325 = arith.index_cast %scan3A_282 : i32 to index
        %get3A_326 = arith.constant 32 : index
        %get3A_327 = tpu.vector_load %arg14[%get3A_325, %get3A_326] {strides = array<i32>} : memref<128x128xf32, #tpu.memory_space<vmem>>, vector<1x16xf32>,
        %get3A_328 = vector.shape_cast %get3A_327 : vector<1x16xf32> to vector<16xf32>
        %add3A_329 = arith.addf %get3A_324, %get3A_328 : vector<16xf32>
        %get3A_330 = arith.index_cast %scan3A_282 : i32 to index
        %get3A_331 = arith.constant 32 : index
        %get3A_332 = tpu.vector_load %arg15[%get3A_330, %get3A_331] {strides = array<i32>} : memref<128x128xf32, #tpu.memory_space<vmem>>, vector<1x16xf32>,
        %get3A_333 = vector.shape_cast %get3A_332 : vector<1x16xf32> to vector<16xf32>
        %add3A_334 = arith.addf %add3A_329, %get3A_333 : vector<16xf32>
        %swap3A_335 = arith.index_cast %scan3A_282 : i32 to index
        %swap3A_336 = arith.constant 32 : index
        %swap3A_337 = tpu.vector_load %arg13[%swap3A_335, %swap3A_336] {strides = array<i32>} : memref<128x128xf32, #tpu.memory_space<vmem>>, vector<1x16xf32>,
        %swap3A_338 = vector.shape_cast %swap3A_337 : vector<1x16xf32> to vector<16xf32>
        %swap3A_339 = vector.shape_cast %add3A_334 : vector<16xf32> to vector<1x16xf32>
        tpu.vector_store %arg13[%swap3A_335, %swap3A_336], %swap3A_339 {strides = array<i32>} : memref<128x128xf32, #tpu.memory_space<vmem>>, vector<1x16xf32>,
        %get3A_340 = arith.index_cast %scan3A_282 : i32 to index
        %get3A_341 = arith.constant 48 : index
        %get3A_342 = tpu.vector_load %arg13[%get3A_340, %get3A_341] {strides = array<i32>} : memref<128x128xf32, #tpu.memory_space<vmem>>, vector<1x16xf32>,
        %get3A_343 = vector.shape_cast %get3A_342 : vector<1x16xf32> to vector<16xf32>
        %get3A_344 = arith.index_cast %scan3A_282 : i32 to index
        %get3A_345 = arith.constant 48 : index
        %get3A_346 = tpu.vector_load %arg14[%get3A_344, %get3A_345] {strides = array<i32>} : memref<128x128xf32, #tpu.memory_space<vmem>>, vector<1x16xf32>,
        %get3A_347 = vector.shape_cast %get3A_346 : vector<1x16xf32> to vector<16xf32>
        %add3A_348 = arith.addf %get3A_343, %get3A_347 : vector<16xf32>
        %get3A_349 = arith.index_cast %scan3A_282 : i32 to index
        %get3A_350 = arith.constant 48 : index
        %get3A_351 = tpu.vector_load %arg15[%get3A_349, %get3A_350] {strides = array<i32>} : memref<128x128xf32, #tpu.memory_space<vmem>>, vector<1x16xf32>,
        %get3A_352 = vector.shape_cast %get3A_351 : vector<1x16xf32> to vector<16xf32>
        %add3A_353 = arith.addf %add3A_348, %get3A_352 : vector<16xf32>
        %swap3A_354 = arith.index_cast %scan3A_282 : i32 to index
        %swap3A_355 = arith.constant 48 : index
        %swap3A_356 = tpu.vector_load %arg13[%swap3A_354, %swap3A_355] {strides = array<i32>} : memref<128x128xf32, #tpu.memory_space<vmem>>, vector<1x16xf32>,
        %swap3A_357 = vector.shape_cast %swap3A_356 : vector<1x16xf32> to vector<16xf32>
        %swap3A_358 = vector.shape_cast %add3A_353 : vector<16xf32> to vector<1x16xf32>
        tpu.vector_store %arg13[%swap3A_354, %swap3A_355], %swap3A_358 {strides = array<i32>} : memref<128x128xf32, #tpu.memory_space<vmem>>, vector<1x16xf32>,
        %get3A_359 = arith.index_cast %scan3A_282 : i32 to index
        %get3A_360 = arith.constant 64 : index
        %get3A_361 = tpu.vector_load %arg13[%get3A_359, %get3A_360] {strides = array<i32>} : memref<128x128xf32, #tpu.memory_space<vmem>>, vector<1x16xf32>,
        %get3A_362 = vector.shape_cast %get3A_361 : vector<1x16xf32> to vector<16xf32>
        %get3A_363 = arith.index_cast %scan3A_282 : i32 to index
        %get3A_364 = arith.constant 64 : index
        %get3A_365 = tpu.vector_load %arg14[%get3A_363, %get3A_364] {strides = array<i32>} : memref<128x128xf32, #tpu.memory_space<vmem>>, vector<1x16xf32>,
        %get3A_366 = vector.shape_cast %get3A_365 : vector<1x16xf32> to vector<16xf32>
        %add3A_367 = arith.addf %get3A_362, %get3A_366 : vector<16xf32>
        %get3A_368 = arith.index_cast %scan3A_282 : i32 to index
        %get3A_369 = arith.constant 64 : index
        %get3A_370 = tpu.vector_load %arg15[%get3A_368, %get3A_369] {strides = array<i32>} : memref<128x128xf32, #tpu.memory_space<vmem>>, vector<1x16xf32>,
        %get3A_371 = vector.shape_cast %get3A_370 : vector<1x16xf32> to vector<16xf32>
        %add3A_372 = arith.addf %add3A_367, %get3A_371 : vector<16xf32>
        %swap3A_373 = arith.index_cast %scan3A_282 : i32 to index
        %swap3A_374 = arith.constant 64 : index
        %swap3A_375 = tpu.vector_load %arg13[%swap3A_373, %swap3A_374] {strides = array<i32>} : memref<128x128xf32, #tpu.memory_space<vmem>>, vector<1x16xf32>,
        %swap3A_376 = vector.shape_cast %swap3A_375 : vector<1x16xf32> to vector<16xf32>
        %swap3A_377 = vector.shape_cast %add3A_372 : vector<16xf32> to vector<1x16xf32>
        tpu.vector_store %arg13[%swap3A_373, %swap3A_374], %swap3A_377 {strides = array<i32>} : memref<128x128xf32, #tpu.memory_space<vmem>>, vector<1x16xf32>,
        %get3A_378 = arith.index_cast %scan3A_282 : i32 to index
        %get3A_379 = arith.constant 80 : index
        %get3A_380 = tpu.vector_load %arg13[%get3A_378, %get3A_379] {strides = array<i32>} : memref<128x128xf32, #tpu.memory_space<vmem>>, vector<1x16xf32>,
        %get3A_381 = vector.shape_cast %get3A_380 : vector<1x16xf32> to vector<16xf32>
        %get3A_382 = arith.index_cast %scan3A_282 : i32 to index
        %get3A_383 = arith.constant 80 : index
        %get3A_384 = tpu.vector_load %arg14[%get3A_382, %get3A_383] {strides = array<i32>} : memref<128x128xf32, #tpu.memory_space<vmem>>, vector<1x16xf32>,
        %get3A_385 = vector.shape_cast %get3A_384 : vector<1x16xf32> to vector<16xf32>
        %add3A_386 = arith.addf %get3A_381, %get3A_385 : vector<16xf32>
        %get3A_387 = arith.index_cast %scan3A_282 : i32 to index
        %get3A_388 = arith.constant 80 : index
        %get3A_389 = tpu.vector_load %arg15[%get3A_387, %get3A_388] {strides = array<i32>} : memref<128x128xf32, #tpu.memory_space<vmem>>, vector<1x16xf32>,
        %get3A_390 = vector.shape_cast %get3A_389 : vector<1x16xf32> to vector<16xf32>
        %add3A_391 = arith.addf %add3A_386, %get3A_390 : vector<16xf32>
        %swap3A_392 = arith.index_cast %scan3A_282 : i32 to index
        %swap3A_393 = arith.constant 80 : index
        %swap3A_394 = tpu.vector_load %arg13[%swap3A_392, %swap3A_393] {strides = array<i32>} : memref<128x128xf32, #tpu.memory_space<vmem>>, vector<1x16xf32>,
        %swap3A_395 = vector.shape_cast %swap3A_394 : vector<1x16xf32> to vector<16xf32>
        %swap3A_396 = vector.shape_cast %add3A_391 : vector<16xf32> to vector<1x16xf32>
        tpu.vector_store %arg13[%swap3A_392, %swap3A_393], %swap3A_396 {strides = array<i32>} : memref<128x128xf32, #tpu.memory_space<vmem>>, vector<1x16xf32>,
        %get3A_397 = arith.index_cast %scan3A_282 : i32 to index
        %get3A_398 = arith.constant 96 : index
        %get3A_399 = tpu.vector_load %arg13[%get3A_397, %get3A_398] {strides = array<i32>} : memref<128x128xf32, #tpu.memory_space<vmem>>, vector<1x16xf32>,
        %get3A_400 = vector.shape_cast %get3A_399 : vector<1x16xf32> to vector<16xf32>
        %get3A_401 = arith.index_cast %scan3A_282 : i32 to index
        %get3A_402 = arith.constant 96 : index
        %get3A_403 = tpu.vector_load %arg14[%get3A_401, %get3A_402] {strides = array<i32>} : memref<128x128xf32, #tpu.memory_space<vmem>>, vector<1x16xf32>,
        %get3A_404 = vector.shape_cast %get3A_403 : vector<1x16xf32> to vector<16xf32>
        %add3A_405 = arith.addf %get3A_400, %get3A_404 : vector<16xf32>
        %get3A_406 = arith.index_cast %scan3A_282 : i32 to index
        %get3A_407 = arith.constant 96 : index
        %get3A_408 = tpu.vector_load %arg15[%get3A_406, %get3A_407] {strides = array<i32>} : memref<128x128xf32, #tpu.memory_space<vmem>>, vector<1x16xf32>,
        %get3A_409 = vector.shape_cast %get3A_408 : vector<1x16xf32> to vector<16xf32>
        %add3A_410 = arith.addf %add3A_405, %get3A_409 : vector<16xf32>
        %swap3A_411 = arith.index_cast %scan3A_282 : i32 to index
        %swap3A_412 = arith.constant 96 : index
        %swap3A_413 = tpu.vector_load %arg13[%swap3A_411, %swap3A_412] {strides = array<i32>} : memref<128x128xf32, #tpu.memory_space<vmem>>, vector<1x16xf32>,
        %swap3A_414 = vector.shape_cast %swap3A_413 : vector<1x16xf32> to vector<16xf32>
        %swap3A_415 = vector.shape_cast %add3A_410 : vector<16xf32> to vector<1x16xf32>
        tpu.vector_store %arg13[%swap3A_411, %swap3A_412], %swap3A_415 {strides = array<i32>} : memref<128x128xf32, #tpu.memory_space<vmem>>, vector<1x16xf32>,
        %get3A_416 = arith.index_cast %scan3A_282 : i32 to index
        %get3A_417 = arith.constant 112 : index
        %get3A_418 = tpu.vector_load %arg13[%get3A_416, %get3A_417] {strides = array<i32>} : memref<128x128xf32, #tpu.memory_space<vmem>>, vector<1x16xf32>,
        %get3A_419 = vector.shape_cast %get3A_418 : vector<1x16xf32> to vector<16xf32>
        %get3A_420 = arith.index_cast %scan3A_282 : i32 to index
        %get3A_421 = arith.constant 112 : index
        %get3A_422 = tpu.vector_load %arg14[%get3A_420, %get3A_421] {strides = array<i32>} : memref<128x128xf32, #tpu.memory_space<vmem>>, vector<1x16xf32>,
        %get3A_423 = vector.shape_cast %get3A_422 : vector<1x16xf32> to vector<16xf32>
        %add3A_424 = arith.addf %get3A_419, %get3A_423 : vector<16xf32>
        %get3A_425 = arith.index_cast %scan3A_282 : i32 to index
        %get3A_426 = arith.constant 112 : index
        %get3A_427 = tpu.vector_load %arg15[%get3A_425, %get3A_426] {strides = array<i32>} : memref<128x128xf32, #tpu.memory_space<vmem>>, vector<1x16xf32>,
        %get3A_428 = vector.shape_cast %get3A_427 : vector<1x16xf32> to vector<16xf32>
        %add3A_429 = arith.addf %add3A_424, %get3A_428 : vector<16xf32>
        %swap3A_430 = arith.index_cast %scan3A_282 : i32 to index
        %swap3A_431 = arith.constant 112 : index
        %swap3A_432 = tpu.vector_load %arg13[%swap3A_430, %swap3A_431] {strides = array<i32>} : memref<128x128xf32, #tpu.memory_space<vmem>>, vector<1x16xf32>,
        %swap3A_433 = vector.shape_cast %swap3A_432 : vector<1x16xf32> to vector<16xf32>
        %swap3A_434 = vector.shape_cast %add3A_429 : vector<16xf32> to vector<1x16xf32>
        tpu.vector_store %arg13[%swap3A_430, %swap3A_431], %swap3A_434 {strides = array<i32>} : memref<128x128xf32, #tpu.memory_space<vmem>>, vector<1x16xf32>,
      }
      %scan3A_126 = arith.constant 128 : i32
      %mul3A_127 = arith.constant 128 : i32
      %mul3A_128 = arith.muli %add3A_53, %mul3A_127 : i32
      %add3A_129 = arith.addi %mul3A_2, %mul3A_128 : i32
      "tpu.region"() ({
        %run_scoped3A = tpu.sem_alloc : memref<!tpu.dma_semaphore, #tpu.memory_space<semaphore_mem>>
        %dma_start3A_130 = arith.constant 0 : i32
        %dma_start3A_131 = tpu.memref_slice %arg6[%add3A_129, %dma_start3A_130] : memref<200000x128xf32, #tpu.memory_space<hbm>> -> memref<128x128xf32, #tpu.memory_space<hbm>>
        %dma_start3A_132 = arith.constant 0 : i32
        %dma_start3A_133 = tpu.memref_slice %arg6[%add3A_129, %dma_start3A_132] : memref<200000x128xf32, #tpu.memory_space<hbm>> -> memref<128x128xf32, #tpu.memory_space<hbm>>
        tpu.enqueue_dma source(%arg13 : memref<128x128xf32, #tpu.memory_space<vmem>>) target(%dma_start3A_133 : memref<128x128xf32, #tpu.memory_space<hbm>>) target_semaphore(%run_scoped3A : memref<!tpu.dma_semaphore, #tpu.memory_space<semaphore_mem>>)
        %dma_wait3A_134 = arith.constant 0 : i32
        %dma_wait3A_135 = tpu.memref_slice %arg6[%add3A_129, %dma_wait3A_134] : memref<200000x128xf32, #tpu.memory_space<hbm>> -> memref<128x128xf32, #tpu.memory_space<hbm>>
        %dma_wait3A_136 = arith.constant 0 : i32
        %dma_wait3A_137 = tpu.memref_slice %arg6[%add3A_129, %dma_wait3A_136] : memref<200000x128xf32, #tpu.memory_space<hbm>> -> memref<128x128xf32, #tpu.memory_space<hbm>>
        tpu.wait_dma2 semaphore(%run_scoped3A : memref<!tpu.dma_semaphore, #tpu.memory_space<semaphore_mem>>) src(%arg13 : memref<128x128xf32, #tpu.memory_space<vmem>>) dst(%dma_wait3A_137 : memref<128x128xf32, #tpu.memory_space<hbm>>)
        tpu.yield
      }) : () -> ()
    }
    %while3A_39 = arith.constant 1 : i32
    scf.for %while3A_47 = %while3A_37 to %while3A_33 step %while3A_39  : i32 {
      %mul3A_48 = arith.constant 2 : i32
      %mul3A_49 = arith.muli %mul3A_48, %while3A_47 : i32
      %mul3A_50 = arith.constant 2 : i32
      %mul3A_51 = arith.muli %mul3A_50, %while3A_47 : i32
      %add3A_52 = arith.constant 1 : i32
      %add3A_53 = arith.addi %mul3A_51, %add3A_52 : i32
      %mul3A_54 = arith.constant 128 : i32
      %mul3A_55 = arith.muli %add3A_53, %mul3A_54 : i32
      %dma_start3A_56 = tpu.memref_slice %arg7[%mul3A_55] : memref<6272xi32, #tpu.memory_space<vmem>> -> memref<128xi32, #tpu.memory_space<vmem>>
      %dma_start3A_57 = arith.constant 0 : i32
      %dma_start3A_58 = arith.constant 0 : i32
      %dma_start3A_59 = tpu.memref_slice %arg2[%dma_start3A_57, %dma_start3A_58] : memref<20000x128xf32, #tpu.memory_space<hbm>> -> memref<20000x128xf32, #tpu.memory_space<hbm>>
      tpu.enqueue_indirect_dma source(%dma_start3A_59 : memref<20000x128xf32, #tpu.memory_space<hbm>>) target(%arg13 : memref<128x128xf32, #tpu.memory_space<vmem>>) offsets(%dma_start3A_56 : memref<128xi32, #tpu.memory_space<vmem>>) semaphore(%arg17 : memref<!tpu.dma_semaphore, #tpu.memory_space<semaphore_mem>>)
      %dma_start3A_60 = tpu.memref_slice %arg8[%mul3A_55] : memref<6272xi32, #tpu.memory_space<vmem>> -> memref<128xi32, #tpu.memory_space<vmem>>
      %dma_start3A_61 = arith.constant 0 : i32
      %dma_start3A_62 = arith.constant 0 : i32
      %dma_start3A_63 = tpu.memref_slice %arg3[%dma_start3A_61, %dma_start3A_62] : memref<20000x128xf32, #tpu.memory_space<hbm>> -> memref<20000x128xf32, #tpu.memory_space<hbm>>
      tpu.enqueue_indirect_dma source(%dma_start3A_63 : memref<20000x128xf32, #tpu.memory_space<hbm>>) target(%arg14 : memref<128x128xf32, #tpu.memory_space<vmem>>) offsets(%dma_start3A_60 : memref<128xi32, #tpu.memory_space<vmem>>) semaphore(%arg17 : memref<!tpu.dma_semaphore, #tpu.memory_space<semaphore_mem>>)
      %dma_start3A_64 = tpu.memref_slice %arg9[%mul3A_55] : memref<6272xi32, #tpu.memory_space<vmem>> -> memref<128xi32, #tpu.memory_space<vmem>>
      %dma_start3A_65 = arith.constant 0 : i32
      %dma_start3A_66 = arith.constant 0 : i32
      %dma_start3A_67 = tpu.memref_slice %arg4[%dma_start3A_65, %dma_start3A_66] : memref<20000x128xf32, #tpu.memory_space<hbm>> -> memref<20000x128xf32, #tpu.memory_space<hbm>>
      tpu.enqueue_indirect_dma source(%dma_start3A_67 : memref<20000x128xf32, #tpu.memory_space<hbm>>) target(%arg15 : memref<128x128xf32, #tpu.memory_space<vmem>>) offsets(%dma_start3A_64 : memref<128xi32, #tpu.memory_space<vmem>>) semaphore(%arg17 : memref<!tpu.dma_semaphore, #tpu.memory_space<semaphore_mem>>)
      %dma_wait3A = arith.constant 0 : i32
      %dma_wait3A_68 = tpu.memref_slice %arg7[%dma_wait3A] : memref<6272xi32, #tpu.memory_space<vmem>> -> memref<128xi32, #tpu.memory_space<vmem>>
      %dma_wait3A_69 = arith.constant 0 : i32
      %dma_wait3A_70 = arith.constant 0 : i32
      %dma_wait3A_71 = tpu.memref_slice %arg2[%dma_wait3A_69, %dma_wait3A_70] : memref<20000x128xf32, #tpu.memory_space<hbm>> -> memref<20000x128xf32, #tpu.memory_space<hbm>>
      tpu.wait_indirect_dma semaphore(%arg16 : memref<!tpu.dma_semaphore, #tpu.memory_space<semaphore_mem>>) src(%dma_wait3A_71 : memref<20000x128xf32, #tpu.memory_space<hbm>>) dst(%arg10 : memref<128x128xf32, #tpu.memory_space<vmem>>)
      %dma_wait3A_72 = arith.constant 0 : i32
      %dma_wait3A_73 = tpu.memref_slice %arg7[%dma_wait3A_72] : memref<6272xi32, #tpu.memory_space<vmem>> -> memref<128xi32, #tpu.memory_space<vmem>>
      %dma_wait3A_74 = arith.constant 0 : i32
      %dma_wait3A_75 = arith.constant 0 : i32
      %dma_wait3A_76 = tpu.memref_slice %arg2[%dma_wait3A_74, %dma_wait3A_75] : memref<20000x128xf32, #tpu.memory_space<hbm>> -> memref<20000x128xf32, #tpu.memory_space<hbm>>
      tpu.wait_indirect_dma semaphore(%arg16 : memref<!tpu.dma_semaphore, #tpu.memory_space<semaphore_mem>>) src(%dma_wait3A_76 : memref<20000x128xf32, #tpu.memory_space<hbm>>) dst(%arg11 : memref<128x128xf32, #tpu.memory_space<vmem>>)
      %dma_wait3A_77 = arith.constant 0 : i32
      %dma_wait3A_78 = tpu.memref_slice %arg7[%dma_wait3A_77] : memref<6272xi32, #tpu.memory_space<vmem>> -> memref<128xi32, #tpu.memory_space<vmem>>
      %dma_wait3A_79 = arith.constant 0 : i32
      %dma_wait3A_80 = arith.constant 0 : i32
      %dma_wait3A_81 = tpu.memref_slice %arg2[%dma_wait3A_79, %dma_wait3A_80] : memref<20000x128xf32, #tpu.memory_space<hbm>> -> memref<20000x128xf32, #tpu.memory_space<hbm>>
      tpu.wait_indirect_dma semaphore(%arg16 : memref<!tpu.dma_semaphore, #tpu.memory_space<semaphore_mem>>) src(%dma_wait3A_81 : memref<20000x128xf32, #tpu.memory_space<hbm>>) dst(%arg12 : memref<128x128xf32, #tpu.memory_space<vmem>>)
      %scan3A = arith.constant 0 : i32
      %scan3A_82 = arith.constant 0 : i32
      %scan3A_83 = arith.constant 128 : i32
      %scan3A_84 = arith.addi %scan3A_82, %scan3A_83 : i32
      %scan3A_85 = arith.constant 2 : i32
      scf.for %scan3A_130 = %scan3A_82 to %scan3A_84 step %scan3A_85  : i32 {
        %get3A = arith.index_cast %scan3A_130 : i32 to index
        %get3A_131 = arith.constant 0 : index
        %get3A_132 = tpu.vector_load %arg10[%get3A, %get3A_131] {strides = array<i32>} : memref<128x128xf32, #tpu.memory_space<vmem>>, vector<1x16xf32>,
        %get3A_133 = vector.shape_cast %get3A_132 : vector<1x16xf32> to vector<16xf32>
        %get3A_134 = arith.index_cast %scan3A_130 : i32 to index
        %get3A_135 = arith.constant 0 : index
        %get3A_136 = tpu.vector_load %arg11[%get3A_134, %get3A_135] {strides = array<i32>} : memref<128x128xf32, #tpu.memory_space<vmem>>, vector<1x16xf32>,
        %get3A_137 = vector.shape_cast %get3A_136 : vector<1x16xf32> to vector<16xf32>
        %add3A_138 = arith.addf %get3A_133, %get3A_137 : vector<16xf32>
        %get3A_139 = arith.index_cast %scan3A_130 : i32 to index
        %get3A_140 = arith.constant 0 : index
        %get3A_141 = tpu.vector_load %arg12[%get3A_139, %get3A_140] {strides = array<i32>} : memref<128x128xf32, #tpu.memory_space<vmem>>, vector<1x16xf32>,
        %get3A_142 = vector.shape_cast %get3A_141 : vector<1x16xf32> to vector<16xf32>
        %add3A_143 = arith.addf %add3A_138, %get3A_142 : vector<16xf32>
        %swap3A = arith.index_cast %scan3A_130 : i32 to index
        %swap3A_144 = arith.constant 0 : index
        %swap3A_145 = tpu.vector_load %arg10[%swap3A, %swap3A_144] {strides = array<i32>} : memref<128x128xf32, #tpu.memory_space<vmem>>, vector<1x16xf32>,
        %swap3A_146 = vector.shape_cast %swap3A_145 : vector<1x16xf32> to vector<16xf32>
        %swap3A_147 = vector.shape_cast %add3A_143 : vector<16xf32> to vector<1x16xf32>
        tpu.vector_store %arg10[%swap3A, %swap3A_144], %swap3A_147 {strides = array<i32>} : memref<128x128xf32, #tpu.memory_space<vmem>>, vector<1x16xf32>,
        %get3A_148 = arith.index_cast %scan3A_130 : i32 to index
        %get3A_149 = arith.constant 16 : index
        %get3A_150 = tpu.vector_load %arg10[%get3A_148, %get3A_149] {strides = array<i32>} : memref<128x128xf32, #tpu.memory_space<vmem>>, vector<1x16xf32>,
        %get3A_151 = vector.shape_cast %get3A_150 : vector<1x16xf32> to vector<16xf32>
        %get3A_152 = arith.index_cast %scan3A_130 : i32 to index
        %get3A_153 = arith.constant 16 : index
        %get3A_154 = tpu.vector_load %arg11[%get3A_152, %get3A_153] {strides = array<i32>} : memref<128x128xf32, #tpu.memory_space<vmem>>, vector<1x16xf32>,
        %get3A_155 = vector.shape_cast %get3A_154 : vector<1x16xf32> to vector<16xf32>
        %add3A_156 = arith.addf %get3A_151, %get3A_155 : vector<16xf32>
        %get3A_157 = arith.index_cast %scan3A_130 : i32 to index
        %get3A_158 = arith.constant 16 : index
        %get3A_159 = tpu.vector_load %arg12[%get3A_157, %get3A_158] {strides = array<i32>} : memref<128x128xf32, #tpu.memory_space<vmem>>, vector<1x16xf32>,
        %get3A_160 = vector.shape_cast %get3A_159 : vector<1x16xf32> to vector<16xf32>
        %add3A_161 = arith.addf %add3A_156, %get3A_160 : vector<16xf32>
        %swap3A_162 = arith.index_cast %scan3A_130 : i32 to index
        %swap3A_163 = arith.constant 16 : index
        %swap3A_164 = tpu.vector_load %arg10[%swap3A_162, %swap3A_163] {strides = array<i32>} : memref<128x128xf32, #tpu.memory_space<vmem>>, vector<1x16xf32>,
        %swap3A_165 = vector.shape_cast %swap3A_164 : vector<1x16xf32> to vector<16xf32>
        %swap3A_166 = vector.shape_cast %add3A_161 : vector<16xf32> to vector<1x16xf32>
        tpu.vector_store %arg10[%swap3A_162, %swap3A_163], %swap3A_166 {strides = array<i32>} : memref<128x128xf32, #tpu.memory_space<vmem>>, vector<1x16xf32>,
        %get3A_167 = arith.index_cast %scan3A_130 : i32 to index
        %get3A_168 = arith.constant 32 : index
        %get3A_169 = tpu.vector_load %arg10[%get3A_167, %get3A_168] {strides = array<i32>} : memref<128x128xf32, #tpu.memory_space<vmem>>, vector<1x16xf32>,
        %get3A_170 = vector.shape_cast %get3A_169 : vector<1x16xf32> to vector<16xf32>
        %get3A_171 = arith.index_cast %scan3A_130 : i32 to index
        %get3A_172 = arith.constant 32 : index
        %get3A_173 = tpu.vector_load %arg11[%get3A_171, %get3A_172] {strides = array<i32>} : memref<128x128xf32, #tpu.memory_space<vmem>>, vector<1x16xf32>,
        %get3A_174 = vector.shape_cast %get3A_173 : vector<1x16xf32> to vector<16xf32>
        %add3A_175 = arith.addf %get3A_170, %get3A_174 : vector<16xf32>
        %get3A_176 = arith.index_cast %scan3A_130 : i32 to index
        %get3A_177 = arith.constant 32 : index
        %get3A_178 = tpu.vector_load %arg12[%get3A_176, %get3A_177] {strides = array<i32>} : memref<128x128xf32, #tpu.memory_space<vmem>>, vector<1x16xf32>,
        %get3A_179 = vector.shape_cast %get3A_178 : vector<1x16xf32> to vector<16xf32>
        %add3A_180 = arith.addf %add3A_175, %get3A_179 : vector<16xf32>
        %swap3A_181 = arith.index_cast %scan3A_130 : i32 to index
        %swap3A_182 = arith.constant 32 : index
        %swap3A_183 = tpu.vector_load %arg10[%swap3A_181, %swap3A_182] {strides = array<i32>} : memref<128x128xf32, #tpu.memory_space<vmem>>, vector<1x16xf32>,
        %swap3A_184 = vector.shape_cast %swap3A_183 : vector<1x16xf32> to vector<16xf32>
        %swap3A_185 = vector.shape_cast %add3A_180 : vector<16xf32> to vector<1x16xf32>
        tpu.vector_store %arg10[%swap3A_181, %swap3A_182], %swap3A_185 {strides = array<i32>} : memref<128x128xf32, #tpu.memory_space<vmem>>, vector<1x16xf32>,
        %get3A_186 = arith.index_cast %scan3A_130 : i32 to index
        %get3A_187 = arith.constant 48 : index
        %get3A_188 = tpu.vector_load %arg10[%get3A_186, %get3A_187] {strides = array<i32>} : memref<128x128xf32, #tpu.memory_space<vmem>>, vector<1x16xf32>,
        %get3A_189 = vector.shape_cast %get3A_188 : vector<1x16xf32> to vector<16xf32>
        %get3A_190 = arith.index_cast %scan3A_130 : i32 to index
        %get3A_191 = arith.constant 48 : index
        %get3A_192 = tpu.vector_load %arg11[%get3A_190, %get3A_191] {strides = array<i32>} : memref<128x128xf32, #tpu.memory_space<vmem>>, vector<1x16xf32>,
        %get3A_193 = vector.shape_cast %get3A_192 : vector<1x16xf32> to vector<16xf32>
        %add3A_194 = arith.addf %get3A_189, %get3A_193 : vector<16xf32>
        %get3A_195 = arith.index_cast %scan3A_130 : i32 to index
        %get3A_196 = arith.constant 48 : index
        %get3A_197 = tpu.vector_load %arg12[%get3A_195, %get3A_196] {strides = array<i32>} : memref<128x128xf32, #tpu.memory_space<vmem>>, vector<1x16xf32>,
        %get3A_198 = vector.shape_cast %get3A_197 : vector<1x16xf32> to vector<16xf32>
        %add3A_199 = arith.addf %add3A_194, %get3A_198 : vector<16xf32>
        %swap3A_200 = arith.index_cast %scan3A_130 : i32 to index
        %swap3A_201 = arith.constant 48 : index
        %swap3A_202 = tpu.vector_load %arg10[%swap3A_200, %swap3A_201] {strides = array<i32>} : memref<128x128xf32, #tpu.memory_space<vmem>>, vector<1x16xf32>,
        %swap3A_203 = vector.shape_cast %swap3A_202 : vector<1x16xf32> to vector<16xf32>
        %swap3A_204 = vector.shape_cast %add3A_199 : vector<16xf32> to vector<1x16xf32>
        tpu.vector_store %arg10[%swap3A_200, %swap3A_201], %swap3A_204 {strides = array<i32>} : memref<128x128xf32, #tpu.memory_space<vmem>>, vector<1x16xf32>,
        %get3A_205 = arith.index_cast %scan3A_130 : i32 to index
        %get3A_206 = arith.constant 64 : index
        %get3A_207 = tpu.vector_load %arg10[%get3A_205, %get3A_206] {strides = array<i32>} : memref<128x128xf32, #tpu.memory_space<vmem>>, vector<1x16xf32>,
        %get3A_208 = vector.shape_cast %get3A_207 : vector<1x16xf32> to vector<16xf32>
        %get3A_209 = arith.index_cast %scan3A_130 : i32 to index
        %get3A_210 = arith.constant 64 : index
        %get3A_211 = tpu.vector_load %arg11[%get3A_209, %get3A_210] {strides = array<i32>} : memref<128x128xf32, #tpu.memory_space<vmem>>, vector<1x16xf32>,
        %get3A_212 = vector.shape_cast %get3A_211 : vector<1x16xf32> to vector<16xf32>
        %add3A_213 = arith.addf %get3A_208, %get3A_212 : vector<16xf32>
        %get3A_214 = arith.index_cast %scan3A_130 : i32 to index
        %get3A_215 = arith.constant 64 : index
        %get3A_216 = tpu.vector_load %arg12[%get3A_214, %get3A_215] {strides = array<i32>} : memref<128x128xf32, #tpu.memory_space<vmem>>, vector<1x16xf32>,
        %get3A_217 = vector.shape_cast %get3A_216 : vector<1x16xf32> to vector<16xf32>
        %add3A_218 = arith.addf %add3A_213, %get3A_217 : vector<16xf32>
        %swap3A_219 = arith.index_cast %scan3A_130 : i32 to index
        %swap3A_220 = arith.constant 64 : index
        %swap3A_221 = tpu.vector_load %arg10[%swap3A_219, %swap3A_220] {strides = array<i32>} : memref<128x128xf32, #tpu.memory_space<vmem>>, vector<1x16xf32>,
        %swap3A_222 = vector.shape_cast %swap3A_221 : vector<1x16xf32> to vector<16xf32>
        %swap3A_223 = vector.shape_cast %add3A_218 : vector<16xf32> to vector<1x16xf32>
        tpu.vector_store %arg10[%swap3A_219, %swap3A_220], %swap3A_223 {strides = array<i32>} : memref<128x128xf32, #tpu.memory_space<vmem>>, vector<1x16xf32>,
        %get3A_224 = arith.index_cast %scan3A_130 : i32 to index
        %get3A_225 = arith.constant 80 : index
        %get3A_226 = tpu.vector_load %arg10[%get3A_224, %get3A_225] {strides = array<i32>} : memref<128x128xf32, #tpu.memory_space<vmem>>, vector<1x16xf32>,
        %get3A_227 = vector.shape_cast %get3A_226 : vector<1x16xf32> to vector<16xf32>
        %get3A_228 = arith.index_cast %scan3A_130 : i32 to index
        %get3A_229 = arith.constant 80 : index
        %get3A_230 = tpu.vector_load %arg11[%get3A_228, %get3A_229] {strides = array<i32>} : memref<128x128xf32, #tpu.memory_space<vmem>>, vector<1x16xf32>,
        %get3A_231 = vector.shape_cast %get3A_230 : vector<1x16xf32> to vector<16xf32>
        %add3A_232 = arith.addf %get3A_227, %get3A_231 : vector<16xf32>
        %get3A_233 = arith.index_cast %scan3A_130 : i32 to index
        %get3A_234 = arith.constant 80 : index
        %get3A_235 = tpu.vector_load %arg12[%get3A_233, %get3A_234] {strides = array<i32>} : memref<128x128xf32, #tpu.memory_space<vmem>>, vector<1x16xf32>,
        %get3A_236 = vector.shape_cast %get3A_235 : vector<1x16xf32> to vector<16xf32>
        %add3A_237 = arith.addf %add3A_232, %get3A_236 : vector<16xf32>
        %swap3A_238 = arith.index_cast %scan3A_130 : i32 to index
        %swap3A_239 = arith.constant 80 : index
        %swap3A_240 = tpu.vector_load %arg10[%swap3A_238, %swap3A_239] {strides = array<i32>} : memref<128x128xf32, #tpu.memory_space<vmem>>, vector<1x16xf32>,
        %swap3A_241 = vector.shape_cast %swap3A_240 : vector<1x16xf32> to vector<16xf32>
        %swap3A_242 = vector.shape_cast %add3A_237 : vector<16xf32> to vector<1x16xf32>
        tpu.vector_store %arg10[%swap3A_238, %swap3A_239], %swap3A_242 {strides = array<i32>} : memref<128x128xf32, #tpu.memory_space<vmem>>, vector<1x16xf32>,
        %get3A_243 = arith.index_cast %scan3A_130 : i32 to index
        %get3A_244 = arith.constant 96 : index
        %get3A_245 = tpu.vector_load %arg10[%get3A_243, %get3A_244] {strides = array<i32>} : memref<128x128xf32, #tpu.memory_space<vmem>>, vector<1x16xf32>,
        %get3A_246 = vector.shape_cast %get3A_245 : vector<1x16xf32> to vector<16xf32>
        %get3A_247 = arith.index_cast %scan3A_130 : i32 to index
        %get3A_248 = arith.constant 96 : index
        %get3A_249 = tpu.vector_load %arg11[%get3A_247, %get3A_248] {strides = array<i32>} : memref<128x128xf32, #tpu.memory_space<vmem>>, vector<1x16xf32>,
        %get3A_250 = vector.shape_cast %get3A_249 : vector<1x16xf32> to vector<16xf32>
        %add3A_251 = arith.addf %get3A_246, %get3A_250 : vector<16xf32>
        %get3A_252 = arith.index_cast %scan3A_130 : i32 to index
        %get3A_253 = arith.constant 96 : index
        %get3A_254 = tpu.vector_load %arg12[%get3A_252, %get3A_253] {strides = array<i32>} : memref<128x128xf32, #tpu.memory_space<vmem>>, vector<1x16xf32>,
        %get3A_255 = vector.shape_cast %get3A_254 : vector<1x16xf32> to vector<16xf32>
        %add3A_256 = arith.addf %add3A_251, %get3A_255 : vector<16xf32>
        %swap3A_257 = arith.index_cast %scan3A_130 : i32 to index
        %swap3A_258 = arith.constant 96 : index
        %swap3A_259 = tpu.vector_load %arg10[%swap3A_257, %swap3A_258] {strides = array<i32>} : memref<128x128xf32, #tpu.memory_space<vmem>>, vector<1x16xf32>,
        %swap3A_260 = vector.shape_cast %swap3A_259 : vector<1x16xf32> to vector<16xf32>
        %swap3A_261 = vector.shape_cast %add3A_256 : vector<16xf32> to vector<1x16xf32>
        tpu.vector_store %arg10[%swap3A_257, %swap3A_258], %swap3A_261 {strides = array<i32>} : memref<128x128xf32, #tpu.memory_space<vmem>>, vector<1x16xf32>,
        %get3A_262 = arith.index_cast %scan3A_130 : i32 to index
        %get3A_263 = arith.constant 112 : index
        %get3A_264 = tpu.vector_load %arg10[%get3A_262, %get3A_263] {strides = array<i32>} : memref<128x128xf32, #tpu.memory_space<vmem>>, vector<1x16xf32>,
        %get3A_265 = vector.shape_cast %get3A_264 : vector<1x16xf32> to vector<16xf32>
        %get3A_266 = arith.index_cast %scan3A_130 : i32 to index
        %get3A_267 = arith.constant 112 : index
        %get3A_268 = tpu.vector_load %arg11[%get3A_266, %get3A_267] {strides = array<i32>} : memref<128x128xf32, #tpu.memory_space<vmem>>, vector<1x16xf32>,
        %get3A_269 = vector.shape_cast %get3A_268 : vector<1x16xf32> to vector<16xf32>
        %add3A_270 = arith.addf %get3A_265, %get3A_269 : vector<16xf32>
        %get3A_271 = arith.index_cast %scan3A_130 : i32 to index
        %get3A_272 = arith.constant 112 : index
        %get3A_273 = tpu.vector_load %arg12[%get3A_271, %get3A_272] {strides = array<i32>} : memref<128x128xf32, #tpu.memory_space<vmem>>, vector<1x16xf32>,
        %get3A_274 = vector.shape_cast %get3A_273 : vector<1x16xf32> to vector<16xf32>
        %add3A_275 = arith.addf %add3A_270, %get3A_274 : vector<16xf32>
        %swap3A_276 = arith.index_cast %scan3A_130 : i32 to index
        %swap3A_277 = arith.constant 112 : index
        %swap3A_278 = tpu.vector_load %arg10[%swap3A_276, %swap3A_277] {strides = array<i32>} : memref<128x128xf32, #tpu.memory_space<vmem>>, vector<1x16xf32>,
        %swap3A_279 = vector.shape_cast %swap3A_278 : vector<1x16xf32> to vector<16xf32>
        %swap3A_280 = vector.shape_cast %add3A_275 : vector<16xf32> to vector<1x16xf32>
        tpu.vector_store %arg10[%swap3A_276, %swap3A_277], %swap3A_280 {strides = array<i32>} : memref<128x128xf32, #tpu.memory_space<vmem>>, vector<1x16xf32>,
        %scan3A_281 = arith.constant 1 : i32
        %scan3A_282 = arith.addi %scan3A_130, %scan3A_281 : i32
        %get3A_283 = arith.index_cast %scan3A_282 : i32 to index
        %get3A_284 = arith.constant 0 : index
        %get3A_285 = tpu.vector_load %arg10[%get3A_283, %get3A_284] {strides = array<i32>} : memref<128x128xf32, #tpu.memory_space<vmem>>, vector<1x16xf32>,
        %get3A_286 = vector.shape_cast %get3A_285 : vector<1x16xf32> to vector<16xf32>
        %get3A_287 = arith.index_cast %scan3A_282 : i32 to index
        %get3A_288 = arith.constant 0 : index
        %get3A_289 = tpu.vector_load %arg11[%get3A_287, %get3A_288] {strides = array<i32>} : memref<128x128xf32, #tpu.memory_space<vmem>>, vector<1x16xf32>,
        %get3A_290 = vector.shape_cast %get3A_289 : vector<1x16xf32> to vector<16xf32>
        %add3A_291 = arith.addf %get3A_286, %get3A_290 : vector<16xf32>
        %get3A_292 = arith.index_cast %scan3A_282 : i32 to index
        %get3A_293 = arith.constant 0 : index
        %get3A_294 = tpu.vector_load %arg12[%get3A_292, %get3A_293] {strides = array<i32>} : memref<128x128xf32, #tpu.memory_space<vmem>>, vector<1x16xf32>,
        %get3A_295 = vector.shape_cast %get3A_294 : vector<1x16xf32> to vector<16xf32>
        %add3A_296 = arith.addf %add3A_291, %get3A_295 : vector<16xf32>
        %swap3A_297 = arith.index_cast %scan3A_282 : i32 to index
        %swap3A_298 = arith.constant 0 : index
        %swap3A_299 = tpu.vector_load %arg10[%swap3A_297, %swap3A_298] {strides = array<i32>} : memref<128x128xf32, #tpu.memory_space<vmem>>, vector<1x16xf32>,
        %swap3A_300 = vector.shape_cast %swap3A_299 : vector<1x16xf32> to vector<16xf32>
        %swap3A_301 = vector.shape_cast %add3A_296 : vector<16xf32> to vector<1x16xf32>
        tpu.vector_store %arg10[%swap3A_297, %swap3A_298], %swap3A_301 {strides = array<i32>} : memref<128x128xf32, #tpu.memory_space<vmem>>, vector<1x16xf32>,
        %get3A_302 = arith.index_cast %scan3A_282 : i32 to index
        %get3A_303 = arith.constant 16 : index
        %get3A_304 = tpu.vector_load %arg10[%get3A_302, %get3A_303] {strides = array<i32>} : memref<128x128xf32, #tpu.memory_space<vmem>>, vector<1x16xf32>,
        %get3A_305 = vector.shape_cast %get3A_304 : vector<1x16xf32> to vector<16xf32>
        %get3A_306 = arith.index_cast %scan3A_282 : i32 to index
        %get3A_307 = arith.constant 16 : index
        %get3A_308 = tpu.vector_load %arg11[%get3A_306, %get3A_307] {strides = array<i32>} : memref<128x128xf32, #tpu.memory_space<vmem>>, vector<1x16xf32>,
        %get3A_309 = vector.shape_cast %get3A_308 : vector<1x16xf32> to vector<16xf32>
        %add3A_310 = arith.addf %get3A_305, %get3A_309 : vector<16xf32>
        %get3A_311 = arith.index_cast %scan3A_282 : i32 to index
        %get3A_312 = arith.constant 16 : index
        %get3A_313 = tpu.vector_load %arg12[%get3A_311, %get3A_312] {strides = array<i32>} : memref<128x128xf32, #tpu.memory_space<vmem>>, vector<1x16xf32>,
        %get3A_314 = vector.shape_cast %get3A_313 : vector<1x16xf32> to vector<16xf32>
        %add3A_315 = arith.addf %add3A_310, %get3A_314 : vector<16xf32>
        %swap3A_316 = arith.index_cast %scan3A_282 : i32 to index
        %swap3A_317 = arith.constant 16 : index
        %swap3A_318 = tpu.vector_load %arg10[%swap3A_316, %swap3A_317] {strides = array<i32>} : memref<128x128xf32, #tpu.memory_space<vmem>>, vector<1x16xf32>,
        %swap3A_319 = vector.shape_cast %swap3A_318 : vector<1x16xf32> to vector<16xf32>
        %swap3A_320 = vector.shape_cast %add3A_315 : vector<16xf32> to vector<1x16xf32>
        tpu.vector_store %arg10[%swap3A_316, %swap3A_317], %swap3A_320 {strides = array<i32>} : memref<128x128xf32, #tpu.memory_space<vmem>>, vector<1x16xf32>,
        %get3A_321 = arith.index_cast %scan3A_282 : i32 to index
        %get3A_322 = arith.constant 32 : index
        %get3A_323 = tpu.vector_load %arg10[%get3A_321, %get3A_322] {strides = array<i32>} : memref<128x128xf32, #tpu.memory_space<vmem>>, vector<1x16xf32>,
        %get3A_324 = vector.shape_cast %get3A_323 : vector<1x16xf32> to vector<16xf32>
        %get3A_325 = arith.index_cast %scan3A_282 : i32 to index
        %get3A_326 = arith.constant 32 : index
        %get3A_327 = tpu.vector_load %arg11[%get3A_325, %get3A_326] {strides = array<i32>} : memref<128x128xf32, #tpu.memory_space<vmem>>, vector<1x16xf32>,
        %get3A_328 = vector.shape_cast %get3A_327 : vector<1x16xf32> to vector<16xf32>
        %add3A_329 = arith.addf %get3A_324, %get3A_328 : vector<16xf32>
        %get3A_330 = arith.index_cast %scan3A_282 : i32 to index
        %get3A_331 = arith.constant 32 : index
        %get3A_332 = tpu.vector_load %arg12[%get3A_330, %get3A_331] {strides = array<i32>} : memref<128x128xf32, #tpu.memory_space<vmem>>, vector<1x16xf32>,
        %get3A_333 = vector.shape_cast %get3A_332 : vector<1x16xf32> to vector<16xf32>
        %add3A_334 = arith.addf %add3A_329, %get3A_333 : vector<16xf32>
        %swap3A_335 = arith.index_cast %scan3A_282 : i32 to index
        %swap3A_336 = arith.constant 32 : index
        %swap3A_337 = tpu.vector_load %arg10[%swap3A_335, %swap3A_336] {strides = array<i32>} : memref<128x128xf32, #tpu.memory_space<vmem>>, vector<1x16xf32>,
        %swap3A_338 = vector.shape_cast %swap3A_337 : vector<1x16xf32> to vector<16xf32>
        %swap3A_339 = vector.shape_cast %add3A_334 : vector<16xf32> to vector<1x16xf32>
        tpu.vector_store %arg10[%swap3A_335, %swap3A_336], %swap3A_339 {strides = array<i32>} : memref<128x128xf32, #tpu.memory_space<vmem>>, vector<1x16xf32>,
        %get3A_340 = arith.index_cast %scan3A_282 : i32 to index
        %get3A_341 = arith.constant 48 : index
        %get3A_342 = tpu.vector_load %arg10[%get3A_340, %get3A_341] {strides = array<i32>} : memref<128x128xf32, #tpu.memory_space<vmem>>, vector<1x16xf32>,
        %get3A_343 = vector.shape_cast %get3A_342 : vector<1x16xf32> to vector<16xf32>
        %get3A_344 = arith.index_cast %scan3A_282 : i32 to index
        %get3A_345 = arith.constant 48 : index
        %get3A_346 = tpu.vector_load %arg11[%get3A_344, %get3A_345] {strides = array<i32>} : memref<128x128xf32, #tpu.memory_space<vmem>>, vector<1x16xf32>,
        %get3A_347 = vector.shape_cast %get3A_346 : vector<1x16xf32> to vector<16xf32>
        %add3A_348 = arith.addf %get3A_343, %get3A_347 : vector<16xf32>
        %get3A_349 = arith.index_cast %scan3A_282 : i32 to index
        %get3A_350 = arith.constant 48 : index
        %get3A_351 = tpu.vector_load %arg12[%get3A_349, %get3A_350] {strides = array<i32>} : memref<128x128xf32, #tpu.memory_space<vmem>>, vector<1x16xf32>,
        %get3A_352 = vector.shape_cast %get3A_351 : vector<1x16xf32> to vector<16xf32>
        %add3A_353 = arith.addf %add3A_348, %get3A_352 : vector<16xf32>
        %swap3A_354 = arith.index_cast %scan3A_282 : i32 to index
        %swap3A_355 = arith.constant 48 : index
        %swap3A_356 = tpu.vector_load %arg10[%swap3A_354, %swap3A_355] {strides = array<i32>} : memref<128x128xf32, #tpu.memory_space<vmem>>, vector<1x16xf32>,
        %swap3A_357 = vector.shape_cast %swap3A_356 : vector<1x16xf32> to vector<16xf32>
        %swap3A_358 = vector.shape_cast %add3A_353 : vector<16xf32> to vector<1x16xf32>
        tpu.vector_store %arg10[%swap3A_354, %swap3A_355], %swap3A_358 {strides = array<i32>} : memref<128x128xf32, #tpu.memory_space<vmem>>, vector<1x16xf32>,
        %get3A_359 = arith.index_cast %scan3A_282 : i32 to index
        %get3A_360 = arith.constant 64 : index
        %get3A_361 = tpu.vector_load %arg10[%get3A_359, %get3A_360] {strides = array<i32>} : memref<128x128xf32, #tpu.memory_space<vmem>>, vector<1x16xf32>,
        %get3A_362 = vector.shape_cast %get3A_361 : vector<1x16xf32> to vector<16xf32>
        %get3A_363 = arith.index_cast %scan3A_282 : i32 to index
        %get3A_364 = arith.constant 64 : index
        %get3A_365 = tpu.vector_load %arg11[%get3A_363, %get3A_364] {strides = array<i32>} : memref<128x128xf32, #tpu.memory_space<vmem>>, vector<1x16xf32>,
        %get3A_366 = vector.shape_cast %get3A_365 : vector<1x16xf32> to vector<16xf32>
        %add3A_367 = arith.addf %get3A_362, %get3A_366 : vector<16xf32>
        %get3A_368 = arith.index_cast %scan3A_282 : i32 to index
        %get3A_369 = arith.constant 64 : index
        %get3A_370 = tpu.vector_load %arg12[%get3A_368, %get3A_369] {strides = array<i32>} : memref<128x128xf32, #tpu.memory_space<vmem>>, vector<1x16xf32>,
        %get3A_371 = vector.shape_cast %get3A_370 : vector<1x16xf32> to vector<16xf32>
        %add3A_372 = arith.addf %add3A_367, %get3A_371 : vector<16xf32>
        %swap3A_373 = arith.index_cast %scan3A_282 : i32 to index
        %swap3A_374 = arith.constant 64 : index
        %swap3A_375 = tpu.vector_load %arg10[%swap3A_373, %swap3A_374] {strides = array<i32>} : memref<128x128xf32, #tpu.memory_space<vmem>>, vector<1x16xf32>,
        %swap3A_376 = vector.shape_cast %swap3A_375 : vector<1x16xf32> to vector<16xf32>
        %swap3A_377 = vector.shape_cast %add3A_372 : vector<16xf32> to vector<1x16xf32>
        tpu.vector_store %arg10[%swap3A_373, %swap3A_374], %swap3A_377 {strides = array<i32>} : memref<128x128xf32, #tpu.memory_space<vmem>>, vector<1x16xf32>,
        %get3A_378 = arith.index_cast %scan3A_282 : i32 to index
        %get3A_379 = arith.constant 80 : index
        %get3A_380 = tpu.vector_load %arg10[%get3A_378, %get3A_379] {strides = array<i32>} : memref<128x128xf32, #tpu.memory_space<vmem>>, vector<1x16xf32>,
        %get3A_381 = vector.shape_cast %get3A_380 : vector<1x16xf32> to vector<16xf32>
        %get3A_382 = arith.index_cast %scan3A_282 : i32 to index
        %get3A_383 = arith.constant 80 : index
        %get3A_384 = tpu.vector_load %arg11[%get3A_382, %get3A_383] {strides = array<i32>} : memref<128x128xf32, #tpu.memory_space<vmem>>, vector<1x16xf32>,
        %get3A_385 = vector.shape_cast %get3A_384 : vector<1x16xf32> to vector<16xf32>
        %add3A_386 = arith.addf %get3A_381, %get3A_385 : vector<16xf32>
        %get3A_387 = arith.index_cast %scan3A_282 : i32 to index
        %get3A_388 = arith.constant 80 : index
        %get3A_389 = tpu.vector_load %arg12[%get3A_387, %get3A_388] {strides = array<i32>} : memref<128x128xf32, #tpu.memory_space<vmem>>, vector<1x16xf32>,
        %get3A_390 = vector.shape_cast %get3A_389 : vector<1x16xf32> to vector<16xf32>
        %add3A_391 = arith.addf %add3A_386, %get3A_390 : vector<16xf32>
        %swap3A_392 = arith.index_cast %scan3A_282 : i32 to index
        %swap3A_393 = arith.constant 80 : index
        %swap3A_394 = tpu.vector_load %arg10[%swap3A_392, %swap3A_393] {strides = array<i32>} : memref<128x128xf32, #tpu.memory_space<vmem>>, vector<1x16xf32>,
        %swap3A_395 = vector.shape_cast %swap3A_394 : vector<1x16xf32> to vector<16xf32>
        %swap3A_396 = vector.shape_cast %add3A_391 : vector<16xf32> to vector<1x16xf32>
        tpu.vector_store %arg10[%swap3A_392, %swap3A_393], %swap3A_396 {strides = array<i32>} : memref<128x128xf32, #tpu.memory_space<vmem>>, vector<1x16xf32>,
        %get3A_397 = arith.index_cast %scan3A_282 : i32 to index
        %get3A_398 = arith.constant 96 : index
        %get3A_399 = tpu.vector_load %arg10[%get3A_397, %get3A_398] {strides = array<i32>} : memref<128x128xf32, #tpu.memory_space<vmem>>, vector<1x16xf32>,
        %get3A_400 = vector.shape_cast %get3A_399 : vector<1x16xf32> to vector<16xf32>
        %get3A_401 = arith.index_cast %scan3A_282 : i32 to index
        %get3A_402 = arith.constant 96 : index
        %get3A_403 = tpu.vector_load %arg11[%get3A_401, %get3A_402] {strides = array<i32>} : memref<128x128xf32, #tpu.memory_space<vmem>>, vector<1x16xf32>,
        %get3A_404 = vector.shape_cast %get3A_403 : vector<1x16xf32> to vector<16xf32>
        %add3A_405 = arith.addf %get3A_400, %get3A_404 : vector<16xf32>
        %get3A_406 = arith.index_cast %scan3A_282 : i32 to index
        %get3A_407 = arith.constant 96 : index
        %get3A_408 = tpu.vector_load %arg12[%get3A_406, %get3A_407] {strides = array<i32>} : memref<128x128xf32, #tpu.memory_space<vmem>>, vector<1x16xf32>,
        %get3A_409 = vector.shape_cast %get3A_408 : vector<1x16xf32> to vector<16xf32>
        %add3A_410 = arith.addf %add3A_405, %get3A_409 : vector<16xf32>
        %swap3A_411 = arith.index_cast %scan3A_282 : i32 to index
        %swap3A_412 = arith.constant 96 : index
        %swap3A_413 = tpu.vector_load %arg10[%swap3A_411, %swap3A_412] {strides = array<i32>} : memref<128x128xf32, #tpu.memory_space<vmem>>, vector<1x16xf32>,
        %swap3A_414 = vector.shape_cast %swap3A_413 : vector<1x16xf32> to vector<16xf32>
        %swap3A_415 = vector.shape_cast %add3A_410 : vector<16xf32> to vector<1x16xf32>
        tpu.vector_store %arg10[%swap3A_411, %swap3A_412], %swap3A_415 {strides = array<i32>} : memref<128x128xf32, #tpu.memory_space<vmem>>, vector<1x16xf32>,
        %get3A_416 = arith.index_cast %scan3A_282 : i32 to index
        %get3A_417 = arith.constant 112 : index
        %get3A_418 = tpu.vector_load %arg10[%get3A_416, %get3A_417] {strides = array<i32>} : memref<128x128xf32, #tpu.memory_space<vmem>>, vector<1x16xf32>,
        %get3A_419 = vector.shape_cast %get3A_418 : vector<1x16xf32> to vector<16xf32>
        %get3A_420 = arith.index_cast %scan3A_282 : i32 to index
        %get3A_421 = arith.constant 112 : index
        %get3A_422 = tpu.vector_load %arg11[%get3A_420, %get3A_421] {strides = array<i32>} : memref<128x128xf32, #tpu.memory_space<vmem>>, vector<1x16xf32>,
        %get3A_423 = vector.shape_cast %get3A_422 : vector<1x16xf32> to vector<16xf32>
        %add3A_424 = arith.addf %get3A_419, %get3A_423 : vector<16xf32>
        %get3A_425 = arith.index_cast %scan3A_282 : i32 to index
        %get3A_426 = arith.constant 112 : index
        %get3A_427 = tpu.vector_load %arg12[%get3A_425, %get3A_426] {strides = array<i32>} : memref<128x128xf32, #tpu.memory_space<vmem>>, vector<1x16xf32>,
        %get3A_428 = vector.shape_cast %get3A_427 : vector<1x16xf32> to vector<16xf32>
        %add3A_429 = arith.addf %add3A_424, %get3A_428 : vector<16xf32>
        %swap3A_430 = arith.index_cast %scan3A_282 : i32 to index
        %swap3A_431 = arith.constant 112 : index
        %swap3A_432 = tpu.vector_load %arg10[%swap3A_430, %swap3A_431] {strides = array<i32>} : memref<128x128xf32, #tpu.memory_space<vmem>>, vector<1x16xf32>,
        %swap3A_433 = vector.shape_cast %swap3A_432 : vector<1x16xf32> to vector<16xf32>
        %swap3A_434 = vector.shape_cast %add3A_429 : vector<16xf32> to vector<1x16xf32>
        tpu.vector_store %arg10[%swap3A_430, %swap3A_431], %swap3A_434 {strides = array<i32>} : memref<128x128xf32, #tpu.memory_space<vmem>>, vector<1x16xf32>,
      }
      %scan3A_86 = arith.constant 128 : i32
      %mul3A_87 = arith.constant 128 : i32
      %mul3A_88 = arith.muli %mul3A_49, %mul3A_87 : i32
      %add3A_89 = arith.addi %mul3A_2, %mul3A_88 : i32
      "tpu.region"() ({
        %run_scoped3A = tpu.sem_alloc : memref<!tpu.dma_semaphore, #tpu.memory_space<semaphore_mem>>
        %dma_start3A_130 = arith.constant 0 : i32
        %dma_start3A_131 = tpu.memref_slice %arg6[%add3A_89, %dma_start3A_130] : memref<200000x128xf32, #tpu.memory_space<hbm>> -> memref<128x128xf32, #tpu.memory_space<hbm>>
        %dma_start3A_132 = arith.constant 0 : i32
        %dma_start3A_133 = tpu.memref_slice %arg6[%add3A_89, %dma_start3A_132] : memref<200000x128xf32, #tpu.memory_space<hbm>> -> memref<128x128xf32, #tpu.memory_space<hbm>>
        tpu.enqueue_dma source(%arg10 : memref<128x128xf32, #tpu.memory_space<vmem>>) target(%dma_start3A_133 : memref<128x128xf32, #tpu.memory_space<hbm>>) target_semaphore(%run_scoped3A : memref<!tpu.dma_semaphore, #tpu.memory_space<semaphore_mem>>)
        %dma_wait3A_134 = arith.constant 0 : i32
        %dma_wait3A_135 = tpu.memref_slice %arg6[%add3A_89, %dma_wait3A_134] : memref<200000x128xf32, #tpu.memory_space<hbm>> -> memref<128x128xf32, #tpu.memory_space<hbm>>
        %dma_wait3A_136 = arith.constant 0 : i32
        %dma_wait3A_137 = tpu.memref_slice %arg6[%add3A_89, %dma_wait3A_136] : memref<200000x128xf32, #tpu.memory_space<hbm>> -> memref<128x128xf32, #tpu.memory_space<hbm>>
        tpu.wait_dma2 semaphore(%run_scoped3A : memref<!tpu.dma_semaphore, #tpu.memory_space<semaphore_mem>>) src(%arg10 : memref<128x128xf32, #tpu.memory_space<vmem>>) dst(%dma_wait3A_137 : memref<128x128xf32, #tpu.memory_space<hbm>>)
        tpu.yield
      }) : () -> ()
      %add3A_90 = arith.constant 1 : i32
      %add3A_91 = arith.addi %add3A_53, %add3A_90 : i32
      %mul3A_92 = arith.constant 128 : i32
      %mul3A_93 = arith.muli %add3A_91, %mul3A_92 : i32
      %dma_start3A_94 = tpu.memref_slice %arg7[%mul3A_93] : memref<6272xi32, #tpu.memory_space<vmem>> -> memref<128xi32, #tpu.memory_space<vmem>>
      %dma_start3A_95 = arith.constant 0 : i32
      %dma_start3A_96 = arith.constant 0 : i32
      %dma_start3A_97 = tpu.memref_slice %arg2[%dma_start3A_95, %dma_start3A_96] : memref<20000x128xf32, #tpu.memory_space<hbm>> -> memref<20000x128xf32, #tpu.memory_space<hbm>>
      tpu.enqueue_indirect_dma source(%dma_start3A_97 : memref<20000x128xf32, #tpu.memory_space<hbm>>) target(%arg10 : memref<128x128xf32, #tpu.memory_space<vmem>>) offsets(%dma_start3A_94 : memref<128xi32, #tpu.memory_space<vmem>>) semaphore(%arg16 : memref<!tpu.dma_semaphore, #tpu.memory_space<semaphore_mem>>)
      %dma_start3A_98 = tpu.memref_slice %arg8[%mul3A_93] : memref<6272xi32, #tpu.memory_space<vmem>> -> memref<128xi32, #tpu.memory_space<vmem>>
      %dma_start3A_99 = arith.constant 0 : i32
      %dma_start3A_100 = arith.constant 0 : i32
      %dma_start3A_101 = tpu.memref_slice %arg3[%dma_start3A_99, %dma_start3A_100] : memref<20000x128xf32, #tpu.memory_space<hbm>> -> memref<20000x128xf32, #tpu.memory_space<hbm>>
      tpu.enqueue_indirect_dma source(%dma_start3A_101 : memref<20000x128xf32, #tpu.memory_space<hbm>>) target(%arg11 : memref<128x128xf32, #tpu.memory_space<vmem>>) offsets(%dma_start3A_98 : memref<128xi32, #tpu.memory_space<vmem>>) semaphore(%arg16 : memref<!tpu.dma_semaphore, #tpu.memory_space<semaphore_mem>>)
      %dma_start3A_102 = tpu.memref_slice %arg9[%mul3A_93] : memref<6272xi32, #tpu.memory_space<vmem>> -> memref<128xi32, #tpu.memory_space<vmem>>
      %dma_start3A_103 = arith.constant 0 : i32
      %dma_start3A_104 = arith.constant 0 : i32
      %dma_start3A_105 = tpu.memref_slice %arg4[%dma_start3A_103, %dma_start3A_104] : memref<20000x128xf32, #tpu.memory_space<hbm>> -> memref<20000x128xf32, #tpu.memory_space<hbm>>
      tpu.enqueue_indirect_dma source(%dma_start3A_105 : memref<20000x128xf32, #tpu.memory_space<hbm>>) target(%arg12 : memref<128x128xf32, #tpu.memory_space<vmem>>) offsets(%dma_start3A_102 : memref<128xi32, #tpu.memory_space<vmem>>) semaphore(%arg16 : memref<!tpu.dma_semaphore, #tpu.memory_space<semaphore_mem>>)
      %dma_wait3A_106 = arith.constant 0 : i32
      %dma_wait3A_107 = tpu.memref_slice %arg7[%dma_wait3A_106] : memref<6272xi32, #tpu.memory_space<vmem>> -> memref<128xi32, #tpu.memory_space<vmem>>
      %dma_wait3A_108 = arith.constant 0 : i32
      %dma_wait3A_109 = arith.constant 0 : i32
      %dma_wait3A_110 = tpu.memref_slice %arg2[%dma_wait3A_108, %dma_wait3A_109] : memref<20000x128xf32, #tpu.memory_space<hbm>> -> memref<20000x128xf32, #tpu.memory_space<hbm>>
      tpu.wait_indirect_dma semaphore(%arg17 : memref<!tpu.dma_semaphore, #tpu.memory_space<semaphore_mem>>) src(%dma_wait3A_110 : memref<20000x128xf32, #tpu.memory_space<hbm>>) dst(%arg13 : memref<128x128xf32, #tpu.memory_space<vmem>>)
      %dma_wait3A_111 = arith.constant 0 : i32
      %dma_wait3A_112 = tpu.memref_slice %arg7[%dma_wait3A_111] : memref<6272xi32, #tpu.memory_space<vmem>> -> memref<128xi32, #tpu.memory_space<vmem>>
      %dma_wait3A_113 = arith.constant 0 : i32
      %dma_wait3A_114 = arith.constant 0 : i32
      %dma_wait3A_115 = tpu.memref_slice %arg2[%dma_wait3A_113, %dma_wait3A_114] : memref<20000x128xf32, #tpu.memory_space<hbm>> -> memref<20000x128xf32, #tpu.memory_space<hbm>>
      tpu.wait_indirect_dma semaphore(%arg17 : memref<!tpu.dma_semaphore, #tpu.memory_space<semaphore_mem>>) src(%dma_wait3A_115 : memref<20000x128xf32, #tpu.memory_space<hbm>>) dst(%arg14 : memref<128x128xf32, #tpu.memory_space<vmem>>)
      %dma_wait3A_116 = arith.constant 0 : i32
      %dma_wait3A_117 = tpu.memref_slice %arg7[%dma_wait3A_116] : memref<6272xi32, #tpu.memory_space<vmem>> -> memref<128xi32, #tpu.memory_space<vmem>>
      %dma_wait3A_118 = arith.constant 0 : i32
      %dma_wait3A_119 = arith.constant 0 : i32
      %dma_wait3A_120 = tpu.memref_slice %arg2[%dma_wait3A_118, %dma_wait3A_119] : memref<20000x128xf32, #tpu.memory_space<hbm>> -> memref<20000x128xf32, #tpu.memory_space<hbm>>
      tpu.wait_indirect_dma semaphore(%arg17 : memref<!tpu.dma_semaphore, #tpu.memory_space<semaphore_mem>>) src(%dma_wait3A_120 : memref<20000x128xf32, #tpu.memory_space<hbm>>) dst(%arg15 : memref<128x128xf32, #tpu.memory_space<vmem>>)
      %scan3A_121 = arith.constant 0 : i32
      %scan3A_122 = arith.constant 0 : i32
      %scan3A_123 = arith.constant 128 : i32
      %scan3A_124 = arith.addi %scan3A_122, %scan3A_123 : i32
      %scan3A_125 = arith.constant 2 : i32
      scf.for %scan3A_130 = %scan3A_122 to %scan3A_124 step %scan3A_125  : i32 {
        %get3A = arith.index_cast %scan3A_130 : i32 to index
        %get3A_131 = arith.constant 0 : index
        %get3A_132 = tpu.vector_load %arg13[%get3A, %get3A_131] {strides = array<i32>} : memref<128x128xf32, #tpu.memory_space<vmem>>, vector<1x16xf32>,
        %get3A_133 = vector.shape_cast %get3A_132 : vector<1x16xf32> to vector<16xf32>
        %get3A_134 = arith.index_cast %scan3A_130 : i32 to index
        %get3A_135 = arith.constant 0 : index
        %get3A_136 = tpu.vector_load %arg14[%get3A_134, %get3A_135] {strides = array<i32>} : memref<128x128xf32, #tpu.memory_space<vmem>>, vector<1x16xf32>,
        %get3A_137 = vector.shape_cast %get3A_136 : vector<1x16xf32> to vector<16xf32>
        %add3A_138 = arith.addf %get3A_133, %get3A_137 : vector<16xf32>
        %get3A_139 = arith.index_cast %scan3A_130 : i32 to index
        %get3A_140 = arith.constant 0 : index
        %get3A_141 = tpu.vector_load %arg15[%get3A_139, %get3A_140] {strides = array<i32>} : memref<128x128xf32, #tpu.memory_space<vmem>>, vector<1x16xf32>,
        %get3A_142 = vector.shape_cast %get3A_141 : vector<1x16xf32> to vector<16xf32>
        %add3A_143 = arith.addf %add3A_138, %get3A_142 : vector<16xf32>
        %swap3A = arith.index_cast %scan3A_130 : i32 to index
        %swap3A_144 = arith.constant 0 : index
        %swap3A_145 = tpu.vector_load %arg13[%swap3A, %swap3A_144] {strides = array<i32>} : memref<128x128xf32, #tpu.memory_space<vmem>>, vector<1x16xf32>,
        %swap3A_146 = vector.shape_cast %swap3A_145 : vector<1x16xf32> to vector<16xf32>
        %swap3A_147 = vector.shape_cast %add3A_143 : vector<16xf32> to vector<1x16xf32>
        tpu.vector_store %arg13[%swap3A, %swap3A_144], %swap3A_147 {strides = array<i32>} : memref<128x128xf32, #tpu.memory_space<vmem>>, vector<1x16xf32>,
        %get3A_148 = arith.index_cast %scan3A_130 : i32 to index
        %get3A_149 = arith.constant 16 : index
        %get3A_150 = tpu.vector_load %arg13[%get3A_148, %get3A_149] {strides = array<i32>} : memref<128x128xf32, #tpu.memory_space<vmem>>, vector<1x16xf32>,
        %get3A_151 = vector.shape_cast %get3A_150 : vector<1x16xf32> to vector<16xf32>
        %get3A_152 = arith.index_cast %scan3A_130 : i32 to index
        %get3A_153 = arith.constant 16 : index
        %get3A_154 = tpu.vector_load %arg14[%get3A_152, %get3A_153] {strides = array<i32>} : memref<128x128xf32, #tpu.memory_space<vmem>>, vector<1x16xf32>,
        %get3A_155 = vector.shape_cast %get3A_154 : vector<1x16xf32> to vector<16xf32>
        %add3A_156 = arith.addf %get3A_151, %get3A_155 : vector<16xf32>
        %get3A_157 = arith.index_cast %scan3A_130 : i32 to index
        %get3A_158 = arith.constant 16 : index
        %get3A_159 = tpu.vector_load %arg15[%get3A_157, %get3A_158] {strides = array<i32>} : memref<128x128xf32, #tpu.memory_space<vmem>>, vector<1x16xf32>,
        %get3A_160 = vector.shape_cast %get3A_159 : vector<1x16xf32> to vector<16xf32>
        %add3A_161 = arith.addf %add3A_156, %get3A_160 : vector<16xf32>
        %swap3A_162 = arith.index_cast %scan3A_130 : i32 to index
        %swap3A_163 = arith.constant 16 : index
        %swap3A_164 = tpu.vector_load %arg13[%swap3A_162, %swap3A_163] {strides = array<i32>} : memref<128x128xf32, #tpu.memory_space<vmem>>, vector<1x16xf32>,
        %swap3A_165 = vector.shape_cast %swap3A_164 : vector<1x16xf32> to vector<16xf32>
        %swap3A_166 = vector.shape_cast %add3A_161 : vector<16xf32> to vector<1x16xf32>
        tpu.vector_store %arg13[%swap3A_162, %swap3A_163], %swap3A_166 {strides = array<i32>} : memref<128x128xf32, #tpu.memory_space<vmem>>, vector<1x16xf32>,
        %get3A_167 = arith.index_cast %scan3A_130 : i32 to index
        %get3A_168 = arith.constant 32 : index
        %get3A_169 = tpu.vector_load %arg13[%get3A_167, %get3A_168] {strides = array<i32>} : memref<128x128xf32, #tpu.memory_space<vmem>>, vector<1x16xf32>,
        %get3A_170 = vector.shape_cast %get3A_169 : vector<1x16xf32> to vector<16xf32>
        %get3A_171 = arith.index_cast %scan3A_130 : i32 to index
        %get3A_172 = arith.constant 32 : index
        %get3A_173 = tpu.vector_load %arg14[%get3A_171, %get3A_172] {strides = array<i32>} : memref<128x128xf32, #tpu.memory_space<vmem>>, vector<1x16xf32>,
        %get3A_174 = vector.shape_cast %get3A_173 : vector<1x16xf32> to vector<16xf32>
        %add3A_175 = arith.addf %get3A_170, %get3A_174 : vector<16xf32>
        %get3A_176 = arith.index_cast %scan3A_130 : i32 to index
        %get3A_177 = arith.constant 32 : index
        %get3A_178 = tpu.vector_load %arg15[%get3A_176, %get3A_177] {strides = array<i32>} : memref<128x128xf32, #tpu.memory_space<vmem>>, vector<1x16xf32>,
        %get3A_179 = vector.shape_cast %get3A_178 : vector<1x16xf32> to vector<16xf32>
        %add3A_180 = arith.addf %add3A_175, %get3A_179 : vector<16xf32>
        %swap3A_181 = arith.index_cast %scan3A_130 : i32 to index
        %swap3A_182 = arith.constant 32 : index
        %swap3A_183 = tpu.vector_load %arg13[%swap3A_181, %swap3A_182] {strides = array<i32>} : memref<128x128xf32, #tpu.memory_space<vmem>>, vector<1x16xf32>,
        %swap3A_184 = vector.shape_cast %swap3A_183 : vector<1x16xf32> to vector<16xf32>
        %swap3A_185 = vector.shape_cast %add3A_180 : vector<16xf32> to vector<1x16xf32>
        tpu.vector_store %arg13[%swap3A_181, %swap3A_182], %swap3A_185 {strides = array<i32>} : memref<128x128xf32, #tpu.memory_space<vmem>>, vector<1x16xf32>,
        %get3A_186 = arith.index_cast %scan3A_130 : i32 to index
        %get3A_187 = arith.constant 48 : index
        %get3A_188 = tpu.vector_load %arg13[%get3A_186, %get3A_187] {strides = array<i32>} : memref<128x128xf32, #tpu.memory_space<vmem>>, vector<1x16xf32>,
        %get3A_189 = vector.shape_cast %get3A_188 : vector<1x16xf32> to vector<16xf32>
        %get3A_190 = arith.index_cast %scan3A_130 : i32 to index
        %get3A_191 = arith.constant 48 : index
        %get3A_192 = tpu.vector_load %arg14[%get3A_190, %get3A_191] {strides = array<i32>} : memref<128x128xf32, #tpu.memory_space<vmem>>, vector<1x16xf32>,
        %get3A_193 = vector.shape_cast %get3A_192 : vector<1x16xf32> to vector<16xf32>
        %add3A_194 = arith.addf %get3A_189, %get3A_193 : vector<16xf32>
        %get3A_195 = arith.index_cast %scan3A_130 : i32 to index
        %get3A_196 = arith.constant 48 : index
        %get3A_197 = tpu.vector_load %arg15[%get3A_195, %get3A_196] {strides = array<i32>} : memref<128x128xf32, #tpu.memory_space<vmem>>, vector<1x16xf32>,
        %get3A_198 = vector.shape_cast %get3A_197 : vector<1x16xf32> to vector<16xf32>
        %add3A_199 = arith.addf %add3A_194, %get3A_198 : vector<16xf32>
        %swap3A_200 = arith.index_cast %scan3A_130 : i32 to index
        %swap3A_201 = arith.constant 48 : index
        %swap3A_202 = tpu.vector_load %arg13[%swap3A_200, %swap3A_201] {strides = array<i32>} : memref<128x128xf32, #tpu.memory_space<vmem>>, vector<1x16xf32>,
        %swap3A_203 = vector.shape_cast %swap3A_202 : vector<1x16xf32> to vector<16xf32>
        %swap3A_204 = vector.shape_cast %add3A_199 : vector<16xf32> to vector<1x16xf32>
        tpu.vector_store %arg13[%swap3A_200, %swap3A_201], %swap3A_204 {strides = array<i32>} : memref<128x128xf32, #tpu.memory_space<vmem>>, vector<1x16xf32>,
        %get3A_205 = arith.index_cast %scan3A_130 : i32 to index
        %get3A_206 = arith.constant 64 : index
        %get3A_207 = tpu.vector_load %arg13[%get3A_205, %get3A_206] {strides = array<i32>} : memref<128x128xf32, #tpu.memory_space<vmem>>, vector<1x16xf32>,
        %get3A_208 = vector.shape_cast %get3A_207 : vector<1x16xf32> to vector<16xf32>
        %get3A_209 = arith.index_cast %scan3A_130 : i32 to index
        %get3A_210 = arith.constant 64 : index
        %get3A_211 = tpu.vector_load %arg14[%get3A_209, %get3A_210] {strides = array<i32>} : memref<128x128xf32, #tpu.memory_space<vmem>>, vector<1x16xf32>,
        %get3A_212 = vector.shape_cast %get3A_211 : vector<1x16xf32> to vector<16xf32>
        %add3A_213 = arith.addf %get3A_208, %get3A_212 : vector<16xf32>
        %get3A_214 = arith.index_cast %scan3A_130 : i32 to index
        %get3A_215 = arith.constant 64 : index
        %get3A_216 = tpu.vector_load %arg15[%get3A_214, %get3A_215] {strides = array<i32>} : memref<128x128xf32, #tpu.memory_space<vmem>>, vector<1x16xf32>,
        %get3A_217 = vector.shape_cast %get3A_216 : vector<1x16xf32> to vector<16xf32>
        %add3A_218 = arith.addf %add3A_213, %get3A_217 : vector<16xf32>
        %swap3A_219 = arith.index_cast %scan3A_130 : i32 to index
        %swap3A_220 = arith.constant 64 : index
        %swap3A_221 = tpu.vector_load %arg13[%swap3A_219, %swap3A_220] {strides = array<i32>} : memref<128x128xf32, #tpu.memory_space<vmem>>, vector<1x16xf32>,
        %swap3A_222 = vector.shape_cast %swap3A_221 : vector<1x16xf32> to vector<16xf32>
        %swap3A_223 = vector.shape_cast %add3A_218 : vector<16xf32> to vector<1x16xf32>
        tpu.vector_store %arg13[%swap3A_219, %swap3A_220], %swap3A_223 {strides = array<i32>} : memref<128x128xf32, #tpu.memory_space<vmem>>, vector<1x16xf32>,
        %get3A_224 = arith.index_cast %scan3A_130 : i32 to index
        %get3A_225 = arith.constant 80 : index
        %get3A_226 = tpu.vector_load %arg13[%get3A_224, %get3A_225] {strides = array<i32>} : memref<128x128xf32, #tpu.memory_space<vmem>>, vector<1x16xf32>,
        %get3A_227 = vector.shape_cast %get3A_226 : vector<1x16xf32> to vector<16xf32>
        %get3A_228 = arith.index_cast %scan3A_130 : i32 to index
        %get3A_229 = arith.constant 80 : index
        %get3A_230 = tpu.vector_load %arg14[%get3A_228, %get3A_229] {strides = array<i32>} : memref<128x128xf32, #tpu.memory_space<vmem>>, vector<1x16xf32>,
        %get3A_231 = vector.shape_cast %get3A_230 : vector<1x16xf32> to vector<16xf32>
        %add3A_232 = arith.addf %get3A_227, %get3A_231 : vector<16xf32>
        %get3A_233 = arith.index_cast %scan3A_130 : i32 to index
        %get3A_234 = arith.constant 80 : index
        %get3A_235 = tpu.vector_load %arg15[%get3A_233, %get3A_234] {strides = array<i32>} : memref<128x128xf32, #tpu.memory_space<vmem>>, vector<1x16xf32>,
        %get3A_236 = vector.shape_cast %get3A_235 : vector<1x16xf32> to vector<16xf32>
        %add3A_237 = arith.addf %add3A_232, %get3A_236 : vector<16xf32>
        %swap3A_238 = arith.index_cast %scan3A_130 : i32 to index
        %swap3A_239 = arith.constant 80 : index
        %swap3A_240 = tpu.vector_load %arg13[%swap3A_238, %swap3A_239] {strides = array<i32>} : memref<128x128xf32, #tpu.memory_space<vmem>>, vector<1x16xf32>,
        %swap3A_241 = vector.shape_cast %swap3A_240 : vector<1x16xf32> to vector<16xf32>
        %swap3A_242 = vector.shape_cast %add3A_237 : vector<16xf32> to vector<1x16xf32>
        tpu.vector_store %arg13[%swap3A_238, %swap3A_239], %swap3A_242 {strides = array<i32>} : memref<128x128xf32, #tpu.memory_space<vmem>>, vector<1x16xf32>,
        %get3A_243 = arith.index_cast %scan3A_130 : i32 to index
        %get3A_244 = arith.constant 96 : index
        %get3A_245 = tpu.vector_load %arg13[%get3A_243, %get3A_244] {strides = array<i32>} : memref<128x128xf32, #tpu.memory_space<vmem>>, vector<1x16xf32>,
        %get3A_246 = vector.shape_cast %get3A_245 : vector<1x16xf32> to vector<16xf32>
        %get3A_247 = arith.index_cast %scan3A_130 : i32 to index
        %get3A_248 = arith.constant 96 : index
        %get3A_249 = tpu.vector_load %arg14[%get3A_247, %get3A_248] {strides = array<i32>} : memref<128x128xf32, #tpu.memory_space<vmem>>, vector<1x16xf32>,
        %get3A_250 = vector.shape_cast %get3A_249 : vector<1x16xf32> to vector<16xf32>
        %add3A_251 = arith.addf %get3A_246, %get3A_250 : vector<16xf32>
        %get3A_252 = arith.index_cast %scan3A_130 : i32 to index
        %get3A_253 = arith.constant 96 : index
        %get3A_254 = tpu.vector_load %arg15[%get3A_252, %get3A_253] {strides = array<i32>} : memref<128x128xf32, #tpu.memory_space<vmem>>, vector<1x16xf32>,
        %get3A_255 = vector.shape_cast %get3A_254 : vector<1x16xf32> to vector<16xf32>
        %add3A_256 = arith.addf %add3A_251, %get3A_255 : vector<16xf32>
        %swap3A_257 = arith.index_cast %scan3A_130 : i32 to index
        %swap3A_258 = arith.constant 96 : index
        %swap3A_259 = tpu.vector_load %arg13[%swap3A_257, %swap3A_258] {strides = array<i32>} : memref<128x128xf32, #tpu.memory_space<vmem>>, vector<1x16xf32>,
        %swap3A_260 = vector.shape_cast %swap3A_259 : vector<1x16xf32> to vector<16xf32>
        %swap3A_261 = vector.shape_cast %add3A_256 : vector<16xf32> to vector<1x16xf32>
        tpu.vector_store %arg13[%swap3A_257, %swap3A_258], %swap3A_261 {strides = array<i32>} : memref<128x128xf32, #tpu.memory_space<vmem>>, vector<1x16xf32>,
        %get3A_262 = arith.index_cast %scan3A_130 : i32 to index
        %get3A_263 = arith.constant 112 : index
        %get3A_264 = tpu.vector_load %arg13[%get3A_262, %get3A_263] {strides = array<i32>} : memref<128x128xf32, #tpu.memory_space<vmem>>, vector<1x16xf32>,
        %get3A_265 = vector.shape_cast %get3A_264 : vector<1x16xf32> to vector<16xf32>
        %get3A_266 = arith.index_cast %scan3A_130 : i32 to index
        %get3A_267 = arith.constant 112 : index
        %get3A_268 = tpu.vector_load %arg14[%get3A_266, %get3A_267] {strides = array<i32>} : memref<128x128xf32, #tpu.memory_space<vmem>>, vector<1x16xf32>,
        %get3A_269 = vector.shape_cast %get3A_268 : vector<1x16xf32> to vector<16xf32>
        %add3A_270 = arith.addf %get3A_265, %get3A_269 : vector<16xf32>
        %get3A_271 = arith.index_cast %scan3A_130 : i32 to index
        %get3A_272 = arith.constant 112 : index
        %get3A_273 = tpu.vector_load %arg15[%get3A_271, %get3A_272] {strides = array<i32>} : memref<128x128xf32, #tpu.memory_space<vmem>>, vector<1x16xf32>,
        %get3A_274 = vector.shape_cast %get3A_273 : vector<1x16xf32> to vector<16xf32>
        %add3A_275 = arith.addf %add3A_270, %get3A_274 : vector<16xf32>
        %swap3A_276 = arith.index_cast %scan3A_130 : i32 to index
        %swap3A_277 = arith.constant 112 : index
        %swap3A_278 = tpu.vector_load %arg13[%swap3A_276, %swap3A_277] {strides = array<i32>} : memref<128x128xf32, #tpu.memory_space<vmem>>, vector<1x16xf32>,
        %swap3A_279 = vector.shape_cast %swap3A_278 : vector<1x16xf32> to vector<16xf32>
        %swap3A_280 = vector.shape_cast %add3A_275 : vector<16xf32> to vector<1x16xf32>
        tpu.vector_store %arg13[%swap3A_276, %swap3A_277], %swap3A_280 {strides = array<i32>} : memref<128x128xf32, #tpu.memory_space<vmem>>, vector<1x16xf32>,
        %scan3A_281 = arith.constant 1 : i32
        %scan3A_282 = arith.addi %scan3A_130, %scan3A_281 : i32
        %get3A_283 = arith.index_cast %scan3A_282 : i32 to index
        %get3A_284 = arith.constant 0 : index
        %get3A_285 = tpu.vector_load %arg13[%get3A_283, %get3A_284] {strides = array<i32>} : memref<128x128xf32, #tpu.memory_space<vmem>>, vector<1x16xf32>,
        %get3A_286 = vector.shape_cast %get3A_285 : vector<1x16xf32> to vector<16xf32>
        %get3A_287 = arith.index_cast %scan3A_282 : i32 to index
        %get3A_288 = arith.constant 0 : index
        %get3A_289 = tpu.vector_load %arg14[%get3A_287, %get3A_288] {strides = array<i32>} : memref<128x128xf32, #tpu.memory_space<vmem>>, vector<1x16xf32>,
        %get3A_290 = vector.shape_cast %get3A_289 : vector<1x16xf32> to vector<16xf32>
        %add3A_291 = arith.addf %get3A_286, %get3A_290 : vector<16xf32>
        %get3A_292 = arith.index_cast %scan3A_282 : i32 to index
        %get3A_293 = arith.constant 0 : index
        %get3A_294 = tpu.vector_load %arg15[%get3A_292, %get3A_293] {strides = array<i32>} : memref<128x128xf32, #tpu.memory_space<vmem>>, vector<1x16xf32>,
        %get3A_295 = vector.shape_cast %get3A_294 : vector<1x16xf32> to vector<16xf32>
        %add3A_296 = arith.addf %add3A_291, %get3A_295 : vector<16xf32>
        %swap3A_297 = arith.index_cast %scan3A_282 : i32 to index
        %swap3A_298 = arith.constant 0 : index
        %swap3A_299 = tpu.vector_load %arg13[%swap3A_297, %swap3A_298] {strides = array<i32>} : memref<128x128xf32, #tpu.memory_space<vmem>>, vector<1x16xf32>,
        %swap3A_300 = vector.shape_cast %swap3A_299 : vector<1x16xf32> to vector<16xf32>
        %swap3A_301 = vector.shape_cast %add3A_296 : vector<16xf32> to vector<1x16xf32>
        tpu.vector_store %arg13[%swap3A_297, %swap3A_298], %swap3A_301 {strides = array<i32>} : memref<128x128xf32, #tpu.memory_space<vmem>>, vector<1x16xf32>,
        %get3A_302 = arith.index_cast %scan3A_282 : i32 to index
        %get3A_303 = arith.constant 16 : index
        %get3A_304 = tpu.vector_load %arg13[%get3A_302, %get3A_303] {strides = array<i32>} : memref<128x128xf32, #tpu.memory_space<vmem>>, vector<1x16xf32>,
        %get3A_305 = vector.shape_cast %get3A_304 : vector<1x16xf32> to vector<16xf32>
        %get3A_306 = arith.index_cast %scan3A_282 : i32 to index
        %get3A_307 = arith.constant 16 : index
        %get3A_308 = tpu.vector_load %arg14[%get3A_306, %get3A_307] {strides = array<i32>} : memref<128x128xf32, #tpu.memory_space<vmem>>, vector<1x16xf32>,
        %get3A_309 = vector.shape_cast %get3A_308 : vector<1x16xf32> to vector<16xf32>
        %add3A_310 = arith.addf %get3A_305, %get3A_309 : vector<16xf32>
        %get3A_311 = arith.index_cast %scan3A_282 : i32 to index
        %get3A_312 = arith.constant 16 : index
        %get3A_313 = tpu.vector_load %arg15[%get3A_311, %get3A_312] {strides = array<i32>} : memref<128x128xf32, #tpu.memory_space<vmem>>, vector<1x16xf32>,
        %get3A_314 = vector.shape_cast %get3A_313 : vector<1x16xf32> to vector<16xf32>
        %add3A_315 = arith.addf %add3A_310, %get3A_314 : vector<16xf32>
        %swap3A_316 = arith.index_cast %scan3A_282 : i32 to index
        %swap3A_317 = arith.constant 16 : index
        %swap3A_318 = tpu.vector_load %arg13[%swap3A_316, %swap3A_317] {strides = array<i32>} : memref<128x128xf32, #tpu.memory_space<vmem>>, vector<1x16xf32>,
        %swap3A_319 = vector.shape_cast %swap3A_318 : vector<1x16xf32> to vector<16xf32>
        %swap3A_320 = vector.shape_cast %add3A_315 : vector<16xf32> to vector<1x16xf32>
        tpu.vector_store %arg13[%swap3A_316, %swap3A_317], %swap3A_320 {strides = array<i32>} : memref<128x128xf32, #tpu.memory_space<vmem>>, vector<1x16xf32>,
        %get3A_321 = arith.index_cast %scan3A_282 : i32 to index
        %get3A_322 = arith.constant 32 : index
        %get3A_323 = tpu.vector_load %arg13[%get3A_321, %get3A_322] {strides = array<i32>} : memref<128x128xf32, #tpu.memory_space<vmem>>, vector<1x16xf32>,
        %get3A_324 = vector.shape_cast %get3A_323 : vector<1x16xf32> to vector<16xf32>
        %get3A_325 = arith.index_cast %scan3A_282 : i32 to index
        %get3A_326 = arith.constant 32 : index
        %get3A_327 = tpu.vector_load %arg14[%get3A_325, %get3A_326] {strides = array<i32>} : memref<128x128xf32, #tpu.memory_space<vmem>>, vector<1x16xf32>,
        %get3A_328 = vector.shape_cast %get3A_327 : vector<1x16xf32> to vector<16xf32>
        %add3A_329 = arith.addf %get3A_324, %get3A_328 : vector<16xf32>
        %get3A_330 = arith.index_cast %scan3A_282 : i32 to index
        %get3A_331 = arith.constant 32 : index
        %get3A_332 = tpu.vector_load %arg15[%get3A_330, %get3A_331] {strides = array<i32>} : memref<128x128xf32, #tpu.memory_space<vmem>>, vector<1x16xf32>,
        %get3A_333 = vector.shape_cast %get3A_332 : vector<1x16xf32> to vector<16xf32>
        %add3A_334 = arith.addf %add3A_329, %get3A_333 : vector<16xf32>
        %swap3A_335 = arith.index_cast %scan3A_282 : i32 to index
        %swap3A_336 = arith.constant 32 : index
        %swap3A_337 = tpu.vector_load %arg13[%swap3A_335, %swap3A_336] {strides = array<i32>} : memref<128x128xf32, #tpu.memory_space<vmem>>, vector<1x16xf32>,
        %swap3A_338 = vector.shape_cast %swap3A_337 : vector<1x16xf32> to vector<16xf32>
        %swap3A_339 = vector.shape_cast %add3A_334 : vector<16xf32> to vector<1x16xf32>
        tpu.vector_store %arg13[%swap3A_335, %swap3A_336], %swap3A_339 {strides = array<i32>} : memref<128x128xf32, #tpu.memory_space<vmem>>, vector<1x16xf32>,
        %get3A_340 = arith.index_cast %scan3A_282 : i32 to index
        %get3A_341 = arith.constant 48 : index
        %get3A_342 = tpu.vector_load %arg13[%get3A_340, %get3A_341] {strides = array<i32>} : memref<128x128xf32, #tpu.memory_space<vmem>>, vector<1x16xf32>,
        %get3A_343 = vector.shape_cast %get3A_342 : vector<1x16xf32> to vector<16xf32>
        %get3A_344 = arith.index_cast %scan3A_282 : i32 to index
        %get3A_345 = arith.constant 48 : index
        %get3A_346 = tpu.vector_load %arg14[%get3A_344, %get3A_345] {strides = array<i32>} : memref<128x128xf32, #tpu.memory_space<vmem>>, vector<1x16xf32>,
        %get3A_347 = vector.shape_cast %get3A_346 : vector<1x16xf32> to vector<16xf32>
        %add3A_348 = arith.addf %get3A_343, %get3A_347 : vector<16xf32>
        %get3A_349 = arith.index_cast %scan3A_282 : i32 to index
        %get3A_350 = arith.constant 48 : index
        %get3A_351 = tpu.vector_load %arg15[%get3A_349, %get3A_350] {strides = array<i32>} : memref<128x128xf32, #tpu.memory_space<vmem>>, vector<1x16xf32>,
        %get3A_352 = vector.shape_cast %get3A_351 : vector<1x16xf32> to vector<16xf32>
        %add3A_353 = arith.addf %add3A_348, %get3A_352 : vector<16xf32>
        %swap3A_354 = arith.index_cast %scan3A_282 : i32 to index
        %swap3A_355 = arith.constant 48 : index
        %swap3A_356 = tpu.vector_load %arg13[%swap3A_354, %swap3A_355] {strides = array<i32>} : memref<128x128xf32, #tpu.memory_space<vmem>>, vector<1x16xf32>,
        %swap3A_357 = vector.shape_cast %swap3A_356 : vector<1x16xf32> to vector<16xf32>
        %swap3A_358 = vector.shape_cast %add3A_353 : vector<16xf32> to vector<1x16xf32>
        tpu.vector_store %arg13[%swap3A_354, %swap3A_355], %swap3A_358 {strides = array<i32>} : memref<128x128xf32, #tpu.memory_space<vmem>>, vector<1x16xf32>,
        %get3A_359 = arith.index_cast %scan3A_282 : i32 to index
        %get3A_360 = arith.constant 64 : index
        %get3A_361 = tpu.vector_load %arg13[%get3A_359, %get3A_360] {strides = array<i32>} : memref<128x128xf32, #tpu.memory_space<vmem>>, vector<1x16xf32>,
        %get3A_362 = vector.shape_cast %get3A_361 : vector<1x16xf32> to vector<16xf32>
        %get3A_363 = arith.index_cast %scan3A_282 : i32 to index
        %get3A_364 = arith.constant 64 : index
        %get3A_365 = tpu.vector_load %arg14[%get3A_363, %get3A_364] {strides = array<i32>} : memref<128x128xf32, #tpu.memory_space<vmem>>, vector<1x16xf32>,
        %get3A_366 = vector.shape_cast %get3A_365 : vector<1x16xf32> to vector<16xf32>
        %add3A_367 = arith.addf %get3A_362, %get3A_366 : vector<16xf32>
        %get3A_368 = arith.index_cast %scan3A_282 : i32 to index
        %get3A_369 = arith.constant 64 : index
        %get3A_370 = tpu.vector_load %arg15[%get3A_368, %get3A_369] {strides = array<i32>} : memref<128x128xf32, #tpu.memory_space<vmem>>, vector<1x16xf32>,
        %get3A_371 = vector.shape_cast %get3A_370 : vector<1x16xf32> to vector<16xf32>
        %add3A_372 = arith.addf %add3A_367, %get3A_371 : vector<16xf32>
        %swap3A_373 = arith.index_cast %scan3A_282 : i32 to index
        %swap3A_374 = arith.constant 64 : index
        %swap3A_375 = tpu.vector_load %arg13[%swap3A_373, %swap3A_374] {strides = array<i32>} : memref<128x128xf32, #tpu.memory_space<vmem>>, vector<1x16xf32>,
        %swap3A_376 = vector.shape_cast %swap3A_375 : vector<1x16xf32> to vector<16xf32>
        %swap3A_377 = vector.shape_cast %add3A_372 : vector<16xf32> to vector<1x16xf32>
        tpu.vector_store %arg13[%swap3A_373, %swap3A_374], %swap3A_377 {strides = array<i32>} : memref<128x128xf32, #tpu.memory_space<vmem>>, vector<1x16xf32>,
        %get3A_378 = arith.index_cast %scan3A_282 : i32 to index
        %get3A_379 = arith.constant 80 : index
        %get3A_380 = tpu.vector_load %arg13[%get3A_378, %get3A_379] {strides = array<i32>} : memref<128x128xf32, #tpu.memory_space<vmem>>, vector<1x16xf32>,
        %get3A_381 = vector.shape_cast %get3A_380 : vector<1x16xf32> to vector<16xf32>
        %get3A_382 = arith.index_cast %scan3A_282 : i32 to index
        %get3A_383 = arith.constant 80 : index
        %get3A_384 = tpu.vector_load %arg14[%get3A_382, %get3A_383] {strides = array<i32>} : memref<128x128xf32, #tpu.memory_space<vmem>>, vector<1x16xf32>,
        %get3A_385 = vector.shape_cast %get3A_384 : vector<1x16xf32> to vector<16xf32>
        %add3A_386 = arith.addf %get3A_381, %get3A_385 : vector<16xf32>
        %get3A_387 = arith.index_cast %scan3A_282 : i32 to index
        %get3A_388 = arith.constant 80 : index
        %get3A_389 = tpu.vector_load %arg15[%get3A_387, %get3A_388] {strides = array<i32>} : memref<128x128xf32, #tpu.memory_space<vmem>>, vector<1x16xf32>,
        %get3A_390 = vector.shape_cast %get3A_389 : vector<1x16xf32> to vector<16xf32>
        %add3A_391 = arith.addf %add3A_386, %get3A_390 : vector<16xf32>
        %swap3A_392 = arith.index_cast %scan3A_282 : i32 to index
        %swap3A_393 = arith.constant 80 : index
        %swap3A_394 = tpu.vector_load %arg13[%swap3A_392, %swap3A_393] {strides = array<i32>} : memref<128x128xf32, #tpu.memory_space<vmem>>, vector<1x16xf32>,
        %swap3A_395 = vector.shape_cast %swap3A_394 : vector<1x16xf32> to vector<16xf32>
        %swap3A_396 = vector.shape_cast %add3A_391 : vector<16xf32> to vector<1x16xf32>
        tpu.vector_store %arg13[%swap3A_392, %swap3A_393], %swap3A_396 {strides = array<i32>} : memref<128x128xf32, #tpu.memory_space<vmem>>, vector<1x16xf32>,
        %get3A_397 = arith.index_cast %scan3A_282 : i32 to index
        %get3A_398 = arith.constant 96 : index
        %get3A_399 = tpu.vector_load %arg13[%get3A_397, %get3A_398] {strides = array<i32>} : memref<128x128xf32, #tpu.memory_space<vmem>>, vector<1x16xf32>,
        %get3A_400 = vector.shape_cast %get3A_399 : vector<1x16xf32> to vector<16xf32>
        %get3A_401 = arith.index_cast %scan3A_282 : i32 to index
        %get3A_402 = arith.constant 96 : index
        %get3A_403 = tpu.vector_load %arg14[%get3A_401, %get3A_402] {strides = array<i32>} : memref<128x128xf32, #tpu.memory_space<vmem>>, vector<1x16xf32>,
        %get3A_404 = vector.shape_cast %get3A_403 : vector<1x16xf32> to vector<16xf32>
        %add3A_405 = arith.addf %get3A_400, %get3A_404 : vector<16xf32>
        %get3A_406 = arith.index_cast %scan3A_282 : i32 to index
        %get3A_407 = arith.constant 96 : index
        %get3A_408 = tpu.vector_load %arg15[%get3A_406, %get3A_407] {strides = array<i32>} : memref<128x128xf32, #tpu.memory_space<vmem>>, vector<1x16xf32>,
        %get3A_409 = vector.shape_cast %get3A_408 : vector<1x16xf32> to vector<16xf32>
        %add3A_410 = arith.addf %add3A_405, %get3A_409 : vector<16xf32>
        %swap3A_411 = arith.index_cast %scan3A_282 : i32 to index
        %swap3A_412 = arith.constant 96 : index
        %swap3A_413 = tpu.vector_load %arg13[%swap3A_411, %swap3A_412] {strides = array<i32>} : memref<128x128xf32, #tpu.memory_space<vmem>>, vector<1x16xf32>,
        %swap3A_414 = vector.shape_cast %swap3A_413 : vector<1x16xf32> to vector<16xf32>
        %swap3A_415 = vector.shape_cast %add3A_410 : vector<16xf32> to vector<1x16xf32>
        tpu.vector_store %arg13[%swap3A_411, %swap3A_412], %swap3A_415 {strides = array<i32>} : memref<128x128xf32, #tpu.memory_space<vmem>>, vector<1x16xf32>,
        %get3A_416 = arith.index_cast %scan3A_282 : i32 to index
        %get3A_417 = arith.constant 112 : index
        %get3A_418 = tpu.vector_load %arg13[%get3A_416, %get3A_417] {strides = array<i32>} : memref<128x128xf32, #tpu.memory_space<vmem>>, vector<1x16xf32>,
        %get3A_419 = vector.shape_cast %get3A_418 : vector<1x16xf32> to vector<16xf32>
        %get3A_420 = arith.index_cast %scan3A_282 : i32 to index
        %get3A_421 = arith.constant 112 : index
        %get3A_422 = tpu.vector_load %arg14[%get3A_420, %get3A_421] {strides = array<i32>} : memref<128x128xf32, #tpu.memory_space<vmem>>, vector<1x16xf32>,
        %get3A_423 = vector.shape_cast %get3A_422 : vector<1x16xf32> to vector<16xf32>
        %add3A_424 = arith.addf %get3A_419, %get3A_423 : vector<16xf32>
        %get3A_425 = arith.index_cast %scan3A_282 : i32 to index
        %get3A_426 = arith.constant 112 : index
        %get3A_427 = tpu.vector_load %arg15[%get3A_425, %get3A_426] {strides = array<i32>} : memref<128x128xf32, #tpu.memory_space<vmem>>, vector<1x16xf32>,
        %get3A_428 = vector.shape_cast %get3A_427 : vector<1x16xf32> to vector<16xf32>
        %add3A_429 = arith.addf %add3A_424, %get3A_428 : vector<16xf32>
        %swap3A_430 = arith.index_cast %scan3A_282 : i32 to index
        %swap3A_431 = arith.constant 112 : index
        %swap3A_432 = tpu.vector_load %arg13[%swap3A_430, %swap3A_431] {strides = array<i32>} : memref<128x128xf32, #tpu.memory_space<vmem>>, vector<1x16xf32>,
        %swap3A_433 = vector.shape_cast %swap3A_432 : vector<1x16xf32> to vector<16xf32>
        %swap3A_434 = vector.shape_cast %add3A_429 : vector<16xf32> to vector<1x16xf32>
        tpu.vector_store %arg13[%swap3A_430, %swap3A_431], %swap3A_434 {strides = array<i32>} : memref<128x128xf32, #tpu.memory_space<vmem>>, vector<1x16xf32>,
      }
      %scan3A_126 = arith.constant 128 : i32
      %mul3A_127 = arith.constant 128 : i32
      %mul3A_128 = arith.muli %add3A_53, %mul3A_127 : i32
      %add3A_129 = arith.addi %mul3A_2, %mul3A_128 : i32
      "tpu.region"() ({
        %run_scoped3A = tpu.sem_alloc : memref<!tpu.dma_semaphore, #tpu.memory_space<semaphore_mem>>
        %dma_start3A_130 = arith.constant 0 : i32
        %dma_start3A_131 = tpu.memref_slice %arg6[%add3A_129, %dma_start3A_130] : memref<200000x128xf32, #tpu.memory_space<hbm>> -> memref<128x128xf32, #tpu.memory_space<hbm>>
        %dma_start3A_132 = arith.constant 0 : i32
        %dma_start3A_133 = tpu.memref_slice %arg6[%add3A_129, %dma_start3A_132] : memref<200000x128xf32, #tpu.memory_space<hbm>> -> memref<128x128xf32, #tpu.memory_space<hbm>>
        tpu.enqueue_dma source(%arg13 : memref<128x128xf32, #tpu.memory_space<vmem>>) target(%dma_start3A_133 : memref<128x128xf32, #tpu.memory_space<hbm>>) target_semaphore(%run_scoped3A : memref<!tpu.dma_semaphore, #tpu.memory_space<semaphore_mem>>)
        %dma_wait3A_134 = arith.constant 0 : i32
        %dma_wait3A_135 = tpu.memref_slice %arg6[%add3A_129, %dma_wait3A_134] : memref<200000x128xf32, #tpu.memory_space<hbm>> -> memref<128x128xf32, #tpu.memory_space<hbm>>
        %dma_wait3A_136 = arith.constant 0 : i32
        %dma_wait3A_137 = tpu.memref_slice %arg6[%add3A_129, %dma_wait3A_136] : memref<200000x128xf32, #tpu.memory_space<hbm>> -> memref<128x128xf32, #tpu.memory_space<hbm>>
        tpu.wait_dma2 semaphore(%run_scoped3A : memref<!tpu.dma_semaphore, #tpu.memory_space<semaphore_mem>>) src(%arg13 : memref<128x128xf32, #tpu.memory_space<vmem>>) dst(%dma_wait3A_137 : memref<128x128xf32, #tpu.memory_space<hbm>>)
        tpu.yield
      }) : () -> ()
    }
    %lt3A_40 = arith.constant 31 : i32
    %lt3A_41 = arith.cmpi slt, %add3A, %lt3A_40 : i32
    %convert_element_type3A = arith.extui %lt3A_41 : i1 to i32
    %cond3A = arith.constant 0 : i32
    %cond3A_42 = arith.cmpi ne, %convert_element_type3A, %cond3A : i32
    scf.if %cond3A_42 {
      %dma_wait3A = arith.constant 0 : i32
      %dma_wait3A_47 = tpu.memref_slice %arg7[%dma_wait3A] : memref<6272xi32, #tpu.memory_space<vmem>> -> memref<128xi32, #tpu.memory_space<vmem>>
      %dma_wait3A_48 = arith.constant 0 : i32
      %dma_wait3A_49 = arith.constant 0 : i32
      %dma_wait3A_50 = tpu.memref_slice %arg2[%dma_wait3A_48, %dma_wait3A_49] : memref<20000x128xf32, #tpu.memory_space<hbm>> -> memref<20000x128xf32, #tpu.memory_space<hbm>>
      tpu.wait_indirect_dma semaphore(%arg16 : memref<!tpu.dma_semaphore, #tpu.memory_space<semaphore_mem>>) src(%dma_wait3A_50 : memref<20000x128xf32, #tpu.memory_space<hbm>>) dst(%arg10 : memref<128x128xf32, #tpu.memory_space<vmem>>)
      %dma_wait3A_51 = arith.constant 0 : i32
      %dma_wait3A_52 = tpu.memref_slice %arg7[%dma_wait3A_51] : memref<6272xi32, #tpu.memory_space<vmem>> -> memref<128xi32, #tpu.memory_space<vmem>>
      %dma_wait3A_53 = arith.constant 0 : i32
      %dma_wait3A_54 = arith.constant 0 : i32
      %dma_wait3A_55 = tpu.memref_slice %arg2[%dma_wait3A_53, %dma_wait3A_54] : memref<20000x128xf32, #tpu.memory_space<hbm>> -> memref<20000x128xf32, #tpu.memory_space<hbm>>
      tpu.wait_indirect_dma semaphore(%arg16 : memref<!tpu.dma_semaphore, #tpu.memory_space<semaphore_mem>>) src(%dma_wait3A_55 : memref<20000x128xf32, #tpu.memory_space<hbm>>) dst(%arg11 : memref<128x128xf32, #tpu.memory_space<vmem>>)
      %dma_wait3A_56 = arith.constant 0 : i32
      %dma_wait3A_57 = tpu.memref_slice %arg7[%dma_wait3A_56] : memref<6272xi32, #tpu.memory_space<vmem>> -> memref<128xi32, #tpu.memory_space<vmem>>
      %dma_wait3A_58 = arith.constant 0 : i32
      %dma_wait3A_59 = arith.constant 0 : i32
      %dma_wait3A_60 = tpu.memref_slice %arg2[%dma_wait3A_58, %dma_wait3A_59] : memref<20000x128xf32, #tpu.memory_space<hbm>> -> memref<20000x128xf32, #tpu.memory_space<hbm>>
      tpu.wait_indirect_dma semaphore(%arg16 : memref<!tpu.dma_semaphore, #tpu.memory_space<semaphore_mem>>) src(%dma_wait3A_60 : memref<20000x128xf32, #tpu.memory_space<hbm>>) dst(%arg12 : memref<128x128xf32, #tpu.memory_space<vmem>>)
      %scan3A = arith.constant 0 : i32
      %scan3A_61 = arith.constant 0 : i32
      %scan3A_62 = arith.constant 128 : i32
      %scan3A_63 = arith.addi %scan3A_61, %scan3A_62 : i32
      %scan3A_64 = arith.constant 2 : i32
      scf.for %scan3A_68 = %scan3A_61 to %scan3A_63 step %scan3A_64  : i32 {
        %get3A = arith.index_cast %scan3A_68 : i32 to index
        %get3A_69 = arith.constant 0 : index
        %get3A_70 = tpu.vector_load %arg10[%get3A, %get3A_69] {strides = array<i32>} : memref<128x128xf32, #tpu.memory_space<vmem>>, vector<1x16xf32>,
        %get3A_71 = vector.shape_cast %get3A_70 : vector<1x16xf32> to vector<16xf32>
        %get3A_72 = arith.index_cast %scan3A_68 : i32 to index
        %get3A_73 = arith.constant 0 : index
        %get3A_74 = tpu.vector_load %arg11[%get3A_72, %get3A_73] {strides = array<i32>} : memref<128x128xf32, #tpu.memory_space<vmem>>, vector<1x16xf32>,
        %get3A_75 = vector.shape_cast %get3A_74 : vector<1x16xf32> to vector<16xf32>
        %add3A_76 = arith.addf %get3A_71, %get3A_75 : vector<16xf32>
        %get3A_77 = arith.index_cast %scan3A_68 : i32 to index
        %get3A_78 = arith.constant 0 : index
        %get3A_79 = tpu.vector_load %arg12[%get3A_77, %get3A_78] {strides = array<i32>} : memref<128x128xf32, #tpu.memory_space<vmem>>, vector<1x16xf32>,
        %get3A_80 = vector.shape_cast %get3A_79 : vector<1x16xf32> to vector<16xf32>
        %add3A_81 = arith.addf %add3A_76, %get3A_80 : vector<16xf32>
        %swap3A = arith.index_cast %scan3A_68 : i32 to index
        %swap3A_82 = arith.constant 0 : index
        %swap3A_83 = tpu.vector_load %arg10[%swap3A, %swap3A_82] {strides = array<i32>} : memref<128x128xf32, #tpu.memory_space<vmem>>, vector<1x16xf32>,
        %swap3A_84 = vector.shape_cast %swap3A_83 : vector<1x16xf32> to vector<16xf32>
        %swap3A_85 = vector.shape_cast %add3A_81 : vector<16xf32> to vector<1x16xf32>
        tpu.vector_store %arg10[%swap3A, %swap3A_82], %swap3A_85 {strides = array<i32>} : memref<128x128xf32, #tpu.memory_space<vmem>>, vector<1x16xf32>,
        %get3A_86 = arith.index_cast %scan3A_68 : i32 to index
        %get3A_87 = arith.constant 16 : index
        %get3A_88 = tpu.vector_load %arg10[%get3A_86, %get3A_87] {strides = array<i32>} : memref<128x128xf32, #tpu.memory_space<vmem>>, vector<1x16xf32>,
        %get3A_89 = vector.shape_cast %get3A_88 : vector<1x16xf32> to vector<16xf32>
        %get3A_90 = arith.index_cast %scan3A_68 : i32 to index
        %get3A_91 = arith.constant 16 : index
        %get3A_92 = tpu.vector_load %arg11[%get3A_90, %get3A_91] {strides = array<i32>} : memref<128x128xf32, #tpu.memory_space<vmem>>, vector<1x16xf32>,
        %get3A_93 = vector.shape_cast %get3A_92 : vector<1x16xf32> to vector<16xf32>
        %add3A_94 = arith.addf %get3A_89, %get3A_93 : vector<16xf32>
        %get3A_95 = arith.index_cast %scan3A_68 : i32 to index
        %get3A_96 = arith.constant 16 : index
        %get3A_97 = tpu.vector_load %arg12[%get3A_95, %get3A_96] {strides = array<i32>} : memref<128x128xf32, #tpu.memory_space<vmem>>, vector<1x16xf32>,
        %get3A_98 = vector.shape_cast %get3A_97 : vector<1x16xf32> to vector<16xf32>
        %add3A_99 = arith.addf %add3A_94, %get3A_98 : vector<16xf32>
        %swap3A_100 = arith.index_cast %scan3A_68 : i32 to index
        %swap3A_101 = arith.constant 16 : index
        %swap3A_102 = tpu.vector_load %arg10[%swap3A_100, %swap3A_101] {strides = array<i32>} : memref<128x128xf32, #tpu.memory_space<vmem>>, vector<1x16xf32>,
        %swap3A_103 = vector.shape_cast %swap3A_102 : vector<1x16xf32> to vector<16xf32>
        %swap3A_104 = vector.shape_cast %add3A_99 : vector<16xf32> to vector<1x16xf32>
        tpu.vector_store %arg10[%swap3A_100, %swap3A_101], %swap3A_104 {strides = array<i32>} : memref<128x128xf32, #tpu.memory_space<vmem>>, vector<1x16xf32>,
        %get3A_105 = arith.index_cast %scan3A_68 : i32 to index
        %get3A_106 = arith.constant 32 : index
        %get3A_107 = tpu.vector_load %arg10[%get3A_105, %get3A_106] {strides = array<i32>} : memref<128x128xf32, #tpu.memory_space<vmem>>, vector<1x16xf32>,
        %get3A_108 = vector.shape_cast %get3A_107 : vector<1x16xf32> to vector<16xf32>
        %get3A_109 = arith.index_cast %scan3A_68 : i32 to index
        %get3A_110 = arith.constant 32 : index
        %get3A_111 = tpu.vector_load %arg11[%get3A_109, %get3A_110] {strides = array<i32>} : memref<128x128xf32, #tpu.memory_space<vmem>>, vector<1x16xf32>,
        %get3A_112 = vector.shape_cast %get3A_111 : vector<1x16xf32> to vector<16xf32>
        %add3A_113 = arith.addf %get3A_108, %get3A_112 : vector<16xf32>
        %get3A_114 = arith.index_cast %scan3A_68 : i32 to index
        %get3A_115 = arith.constant 32 : index
        %get3A_116 = tpu.vector_load %arg12[%get3A_114, %get3A_115] {strides = array<i32>} : memref<128x128xf32, #tpu.memory_space<vmem>>, vector<1x16xf32>,
        %get3A_117 = vector.shape_cast %get3A_116 : vector<1x16xf32> to vector<16xf32>
        %add3A_118 = arith.addf %add3A_113, %get3A_117 : vector<16xf32>
        %swap3A_119 = arith.index_cast %scan3A_68 : i32 to index
        %swap3A_120 = arith.constant 32 : index
        %swap3A_121 = tpu.vector_load %arg10[%swap3A_119, %swap3A_120] {strides = array<i32>} : memref<128x128xf32, #tpu.memory_space<vmem>>, vector<1x16xf32>,
        %swap3A_122 = vector.shape_cast %swap3A_121 : vector<1x16xf32> to vector<16xf32>
        %swap3A_123 = vector.shape_cast %add3A_118 : vector<16xf32> to vector<1x16xf32>
        tpu.vector_store %arg10[%swap3A_119, %swap3A_120], %swap3A_123 {strides = array<i32>} : memref<128x128xf32, #tpu.memory_space<vmem>>, vector<1x16xf32>,
        %get3A_124 = arith.index_cast %scan3A_68 : i32 to index
        %get3A_125 = arith.constant 48 : index
        %get3A_126 = tpu.vector_load %arg10[%get3A_124, %get3A_125] {strides = array<i32>} : memref<128x128xf32, #tpu.memory_space<vmem>>, vector<1x16xf32>,
        %get3A_127 = vector.shape_cast %get3A_126 : vector<1x16xf32> to vector<16xf32>
        %get3A_128 = arith.index_cast %scan3A_68 : i32 to index
        %get3A_129 = arith.constant 48 : index
        %get3A_130 = tpu.vector_load %arg11[%get3A_128, %get3A_129] {strides = array<i32>} : memref<128x128xf32, #tpu.memory_space<vmem>>, vector<1x16xf32>,
        %get3A_131 = vector.shape_cast %get3A_130 : vector<1x16xf32> to vector<16xf32>
        %add3A_132 = arith.addf %get3A_127, %get3A_131 : vector<16xf32>
        %get3A_133 = arith.index_cast %scan3A_68 : i32 to index
        %get3A_134 = arith.constant 48 : index
        %get3A_135 = tpu.vector_load %arg12[%get3A_133, %get3A_134] {strides = array<i32>} : memref<128x128xf32, #tpu.memory_space<vmem>>, vector<1x16xf32>,
        %get3A_136 = vector.shape_cast %get3A_135 : vector<1x16xf32> to vector<16xf32>
        %add3A_137 = arith.addf %add3A_132, %get3A_136 : vector<16xf32>
        %swap3A_138 = arith.index_cast %scan3A_68 : i32 to index
        %swap3A_139 = arith.constant 48 : index
        %swap3A_140 = tpu.vector_load %arg10[%swap3A_138, %swap3A_139] {strides = array<i32>} : memref<128x128xf32, #tpu.memory_space<vmem>>, vector<1x16xf32>,
        %swap3A_141 = vector.shape_cast %swap3A_140 : vector<1x16xf32> to vector<16xf32>
        %swap3A_142 = vector.shape_cast %add3A_137 : vector<16xf32> to vector<1x16xf32>
        tpu.vector_store %arg10[%swap3A_138, %swap3A_139], %swap3A_142 {strides = array<i32>} : memref<128x128xf32, #tpu.memory_space<vmem>>, vector<1x16xf32>,
        %get3A_143 = arith.index_cast %scan3A_68 : i32 to index
        %get3A_144 = arith.constant 64 : index
        %get3A_145 = tpu.vector_load %arg10[%get3A_143, %get3A_144] {strides = array<i32>} : memref<128x128xf32, #tpu.memory_space<vmem>>, vector<1x16xf32>,
        %get3A_146 = vector.shape_cast %get3A_145 : vector<1x16xf32> to vector<16xf32>
        %get3A_147 = arith.index_cast %scan3A_68 : i32 to index
        %get3A_148 = arith.constant 64 : index
        %get3A_149 = tpu.vector_load %arg11[%get3A_147, %get3A_148] {strides = array<i32>} : memref<128x128xf32, #tpu.memory_space<vmem>>, vector<1x16xf32>,
        %get3A_150 = vector.shape_cast %get3A_149 : vector<1x16xf32> to vector<16xf32>
        %add3A_151 = arith.addf %get3A_146, %get3A_150 : vector<16xf32>
        %get3A_152 = arith.index_cast %scan3A_68 : i32 to index
        %get3A_153 = arith.constant 64 : index
        %get3A_154 = tpu.vector_load %arg12[%get3A_152, %get3A_153] {strides = array<i32>} : memref<128x128xf32, #tpu.memory_space<vmem>>, vector<1x16xf32>,
        %get3A_155 = vector.shape_cast %get3A_154 : vector<1x16xf32> to vector<16xf32>
        %add3A_156 = arith.addf %add3A_151, %get3A_155 : vector<16xf32>
        %swap3A_157 = arith.index_cast %scan3A_68 : i32 to index
        %swap3A_158 = arith.constant 64 : index
        %swap3A_159 = tpu.vector_load %arg10[%swap3A_157, %swap3A_158] {strides = array<i32>} : memref<128x128xf32, #tpu.memory_space<vmem>>, vector<1x16xf32>,
        %swap3A_160 = vector.shape_cast %swap3A_159 : vector<1x16xf32> to vector<16xf32>
        %swap3A_161 = vector.shape_cast %add3A_156 : vector<16xf32> to vector<1x16xf32>
        tpu.vector_store %arg10[%swap3A_157, %swap3A_158], %swap3A_161 {strides = array<i32>} : memref<128x128xf32, #tpu.memory_space<vmem>>, vector<1x16xf32>,
        %get3A_162 = arith.index_cast %scan3A_68 : i32 to index
        %get3A_163 = arith.constant 80 : index
        %get3A_164 = tpu.vector_load %arg10[%get3A_162, %get3A_163] {strides = array<i32>} : memref<128x128xf32, #tpu.memory_space<vmem>>, vector<1x16xf32>,
        %get3A_165 = vector.shape_cast %get3A_164 : vector<1x16xf32> to vector<16xf32>
        %get3A_166 = arith.index_cast %scan3A_68 : i32 to index
        %get3A_167 = arith.constant 80 : index
        %get3A_168 = tpu.vector_load %arg11[%get3A_166, %get3A_167] {strides = array<i32>} : memref<128x128xf32, #tpu.memory_space<vmem>>, vector<1x16xf32>,
        %get3A_169 = vector.shape_cast %get3A_168 : vector<1x16xf32> to vector<16xf32>
        %add3A_170 = arith.addf %get3A_165, %get3A_169 : vector<16xf32>
        %get3A_171 = arith.index_cast %scan3A_68 : i32 to index
        %get3A_172 = arith.constant 80 : index
        %get3A_173 = tpu.vector_load %arg12[%get3A_171, %get3A_172] {strides = array<i32>} : memref<128x128xf32, #tpu.memory_space<vmem>>, vector<1x16xf32>,
        %get3A_174 = vector.shape_cast %get3A_173 : vector<1x16xf32> to vector<16xf32>
        %add3A_175 = arith.addf %add3A_170, %get3A_174 : vector<16xf32>
        %swap3A_176 = arith.index_cast %scan3A_68 : i32 to index
        %swap3A_177 = arith.constant 80 : index
        %swap3A_178 = tpu.vector_load %arg10[%swap3A_176, %swap3A_177] {strides = array<i32>} : memref<128x128xf32, #tpu.memory_space<vmem>>, vector<1x16xf32>,
        %swap3A_179 = vector.shape_cast %swap3A_178 : vector<1x16xf32> to vector<16xf32>
        %swap3A_180 = vector.shape_cast %add3A_175 : vector<16xf32> to vector<1x16xf32>
        tpu.vector_store %arg10[%swap3A_176, %swap3A_177], %swap3A_180 {strides = array<i32>} : memref<128x128xf32, #tpu.memory_space<vmem>>, vector<1x16xf32>,
        %get3A_181 = arith.index_cast %scan3A_68 : i32 to index
        %get3A_182 = arith.constant 96 : index
        %get3A_183 = tpu.vector_load %arg10[%get3A_181, %get3A_182] {strides = array<i32>} : memref<128x128xf32, #tpu.memory_space<vmem>>, vector<1x16xf32>,
        %get3A_184 = vector.shape_cast %get3A_183 : vector<1x16xf32> to vector<16xf32>
        %get3A_185 = arith.index_cast %scan3A_68 : i32 to index
        %get3A_186 = arith.constant 96 : index
        %get3A_187 = tpu.vector_load %arg11[%get3A_185, %get3A_186] {strides = array<i32>} : memref<128x128xf32, #tpu.memory_space<vmem>>, vector<1x16xf32>,
        %get3A_188 = vector.shape_cast %get3A_187 : vector<1x16xf32> to vector<16xf32>
        %add3A_189 = arith.addf %get3A_184, %get3A_188 : vector<16xf32>
        %get3A_190 = arith.index_cast %scan3A_68 : i32 to index
        %get3A_191 = arith.constant 96 : index
        %get3A_192 = tpu.vector_load %arg12[%get3A_190, %get3A_191] {strides = array<i32>} : memref<128x128xf32, #tpu.memory_space<vmem>>, vector<1x16xf32>,
        %get3A_193 = vector.shape_cast %get3A_192 : vector<1x16xf32> to vector<16xf32>
        %add3A_194 = arith.addf %add3A_189, %get3A_193 : vector<16xf32>
        %swap3A_195 = arith.index_cast %scan3A_68 : i32 to index
        %swap3A_196 = arith.constant 96 : index
        %swap3A_197 = tpu.vector_load %arg10[%swap3A_195, %swap3A_196] {strides = array<i32>} : memref<128x128xf32, #tpu.memory_space<vmem>>, vector<1x16xf32>,
        %swap3A_198 = vector.shape_cast %swap3A_197 : vector<1x16xf32> to vector<16xf32>
        %swap3A_199 = vector.shape_cast %add3A_194 : vector<16xf32> to vector<1x16xf32>
        tpu.vector_store %arg10[%swap3A_195, %swap3A_196], %swap3A_199 {strides = array<i32>} : memref<128x128xf32, #tpu.memory_space<vmem>>, vector<1x16xf32>,
        %get3A_200 = arith.index_cast %scan3A_68 : i32 to index
        %get3A_201 = arith.constant 112 : index
        %get3A_202 = tpu.vector_load %arg10[%get3A_200, %get3A_201] {strides = array<i32>} : memref<128x128xf32, #tpu.memory_space<vmem>>, vector<1x16xf32>,
        %get3A_203 = vector.shape_cast %get3A_202 : vector<1x16xf32> to vector<16xf32>
        %get3A_204 = arith.index_cast %scan3A_68 : i32 to index
        %get3A_205 = arith.constant 112 : index
        %get3A_206 = tpu.vector_load %arg11[%get3A_204, %get3A_205] {strides = array<i32>} : memref<128x128xf32, #tpu.memory_space<vmem>>, vector<1x16xf32>,
        %get3A_207 = vector.shape_cast %get3A_206 : vector<1x16xf32> to vector<16xf32>
        %add3A_208 = arith.addf %get3A_203, %get3A_207 : vector<16xf32>
        %get3A_209 = arith.index_cast %scan3A_68 : i32 to index
        %get3A_210 = arith.constant 112 : index
        %get3A_211 = tpu.vector_load %arg12[%get3A_209, %get3A_210] {strides = array<i32>} : memref<128x128xf32, #tpu.memory_space<vmem>>, vector<1x16xf32>,
        %get3A_212 = vector.shape_cast %get3A_211 : vector<1x16xf32> to vector<16xf32>
        %add3A_213 = arith.addf %add3A_208, %get3A_212 : vector<16xf32>
        %swap3A_214 = arith.index_cast %scan3A_68 : i32 to index
        %swap3A_215 = arith.constant 112 : index
        %swap3A_216 = tpu.vector_load %arg10[%swap3A_214, %swap3A_215] {strides = array<i32>} : memref<128x128xf32, #tpu.memory_space<vmem>>, vector<1x16xf32>,
        %swap3A_217 = vector.shape_cast %swap3A_216 : vector<1x16xf32> to vector<16xf32>
        %swap3A_218 = vector.shape_cast %add3A_213 : vector<16xf32> to vector<1x16xf32>
        tpu.vector_store %arg10[%swap3A_214, %swap3A_215], %swap3A_218 {strides = array<i32>} : memref<128x128xf32, #tpu.memory_space<vmem>>, vector<1x16xf32>,
        %scan3A_219 = arith.constant 1 : i32
        %scan3A_220 = arith.addi %scan3A_68, %scan3A_219 : i32
        %get3A_221 = arith.index_cast %scan3A_220 : i32 to index
        %get3A_222 = arith.constant 0 : index
        %get3A_223 = tpu.vector_load %arg10[%get3A_221, %get3A_222] {strides = array<i32>} : memref<128x128xf32, #tpu.memory_space<vmem>>, vector<1x16xf32>,
        %get3A_224 = vector.shape_cast %get3A_223 : vector<1x16xf32> to vector<16xf32>
        %get3A_225 = arith.index_cast %scan3A_220 : i32 to index
        %get3A_226 = arith.constant 0 : index
        %get3A_227 = tpu.vector_load %arg11[%get3A_225, %get3A_226] {strides = array<i32>} : memref<128x128xf32, #tpu.memory_space<vmem>>, vector<1x16xf32>,
        %get3A_228 = vector.shape_cast %get3A_227 : vector<1x16xf32> to vector<16xf32>
        %add3A_229 = arith.addf %get3A_224, %get3A_228 : vector<16xf32>
        %get3A_230 = arith.index_cast %scan3A_220 : i32 to index
        %get3A_231 = arith.constant 0 : index
        %get3A_232 = tpu.vector_load %arg12[%get3A_230, %get3A_231] {strides = array<i32>} : memref<128x128xf32, #tpu.memory_space<vmem>>, vector<1x16xf32>,
        %get3A_233 = vector.shape_cast %get3A_232 : vector<1x16xf32> to vector<16xf32>
        %add3A_234 = arith.addf %add3A_229, %get3A_233 : vector<16xf32>
        %swap3A_235 = arith.index_cast %scan3A_220 : i32 to index
        %swap3A_236 = arith.constant 0 : index
        %swap3A_237 = tpu.vector_load %arg10[%swap3A_235, %swap3A_236] {strides = array<i32>} : memref<128x128xf32, #tpu.memory_space<vmem>>, vector<1x16xf32>,
        %swap3A_238 = vector.shape_cast %swap3A_237 : vector<1x16xf32> to vector<16xf32>
        %swap3A_239 = vector.shape_cast %add3A_234 : vector<16xf32> to vector<1x16xf32>
        tpu.vector_store %arg10[%swap3A_235, %swap3A_236], %swap3A_239 {strides = array<i32>} : memref<128x128xf32, #tpu.memory_space<vmem>>, vector<1x16xf32>,
        %get3A_240 = arith.index_cast %scan3A_220 : i32 to index
        %get3A_241 = arith.constant 16 : index
        %get3A_242 = tpu.vector_load %arg10[%get3A_240, %get3A_241] {strides = array<i32>} : memref<128x128xf32, #tpu.memory_space<vmem>>, vector<1x16xf32>,
        %get3A_243 = vector.shape_cast %get3A_242 : vector<1x16xf32> to vector<16xf32>
        %get3A_244 = arith.index_cast %scan3A_220 : i32 to index
        %get3A_245 = arith.constant 16 : index
        %get3A_246 = tpu.vector_load %arg11[%get3A_244, %get3A_245] {strides = array<i32>} : memref<128x128xf32, #tpu.memory_space<vmem>>, vector<1x16xf32>,
        %get3A_247 = vector.shape_cast %get3A_246 : vector<1x16xf32> to vector<16xf32>
        %add3A_248 = arith.addf %get3A_243, %get3A_247 : vector<16xf32>
        %get3A_249 = arith.index_cast %scan3A_220 : i32 to index
        %get3A_250 = arith.constant 16 : index
        %get3A_251 = tpu.vector_load %arg12[%get3A_249, %get3A_250] {strides = array<i32>} : memref<128x128xf32, #tpu.memory_space<vmem>>, vector<1x16xf32>,
        %get3A_252 = vector.shape_cast %get3A_251 : vector<1x16xf32> to vector<16xf32>
        %add3A_253 = arith.addf %add3A_248, %get3A_252 : vector<16xf32>
        %swap3A_254 = arith.index_cast %scan3A_220 : i32 to index
        %swap3A_255 = arith.constant 16 : index
        %swap3A_256 = tpu.vector_load %arg10[%swap3A_254, %swap3A_255] {strides = array<i32>} : memref<128x128xf32, #tpu.memory_space<vmem>>, vector<1x16xf32>,
        %swap3A_257 = vector.shape_cast %swap3A_256 : vector<1x16xf32> to vector<16xf32>
        %swap3A_258 = vector.shape_cast %add3A_253 : vector<16xf32> to vector<1x16xf32>
        tpu.vector_store %arg10[%swap3A_254, %swap3A_255], %swap3A_258 {strides = array<i32>} : memref<128x128xf32, #tpu.memory_space<vmem>>, vector<1x16xf32>,
        %get3A_259 = arith.index_cast %scan3A_220 : i32 to index
        %get3A_260 = arith.constant 32 : index
        %get3A_261 = tpu.vector_load %arg10[%get3A_259, %get3A_260] {strides = array<i32>} : memref<128x128xf32, #tpu.memory_space<vmem>>, vector<1x16xf32>,
        %get3A_262 = vector.shape_cast %get3A_261 : vector<1x16xf32> to vector<16xf32>
        %get3A_263 = arith.index_cast %scan3A_220 : i32 to index
        %get3A_264 = arith.constant 32 : index
        %get3A_265 = tpu.vector_load %arg11[%get3A_263, %get3A_264] {strides = array<i32>} : memref<128x128xf32, #tpu.memory_space<vmem>>, vector<1x16xf32>,
        %get3A_266 = vector.shape_cast %get3A_265 : vector<1x16xf32> to vector<16xf32>
        %add3A_267 = arith.addf %get3A_262, %get3A_266 : vector<16xf32>
        %get3A_268 = arith.index_cast %scan3A_220 : i32 to index
        %get3A_269 = arith.constant 32 : index
        %get3A_270 = tpu.vector_load %arg12[%get3A_268, %get3A_269] {strides = array<i32>} : memref<128x128xf32, #tpu.memory_space<vmem>>, vector<1x16xf32>,
        %get3A_271 = vector.shape_cast %get3A_270 : vector<1x16xf32> to vector<16xf32>
        %add3A_272 = arith.addf %add3A_267, %get3A_271 : vector<16xf32>
        %swap3A_273 = arith.index_cast %scan3A_220 : i32 to index
        %swap3A_274 = arith.constant 32 : index
        %swap3A_275 = tpu.vector_load %arg10[%swap3A_273, %swap3A_274] {strides = array<i32>} : memref<128x128xf32, #tpu.memory_space<vmem>>, vector<1x16xf32>,
        %swap3A_276 = vector.shape_cast %swap3A_275 : vector<1x16xf32> to vector<16xf32>
        %swap3A_277 = vector.shape_cast %add3A_272 : vector<16xf32> to vector<1x16xf32>
        tpu.vector_store %arg10[%swap3A_273, %swap3A_274], %swap3A_277 {strides = array<i32>} : memref<128x128xf32, #tpu.memory_space<vmem>>, vector<1x16xf32>,
        %get3A_278 = arith.index_cast %scan3A_220 : i32 to index
        %get3A_279 = arith.constant 48 : index
        %get3A_280 = tpu.vector_load %arg10[%get3A_278, %get3A_279] {strides = array<i32>} : memref<128x128xf32, #tpu.memory_space<vmem>>, vector<1x16xf32>,
        %get3A_281 = vector.shape_cast %get3A_280 : vector<1x16xf32> to vector<16xf32>
        %get3A_282 = arith.index_cast %scan3A_220 : i32 to index
        %get3A_283 = arith.constant 48 : index
        %get3A_284 = tpu.vector_load %arg11[%get3A_282, %get3A_283] {strides = array<i32>} : memref<128x128xf32, #tpu.memory_space<vmem>>, vector<1x16xf32>,
        %get3A_285 = vector.shape_cast %get3A_284 : vector<1x16xf32> to vector<16xf32>
        %add3A_286 = arith.addf %get3A_281, %get3A_285 : vector<16xf32>
        %get3A_287 = arith.index_cast %scan3A_220 : i32 to index
        %get3A_288 = arith.constant 48 : index
        %get3A_289 = tpu.vector_load %arg12[%get3A_287, %get3A_288] {strides = array<i32>} : memref<128x128xf32, #tpu.memory_space<vmem>>, vector<1x16xf32>,
        %get3A_290 = vector.shape_cast %get3A_289 : vector<1x16xf32> to vector<16xf32>
        %add3A_291 = arith.addf %add3A_286, %get3A_290 : vector<16xf32>
        %swap3A_292 = arith.index_cast %scan3A_220 : i32 to index
        %swap3A_293 = arith.constant 48 : index
        %swap3A_294 = tpu.vector_load %arg10[%swap3A_292, %swap3A_293] {strides = array<i32>} : memref<128x128xf32, #tpu.memory_space<vmem>>, vector<1x16xf32>,
        %swap3A_295 = vector.shape_cast %swap3A_294 : vector<1x16xf32> to vector<16xf32>
        %swap3A_296 = vector.shape_cast %add3A_291 : vector<16xf32> to vector<1x16xf32>
        tpu.vector_store %arg10[%swap3A_292, %swap3A_293], %swap3A_296 {strides = array<i32>} : memref<128x128xf32, #tpu.memory_space<vmem>>, vector<1x16xf32>,
        %get3A_297 = arith.index_cast %scan3A_220 : i32 to index
        %get3A_298 = arith.constant 64 : index
        %get3A_299 = tpu.vector_load %arg10[%get3A_297, %get3A_298] {strides = array<i32>} : memref<128x128xf32, #tpu.memory_space<vmem>>, vector<1x16xf32>,
        %get3A_300 = vector.shape_cast %get3A_299 : vector<1x16xf32> to vector<16xf32>
        %get3A_301 = arith.index_cast %scan3A_220 : i32 to index
        %get3A_302 = arith.constant 64 : index
        %get3A_303 = tpu.vector_load %arg11[%get3A_301, %get3A_302] {strides = array<i32>} : memref<128x128xf32, #tpu.memory_space<vmem>>, vector<1x16xf32>,
        %get3A_304 = vector.shape_cast %get3A_303 : vector<1x16xf32> to vector<16xf32>
        %add3A_305 = arith.addf %get3A_300, %get3A_304 : vector<16xf32>
        %get3A_306 = arith.index_cast %scan3A_220 : i32 to index
        %get3A_307 = arith.constant 64 : index
        %get3A_308 = tpu.vector_load %arg12[%get3A_306, %get3A_307] {strides = array<i32>} : memref<128x128xf32, #tpu.memory_space<vmem>>, vector<1x16xf32>,
        %get3A_309 = vector.shape_cast %get3A_308 : vector<1x16xf32> to vector<16xf32>
        %add3A_310 = arith.addf %add3A_305, %get3A_309 : vector<16xf32>
        %swap3A_311 = arith.index_cast %scan3A_220 : i32 to index
        %swap3A_312 = arith.constant 64 : index
        %swap3A_313 = tpu.vector_load %arg10[%swap3A_311, %swap3A_312] {strides = array<i32>} : memref<128x128xf32, #tpu.memory_space<vmem>>, vector<1x16xf32>,
        %swap3A_314 = vector.shape_cast %swap3A_313 : vector<1x16xf32> to vector<16xf32>
        %swap3A_315 = vector.shape_cast %add3A_310 : vector<16xf32> to vector<1x16xf32>
        tpu.vector_store %arg10[%swap3A_311, %swap3A_312], %swap3A_315 {strides = array<i32>} : memref<128x128xf32, #tpu.memory_space<vmem>>, vector<1x16xf32>,
        %get3A_316 = arith.index_cast %scan3A_220 : i32 to index
        %get3A_317 = arith.constant 80 : index
        %get3A_318 = tpu.vector_load %arg10[%get3A_316, %get3A_317] {strides = array<i32>} : memref<128x128xf32, #tpu.memory_space<vmem>>, vector<1x16xf32>,
        %get3A_319 = vector.shape_cast %get3A_318 : vector<1x16xf32> to vector<16xf32>
        %get3A_320 = arith.index_cast %scan3A_220 : i32 to index
        %get3A_321 = arith.constant 80 : index
        %get3A_322 = tpu.vector_load %arg11[%get3A_320, %get3A_321] {strides = array<i32>} : memref<128x128xf32, #tpu.memory_space<vmem>>, vector<1x16xf32>,
        %get3A_323 = vector.shape_cast %get3A_322 : vector<1x16xf32> to vector<16xf32>
        %add3A_324 = arith.addf %get3A_319, %get3A_323 : vector<16xf32>
        %get3A_325 = arith.index_cast %scan3A_220 : i32 to index
        %get3A_326 = arith.constant 80 : index
        %get3A_327 = tpu.vector_load %arg12[%get3A_325, %get3A_326] {strides = array<i32>} : memref<128x128xf32, #tpu.memory_space<vmem>>, vector<1x16xf32>,
        %get3A_328 = vector.shape_cast %get3A_327 : vector<1x16xf32> to vector<16xf32>
        %add3A_329 = arith.addf %add3A_324, %get3A_328 : vector<16xf32>
        %swap3A_330 = arith.index_cast %scan3A_220 : i32 to index
        %swap3A_331 = arith.constant 80 : index
        %swap3A_332 = tpu.vector_load %arg10[%swap3A_330, %swap3A_331] {strides = array<i32>} : memref<128x128xf32, #tpu.memory_space<vmem>>, vector<1x16xf32>,
        %swap3A_333 = vector.shape_cast %swap3A_332 : vector<1x16xf32> to vector<16xf32>
        %swap3A_334 = vector.shape_cast %add3A_329 : vector<16xf32> to vector<1x16xf32>
        tpu.vector_store %arg10[%swap3A_330, %swap3A_331], %swap3A_334 {strides = array<i32>} : memref<128x128xf32, #tpu.memory_space<vmem>>, vector<1x16xf32>,
        %get3A_335 = arith.index_cast %scan3A_220 : i32 to index
        %get3A_336 = arith.constant 96 : index
        %get3A_337 = tpu.vector_load %arg10[%get3A_335, %get3A_336] {strides = array<i32>} : memref<128x128xf32, #tpu.memory_space<vmem>>, vector<1x16xf32>,
        %get3A_338 = vector.shape_cast %get3A_337 : vector<1x16xf32> to vector<16xf32>
        %get3A_339 = arith.index_cast %scan3A_220 : i32 to index
        %get3A_340 = arith.constant 96 : index
        %get3A_341 = tpu.vector_load %arg11[%get3A_339, %get3A_340] {strides = array<i32>} : memref<128x128xf32, #tpu.memory_space<vmem>>, vector<1x16xf32>,
        %get3A_342 = vector.shape_cast %get3A_341 : vector<1x16xf32> to vector<16xf32>
        %add3A_343 = arith.addf %get3A_338, %get3A_342 : vector<16xf32>
        %get3A_344 = arith.index_cast %scan3A_220 : i32 to index
        %get3A_345 = arith.constant 96 : index
        %get3A_346 = tpu.vector_load %arg12[%get3A_344, %get3A_345] {strides = array<i32>} : memref<128x128xf32, #tpu.memory_space<vmem>>, vector<1x16xf32>,
        %get3A_347 = vector.shape_cast %get3A_346 : vector<1x16xf32> to vector<16xf32>
        %add3A_348 = arith.addf %add3A_343, %get3A_347 : vector<16xf32>
        %swap3A_349 = arith.index_cast %scan3A_220 : i32 to index
        %swap3A_350 = arith.constant 96 : index
        %swap3A_351 = tpu.vector_load %arg10[%swap3A_349, %swap3A_350] {strides = array<i32>} : memref<128x128xf32, #tpu.memory_space<vmem>>, vector<1x16xf32>,
        %swap3A_352 = vector.shape_cast %swap3A_351 : vector<1x16xf32> to vector<16xf32>
        %swap3A_353 = vector.shape_cast %add3A_348 : vector<16xf32> to vector<1x16xf32>
        tpu.vector_store %arg10[%swap3A_349, %swap3A_350], %swap3A_353 {strides = array<i32>} : memref<128x128xf32, #tpu.memory_space<vmem>>, vector<1x16xf32>,
        %get3A_354 = arith.index_cast %scan3A_220 : i32 to index
        %get3A_355 = arith.constant 112 : index
        %get3A_356 = tpu.vector_load %arg10[%get3A_354, %get3A_355] {strides = array<i32>} : memref<128x128xf32, #tpu.memory_space<vmem>>, vector<1x16xf32>,
        %get3A_357 = vector.shape_cast %get3A_356 : vector<1x16xf32> to vector<16xf32>
        %get3A_358 = arith.index_cast %scan3A_220 : i32 to index
        %get3A_359 = arith.constant 112 : index
        %get3A_360 = tpu.vector_load %arg11[%get3A_358, %get3A_359] {strides = array<i32>} : memref<128x128xf32, #tpu.memory_space<vmem>>, vector<1x16xf32>,
        %get3A_361 = vector.shape_cast %get3A_360 : vector<1x16xf32> to vector<16xf32>
        %add3A_362 = arith.addf %get3A_357, %get3A_361 : vector<16xf32>
        %get3A_363 = arith.index_cast %scan3A_220 : i32 to index
        %get3A_364 = arith.constant 112 : index
        %get3A_365 = tpu.vector_load %arg12[%get3A_363, %get3A_364] {strides = array<i32>} : memref<128x128xf32, #tpu.memory_space<vmem>>, vector<1x16xf32>,
        %get3A_366 = vector.shape_cast %get3A_365 : vector<1x16xf32> to vector<16xf32>
        %add3A_367 = arith.addf %add3A_362, %get3A_366 : vector<16xf32>
        %swap3A_368 = arith.index_cast %scan3A_220 : i32 to index
        %swap3A_369 = arith.constant 112 : index
        %swap3A_370 = tpu.vector_load %arg10[%swap3A_368, %swap3A_369] {strides = array<i32>} : memref<128x128xf32, #tpu.memory_space<vmem>>, vector<1x16xf32>,
        %swap3A_371 = vector.shape_cast %swap3A_370 : vector<1x16xf32> to vector<16xf32>
        %swap3A_372 = vector.shape_cast %add3A_367 : vector<16xf32> to vector<1x16xf32>
        tpu.vector_store %arg10[%swap3A_368, %swap3A_369], %swap3A_372 {strides = array<i32>} : memref<128x128xf32, #tpu.memory_space<vmem>>, vector<1x16xf32>,
      }
      %scan3A_65 = arith.constant 128 : i32
      %add3A_66 = arith.constant 6144 : i32
      %add3A_67 = arith.addi %mul3A_2, %add3A_66 : i32
      "tpu.region"() ({
        %run_scoped3A = tpu.sem_alloc : memref<!tpu.dma_semaphore, #tpu.memory_space<semaphore_mem>>
        %dma_start3A_68 = arith.constant 0 : i32
        %dma_start3A_69 = tpu.memref_slice %arg6[%add3A_67, %dma_start3A_68] : memref<200000x128xf32, #tpu.memory_space<hbm>> -> memref<128x128xf32, #tpu.memory_space<hbm>>
        %dma_start3A_70 = arith.constant 0 : i32
        %dma_start3A_71 = tpu.memref_slice %arg6[%add3A_67, %dma_start3A_70] : memref<200000x128xf32, #tpu.memory_space<hbm>> -> memref<128x128xf32, #tpu.memory_space<hbm>>
        tpu.enqueue_dma source(%arg10 : memref<128x128xf32, #tpu.memory_space<vmem>>) target(%dma_start3A_71 : memref<128x128xf32, #tpu.memory_space<hbm>>) target_semaphore(%run_scoped3A : memref<!tpu.dma_semaphore, #tpu.memory_space<semaphore_mem>>)
        %dma_wait3A_72 = arith.constant 0 : i32
        %dma_wait3A_73 = tpu.memref_slice %arg6[%add3A_67, %dma_wait3A_72] : memref<200000x128xf32, #tpu.memory_space<hbm>> -> memref<128x128xf32, #tpu.memory_space<hbm>>
        %dma_wait3A_74 = arith.constant 0 : i32
        %dma_wait3A_75 = tpu.memref_slice %arg6[%add3A_67, %dma_wait3A_74] : memref<200000x128xf32, #tpu.memory_space<hbm>> -> memref<128x128xf32, #tpu.memory_space<hbm>>
        tpu.wait_dma2 semaphore(%run_scoped3A : memref<!tpu.dma_semaphore, #tpu.memory_space<semaphore_mem>>) src(%arg10 : memref<128x128xf32, #tpu.memory_space<vmem>>) dst(%dma_wait3A_75 : memref<128x128xf32, #tpu.memory_space<hbm>>)
        tpu.yield
      }) : () -> ()
    } else {
    }
    %eq3A = arith.constant 31 : i32
    %eq3A_43 = arith.cmpi eq, %add3A, %eq3A : i32
    %convert_element_type3A_44 = arith.extui %eq3A_43 : i1 to i32
    %cond3A_45 = arith.constant 0 : i32
    %cond3A_46 = arith.cmpi ne, %convert_element_type3A_44, %cond3A_45 : i32
    scf.if %cond3A_46 {
      %dma_wait3A = arith.constant 0 : i32
      %dma_wait3A_47 = tpu.memref_slice %arg7[%dma_wait3A] : memref<6272xi32, #tpu.memory_space<vmem>> -> memref<128xi32, #tpu.memory_space<vmem>>
      %dma_wait3A_48 = arith.constant 0 : i32
      %dma_wait3A_49 = arith.constant 0 : i32
      %dma_wait3A_50 = tpu.memref_slice %arg2[%dma_wait3A_48, %dma_wait3A_49] : memref<20000x128xf32, #tpu.memory_space<hbm>> -> memref<20000x128xf32, #tpu.memory_space<hbm>>
      tpu.wait_indirect_dma semaphore(%arg16 : memref<!tpu.dma_semaphore, #tpu.memory_space<semaphore_mem>>) src(%dma_wait3A_50 : memref<20000x128xf32, #tpu.memory_space<hbm>>) dst(%arg10 : memref<128x128xf32, #tpu.memory_space<vmem>>)
      %dma_wait3A_51 = arith.constant 0 : i32
      %dma_wait3A_52 = tpu.memref_slice %arg7[%dma_wait3A_51] : memref<6272xi32, #tpu.memory_space<vmem>> -> memref<128xi32, #tpu.memory_space<vmem>>
      %dma_wait3A_53 = arith.constant 0 : i32
      %dma_wait3A_54 = arith.constant 0 : i32
      %dma_wait3A_55 = tpu.memref_slice %arg2[%dma_wait3A_53, %dma_wait3A_54] : memref<20000x128xf32, #tpu.memory_space<hbm>> -> memref<20000x128xf32, #tpu.memory_space<hbm>>
      tpu.wait_indirect_dma semaphore(%arg16 : memref<!tpu.dma_semaphore, #tpu.memory_space<semaphore_mem>>) src(%dma_wait3A_55 : memref<20000x128xf32, #tpu.memory_space<hbm>>) dst(%arg11 : memref<128x128xf32, #tpu.memory_space<vmem>>)
      %dma_wait3A_56 = arith.constant 0 : i32
      %dma_wait3A_57 = tpu.memref_slice %arg7[%dma_wait3A_56] : memref<6272xi32, #tpu.memory_space<vmem>> -> memref<128xi32, #tpu.memory_space<vmem>>
      %dma_wait3A_58 = arith.constant 0 : i32
      %dma_wait3A_59 = arith.constant 0 : i32
      %dma_wait3A_60 = tpu.memref_slice %arg2[%dma_wait3A_58, %dma_wait3A_59] : memref<20000x128xf32, #tpu.memory_space<hbm>> -> memref<20000x128xf32, #tpu.memory_space<hbm>>
      tpu.wait_indirect_dma semaphore(%arg16 : memref<!tpu.dma_semaphore, #tpu.memory_space<semaphore_mem>>) src(%dma_wait3A_60 : memref<20000x128xf32, #tpu.memory_space<hbm>>) dst(%arg12 : memref<128x128xf32, #tpu.memory_space<vmem>>)
      %scan3A = arith.constant 0 : i32
      %scan3A_61 = arith.constant 0 : i32
      %scan3A_62 = arith.constant 128 : i32
      %scan3A_63 = arith.addi %scan3A_61, %scan3A_62 : i32
      %scan3A_64 = arith.constant 2 : i32
      scf.for %scan3A_106 = %scan3A_61 to %scan3A_63 step %scan3A_64  : i32 {
        %get3A = arith.index_cast %scan3A_106 : i32 to index
        %get3A_107 = arith.constant 0 : index
        %get3A_108 = tpu.vector_load %arg10[%get3A, %get3A_107] {strides = array<i32>} : memref<128x128xf32, #tpu.memory_space<vmem>>, vector<1x16xf32>,
        %get3A_109 = vector.shape_cast %get3A_108 : vector<1x16xf32> to vector<16xf32>
        %get3A_110 = arith.index_cast %scan3A_106 : i32 to index
        %get3A_111 = arith.constant 0 : index
        %get3A_112 = tpu.vector_load %arg11[%get3A_110, %get3A_111] {strides = array<i32>} : memref<128x128xf32, #tpu.memory_space<vmem>>, vector<1x16xf32>,
        %get3A_113 = vector.shape_cast %get3A_112 : vector<1x16xf32> to vector<16xf32>
        %add3A_114 = arith.addf %get3A_109, %get3A_113 : vector<16xf32>
        %get3A_115 = arith.index_cast %scan3A_106 : i32 to index
        %get3A_116 = arith.constant 0 : index
        %get3A_117 = tpu.vector_load %arg12[%get3A_115, %get3A_116] {strides = array<i32>} : memref<128x128xf32, #tpu.memory_space<vmem>>, vector<1x16xf32>,
        %get3A_118 = vector.shape_cast %get3A_117 : vector<1x16xf32> to vector<16xf32>
        %add3A_119 = arith.addf %add3A_114, %get3A_118 : vector<16xf32>
        %swap3A = arith.index_cast %scan3A_106 : i32 to index
        %swap3A_120 = arith.constant 0 : index
        %swap3A_121 = tpu.vector_load %arg10[%swap3A, %swap3A_120] {strides = array<i32>} : memref<128x128xf32, #tpu.memory_space<vmem>>, vector<1x16xf32>,
        %swap3A_122 = vector.shape_cast %swap3A_121 : vector<1x16xf32> to vector<16xf32>
        %swap3A_123 = vector.shape_cast %add3A_119 : vector<16xf32> to vector<1x16xf32>
        tpu.vector_store %arg10[%swap3A, %swap3A_120], %swap3A_123 {strides = array<i32>} : memref<128x128xf32, #tpu.memory_space<vmem>>, vector<1x16xf32>,
        %get3A_124 = arith.index_cast %scan3A_106 : i32 to index
        %get3A_125 = arith.constant 16 : index
        %get3A_126 = tpu.vector_load %arg10[%get3A_124, %get3A_125] {strides = array<i32>} : memref<128x128xf32, #tpu.memory_space<vmem>>, vector<1x16xf32>,
        %get3A_127 = vector.shape_cast %get3A_126 : vector<1x16xf32> to vector<16xf32>
        %get3A_128 = arith.index_cast %scan3A_106 : i32 to index
        %get3A_129 = arith.constant 16 : index
        %get3A_130 = tpu.vector_load %arg11[%get3A_128, %get3A_129] {strides = array<i32>} : memref<128x128xf32, #tpu.memory_space<vmem>>, vector<1x16xf32>,
        %get3A_131 = vector.shape_cast %get3A_130 : vector<1x16xf32> to vector<16xf32>
        %add3A_132 = arith.addf %get3A_127, %get3A_131 : vector<16xf32>
        %get3A_133 = arith.index_cast %scan3A_106 : i32 to index
        %get3A_134 = arith.constant 16 : index
        %get3A_135 = tpu.vector_load %arg12[%get3A_133, %get3A_134] {strides = array<i32>} : memref<128x128xf32, #tpu.memory_space<vmem>>, vector<1x16xf32>,
        %get3A_136 = vector.shape_cast %get3A_135 : vector<1x16xf32> to vector<16xf32>
        %add3A_137 = arith.addf %add3A_132, %get3A_136 : vector<16xf32>
        %swap3A_138 = arith.index_cast %scan3A_106 : i32 to index
        %swap3A_139 = arith.constant 16 : index
        %swap3A_140 = tpu.vector_load %arg10[%swap3A_138, %swap3A_139] {strides = array<i32>} : memref<128x128xf32, #tpu.memory_space<vmem>>, vector<1x16xf32>,
        %swap3A_141 = vector.shape_cast %swap3A_140 : vector<1x16xf32> to vector<16xf32>
        %swap3A_142 = vector.shape_cast %add3A_137 : vector<16xf32> to vector<1x16xf32>
        tpu.vector_store %arg10[%swap3A_138, %swap3A_139], %swap3A_142 {strides = array<i32>} : memref<128x128xf32, #tpu.memory_space<vmem>>, vector<1x16xf32>,
        %get3A_143 = arith.index_cast %scan3A_106 : i32 to index
        %get3A_144 = arith.constant 32 : index
        %get3A_145 = tpu.vector_load %arg10[%get3A_143, %get3A_144] {strides = array<i32>} : memref<128x128xf32, #tpu.memory_space<vmem>>, vector<1x16xf32>,
        %get3A_146 = vector.shape_cast %get3A_145 : vector<1x16xf32> to vector<16xf32>
        %get3A_147 = arith.index_cast %scan3A_106 : i32 to index
        %get3A_148 = arith.constant 32 : index
        %get3A_149 = tpu.vector_load %arg11[%get3A_147, %get3A_148] {strides = array<i32>} : memref<128x128xf32, #tpu.memory_space<vmem>>, vector<1x16xf32>,
        %get3A_150 = vector.shape_cast %get3A_149 : vector<1x16xf32> to vector<16xf32>
        %add3A_151 = arith.addf %get3A_146, %get3A_150 : vector<16xf32>
        %get3A_152 = arith.index_cast %scan3A_106 : i32 to index
        %get3A_153 = arith.constant 32 : index
        %get3A_154 = tpu.vector_load %arg12[%get3A_152, %get3A_153] {strides = array<i32>} : memref<128x128xf32, #tpu.memory_space<vmem>>, vector<1x16xf32>,
        %get3A_155 = vector.shape_cast %get3A_154 : vector<1x16xf32> to vector<16xf32>
        %add3A_156 = arith.addf %add3A_151, %get3A_155 : vector<16xf32>
        %swap3A_157 = arith.index_cast %scan3A_106 : i32 to index
        %swap3A_158 = arith.constant 32 : index
        %swap3A_159 = tpu.vector_load %arg10[%swap3A_157, %swap3A_158] {strides = array<i32>} : memref<128x128xf32, #tpu.memory_space<vmem>>, vector<1x16xf32>,
        %swap3A_160 = vector.shape_cast %swap3A_159 : vector<1x16xf32> to vector<16xf32>
        %swap3A_161 = vector.shape_cast %add3A_156 : vector<16xf32> to vector<1x16xf32>
        tpu.vector_store %arg10[%swap3A_157, %swap3A_158], %swap3A_161 {strides = array<i32>} : memref<128x128xf32, #tpu.memory_space<vmem>>, vector<1x16xf32>,
        %get3A_162 = arith.index_cast %scan3A_106 : i32 to index
        %get3A_163 = arith.constant 48 : index
        %get3A_164 = tpu.vector_load %arg10[%get3A_162, %get3A_163] {strides = array<i32>} : memref<128x128xf32, #tpu.memory_space<vmem>>, vector<1x16xf32>,
        %get3A_165 = vector.shape_cast %get3A_164 : vector<1x16xf32> to vector<16xf32>
        %get3A_166 = arith.index_cast %scan3A_106 : i32 to index
        %get3A_167 = arith.constant 48 : index
        %get3A_168 = tpu.vector_load %arg11[%get3A_166, %get3A_167] {strides = array<i32>} : memref<128x128xf32, #tpu.memory_space<vmem>>, vector<1x16xf32>,
        %get3A_169 = vector.shape_cast %get3A_168 : vector<1x16xf32> to vector<16xf32>
        %add3A_170 = arith.addf %get3A_165, %get3A_169 : vector<16xf32>
        %get3A_171 = arith.index_cast %scan3A_106 : i32 to index
        %get3A_172 = arith.constant 48 : index
        %get3A_173 = tpu.vector_load %arg12[%get3A_171, %get3A_172] {strides = array<i32>} : memref<128x128xf32, #tpu.memory_space<vmem>>, vector<1x16xf32>,
        %get3A_174 = vector.shape_cast %get3A_173 : vector<1x16xf32> to vector<16xf32>
        %add3A_175 = arith.addf %add3A_170, %get3A_174 : vector<16xf32>
        %swap3A_176 = arith.index_cast %scan3A_106 : i32 to index
        %swap3A_177 = arith.constant 48 : index
        %swap3A_178 = tpu.vector_load %arg10[%swap3A_176, %swap3A_177] {strides = array<i32>} : memref<128x128xf32, #tpu.memory_space<vmem>>, vector<1x16xf32>,
        %swap3A_179 = vector.shape_cast %swap3A_178 : vector<1x16xf32> to vector<16xf32>
        %swap3A_180 = vector.shape_cast %add3A_175 : vector<16xf32> to vector<1x16xf32>
        tpu.vector_store %arg10[%swap3A_176, %swap3A_177], %swap3A_180 {strides = array<i32>} : memref<128x128xf32, #tpu.memory_space<vmem>>, vector<1x16xf32>,
        %get3A_181 = arith.index_cast %scan3A_106 : i32 to index
        %get3A_182 = arith.constant 64 : index
        %get3A_183 = tpu.vector_load %arg10[%get3A_181, %get3A_182] {strides = array<i32>} : memref<128x128xf32, #tpu.memory_space<vmem>>, vector<1x16xf32>,
        %get3A_184 = vector.shape_cast %get3A_183 : vector<1x16xf32> to vector<16xf32>
        %get3A_185 = arith.index_cast %scan3A_106 : i32 to index
        %get3A_186 = arith.constant 64 : index
        %get3A_187 = tpu.vector_load %arg11[%get3A_185, %get3A_186] {strides = array<i32>} : memref<128x128xf32, #tpu.memory_space<vmem>>, vector<1x16xf32>,
        %get3A_188 = vector.shape_cast %get3A_187 : vector<1x16xf32> to vector<16xf32>
        %add3A_189 = arith.addf %get3A_184, %get3A_188 : vector<16xf32>
        %get3A_190 = arith.index_cast %scan3A_106 : i32 to index
        %get3A_191 = arith.constant 64 : index
        %get3A_192 = tpu.vector_load %arg12[%get3A_190, %get3A_191] {strides = array<i32>} : memref<128x128xf32, #tpu.memory_space<vmem>>, vector<1x16xf32>,
        %get3A_193 = vector.shape_cast %get3A_192 : vector<1x16xf32> to vector<16xf32>
        %add3A_194 = arith.addf %add3A_189, %get3A_193 : vector<16xf32>
        %swap3A_195 = arith.index_cast %scan3A_106 : i32 to index
        %swap3A_196 = arith.constant 64 : index
        %swap3A_197 = tpu.vector_load %arg10[%swap3A_195, %swap3A_196] {strides = array<i32>} : memref<128x128xf32, #tpu.memory_space<vmem>>, vector<1x16xf32>,
        %swap3A_198 = vector.shape_cast %swap3A_197 : vector<1x16xf32> to vector<16xf32>
        %swap3A_199 = vector.shape_cast %add3A_194 : vector<16xf32> to vector<1x16xf32>
        tpu.vector_store %arg10[%swap3A_195, %swap3A_196], %swap3A_199 {strides = array<i32>} : memref<128x128xf32, #tpu.memory_space<vmem>>, vector<1x16xf32>,
        %get3A_200 = arith.index_cast %scan3A_106 : i32 to index
        %get3A_201 = arith.constant 80 : index
        %get3A_202 = tpu.vector_load %arg10[%get3A_200, %get3A_201] {strides = array<i32>} : memref<128x128xf32, #tpu.memory_space<vmem>>, vector<1x16xf32>,
        %get3A_203 = vector.shape_cast %get3A_202 : vector<1x16xf32> to vector<16xf32>
        %get3A_204 = arith.index_cast %scan3A_106 : i32 to index
        %get3A_205 = arith.constant 80 : index
        %get3A_206 = tpu.vector_load %arg11[%get3A_204, %get3A_205] {strides = array<i32>} : memref<128x128xf32, #tpu.memory_space<vmem>>, vector<1x16xf32>,
        %get3A_207 = vector.shape_cast %get3A_206 : vector<1x16xf32> to vector<16xf32>
        %add3A_208 = arith.addf %get3A_203, %get3A_207 : vector<16xf32>
        %get3A_209 = arith.index_cast %scan3A_106 : i32 to index
        %get3A_210 = arith.constant 80 : index
        %get3A_211 = tpu.vector_load %arg12[%get3A_209, %get3A_210] {strides = array<i32>} : memref<128x128xf32, #tpu.memory_space<vmem>>, vector<1x16xf32>,
        %get3A_212 = vector.shape_cast %get3A_211 : vector<1x16xf32> to vector<16xf32>
        %add3A_213 = arith.addf %add3A_208, %get3A_212 : vector<16xf32>
        %swap3A_214 = arith.index_cast %scan3A_106 : i32 to index
        %swap3A_215 = arith.constant 80 : index
        %swap3A_216 = tpu.vector_load %arg10[%swap3A_214, %swap3A_215] {strides = array<i32>} : memref<128x128xf32, #tpu.memory_space<vmem>>, vector<1x16xf32>,
        %swap3A_217 = vector.shape_cast %swap3A_216 : vector<1x16xf32> to vector<16xf32>
        %swap3A_218 = vector.shape_cast %add3A_213 : vector<16xf32> to vector<1x16xf32>
        tpu.vector_store %arg10[%swap3A_214, %swap3A_215], %swap3A_218 {strides = array<i32>} : memref<128x128xf32, #tpu.memory_space<vmem>>, vector<1x16xf32>,
        %get3A_219 = arith.index_cast %scan3A_106 : i32 to index
        %get3A_220 = arith.constant 96 : index
        %get3A_221 = tpu.vector_load %arg10[%get3A_219, %get3A_220] {strides = array<i32>} : memref<128x128xf32, #tpu.memory_space<vmem>>, vector<1x16xf32>,
        %get3A_222 = vector.shape_cast %get3A_221 : vector<1x16xf32> to vector<16xf32>
        %get3A_223 = arith.index_cast %scan3A_106 : i32 to index
        %get3A_224 = arith.constant 96 : index
        %get3A_225 = tpu.vector_load %arg11[%get3A_223, %get3A_224] {strides = array<i32>} : memref<128x128xf32, #tpu.memory_space<vmem>>, vector<1x16xf32>,
        %get3A_226 = vector.shape_cast %get3A_225 : vector<1x16xf32> to vector<16xf32>
        %add3A_227 = arith.addf %get3A_222, %get3A_226 : vector<16xf32>
        %get3A_228 = arith.index_cast %scan3A_106 : i32 to index
        %get3A_229 = arith.constant 96 : index
        %get3A_230 = tpu.vector_load %arg12[%get3A_228, %get3A_229] {strides = array<i32>} : memref<128x128xf32, #tpu.memory_space<vmem>>, vector<1x16xf32>,
        %get3A_231 = vector.shape_cast %get3A_230 : vector<1x16xf32> to vector<16xf32>
        %add3A_232 = arith.addf %add3A_227, %get3A_231 : vector<16xf32>
        %swap3A_233 = arith.index_cast %scan3A_106 : i32 to index
        %swap3A_234 = arith.constant 96 : index
        %swap3A_235 = tpu.vector_load %arg10[%swap3A_233, %swap3A_234] {strides = array<i32>} : memref<128x128xf32, #tpu.memory_space<vmem>>, vector<1x16xf32>,
        %swap3A_236 = vector.shape_cast %swap3A_235 : vector<1x16xf32> to vector<16xf32>
        %swap3A_237 = vector.shape_cast %add3A_232 : vector<16xf32> to vector<1x16xf32>
        tpu.vector_store %arg10[%swap3A_233, %swap3A_234], %swap3A_237 {strides = array<i32>} : memref<128x128xf32, #tpu.memory_space<vmem>>, vector<1x16xf32>,
        %get3A_238 = arith.index_cast %scan3A_106 : i32 to index
        %get3A_239 = arith.constant 112 : index
        %get3A_240 = tpu.vector_load %arg10[%get3A_238, %get3A_239] {strides = array<i32>} : memref<128x128xf32, #tpu.memory_space<vmem>>, vector<1x16xf32>,
        %get3A_241 = vector.shape_cast %get3A_240 : vector<1x16xf32> to vector<16xf32>
        %get3A_242 = arith.index_cast %scan3A_106 : i32 to index
        %get3A_243 = arith.constant 112 : index
        %get3A_244 = tpu.vector_load %arg11[%get3A_242, %get3A_243] {strides = array<i32>} : memref<128x128xf32, #tpu.memory_space<vmem>>, vector<1x16xf32>,
        %get3A_245 = vector.shape_cast %get3A_244 : vector<1x16xf32> to vector<16xf32>
        %add3A_246 = arith.addf %get3A_241, %get3A_245 : vector<16xf32>
        %get3A_247 = arith.index_cast %scan3A_106 : i32 to index
        %get3A_248 = arith.constant 112 : index
        %get3A_249 = tpu.vector_load %arg12[%get3A_247, %get3A_248] {strides = array<i32>} : memref<128x128xf32, #tpu.memory_space<vmem>>, vector<1x16xf32>,
        %get3A_250 = vector.shape_cast %get3A_249 : vector<1x16xf32> to vector<16xf32>
        %add3A_251 = arith.addf %add3A_246, %get3A_250 : vector<16xf32>
        %swap3A_252 = arith.index_cast %scan3A_106 : i32 to index
        %swap3A_253 = arith.constant 112 : index
        %swap3A_254 = tpu.vector_load %arg10[%swap3A_252, %swap3A_253] {strides = array<i32>} : memref<128x128xf32, #tpu.memory_space<vmem>>, vector<1x16xf32>,
        %swap3A_255 = vector.shape_cast %swap3A_254 : vector<1x16xf32> to vector<16xf32>
        %swap3A_256 = vector.shape_cast %add3A_251 : vector<16xf32> to vector<1x16xf32>
        tpu.vector_store %arg10[%swap3A_252, %swap3A_253], %swap3A_256 {strides = array<i32>} : memref<128x128xf32, #tpu.memory_space<vmem>>, vector<1x16xf32>,
        %scan3A_257 = arith.constant 1 : i32
        %scan3A_258 = arith.addi %scan3A_106, %scan3A_257 : i32
        %get3A_259 = arith.index_cast %scan3A_258 : i32 to index
        %get3A_260 = arith.constant 0 : index
        %get3A_261 = tpu.vector_load %arg10[%get3A_259, %get3A_260] {strides = array<i32>} : memref<128x128xf32, #tpu.memory_space<vmem>>, vector<1x16xf32>,
        %get3A_262 = vector.shape_cast %get3A_261 : vector<1x16xf32> to vector<16xf32>
        %get3A_263 = arith.index_cast %scan3A_258 : i32 to index
        %get3A_264 = arith.constant 0 : index
        %get3A_265 = tpu.vector_load %arg11[%get3A_263, %get3A_264] {strides = array<i32>} : memref<128x128xf32, #tpu.memory_space<vmem>>, vector<1x16xf32>,
        %get3A_266 = vector.shape_cast %get3A_265 : vector<1x16xf32> to vector<16xf32>
        %add3A_267 = arith.addf %get3A_262, %get3A_266 : vector<16xf32>
        %get3A_268 = arith.index_cast %scan3A_258 : i32 to index
        %get3A_269 = arith.constant 0 : index
        %get3A_270 = tpu.vector_load %arg12[%get3A_268, %get3A_269] {strides = array<i32>} : memref<128x128xf32, #tpu.memory_space<vmem>>, vector<1x16xf32>,
        %get3A_271 = vector.shape_cast %get3A_270 : vector<1x16xf32> to vector<16xf32>
        %add3A_272 = arith.addf %add3A_267, %get3A_271 : vector<16xf32>
        %swap3A_273 = arith.index_cast %scan3A_258 : i32 to index
        %swap3A_274 = arith.constant 0 : index
        %swap3A_275 = tpu.vector_load %arg10[%swap3A_273, %swap3A_274] {strides = array<i32>} : memref<128x128xf32, #tpu.memory_space<vmem>>, vector<1x16xf32>,
        %swap3A_276 = vector.shape_cast %swap3A_275 : vector<1x16xf32> to vector<16xf32>
        %swap3A_277 = vector.shape_cast %add3A_272 : vector<16xf32> to vector<1x16xf32>
        tpu.vector_store %arg10[%swap3A_273, %swap3A_274], %swap3A_277 {strides = array<i32>} : memref<128x128xf32, #tpu.memory_space<vmem>>, vector<1x16xf32>,
        %get3A_278 = arith.index_cast %scan3A_258 : i32 to index
        %get3A_279 = arith.constant 16 : index
        %get3A_280 = tpu.vector_load %arg10[%get3A_278, %get3A_279] {strides = array<i32>} : memref<128x128xf32, #tpu.memory_space<vmem>>, vector<1x16xf32>,
        %get3A_281 = vector.shape_cast %get3A_280 : vector<1x16xf32> to vector<16xf32>
        %get3A_282 = arith.index_cast %scan3A_258 : i32 to index
        %get3A_283 = arith.constant 16 : index
        %get3A_284 = tpu.vector_load %arg11[%get3A_282, %get3A_283] {strides = array<i32>} : memref<128x128xf32, #tpu.memory_space<vmem>>, vector<1x16xf32>,
        %get3A_285 = vector.shape_cast %get3A_284 : vector<1x16xf32> to vector<16xf32>
        %add3A_286 = arith.addf %get3A_281, %get3A_285 : vector<16xf32>
        %get3A_287 = arith.index_cast %scan3A_258 : i32 to index
        %get3A_288 = arith.constant 16 : index
        %get3A_289 = tpu.vector_load %arg12[%get3A_287, %get3A_288] {strides = array<i32>} : memref<128x128xf32, #tpu.memory_space<vmem>>, vector<1x16xf32>,
        %get3A_290 = vector.shape_cast %get3A_289 : vector<1x16xf32> to vector<16xf32>
        %add3A_291 = arith.addf %add3A_286, %get3A_290 : vector<16xf32>
        %swap3A_292 = arith.index_cast %scan3A_258 : i32 to index
        %swap3A_293 = arith.constant 16 : index
        %swap3A_294 = tpu.vector_load %arg10[%swap3A_292, %swap3A_293] {strides = array<i32>} : memref<128x128xf32, #tpu.memory_space<vmem>>, vector<1x16xf32>,
        %swap3A_295 = vector.shape_cast %swap3A_294 : vector<1x16xf32> to vector<16xf32>
        %swap3A_296 = vector.shape_cast %add3A_291 : vector<16xf32> to vector<1x16xf32>
        tpu.vector_store %arg10[%swap3A_292, %swap3A_293], %swap3A_296 {strides = array<i32>} : memref<128x128xf32, #tpu.memory_space<vmem>>, vector<1x16xf32>,
        %get3A_297 = arith.index_cast %scan3A_258 : i32 to index
        %get3A_298 = arith.constant 32 : index
        %get3A_299 = tpu.vector_load %arg10[%get3A_297, %get3A_298] {strides = array<i32>} : memref<128x128xf32, #tpu.memory_space<vmem>>, vector<1x16xf32>,
        %get3A_300 = vector.shape_cast %get3A_299 : vector<1x16xf32> to vector<16xf32>
        %get3A_301 = arith.index_cast %scan3A_258 : i32 to index
        %get3A_302 = arith.constant 32 : index
        %get3A_303 = tpu.vector_load %arg11[%get3A_301, %get3A_302] {strides = array<i32>} : memref<128x128xf32, #tpu.memory_space<vmem>>, vector<1x16xf32>,
        %get3A_304 = vector.shape_cast %get3A_303 : vector<1x16xf32> to vector<16xf32>
        %add3A_305 = arith.addf %get3A_300, %get3A_304 : vector<16xf32>
        %get3A_306 = arith.index_cast %scan3A_258 : i32 to index
        %get3A_307 = arith.constant 32 : index
        %get3A_308 = tpu.vector_load %arg12[%get3A_306, %get3A_307] {strides = array<i32>} : memref<128x128xf32, #tpu.memory_space<vmem>>, vector<1x16xf32>,
        %get3A_309 = vector.shape_cast %get3A_308 : vector<1x16xf32> to vector<16xf32>
        %add3A_310 = arith.addf %add3A_305, %get3A_309 : vector<16xf32>
        %swap3A_311 = arith.index_cast %scan3A_258 : i32 to index
        %swap3A_312 = arith.constant 32 : index
        %swap3A_313 = tpu.vector_load %arg10[%swap3A_311, %swap3A_312] {strides = array<i32>} : memref<128x128xf32, #tpu.memory_space<vmem>>, vector<1x16xf32>,
        %swap3A_314 = vector.shape_cast %swap3A_313 : vector<1x16xf32> to vector<16xf32>
        %swap3A_315 = vector.shape_cast %add3A_310 : vector<16xf32> to vector<1x16xf32>
        tpu.vector_store %arg10[%swap3A_311, %swap3A_312], %swap3A_315 {strides = array<i32>} : memref<128x128xf32, #tpu.memory_space<vmem>>, vector<1x16xf32>,
        %get3A_316 = arith.index_cast %scan3A_258 : i32 to index
        %get3A_317 = arith.constant 48 : index
        %get3A_318 = tpu.vector_load %arg10[%get3A_316, %get3A_317] {strides = array<i32>} : memref<128x128xf32, #tpu.memory_space<vmem>>, vector<1x16xf32>,
        %get3A_319 = vector.shape_cast %get3A_318 : vector<1x16xf32> to vector<16xf32>
        %get3A_320 = arith.index_cast %scan3A_258 : i32 to index
        %get3A_321 = arith.constant 48 : index
        %get3A_322 = tpu.vector_load %arg11[%get3A_320, %get3A_321] {strides = array<i32>} : memref<128x128xf32, #tpu.memory_space<vmem>>, vector<1x16xf32>,
        %get3A_323 = vector.shape_cast %get3A_322 : vector<1x16xf32> to vector<16xf32>
        %add3A_324 = arith.addf %get3A_319, %get3A_323 : vector<16xf32>
        %get3A_325 = arith.index_cast %scan3A_258 : i32 to index
        %get3A_326 = arith.constant 48 : index
        %get3A_327 = tpu.vector_load %arg12[%get3A_325, %get3A_326] {strides = array<i32>} : memref<128x128xf32, #tpu.memory_space<vmem>>, vector<1x16xf32>,
        %get3A_328 = vector.shape_cast %get3A_327 : vector<1x16xf32> to vector<16xf32>
        %add3A_329 = arith.addf %add3A_324, %get3A_328 : vector<16xf32>
        %swap3A_330 = arith.index_cast %scan3A_258 : i32 to index
        %swap3A_331 = arith.constant 48 : index
        %swap3A_332 = tpu.vector_load %arg10[%swap3A_330, %swap3A_331] {strides = array<i32>} : memref<128x128xf32, #tpu.memory_space<vmem>>, vector<1x16xf32>,
        %swap3A_333 = vector.shape_cast %swap3A_332 : vector<1x16xf32> to vector<16xf32>
        %swap3A_334 = vector.shape_cast %add3A_329 : vector<16xf32> to vector<1x16xf32>
        tpu.vector_store %arg10[%swap3A_330, %swap3A_331], %swap3A_334 {strides = array<i32>} : memref<128x128xf32, #tpu.memory_space<vmem>>, vector<1x16xf32>,
        %get3A_335 = arith.index_cast %scan3A_258 : i32 to index
        %get3A_336 = arith.constant 64 : index
        %get3A_337 = tpu.vector_load %arg10[%get3A_335, %get3A_336] {strides = array<i32>} : memref<128x128xf32, #tpu.memory_space<vmem>>, vector<1x16xf32>,
        %get3A_338 = vector.shape_cast %get3A_337 : vector<1x16xf32> to vector<16xf32>
        %get3A_339 = arith.index_cast %scan3A_258 : i32 to index
        %get3A_340 = arith.constant 64 : index
        %get3A_341 = tpu.vector_load %arg11[%get3A_339, %get3A_340] {strides = array<i32>} : memref<128x128xf32, #tpu.memory_space<vmem>>, vector<1x16xf32>,
        %get3A_342 = vector.shape_cast %get3A_341 : vector<1x16xf32> to vector<16xf32>
        %add3A_343 = arith.addf %get3A_338, %get3A_342 : vector<16xf32>
        %get3A_344 = arith.index_cast %scan3A_258 : i32 to index
        %get3A_345 = arith.constant 64 : index
        %get3A_346 = tpu.vector_load %arg12[%get3A_344, %get3A_345] {strides = array<i32>} : memref<128x128xf32, #tpu.memory_space<vmem>>, vector<1x16xf32>,
        %get3A_347 = vector.shape_cast %get3A_346 : vector<1x16xf32> to vector<16xf32>
        %add3A_348 = arith.addf %add3A_343, %get3A_347 : vector<16xf32>
        %swap3A_349 = arith.index_cast %scan3A_258 : i32 to index
        %swap3A_350 = arith.constant 64 : index
        %swap3A_351 = tpu.vector_load %arg10[%swap3A_349, %swap3A_350] {strides = array<i32>} : memref<128x128xf32, #tpu.memory_space<vmem>>, vector<1x16xf32>,
        %swap3A_352 = vector.shape_cast %swap3A_351 : vector<1x16xf32> to vector<16xf32>
        %swap3A_353 = vector.shape_cast %add3A_348 : vector<16xf32> to vector<1x16xf32>
        tpu.vector_store %arg10[%swap3A_349, %swap3A_350], %swap3A_353 {strides = array<i32>} : memref<128x128xf32, #tpu.memory_space<vmem>>, vector<1x16xf32>,
        %get3A_354 = arith.index_cast %scan3A_258 : i32 to index
        %get3A_355 = arith.constant 80 : index
        %get3A_356 = tpu.vector_load %arg10[%get3A_354, %get3A_355] {strides = array<i32>} : memref<128x128xf32, #tpu.memory_space<vmem>>, vector<1x16xf32>,
        %get3A_357 = vector.shape_cast %get3A_356 : vector<1x16xf32> to vector<16xf32>
        %get3A_358 = arith.index_cast %scan3A_258 : i32 to index
        %get3A_359 = arith.constant 80 : index
        %get3A_360 = tpu.vector_load %arg11[%get3A_358, %get3A_359] {strides = array<i32>} : memref<128x128xf32, #tpu.memory_space<vmem>>, vector<1x16xf32>,
        %get3A_361 = vector.shape_cast %get3A_360 : vector<1x16xf32> to vector<16xf32>
        %add3A_362 = arith.addf %get3A_357, %get3A_361 : vector<16xf32>
        %get3A_363 = arith.index_cast %scan3A_258 : i32 to index
        %get3A_364 = arith.constant 80 : index
        %get3A_365 = tpu.vector_load %arg12[%get3A_363, %get3A_364] {strides = array<i32>} : memref<128x128xf32, #tpu.memory_space<vmem>>, vector<1x16xf32>,
        %get3A_366 = vector.shape_cast %get3A_365 : vector<1x16xf32> to vector<16xf32>
        %add3A_367 = arith.addf %add3A_362, %get3A_366 : vector<16xf32>
        %swap3A_368 = arith.index_cast %scan3A_258 : i32 to index
        %swap3A_369 = arith.constant 80 : index
        %swap3A_370 = tpu.vector_load %arg10[%swap3A_368, %swap3A_369] {strides = array<i32>} : memref<128x128xf32, #tpu.memory_space<vmem>>, vector<1x16xf32>,
        %swap3A_371 = vector.shape_cast %swap3A_370 : vector<1x16xf32> to vector<16xf32>
        %swap3A_372 = vector.shape_cast %add3A_367 : vector<16xf32> to vector<1x16xf32>
        tpu.vector_store %arg10[%swap3A_368, %swap3A_369], %swap3A_372 {strides = array<i32>} : memref<128x128xf32, #tpu.memory_space<vmem>>, vector<1x16xf32>,
        %get3A_373 = arith.index_cast %scan3A_258 : i32 to index
        %get3A_374 = arith.constant 96 : index
        %get3A_375 = tpu.vector_load %arg10[%get3A_373, %get3A_374] {strides = array<i32>} : memref<128x128xf32, #tpu.memory_space<vmem>>, vector<1x16xf32>,
        %get3A_376 = vector.shape_cast %get3A_375 : vector<1x16xf32> to vector<16xf32>
        %get3A_377 = arith.index_cast %scan3A_258 : i32 to index
        %get3A_378 = arith.constant 96 : index
        %get3A_379 = tpu.vector_load %arg11[%get3A_377, %get3A_378] {strides = array<i32>} : memref<128x128xf32, #tpu.memory_space<vmem>>, vector<1x16xf32>,
        %get3A_380 = vector.shape_cast %get3A_379 : vector<1x16xf32> to vector<16xf32>
        %add3A_381 = arith.addf %get3A_376, %get3A_380 : vector<16xf32>
        %get3A_382 = arith.index_cast %scan3A_258 : i32 to index
        %get3A_383 = arith.constant 96 : index
        %get3A_384 = tpu.vector_load %arg12[%get3A_382, %get3A_383] {strides = array<i32>} : memref<128x128xf32, #tpu.memory_space<vmem>>, vector<1x16xf32>,
        %get3A_385 = vector.shape_cast %get3A_384 : vector<1x16xf32> to vector<16xf32>
        %add3A_386 = arith.addf %add3A_381, %get3A_385 : vector<16xf32>
        %swap3A_387 = arith.index_cast %scan3A_258 : i32 to index
        %swap3A_388 = arith.constant 96 : index
        %swap3A_389 = tpu.vector_load %arg10[%swap3A_387, %swap3A_388] {strides = array<i32>} : memref<128x128xf32, #tpu.memory_space<vmem>>, vector<1x16xf32>,
        %swap3A_390 = vector.shape_cast %swap3A_389 : vector<1x16xf32> to vector<16xf32>
        %swap3A_391 = vector.shape_cast %add3A_386 : vector<16xf32> to vector<1x16xf32>
        tpu.vector_store %arg10[%swap3A_387, %swap3A_388], %swap3A_391 {strides = array<i32>} : memref<128x128xf32, #tpu.memory_space<vmem>>, vector<1x16xf32>,
        %get3A_392 = arith.index_cast %scan3A_258 : i32 to index
        %get3A_393 = arith.constant 112 : index
        %get3A_394 = tpu.vector_load %arg10[%get3A_392, %get3A_393] {strides = array<i32>} : memref<128x128xf32, #tpu.memory_space<vmem>>, vector<1x16xf32>,
        %get3A_395 = vector.shape_cast %get3A_394 : vector<1x16xf32> to vector<16xf32>
        %get3A_396 = arith.index_cast %scan3A_258 : i32 to index
        %get3A_397 = arith.constant 112 : index
        %get3A_398 = tpu.vector_load %arg11[%get3A_396, %get3A_397] {strides = array<i32>} : memref<128x128xf32, #tpu.memory_space<vmem>>, vector<1x16xf32>,
        %get3A_399 = vector.shape_cast %get3A_398 : vector<1x16xf32> to vector<16xf32>
        %add3A_400 = arith.addf %get3A_395, %get3A_399 : vector<16xf32>
        %get3A_401 = arith.index_cast %scan3A_258 : i32 to index
        %get3A_402 = arith.constant 112 : index
        %get3A_403 = tpu.vector_load %arg12[%get3A_401, %get3A_402] {strides = array<i32>} : memref<128x128xf32, #tpu.memory_space<vmem>>, vector<1x16xf32>,
        %get3A_404 = vector.shape_cast %get3A_403 : vector<1x16xf32> to vector<16xf32>
        %add3A_405 = arith.addf %add3A_400, %get3A_404 : vector<16xf32>
        %swap3A_406 = arith.index_cast %scan3A_258 : i32 to index
        %swap3A_407 = arith.constant 112 : index
        %swap3A_408 = tpu.vector_load %arg10[%swap3A_406, %swap3A_407] {strides = array<i32>} : memref<128x128xf32, #tpu.memory_space<vmem>>, vector<1x16xf32>,
        %swap3A_409 = vector.shape_cast %swap3A_408 : vector<1x16xf32> to vector<16xf32>
        %swap3A_410 = vector.shape_cast %add3A_405 : vector<16xf32> to vector<1x16xf32>
        tpu.vector_store %arg10[%swap3A_406, %swap3A_407], %swap3A_410 {strides = array<i32>} : memref<128x128xf32, #tpu.memory_space<vmem>>, vector<1x16xf32>,
      }
      %scan3A_65 = arith.constant 128 : i32
      %add3A_66 = arith.constant 5376 : i32
      %add3A_67 = arith.addi %mul3A_2, %add3A_66 : i32
      "tpu.region"() ({
        %run_scoped3A = tpu.sem_alloc : memref<!tpu.dma_semaphore, #tpu.memory_space<semaphore_mem>>
        %dma_start3A_106 = arith.constant 0 : i32
        %dma_start3A_107 = tpu.memref_slice %arg6[%add3A_67, %dma_start3A_106] : memref<200000x128xf32, #tpu.memory_space<hbm>> -> memref<128x128xf32, #tpu.memory_space<hbm>>
        %dma_start3A_108 = arith.constant 0 : i32
        %dma_start3A_109 = tpu.memref_slice %arg6[%add3A_67, %dma_start3A_108] : memref<200000x128xf32, #tpu.memory_space<hbm>> -> memref<128x128xf32, #tpu.memory_space<hbm>>
        tpu.enqueue_dma source(%arg10 : memref<128x128xf32, #tpu.memory_space<vmem>>) target(%dma_start3A_109 : memref<128x128xf32, #tpu.memory_space<hbm>>) target_semaphore(%run_scoped3A : memref<!tpu.dma_semaphore, #tpu.memory_space<semaphore_mem>>)
        %dma_wait3A_110 = arith.constant 0 : i32
        %dma_wait3A_111 = tpu.memref_slice %arg6[%add3A_67, %dma_wait3A_110] : memref<200000x128xf32, #tpu.memory_space<hbm>> -> memref<128x128xf32, #tpu.memory_space<hbm>>
        %dma_wait3A_112 = arith.constant 0 : i32
        %dma_wait3A_113 = tpu.memref_slice %arg6[%add3A_67, %dma_wait3A_112] : memref<200000x128xf32, #tpu.memory_space<hbm>> -> memref<128x128xf32, #tpu.memory_space<hbm>>
        tpu.wait_dma2 semaphore(%run_scoped3A : memref<!tpu.dma_semaphore, #tpu.memory_space<semaphore_mem>>) src(%arg10 : memref<128x128xf32, #tpu.memory_space<vmem>>) dst(%dma_wait3A_113 : memref<128x128xf32, #tpu.memory_space<hbm>>)
        tpu.yield
      }) : () -> ()
      %dma_start3A_68 = arith.constant 5504 : i32
      %dma_start3A_69 = tpu.memref_slice %arg7[%dma_start3A_68] : memref<6272xi32, #tpu.memory_space<vmem>> -> memref<128xi32, #tpu.memory_space<vmem>>
      %dma_start3A_70 = arith.constant 0 : i32
      %dma_start3A_71 = arith.constant 0 : i32
      %dma_start3A_72 = tpu.memref_slice %arg2[%dma_start3A_70, %dma_start3A_71] : memref<20000x128xf32, #tpu.memory_space<hbm>> -> memref<20000x128xf32, #tpu.memory_space<hbm>>
      tpu.enqueue_indirect_dma source(%dma_start3A_72 : memref<20000x128xf32, #tpu.memory_space<hbm>>) target(%arg13 : memref<128x128xf32, #tpu.memory_space<vmem>>) offsets(%dma_start3A_69 : memref<128xi32, #tpu.memory_space<vmem>>) semaphore(%arg17 : memref<!tpu.dma_semaphore, #tpu.memory_space<semaphore_mem>>)
      %dma_start3A_73 = arith.constant 5504 : i32
      %dma_start3A_74 = tpu.memref_slice %arg8[%dma_start3A_73] : memref<6272xi32, #tpu.memory_space<vmem>> -> memref<128xi32, #tpu.memory_space<vmem>>
      %dma_start3A_75 = arith.constant 0 : i32
      %dma_start3A_76 = arith.constant 0 : i32
      %dma_start3A_77 = tpu.memref_slice %arg3[%dma_start3A_75, %dma_start3A_76] : memref<20000x128xf32, #tpu.memory_space<hbm>> -> memref<20000x128xf32, #tpu.memory_space<hbm>>
      tpu.enqueue_indirect_dma source(%dma_start3A_77 : memref<20000x128xf32, #tpu.memory_space<hbm>>) target(%arg14 : memref<128x128xf32, #tpu.memory_space<vmem>>) offsets(%dma_start3A_74 : memref<128xi32, #tpu.memory_space<vmem>>) semaphore(%arg17 : memref<!tpu.dma_semaphore, #tpu.memory_space<semaphore_mem>>)
      %dma_start3A_78 = arith.constant 5504 : i32
      %dma_start3A_79 = tpu.memref_slice %arg9[%dma_start3A_78] : memref<6272xi32, #tpu.memory_space<vmem>> -> memref<128xi32, #tpu.memory_space<vmem>>
      %dma_start3A_80 = arith.constant 0 : i32
      %dma_start3A_81 = arith.constant 0 : i32
      %dma_start3A_82 = tpu.memref_slice %arg4[%dma_start3A_80, %dma_start3A_81] : memref<20000x128xf32, #tpu.memory_space<hbm>> -> memref<20000x128xf32, #tpu.memory_space<hbm>>
      tpu.enqueue_indirect_dma source(%dma_start3A_82 : memref<20000x128xf32, #tpu.memory_space<hbm>>) target(%arg15 : memref<128x128xf32, #tpu.memory_space<vmem>>) offsets(%dma_start3A_79 : memref<128xi32, #tpu.memory_space<vmem>>) semaphore(%arg17 : memref<!tpu.dma_semaphore, #tpu.memory_space<semaphore_mem>>)
      %dma_wait3A_83 = arith.constant 0 : i32
      %dma_wait3A_84 = tpu.memref_slice %arg7[%dma_wait3A_83] : memref<6272xi32, #tpu.memory_space<vmem>> -> memref<128xi32, #tpu.memory_space<vmem>>
      %dma_wait3A_85 = arith.constant 0 : i32
      %dma_wait3A_86 = arith.constant 0 : i32
      %dma_wait3A_87 = tpu.memref_slice %arg2[%dma_wait3A_85, %dma_wait3A_86] : memref<20000x128xf32, #tpu.memory_space<hbm>> -> memref<20000x128xf32, #tpu.memory_space<hbm>>
      tpu.wait_indirect_dma semaphore(%arg17 : memref<!tpu.dma_semaphore, #tpu.memory_space<semaphore_mem>>) src(%dma_wait3A_87 : memref<20000x128xf32, #tpu.memory_space<hbm>>) dst(%arg13 : memref<128x128xf32, #tpu.memory_space<vmem>>)
      %dma_wait3A_88 = arith.constant 0 : i32
      %dma_wait3A_89 = tpu.memref_slice %arg7[%dma_wait3A_88] : memref<6272xi32, #tpu.memory_space<vmem>> -> memref<128xi32, #tpu.memory_space<vmem>>
      %dma_wait3A_90 = arith.constant 0 : i32
      %dma_wait3A_91 = arith.constant 0 : i32
      %dma_wait3A_92 = tpu.memref_slice %arg2[%dma_wait3A_90, %dma_wait3A_91] : memref<20000x128xf32, #tpu.memory_space<hbm>> -> memref<20000x128xf32, #tpu.memory_space<hbm>>
      tpu.wait_indirect_dma semaphore(%arg17 : memref<!tpu.dma_semaphore, #tpu.memory_space<semaphore_mem>>) src(%dma_wait3A_92 : memref<20000x128xf32, #tpu.memory_space<hbm>>) dst(%arg14 : memref<128x128xf32, #tpu.memory_space<vmem>>)
      %dma_wait3A_93 = arith.constant 0 : i32
      %dma_wait3A_94 = tpu.memref_slice %arg7[%dma_wait3A_93] : memref<6272xi32, #tpu.memory_space<vmem>> -> memref<128xi32, #tpu.memory_space<vmem>>
      %dma_wait3A_95 = arith.constant 0 : i32
      %dma_wait3A_96 = arith.constant 0 : i32
      %dma_wait3A_97 = tpu.memref_slice %arg2[%dma_wait3A_95, %dma_wait3A_96] : memref<20000x128xf32, #tpu.memory_space<hbm>> -> memref<20000x128xf32, #tpu.memory_space<hbm>>
      tpu.wait_indirect_dma semaphore(%arg17 : memref<!tpu.dma_semaphore, #tpu.memory_space<semaphore_mem>>) src(%dma_wait3A_97 : memref<20000x128xf32, #tpu.memory_space<hbm>>) dst(%arg15 : memref<128x128xf32, #tpu.memory_space<vmem>>)
      %scan3A_98 = arith.constant 0 : i32
      %scan3A_99 = arith.constant 0 : i32
      %scan3A_100 = arith.constant 64 : i32
      %scan3A_101 = arith.addi %scan3A_99, %scan3A_100 : i32
      %scan3A_102 = arith.constant 2 : i32
      scf.for %scan3A_106 = %scan3A_99 to %scan3A_101 step %scan3A_102  : i32 {
        %get3A = arith.index_cast %scan3A_106 : i32 to index
        %get3A_107 = arith.constant 0 : index
        %get3A_108 = tpu.vector_load %arg13[%get3A, %get3A_107] {strides = array<i32>} : memref<128x128xf32, #tpu.memory_space<vmem>>, vector<1x16xf32>,
        %get3A_109 = vector.shape_cast %get3A_108 : vector<1x16xf32> to vector<16xf32>
        %get3A_110 = arith.index_cast %scan3A_106 : i32 to index
        %get3A_111 = arith.constant 0 : index
        %get3A_112 = tpu.vector_load %arg14[%get3A_110, %get3A_111] {strides = array<i32>} : memref<128x128xf32, #tpu.memory_space<vmem>>, vector<1x16xf32>,
        %get3A_113 = vector.shape_cast %get3A_112 : vector<1x16xf32> to vector<16xf32>
        %add3A_114 = arith.addf %get3A_109, %get3A_113 : vector<16xf32>
        %get3A_115 = arith.index_cast %scan3A_106 : i32 to index
        %get3A_116 = arith.constant 0 : index
        %get3A_117 = tpu.vector_load %arg15[%get3A_115, %get3A_116] {strides = array<i32>} : memref<128x128xf32, #tpu.memory_space<vmem>>, vector<1x16xf32>,
        %get3A_118 = vector.shape_cast %get3A_117 : vector<1x16xf32> to vector<16xf32>
        %add3A_119 = arith.addf %add3A_114, %get3A_118 : vector<16xf32>
        %swap3A = arith.index_cast %scan3A_106 : i32 to index
        %swap3A_120 = arith.constant 0 : index
        %swap3A_121 = tpu.vector_load %arg13[%swap3A, %swap3A_120] {strides = array<i32>} : memref<128x128xf32, #tpu.memory_space<vmem>>, vector<1x16xf32>,
        %swap3A_122 = vector.shape_cast %swap3A_121 : vector<1x16xf32> to vector<16xf32>
        %swap3A_123 = vector.shape_cast %add3A_119 : vector<16xf32> to vector<1x16xf32>
        tpu.vector_store %arg13[%swap3A, %swap3A_120], %swap3A_123 {strides = array<i32>} : memref<128x128xf32, #tpu.memory_space<vmem>>, vector<1x16xf32>,
        %get3A_124 = arith.index_cast %scan3A_106 : i32 to index
        %get3A_125 = arith.constant 16 : index
        %get3A_126 = tpu.vector_load %arg13[%get3A_124, %get3A_125] {strides = array<i32>} : memref<128x128xf32, #tpu.memory_space<vmem>>, vector<1x16xf32>,
        %get3A_127 = vector.shape_cast %get3A_126 : vector<1x16xf32> to vector<16xf32>
        %get3A_128 = arith.index_cast %scan3A_106 : i32 to index
        %get3A_129 = arith.constant 16 : index
        %get3A_130 = tpu.vector_load %arg14[%get3A_128, %get3A_129] {strides = array<i32>} : memref<128x128xf32, #tpu.memory_space<vmem>>, vector<1x16xf32>,
        %get3A_131 = vector.shape_cast %get3A_130 : vector<1x16xf32> to vector<16xf32>
        %add3A_132 = arith.addf %get3A_127, %get3A_131 : vector<16xf32>
        %get3A_133 = arith.index_cast %scan3A_106 : i32 to index
        %get3A_134 = arith.constant 16 : index
        %get3A_135 = tpu.vector_load %arg15[%get3A_133, %get3A_134] {strides = array<i32>} : memref<128x128xf32, #tpu.memory_space<vmem>>, vector<1x16xf32>,
        %get3A_136 = vector.shape_cast %get3A_135 : vector<1x16xf32> to vector<16xf32>
        %add3A_137 = arith.addf %add3A_132, %get3A_136 : vector<16xf32>
        %swap3A_138 = arith.index_cast %scan3A_106 : i32 to index
        %swap3A_139 = arith.constant 16 : index
        %swap3A_140 = tpu.vector_load %arg13[%swap3A_138, %swap3A_139] {strides = array<i32>} : memref<128x128xf32, #tpu.memory_space<vmem>>, vector<1x16xf32>,
        %swap3A_141 = vector.shape_cast %swap3A_140 : vector<1x16xf32> to vector<16xf32>
        %swap3A_142 = vector.shape_cast %add3A_137 : vector<16xf32> to vector<1x16xf32>
        tpu.vector_store %arg13[%swap3A_138, %swap3A_139], %swap3A_142 {strides = array<i32>} : memref<128x128xf32, #tpu.memory_space<vmem>>, vector<1x16xf32>,
        %get3A_143 = arith.index_cast %scan3A_106 : i32 to index
        %get3A_144 = arith.constant 32 : index
        %get3A_145 = tpu.vector_load %arg13[%get3A_143, %get3A_144] {strides = array<i32>} : memref<128x128xf32, #tpu.memory_space<vmem>>, vector<1x16xf32>,
        %get3A_146 = vector.shape_cast %get3A_145 : vector<1x16xf32> to vector<16xf32>
        %get3A_147 = arith.index_cast %scan3A_106 : i32 to index
        %get3A_148 = arith.constant 32 : index
        %get3A_149 = tpu.vector_load %arg14[%get3A_147, %get3A_148] {strides = array<i32>} : memref<128x128xf32, #tpu.memory_space<vmem>>, vector<1x16xf32>,
        %get3A_150 = vector.shape_cast %get3A_149 : vector<1x16xf32> to vector<16xf32>
        %add3A_151 = arith.addf %get3A_146, %get3A_150 : vector<16xf32>
        %get3A_152 = arith.index_cast %scan3A_106 : i32 to index
        %get3A_153 = arith.constant 32 : index
        %get3A_154 = tpu.vector_load %arg15[%get3A_152, %get3A_153] {strides = array<i32>} : memref<128x128xf32, #tpu.memory_space<vmem>>, vector<1x16xf32>,
        %get3A_155 = vector.shape_cast %get3A_154 : vector<1x16xf32> to vector<16xf32>
        %add3A_156 = arith.addf %add3A_151, %get3A_155 : vector<16xf32>
        %swap3A_157 = arith.index_cast %scan3A_106 : i32 to index
        %swap3A_158 = arith.constant 32 : index
        %swap3A_159 = tpu.vector_load %arg13[%swap3A_157, %swap3A_158] {strides = array<i32>} : memref<128x128xf32, #tpu.memory_space<vmem>>, vector<1x16xf32>,
        %swap3A_160 = vector.shape_cast %swap3A_159 : vector<1x16xf32> to vector<16xf32>
        %swap3A_161 = vector.shape_cast %add3A_156 : vector<16xf32> to vector<1x16xf32>
        tpu.vector_store %arg13[%swap3A_157, %swap3A_158], %swap3A_161 {strides = array<i32>} : memref<128x128xf32, #tpu.memory_space<vmem>>, vector<1x16xf32>,
        %get3A_162 = arith.index_cast %scan3A_106 : i32 to index
        %get3A_163 = arith.constant 48 : index
        %get3A_164 = tpu.vector_load %arg13[%get3A_162, %get3A_163] {strides = array<i32>} : memref<128x128xf32, #tpu.memory_space<vmem>>, vector<1x16xf32>,
        %get3A_165 = vector.shape_cast %get3A_164 : vector<1x16xf32> to vector<16xf32>
        %get3A_166 = arith.index_cast %scan3A_106 : i32 to index
        %get3A_167 = arith.constant 48 : index
        %get3A_168 = tpu.vector_load %arg14[%get3A_166, %get3A_167] {strides = array<i32>} : memref<128x128xf32, #tpu.memory_space<vmem>>, vector<1x16xf32>,
        %get3A_169 = vector.shape_cast %get3A_168 : vector<1x16xf32> to vector<16xf32>
        %add3A_170 = arith.addf %get3A_165, %get3A_169 : vector<16xf32>
        %get3A_171 = arith.index_cast %scan3A_106 : i32 to index
        %get3A_172 = arith.constant 48 : index
        %get3A_173 = tpu.vector_load %arg15[%get3A_171, %get3A_172] {strides = array<i32>} : memref<128x128xf32, #tpu.memory_space<vmem>>, vector<1x16xf32>,
        %get3A_174 = vector.shape_cast %get3A_173 : vector<1x16xf32> to vector<16xf32>
        %add3A_175 = arith.addf %add3A_170, %get3A_174 : vector<16xf32>
        %swap3A_176 = arith.index_cast %scan3A_106 : i32 to index
        %swap3A_177 = arith.constant 48 : index
        %swap3A_178 = tpu.vector_load %arg13[%swap3A_176, %swap3A_177] {strides = array<i32>} : memref<128x128xf32, #tpu.memory_space<vmem>>, vector<1x16xf32>,
        %swap3A_179 = vector.shape_cast %swap3A_178 : vector<1x16xf32> to vector<16xf32>
        %swap3A_180 = vector.shape_cast %add3A_175 : vector<16xf32> to vector<1x16xf32>
        tpu.vector_store %arg13[%swap3A_176, %swap3A_177], %swap3A_180 {strides = array<i32>} : memref<128x128xf32, #tpu.memory_space<vmem>>, vector<1x16xf32>,
        %get3A_181 = arith.index_cast %scan3A_106 : i32 to index
        %get3A_182 = arith.constant 64 : index
        %get3A_183 = tpu.vector_load %arg13[%get3A_181, %get3A_182] {strides = array<i32>} : memref<128x128xf32, #tpu.memory_space<vmem>>, vector<1x16xf32>,
        %get3A_184 = vector.shape_cast %get3A_183 : vector<1x16xf32> to vector<16xf32>
        %get3A_185 = arith.index_cast %scan3A_106 : i32 to index
        %get3A_186 = arith.constant 64 : index
        %get3A_187 = tpu.vector_load %arg14[%get3A_185, %get3A_186] {strides = array<i32>} : memref<128x128xf32, #tpu.memory_space<vmem>>, vector<1x16xf32>,
        %get3A_188 = vector.shape_cast %get3A_187 : vector<1x16xf32> to vector<16xf32>
        %add3A_189 = arith.addf %get3A_184, %get3A_188 : vector<16xf32>
        %get3A_190 = arith.index_cast %scan3A_106 : i32 to index
        %get3A_191 = arith.constant 64 : index
        %get3A_192 = tpu.vector_load %arg15[%get3A_190, %get3A_191] {strides = array<i32>} : memref<128x128xf32, #tpu.memory_space<vmem>>, vector<1x16xf32>,
        %get3A_193 = vector.shape_cast %get3A_192 : vector<1x16xf32> to vector<16xf32>
        %add3A_194 = arith.addf %add3A_189, %get3A_193 : vector<16xf32>
        %swap3A_195 = arith.index_cast %scan3A_106 : i32 to index
        %swap3A_196 = arith.constant 64 : index
        %swap3A_197 = tpu.vector_load %arg13[%swap3A_195, %swap3A_196] {strides = array<i32>} : memref<128x128xf32, #tpu.memory_space<vmem>>, vector<1x16xf32>,
        %swap3A_198 = vector.shape_cast %swap3A_197 : vector<1x16xf32> to vector<16xf32>
        %swap3A_199 = vector.shape_cast %add3A_194 : vector<16xf32> to vector<1x16xf32>
        tpu.vector_store %arg13[%swap3A_195, %swap3A_196], %swap3A_199 {strides = array<i32>} : memref<128x128xf32, #tpu.memory_space<vmem>>, vector<1x16xf32>,
        %get3A_200 = arith.index_cast %scan3A_106 : i32 to index
        %get3A_201 = arith.constant 80 : index
        %get3A_202 = tpu.vector_load %arg13[%get3A_200, %get3A_201] {strides = array<i32>} : memref<128x128xf32, #tpu.memory_space<vmem>>, vector<1x16xf32>,
        %get3A_203 = vector.shape_cast %get3A_202 : vector<1x16xf32> to vector<16xf32>
        %get3A_204 = arith.index_cast %scan3A_106 : i32 to index
        %get3A_205 = arith.constant 80 : index
        %get3A_206 = tpu.vector_load %arg14[%get3A_204, %get3A_205] {strides = array<i32>} : memref<128x128xf32, #tpu.memory_space<vmem>>, vector<1x16xf32>,
        %get3A_207 = vector.shape_cast %get3A_206 : vector<1x16xf32> to vector<16xf32>
        %add3A_208 = arith.addf %get3A_203, %get3A_207 : vector<16xf32>
        %get3A_209 = arith.index_cast %scan3A_106 : i32 to index
        %get3A_210 = arith.constant 80 : index
        %get3A_211 = tpu.vector_load %arg15[%get3A_209, %get3A_210] {strides = array<i32>} : memref<128x128xf32, #tpu.memory_space<vmem>>, vector<1x16xf32>,
        %get3A_212 = vector.shape_cast %get3A_211 : vector<1x16xf32> to vector<16xf32>
        %add3A_213 = arith.addf %add3A_208, %get3A_212 : vector<16xf32>
        %swap3A_214 = arith.index_cast %scan3A_106 : i32 to index
        %swap3A_215 = arith.constant 80 : index
        %swap3A_216 = tpu.vector_load %arg13[%swap3A_214, %swap3A_215] {strides = array<i32>} : memref<128x128xf32, #tpu.memory_space<vmem>>, vector<1x16xf32>,
        %swap3A_217 = vector.shape_cast %swap3A_216 : vector<1x16xf32> to vector<16xf32>
        %swap3A_218 = vector.shape_cast %add3A_213 : vector<16xf32> to vector<1x16xf32>
        tpu.vector_store %arg13[%swap3A_214, %swap3A_215], %swap3A_218 {strides = array<i32>} : memref<128x128xf32, #tpu.memory_space<vmem>>, vector<1x16xf32>,
        %get3A_219 = arith.index_cast %scan3A_106 : i32 to index
        %get3A_220 = arith.constant 96 : index
        %get3A_221 = tpu.vector_load %arg13[%get3A_219, %get3A_220] {strides = array<i32>} : memref<128x128xf32, #tpu.memory_space<vmem>>, vector<1x16xf32>,
        %get3A_222 = vector.shape_cast %get3A_221 : vector<1x16xf32> to vector<16xf32>
        %get3A_223 = arith.index_cast %scan3A_106 : i32 to index
        %get3A_224 = arith.constant 96 : index
        %get3A_225 = tpu.vector_load %arg14[%get3A_223, %get3A_224] {strides = array<i32>} : memref<128x128xf32, #tpu.memory_space<vmem>>, vector<1x16xf32>,
        %get3A_226 = vector.shape_cast %get3A_225 : vector<1x16xf32> to vector<16xf32>
        %add3A_227 = arith.addf %get3A_222, %get3A_226 : vector<16xf32>
        %get3A_228 = arith.index_cast %scan3A_106 : i32 to index
        %get3A_229 = arith.constant 96 : index
        %get3A_230 = tpu.vector_load %arg15[%get3A_228, %get3A_229] {strides = array<i32>} : memref<128x128xf32, #tpu.memory_space<vmem>>, vector<1x16xf32>,
        %get3A_231 = vector.shape_cast %get3A_230 : vector<1x16xf32> to vector<16xf32>
        %add3A_232 = arith.addf %add3A_227, %get3A_231 : vector<16xf32>
        %swap3A_233 = arith.index_cast %scan3A_106 : i32 to index
        %swap3A_234 = arith.constant 96 : index
        %swap3A_235 = tpu.vector_load %arg13[%swap3A_233, %swap3A_234] {strides = array<i32>} : memref<128x128xf32, #tpu.memory_space<vmem>>, vector<1x16xf32>,
        %swap3A_236 = vector.shape_cast %swap3A_235 : vector<1x16xf32> to vector<16xf32>
        %swap3A_237 = vector.shape_cast %add3A_232 : vector<16xf32> to vector<1x16xf32>
        tpu.vector_store %arg13[%swap3A_233, %swap3A_234], %swap3A_237 {strides = array<i32>} : memref<128x128xf32, #tpu.memory_space<vmem>>, vector<1x16xf32>,
        %get3A_238 = arith.index_cast %scan3A_106 : i32 to index
        %get3A_239 = arith.constant 112 : index
        %get3A_240 = tpu.vector_load %arg13[%get3A_238, %get3A_239] {strides = array<i32>} : memref<128x128xf32, #tpu.memory_space<vmem>>, vector<1x16xf32>,
        %get3A_241 = vector.shape_cast %get3A_240 : vector<1x16xf32> to vector<16xf32>
        %get3A_242 = arith.index_cast %scan3A_106 : i32 to index
        %get3A_243 = arith.constant 112 : index
        %get3A_244 = tpu.vector_load %arg14[%get3A_242, %get3A_243] {strides = array<i32>} : memref<128x128xf32, #tpu.memory_space<vmem>>, vector<1x16xf32>,
        %get3A_245 = vector.shape_cast %get3A_244 : vector<1x16xf32> to vector<16xf32>
        %add3A_246 = arith.addf %get3A_241, %get3A_245 : vector<16xf32>
        %get3A_247 = arith.index_cast %scan3A_106 : i32 to index
        %get3A_248 = arith.constant 112 : index
        %get3A_249 = tpu.vector_load %arg15[%get3A_247, %get3A_248] {strides = array<i32>} : memref<128x128xf32, #tpu.memory_space<vmem>>, vector<1x16xf32>,
        %get3A_250 = vector.shape_cast %get3A_249 : vector<1x16xf32> to vector<16xf32>
        %add3A_251 = arith.addf %add3A_246, %get3A_250 : vector<16xf32>
        %swap3A_252 = arith.index_cast %scan3A_106 : i32 to index
        %swap3A_253 = arith.constant 112 : index
        %swap3A_254 = tpu.vector_load %arg13[%swap3A_252, %swap3A_253] {strides = array<i32>} : memref<128x128xf32, #tpu.memory_space<vmem>>, vector<1x16xf32>,
        %swap3A_255 = vector.shape_cast %swap3A_254 : vector<1x16xf32> to vector<16xf32>
        %swap3A_256 = vector.shape_cast %add3A_251 : vector<16xf32> to vector<1x16xf32>
        tpu.vector_store %arg13[%swap3A_252, %swap3A_253], %swap3A_256 {strides = array<i32>} : memref<128x128xf32, #tpu.memory_space<vmem>>, vector<1x16xf32>,
        %scan3A_257 = arith.constant 1 : i32
        %scan3A_258 = arith.addi %scan3A_106, %scan3A_257 : i32
        %get3A_259 = arith.index_cast %scan3A_258 : i32 to index
        %get3A_260 = arith.constant 0 : index
        %get3A_261 = tpu.vector_load %arg13[%get3A_259, %get3A_260] {strides = array<i32>} : memref<128x128xf32, #tpu.memory_space<vmem>>, vector<1x16xf32>,
        %get3A_262 = vector.shape_cast %get3A_261 : vector<1x16xf32> to vector<16xf32>
        %get3A_263 = arith.index_cast %scan3A_258 : i32 to index
        %get3A_264 = arith.constant 0 : index
        %get3A_265 = tpu.vector_load %arg14[%get3A_263, %get3A_264] {strides = array<i32>} : memref<128x128xf32, #tpu.memory_space<vmem>>, vector<1x16xf32>,
        %get3A_266 = vector.shape_cast %get3A_265 : vector<1x16xf32> to vector<16xf32>
        %add3A_267 = arith.addf %get3A_262, %get3A_266 : vector<16xf32>
        %get3A_268 = arith.index_cast %scan3A_258 : i32 to index
        %get3A_269 = arith.constant 0 : index
        %get3A_270 = tpu.vector_load %arg15[%get3A_268, %get3A_269] {strides = array<i32>} : memref<128x128xf32, #tpu.memory_space<vmem>>, vector<1x16xf32>,
        %get3A_271 = vector.shape_cast %get3A_270 : vector<1x16xf32> to vector<16xf32>
        %add3A_272 = arith.addf %add3A_267, %get3A_271 : vector<16xf32>
        %swap3A_273 = arith.index_cast %scan3A_258 : i32 to index
        %swap3A_274 = arith.constant 0 : index
        %swap3A_275 = tpu.vector_load %arg13[%swap3A_273, %swap3A_274] {strides = array<i32>} : memref<128x128xf32, #tpu.memory_space<vmem>>, vector<1x16xf32>,
        %swap3A_276 = vector.shape_cast %swap3A_275 : vector<1x16xf32> to vector<16xf32>
        %swap3A_277 = vector.shape_cast %add3A_272 : vector<16xf32> to vector<1x16xf32>
        tpu.vector_store %arg13[%swap3A_273, %swap3A_274], %swap3A_277 {strides = array<i32>} : memref<128x128xf32, #tpu.memory_space<vmem>>, vector<1x16xf32>,
        %get3A_278 = arith.index_cast %scan3A_258 : i32 to index
        %get3A_279 = arith.constant 16 : index
        %get3A_280 = tpu.vector_load %arg13[%get3A_278, %get3A_279] {strides = array<i32>} : memref<128x128xf32, #tpu.memory_space<vmem>>, vector<1x16xf32>,
        %get3A_281 = vector.shape_cast %get3A_280 : vector<1x16xf32> to vector<16xf32>
        %get3A_282 = arith.index_cast %scan3A_258 : i32 to index
        %get3A_283 = arith.constant 16 : index
        %get3A_284 = tpu.vector_load %arg14[%get3A_282, %get3A_283] {strides = array<i32>} : memref<128x128xf32, #tpu.memory_space<vmem>>, vector<1x16xf32>,
        %get3A_285 = vector.shape_cast %get3A_284 : vector<1x16xf32> to vector<16xf32>
        %add3A_286 = arith.addf %get3A_281, %get3A_285 : vector<16xf32>
        %get3A_287 = arith.index_cast %scan3A_258 : i32 to index
        %get3A_288 = arith.constant 16 : index
        %get3A_289 = tpu.vector_load %arg15[%get3A_287, %get3A_288] {strides = array<i32>} : memref<128x128xf32, #tpu.memory_space<vmem>>, vector<1x16xf32>,
        %get3A_290 = vector.shape_cast %get3A_289 : vector<1x16xf32> to vector<16xf32>
        %add3A_291 = arith.addf %add3A_286, %get3A_290 : vector<16xf32>
        %swap3A_292 = arith.index_cast %scan3A_258 : i32 to index
        %swap3A_293 = arith.constant 16 : index
        %swap3A_294 = tpu.vector_load %arg13[%swap3A_292, %swap3A_293] {strides = array<i32>} : memref<128x128xf32, #tpu.memory_space<vmem>>, vector<1x16xf32>,
        %swap3A_295 = vector.shape_cast %swap3A_294 : vector<1x16xf32> to vector<16xf32>
        %swap3A_296 = vector.shape_cast %add3A_291 : vector<16xf32> to vector<1x16xf32>
        tpu.vector_store %arg13[%swap3A_292, %swap3A_293], %swap3A_296 {strides = array<i32>} : memref<128x128xf32, #tpu.memory_space<vmem>>, vector<1x16xf32>,
        %get3A_297 = arith.index_cast %scan3A_258 : i32 to index
        %get3A_298 = arith.constant 32 : index
        %get3A_299 = tpu.vector_load %arg13[%get3A_297, %get3A_298] {strides = array<i32>} : memref<128x128xf32, #tpu.memory_space<vmem>>, vector<1x16xf32>,
        %get3A_300 = vector.shape_cast %get3A_299 : vector<1x16xf32> to vector<16xf32>
        %get3A_301 = arith.index_cast %scan3A_258 : i32 to index
        %get3A_302 = arith.constant 32 : index
        %get3A_303 = tpu.vector_load %arg14[%get3A_301, %get3A_302] {strides = array<i32>} : memref<128x128xf32, #tpu.memory_space<vmem>>, vector<1x16xf32>,
        %get3A_304 = vector.shape_cast %get3A_303 : vector<1x16xf32> to vector<16xf32>
        %add3A_305 = arith.addf %get3A_300, %get3A_304 : vector<16xf32>
        %get3A_306 = arith.index_cast %scan3A_258 : i32 to index
        %get3A_307 = arith.constant 32 : index
        %get3A_308 = tpu.vector_load %arg15[%get3A_306, %get3A_307] {strides = array<i32>} : memref<128x128xf32, #tpu.memory_space<vmem>>, vector<1x16xf32>,
        %get3A_309 = vector.shape_cast %get3A_308 : vector<1x16xf32> to vector<16xf32>
        %add3A_310 = arith.addf %add3A_305, %get3A_309 : vector<16xf32>
        %swap3A_311 = arith.index_cast %scan3A_258 : i32 to index
        %swap3A_312 = arith.constant 32 : index
        %swap3A_313 = tpu.vector_load %arg13[%swap3A_311, %swap3A_312] {strides = array<i32>} : memref<128x128xf32, #tpu.memory_space<vmem>>, vector<1x16xf32>,
        %swap3A_314 = vector.shape_cast %swap3A_313 : vector<1x16xf32> to vector<16xf32>
        %swap3A_315 = vector.shape_cast %add3A_310 : vector<16xf32> to vector<1x16xf32>
        tpu.vector_store %arg13[%swap3A_311, %swap3A_312], %swap3A_315 {strides = array<i32>} : memref<128x128xf32, #tpu.memory_space<vmem>>, vector<1x16xf32>,
        %get3A_316 = arith.index_cast %scan3A_258 : i32 to index
        %get3A_317 = arith.constant 48 : index
        %get3A_318 = tpu.vector_load %arg13[%get3A_316, %get3A_317] {strides = array<i32>} : memref<128x128xf32, #tpu.memory_space<vmem>>, vector<1x16xf32>,
        %get3A_319 = vector.shape_cast %get3A_318 : vector<1x16xf32> to vector<16xf32>
        %get3A_320 = arith.index_cast %scan3A_258 : i32 to index
        %get3A_321 = arith.constant 48 : index
        %get3A_322 = tpu.vector_load %arg14[%get3A_320, %get3A_321] {strides = array<i32>} : memref<128x128xf32, #tpu.memory_space<vmem>>, vector<1x16xf32>,
        %get3A_323 = vector.shape_cast %get3A_322 : vector<1x16xf32> to vector<16xf32>
        %add3A_324 = arith.addf %get3A_319, %get3A_323 : vector<16xf32>
        %get3A_325 = arith.index_cast %scan3A_258 : i32 to index
        %get3A_326 = arith.constant 48 : index
        %get3A_327 = tpu.vector_load %arg15[%get3A_325, %get3A_326] {strides = array<i32>} : memref<128x128xf32, #tpu.memory_space<vmem>>, vector<1x16xf32>,
        %get3A_328 = vector.shape_cast %get3A_327 : vector<1x16xf32> to vector<16xf32>
        %add3A_329 = arith.addf %add3A_324, %get3A_328 : vector<16xf32>
        %swap3A_330 = arith.index_cast %scan3A_258 : i32 to index
        %swap3A_331 = arith.constant 48 : index
        %swap3A_332 = tpu.vector_load %arg13[%swap3A_330, %swap3A_331] {strides = array<i32>} : memref<128x128xf32, #tpu.memory_space<vmem>>, vector<1x16xf32>,
        %swap3A_333 = vector.shape_cast %swap3A_332 : vector<1x16xf32> to vector<16xf32>
        %swap3A_334 = vector.shape_cast %add3A_329 : vector<16xf32> to vector<1x16xf32>
        tpu.vector_store %arg13[%swap3A_330, %swap3A_331], %swap3A_334 {strides = array<i32>} : memref<128x128xf32, #tpu.memory_space<vmem>>, vector<1x16xf32>,
        %get3A_335 = arith.index_cast %scan3A_258 : i32 to index
        %get3A_336 = arith.constant 64 : index
        %get3A_337 = tpu.vector_load %arg13[%get3A_335, %get3A_336] {strides = array<i32>} : memref<128x128xf32, #tpu.memory_space<vmem>>, vector<1x16xf32>,
        %get3A_338 = vector.shape_cast %get3A_337 : vector<1x16xf32> to vector<16xf32>
        %get3A_339 = arith.index_cast %scan3A_258 : i32 to index
        %get3A_340 = arith.constant 64 : index
        %get3A_341 = tpu.vector_load %arg14[%get3A_339, %get3A_340] {strides = array<i32>} : memref<128x128xf32, #tpu.memory_space<vmem>>, vector<1x16xf32>,
        %get3A_342 = vector.shape_cast %get3A_341 : vector<1x16xf32> to vector<16xf32>
        %add3A_343 = arith.addf %get3A_338, %get3A_342 : vector<16xf32>
        %get3A_344 = arith.index_cast %scan3A_258 : i32 to index
        %get3A_345 = arith.constant 64 : index
        %get3A_346 = tpu.vector_load %arg15[%get3A_344, %get3A_345] {strides = array<i32>} : memref<128x128xf32, #tpu.memory_space<vmem>>, vector<1x16xf32>,
        %get3A_347 = vector.shape_cast %get3A_346 : vector<1x16xf32> to vector<16xf32>
        %add3A_348 = arith.addf %add3A_343, %get3A_347 : vector<16xf32>
        %swap3A_349 = arith.index_cast %scan3A_258 : i32 to index
        %swap3A_350 = arith.constant 64 : index
        %swap3A_351 = tpu.vector_load %arg13[%swap3A_349, %swap3A_350] {strides = array<i32>} : memref<128x128xf32, #tpu.memory_space<vmem>>, vector<1x16xf32>,
        %swap3A_352 = vector.shape_cast %swap3A_351 : vector<1x16xf32> to vector<16xf32>
        %swap3A_353 = vector.shape_cast %add3A_348 : vector<16xf32> to vector<1x16xf32>
        tpu.vector_store %arg13[%swap3A_349, %swap3A_350], %swap3A_353 {strides = array<i32>} : memref<128x128xf32, #tpu.memory_space<vmem>>, vector<1x16xf32>,
        %get3A_354 = arith.index_cast %scan3A_258 : i32 to index
        %get3A_355 = arith.constant 80 : index
        %get3A_356 = tpu.vector_load %arg13[%get3A_354, %get3A_355] {strides = array<i32>} : memref<128x128xf32, #tpu.memory_space<vmem>>, vector<1x16xf32>,
        %get3A_357 = vector.shape_cast %get3A_356 : vector<1x16xf32> to vector<16xf32>
        %get3A_358 = arith.index_cast %scan3A_258 : i32 to index
        %get3A_359 = arith.constant 80 : index
        %get3A_360 = tpu.vector_load %arg14[%get3A_358, %get3A_359] {strides = array<i32>} : memref<128x128xf32, #tpu.memory_space<vmem>>, vector<1x16xf32>,
        %get3A_361 = vector.shape_cast %get3A_360 : vector<1x16xf32> to vector<16xf32>
        %add3A_362 = arith.addf %get3A_357, %get3A_361 : vector<16xf32>
        %get3A_363 = arith.index_cast %scan3A_258 : i32 to index
        %get3A_364 = arith.constant 80 : index
        %get3A_365 = tpu.vector_load %arg15[%get3A_363, %get3A_364] {strides = array<i32>} : memref<128x128xf32, #tpu.memory_space<vmem>>, vector<1x16xf32>,
        %get3A_366 = vector.shape_cast %get3A_365 : vector<1x16xf32> to vector<16xf32>
        %add3A_367 = arith.addf %add3A_362, %get3A_366 : vector<16xf32>
        %swap3A_368 = arith.index_cast %scan3A_258 : i32 to index
        %swap3A_369 = arith.constant 80 : index
        %swap3A_370 = tpu.vector_load %arg13[%swap3A_368, %swap3A_369] {strides = array<i32>} : memref<128x128xf32, #tpu.memory_space<vmem>>, vector<1x16xf32>,
        %swap3A_371 = vector.shape_cast %swap3A_370 : vector<1x16xf32> to vector<16xf32>
        %swap3A_372 = vector.shape_cast %add3A_367 : vector<16xf32> to vector<1x16xf32>
        tpu.vector_store %arg13[%swap3A_368, %swap3A_369], %swap3A_372 {strides = array<i32>} : memref<128x128xf32, #tpu.memory_space<vmem>>, vector<1x16xf32>,
        %get3A_373 = arith.index_cast %scan3A_258 : i32 to index
        %get3A_374 = arith.constant 96 : index
        %get3A_375 = tpu.vector_load %arg13[%get3A_373, %get3A_374] {strides = array<i32>} : memref<128x128xf32, #tpu.memory_space<vmem>>, vector<1x16xf32>,
        %get3A_376 = vector.shape_cast %get3A_375 : vector<1x16xf32> to vector<16xf32>
        %get3A_377 = arith.index_cast %scan3A_258 : i32 to index
        %get3A_378 = arith.constant 96 : index
        %get3A_379 = tpu.vector_load %arg14[%get3A_377, %get3A_378] {strides = array<i32>} : memref<128x128xf32, #tpu.memory_space<vmem>>, vector<1x16xf32>,
        %get3A_380 = vector.shape_cast %get3A_379 : vector<1x16xf32> to vector<16xf32>
        %add3A_381 = arith.addf %get3A_376, %get3A_380 : vector<16xf32>
        %get3A_382 = arith.index_cast %scan3A_258 : i32 to index
        %get3A_383 = arith.constant 96 : index
        %get3A_384 = tpu.vector_load %arg15[%get3A_382, %get3A_383] {strides = array<i32>} : memref<128x128xf32, #tpu.memory_space<vmem>>, vector<1x16xf32>,
        %get3A_385 = vector.shape_cast %get3A_384 : vector<1x16xf32> to vector<16xf32>
        %add3A_386 = arith.addf %add3A_381, %get3A_385 : vector<16xf32>
        %swap3A_387 = arith.index_cast %scan3A_258 : i32 to index
        %swap3A_388 = arith.constant 96 : index
        %swap3A_389 = tpu.vector_load %arg13[%swap3A_387, %swap3A_388] {strides = array<i32>} : memref<128x128xf32, #tpu.memory_space<vmem>>, vector<1x16xf32>,
        %swap3A_390 = vector.shape_cast %swap3A_389 : vector<1x16xf32> to vector<16xf32>
        %swap3A_391 = vector.shape_cast %add3A_386 : vector<16xf32> to vector<1x16xf32>
        tpu.vector_store %arg13[%swap3A_387, %swap3A_388], %swap3A_391 {strides = array<i32>} : memref<128x128xf32, #tpu.memory_space<vmem>>, vector<1x16xf32>,
        %get3A_392 = arith.index_cast %scan3A_258 : i32 to index
        %get3A_393 = arith.constant 112 : index
        %get3A_394 = tpu.vector_load %arg13[%get3A_392, %get3A_393] {strides = array<i32>} : memref<128x128xf32, #tpu.memory_space<vmem>>, vector<1x16xf32>,
        %get3A_395 = vector.shape_cast %get3A_394 : vector<1x16xf32> to vector<16xf32>
        %get3A_396 = arith.index_cast %scan3A_258 : i32 to index
        %get3A_397 = arith.constant 112 : index
        %get3A_398 = tpu.vector_load %arg14[%get3A_396, %get3A_397] {strides = array<i32>} : memref<128x128xf32, #tpu.memory_space<vmem>>, vector<1x16xf32>,
        %get3A_399 = vector.shape_cast %get3A_398 : vector<1x16xf32> to vector<16xf32>
        %add3A_400 = arith.addf %get3A_395, %get3A_399 : vector<16xf32>
        %get3A_401 = arith.index_cast %scan3A_258 : i32 to index
        %get3A_402 = arith.constant 112 : index
        %get3A_403 = tpu.vector_load %arg15[%get3A_401, %get3A_402] {strides = array<i32>} : memref<128x128xf32, #tpu.memory_space<vmem>>, vector<1x16xf32>,
        %get3A_404 = vector.shape_cast %get3A_403 : vector<1x16xf32> to vector<16xf32>
        %add3A_405 = arith.addf %add3A_400, %get3A_404 : vector<16xf32>
        %swap3A_406 = arith.index_cast %scan3A_258 : i32 to index
        %swap3A_407 = arith.constant 112 : index
        %swap3A_408 = tpu.vector_load %arg13[%swap3A_406, %swap3A_407] {strides = array<i32>} : memref<128x128xf32, #tpu.memory_space<vmem>>, vector<1x16xf32>,
        %swap3A_409 = vector.shape_cast %swap3A_408 : vector<1x16xf32> to vector<16xf32>
        %swap3A_410 = vector.shape_cast %add3A_405 : vector<16xf32> to vector<1x16xf32>
        tpu.vector_store %arg13[%swap3A_406, %swap3A_407], %swap3A_410 {strides = array<i32>} : memref<128x128xf32, #tpu.memory_space<vmem>>, vector<1x16xf32>,
      }
      %scan3A_103 = arith.constant 64 : i32
      %add3A_104 = arith.constant 5504 : i32
      %add3A_105 = arith.addi %mul3A_2, %add3A_104 : i32
      "tpu.region"() ({
        %run_scoped3A = tpu.sem_alloc : memref<!tpu.dma_semaphore, #tpu.memory_space<semaphore_mem>>
        %dma_start3A_106 = arith.constant 0 : i32
        %dma_start3A_107 = arith.constant 0 : i32
        %dma_start3A_108 = tpu.memref_slice %arg13[%dma_start3A_106, %dma_start3A_107] : memref<128x128xf32, #tpu.memory_space<vmem>> -> memref<64x128xf32, #tpu.memory_space<vmem>>
        %dma_start3A_109 = arith.constant 0 : i32
        %dma_start3A_110 = tpu.memref_slice %arg6[%add3A_105, %dma_start3A_109] : memref<200000x128xf32, #tpu.memory_space<hbm>> -> memref<64x128xf32, #tpu.memory_space<hbm>>
        %dma_start3A_111 = arith.constant 0 : i32
        %dma_start3A_112 = tpu.memref_slice %arg6[%add3A_105, %dma_start3A_111] : memref<200000x128xf32, #tpu.memory_space<hbm>> -> memref<64x128xf32, #tpu.memory_space<hbm>>
        %dma_start3A_113 = arith.constant 0 : i32
        %dma_start3A_114 = arith.constant 0 : i32
        %dma_start3A_115 = tpu.memref_slice %arg13[%dma_start3A_113, %dma_start3A_114] : memref<128x128xf32, #tpu.memory_space<vmem>> -> memref<64x128xf32, #tpu.memory_space<vmem>>
        tpu.enqueue_dma source(%dma_start3A_115 : memref<64x128xf32, #tpu.memory_space<vmem>>) target(%dma_start3A_112 : memref<64x128xf32, #tpu.memory_space<hbm>>) target_semaphore(%run_scoped3A : memref<!tpu.dma_semaphore, #tpu.memory_space<semaphore_mem>>)
        %dma_wait3A_116 = arith.constant 0 : i32
        %dma_wait3A_117 = arith.constant 0 : i32
        %dma_wait3A_118 = tpu.memref_slice %arg13[%dma_wait3A_116, %dma_wait3A_117] : memref<128x128xf32, #tpu.memory_space<vmem>> -> memref<64x128xf32, #tpu.memory_space<vmem>>
        %dma_wait3A_119 = arith.constant 0 : i32
        %dma_wait3A_120 = tpu.memref_slice %arg6[%add3A_105, %dma_wait3A_119] : memref<200000x128xf32, #tpu.memory_space<hbm>> -> memref<64x128xf32, #tpu.memory_space<hbm>>
        %dma_wait3A_121 = arith.constant 0 : i32
        %dma_wait3A_122 = tpu.memref_slice %arg6[%add3A_105, %dma_wait3A_121] : memref<200000x128xf32, #tpu.memory_space<hbm>> -> memref<64x128xf32, #tpu.memory_space<hbm>>
        %dma_wait3A_123 = arith.constant 0 : i32
        %dma_wait3A_124 = arith.constant 0 : i32
        %dma_wait3A_125 = tpu.memref_slice %arg13[%dma_wait3A_123, %dma_wait3A_124] : memref<128x128xf32, #tpu.memory_space<vmem>> -> memref<64x128xf32, #tpu.memory_space<vmem>>
        tpu.wait_dma2 semaphore(%run_scoped3A : memref<!tpu.dma_semaphore, #tpu.memory_space<semaphore_mem>>) src(%dma_wait3A_125 : memref<64x128xf32, #tpu.memory_space<vmem>>) dst(%dma_wait3A_122 : memref<64x128xf32, #tpu.memory_space<hbm>>)
        tpu.yield
      }) : () -> ()
    } else {
    }
    return
  }
}

module attributes {stable_mosaic.version = 14 : i64} {
  func.func @_proj_body(%arg0: i32, %arg1: memref<2000x128xf32, #tpu.memory_space<vmem>>, %arg2: memref<128x384xf32, #tpu.memory_space<vmem>>, %arg3: memref<1x128xf32, #tpu.memory_space<vmem>>, %arg4: memref<3x2000x128xf32, #tpu.memory_space<vmem>>) attributes {dimension_semantics = [#tpu.dimension_semantics<arbitrary>], iteration_bounds = array<i64: 10>, scalar_prefetch = 0 : i64, scratch_operands = 0 : i64, tpu.core_type = #tpu.core_type<tc>, window_params = [{transform_indices = @transform_0, window_bounds = array<i64: 2000, 128>}, {pipeline_mode = #tpu.pipeline_mode<synchronous>, transform_indices = @transform_1, window_bounds = array<i64: 128, 384>}, {pipeline_mode = #tpu.pipeline_mode<synchronous>, transform_indices = @transform_2, window_bounds = array<i64: 1, 128>}, {transform_indices = @transform_3, window_bounds = array<i64: 3, 2000, 128>}]} {
    %get3A = arith.constant 0 : index
    %get3A_0 = arith.constant 0 : index
    %get3A_1 = vector.load %arg1[%get3A, %get3A_0] : memref<2000x128xf32, #tpu.memory_space<vmem>>, vector<2000x128xf32>
    %get3A_2 = arith.constant 0 : index
    %get3A_3 = arith.constant 0 : index
    %get3A_4 = vector.load %arg2[%get3A_2, %get3A_3] : memref<128x384xf32, #tpu.memory_space<vmem>>, vector<128x384xf32>
    %dot_general3A = arith.constant dense<0.000000e+00> : vector<2000x384xf32>
    %dot_general3A_5 = tpu.matmul %get3A_1, %get3A_4, %dot_general3A {dimension_numbers = #tpu.dot_dimension_numbers<[1], [0], [0], [1], [0, 0, 1, 1], [], []>, transpose_lhs_hint = false} : vector<2000x128xf32>, vector<128x384xf32>, vector<2000x384xf32> -> vector<2000x384xf32>
    %slice3A = vector.extract_strided_slice %dot_general3A_5 {offsets = [0, 0], sizes = [2000, 128], strides = [1, 1]} : vector<2000x384xf32> to vector<2000x128xf32>
    %get3A_6 = arith.constant 0 : index
    %get3A_7 = arith.constant 0 : index
    %get3A_8 = vector.load %arg3[%get3A_6, %get3A_7] : memref<1x128xf32, #tpu.memory_space<vmem>>, vector<1x128xf32>
    %add3A = vector.broadcast %get3A_8 : vector<1x128xf32> to vector<2000x128xf32>
    %add3A_9 = arith.addf %slice3A, %add3A : vector<2000x128xf32>
    %swap3A = arith.constant 0 : index
    %swap3A_10 = arith.constant 0 : index
    %swap3A_11 = arith.constant 0 : index
    %swap3A_12 = vector.load %arg4[%swap3A, %swap3A_10, %swap3A_11] : memref<3x2000x128xf32, #tpu.memory_space<vmem>>, vector<1x2000x128xf32>
    %swap3A_13 = vector.shape_cast %swap3A_12 : vector<1x2000x128xf32> to vector<2000x128xf32>
    %swap3A_14 = vector.shape_cast %add3A_9 : vector<2000x128xf32> to vector<1x2000x128xf32>
    tpu.vector_store %arg4[%swap3A, %swap3A_10, %swap3A_11], %swap3A_14 {strides = array<i32>} : memref<3x2000x128xf32, #tpu.memory_space<vmem>>, vector<1x2000x128xf32>,
    %slice3A_15 = vector.extract_strided_slice %dot_general3A_5 {offsets = [0, 128], sizes = [2000, 128], strides = [1, 1]} : vector<2000x384xf32> to vector<2000x128xf32>
    %swap3A_16 = arith.constant 1 : index
    %swap3A_17 = arith.constant 0 : index
    %swap3A_18 = arith.constant 0 : index
    %swap3A_19 = vector.load %arg4[%swap3A_16, %swap3A_17, %swap3A_18] : memref<3x2000x128xf32, #tpu.memory_space<vmem>>, vector<1x2000x128xf32>
    %swap3A_20 = vector.shape_cast %swap3A_19 : vector<1x2000x128xf32> to vector<2000x128xf32>
    %swap3A_21 = vector.shape_cast %slice3A_15 : vector<2000x128xf32> to vector<1x2000x128xf32>
    tpu.vector_store %arg4[%swap3A_16, %swap3A_17, %swap3A_18], %swap3A_21 {strides = array<i32>} : memref<3x2000x128xf32, #tpu.memory_space<vmem>>, vector<1x2000x128xf32>,
    %slice3A_22 = vector.extract_strided_slice %dot_general3A_5 {offsets = [0, 256], sizes = [2000, 128], strides = [1, 1]} : vector<2000x384xf32> to vector<2000x128xf32>
    %swap3A_23 = arith.constant 2 : index
    %swap3A_24 = arith.constant 0 : index
    %swap3A_25 = arith.constant 0 : index
    %swap3A_26 = vector.load %arg4[%swap3A_23, %swap3A_24, %swap3A_25] : memref<3x2000x128xf32, #tpu.memory_space<vmem>>, vector<1x2000x128xf32>
    %swap3A_27 = vector.shape_cast %swap3A_26 : vector<1x2000x128xf32> to vector<2000x128xf32>
    %swap3A_28 = vector.shape_cast %slice3A_22 : vector<2000x128xf32> to vector<1x2000x128xf32>
    tpu.vector_store %arg4[%swap3A_23, %swap3A_24, %swap3A_25], %swap3A_28 {strides = array<i32>} : memref<3x2000x128xf32, #tpu.memory_space<vmem>>, vector<1x2000x128xf32>,
    return
  }
  func.func @transform_0(%arg0: i32) -> (i32, i32) {
    %c0_i32 = arith.constant 0 : i32
    %c0_i32_0 = arith.constant 0 : i32
    return %arg0, %c0_i32 : i32, i32
  }
  func.func @transform_1(%arg0: i32) -> (i32, i32) {
    %c0_i32 = arith.constant 0 : i32
    %c0_i32_0 = arith.constant 0 : i32
    %c0_i32_1 = arith.constant 0 : i32
    return %c0_i32, %c0_i32_0 : i32, i32
  }
  func.func @transform_2(%arg0: i32) -> (i32, i32) {
    %c0_i32 = arith.constant 0 : i32
    %c0_i32_0 = arith.constant 0 : i32
    %c0_i32_1 = arith.constant 0 : i32
    return %c0_i32, %c0_i32_0 : i32, i32
  }
  func.func @transform_3(%arg0: i32) -> (i32, i32, i32) {
    %c0_i32 = arith.constant 0 : i32
    %c0_i32_0 = arith.constant 0 : i32
    %c0_i32_1 = arith.constant 0 : i32
    return %c0_i32, %arg0, %c0_i32_0 : i32, i32, i32
  }
}

</mosaic_0001>

<sc_bundles>
// kernel: kernel.4.cloned.1.call-start
scs
__scs_entry_jumppad:
0x0: {  	(pc) =	sbr.rel $0x88, $3  }
0x1: {  	(tag) =	ssettag $0x0;
	lr =	simm.s32 $0x1  }
0x2: {  	[smem:$0x3F9D] =	sst lr;
	_ =	strace $0xD0000000  }
0x3: {  	_ = 	snop  }
0x4: {  	_ = 	snop  }
0x5: {  	_ = 	snop  }
0x6: {  	_ = 	snop  }
0x7: {  	_ = 	snop  }
__scs_overlays_trampoline_lowered:
0x8: {  	[smem:$0x3FAC] =	sst s0  }
0x9: {  	[smem:$0x3FAD] =	sst s1  }
0xa: {  	[smem:$0x3FAE] =	sst s2  }
0xb: {  	[smem:$0x3FAF] =	sst s3  }
0xc: {  	[smem:$0x3FB0] =	sst s4  }
0xd: {  	[smem:$0x3FB1] =	sst s5  }
0xe: {  	[smem:$0x3FB2] =	sst s6  }
0xf: {  	[smem:$0x3FB3] =	sst s7  }
0x10: {  	[smem:$0x3FB4] =	sst s8  }
0x11: {  	[smem:$0x3FB5] =	sst s9;
	s0 =	simm.s32 @!p0 $0x0  }
0x12: {  	s1 =	sld [smem:$0x3F9B];
	s0 =	simm.s32 @p0 $0x1  }
0x13: {  	[smem:$0x3FB6] =	sst s0;
	s0 =	simm.s32 @!p1 $0x0  }
0x14: {  	s2 =	sld [smem:$0x3F9A];
	s0 =	simm.s32 @p1 $0x1  }
0x15: {  	[smem:$0x3FB7] =	sst s0;
	s0 =	simm.s32 @!p2 $0x0  }
0x16: {  	s3 =	sld [smem:$0x3FDB];
	s0 =	simm.s32 @p2 $0x1  }
0x17: {  	s4 =	simm.s32 $0x1BF5;
	[smem:$0x3FB9] =	sst s0  }
0x18: {  	s0 =	sld [smem:$0x3F9C];
	_ =	swait.ge [sflag:s4], $0x0  }
0x19: {  	s7 =	sld [smem:$0x3F9D]  }
0x1a: {  	s8 =	sadd.s32 $0xFFFFE003, lr  }
0x1b: {  	s9 =	sadd.s32 $0xFFFFFEF7, lr;
	s5 =	simm.s32 $0xFFFFFFFF;
	p2 =	slt.u32 s8, $0xFFFFF086  }
0x1c: {  	p1 =	slt.u32 s9, $0xF7A;
	s5 =	simm.s32 @!p2 $0x0  }
0x1d: {  	s5 =	simm.s32 @p1 $0x1;
	p0 =	seq.s32 s7, s2  }
0x1e: {  	s7 =	smul.u32 @!p0 $0xF7A, s2;
	p2 =	seq.s32 @!p0 s5, $0x0  }
0x1f: {  	s9 =	smul.u32 $0xF7A, s1;
	s8 =	simm.s32 @!p0 $0x1BF5;
	p2 =	por !p2, p0  }
0x20: {  	[sflag:s8] =	ssyncset.s32 @!p0 $0xFFFFF086;
	s6 =	sadd.s32 @!p0 s3, s7;
	s7 =	simm.s32 @!p0 $0x108  }
0x21: {  	s3 =	sadd.s32 s3, s9;
	s6 =	sadd.s32 @!p0 $0x88, s6;
	s7 =	simm.s32 @p2 $0x1082  }
0x22: {  	[simem:s7], [sflag:s8] =	dma.local @!p0 [hbm:s6], $0xF7A  }
0x23: {  	s9 =	sor.u32 $0xD0000000, s2;
	s6 =	simm.s32 $0x108;
	_ =	swait.ge @!p0 [sflag:s8], $0x0  }
0x24: {  	s3 =	sadd.s32 $0x88, s3;
	s6 =	simm.s32 @!p1 $0x1082;
	[sflag:s4] =	ssyncset.s32 $0xFFFFF086  }
0x25: {  	[simem:s6], [sflag:s4] =	dma.local [hbm:s3], $0xF7A  }
0x26: {  	[smem:$0x3F9D] =	sst s1;
	(tag) =	ssettag s2;
	_ =	strace s9  }
0x27: {  	s1 =	sld [smem:$0x3FAD]  }
0x28: {  	s2 =	sld [smem:$0x3FAE]  }
0x29: {  	s4 =	sld [smem:$0x3FB0]  }
0x2a: {  	p0 =	seq.s32 s5, $0x0;
	s5 =	sld [smem:$0x3FB1]  }
0x2b: {  	s6 =	sld [smem:$0x3FB2]  }
0x2c: {  	s7 =	sld [smem:$0x3FB3]  }
0x2d: {  	s3 =	simm.s32 $0x108;
	s8 =	sld [smem:$0x3FB4]  }
0x2e: {  	s3 =	simm.s32 @!p0 $0x1082;
	s9 =	sld [smem:$0x3FB5]  }
0x2f: {  	lr =	sadd.s32 s0, s3;
	s0 =	sld [smem:$0x3FAC]  }
0x30: {  	s3 =	sld [smem:$0x3FAF]  }
0x31: {  	[smem:$0x3FB8] =	sst s10  }
0x32: {  	s10 =	sld [smem:$0x3FB6];
	_ =	sdelay $0x3  }
0x33: {  	p0 =	seq.s32 s10, $0x1;
	s10 =	sld [smem:$0x3FB8];
	_ =	sdelay $0x3  }
0x34: {  	[smem:$0x3FB8] =	sst s10  }
0x35: {  	s10 =	sld [smem:$0x3FB7];
	_ =	sdelay $0x3  }
0x36: {  	p1 =	seq.s32 s10, $0x1;
	s10 =	sld [smem:$0x3FB8];
	_ =	sdelay $0x3  }
0x37: {  	[smem:$0x3FB8] =	sst s10  }
0x38: {  	s10 =	sld [smem:$0x3FB9]  }
0x39: {  	_ = 	snop;
	(pc) =	sbr.ind lr, $3  }
0x3a: {  	_ = 	snop  }
0x3b: {  	_ = 	snop  }
0x3c: {  	p2 =	seq.s32 s10, $0x1;
	s10 =	sld [smem:$0x3FB8]  }
0x3d: {  	_ =	shalt  }
0x3e: {  	_ =	shalt  }
0x3f: {  	_ =	shalt  }
0x40: {  	_ =	shalt  }
0x41: {  	_ =	shalt  }
0x42: {  	_ =	shalt  }
0x43: {  	_ =	shalt  }
0x44: {  	_ =	shalt  }
0x45: {  	_ =	shalt  }
0x46: {  	_ =	shalt  }
0x47: {  	_ =	shalt  }
0x48: {  	_ =	shalt  }
0x49: {  	_ =	shalt  }
0x4a: {  	_ =	shalt  }
0x4b: {  	_ =	shalt  }
0x4c: {  	_ =	shalt  }
0x4d: {  	_ =	shalt  }
0x4e: {  	_ =	shalt  }
0x4f: {  	_ =	shalt  }
0x50: {  	_ =	shalt  }
0x51: {  	_ =	shalt  }
0x52: {  	_ =	shalt  }
0x53: {  	_ =	shalt  }
0x54: {  	_ =	shalt  }
0x55: {  	_ =	shalt  }
0x56: {  	_ =	shalt  }
0x57: {  	_ =	shalt  }
0x58: {  	_ =	shalt  }
0x59: {  	_ =	shalt  }
0x5a: {  	_ =	shalt  }
0x5b: {  	_ =	shalt  }
0x5c: {  	_ =	shalt  }
0x5d: {  	_ =	shalt  }
0x5e: {  	_ =	shalt  }
0x5f: {  	_ =	shalt  }
0x60: {  	_ =	shalt  }
0x61: {  	_ =	shalt  }
0x62: {  	_ =	shalt  }
0x63: {  	_ =	shalt  }
0x64: {  	_ =	shalt  }
0x65: {  	_ =	shalt  }
0x66: {  	_ =	shalt  }
0x67: {  	_ =	shalt  }
0x68: {  	_ =	shalt  }
0x69: {  	_ =	shalt  }
0x6a: {  	_ =	shalt  }
0x6b: {  	_ =	shalt  }
0x6c: {  	_ =	shalt  }
0x6d: {  	_ =	shalt  }
0x6e: {  	_ =	shalt  }
0x6f: {  	_ =	shalt  }
0x70: {  	_ =	shalt  }
0x71: {  	_ =	shalt  }
0x72: {  	_ =	shalt  }
0x73: {  	_ =	shalt  }
0x74: {  	_ =	shalt  }
0x75: {  	_ =	shalt  }
0x76: {  	_ =	shalt  }
0x77: {  	_ =	shalt  }
0x78: {  	_ =	shalt  }
0x79: {  	_ =	shalt  }
0x7a: {  	_ =	shalt  }
0x7b: {  	_ =	shalt  }
0x7c: {  	_ =	shalt  }
0x7d: {  	_ =	shalt  }
0x7e: {  	_ =	shalt  }
0x7f: {  	_ =	shalt  }
0x80: {  	_ =	shalt  }
0x81: {  	_ =	shalt  }
0x82: {  	_ =	shalt  }
0x83: {  	_ =	shalt  }
0x84: {  	_ =	shalt  }
0x85: {  	_ =	shalt  }
0x86: {  	_ =	shalt  }
0x87: {  	_ =	shalt  }
.Lfunc_end0:
.L_simem_size_0:
called_computation_lowered:
.L_overlay_start_0:
0x88: {  	s2 =	sld [smem:$0x3FD9]  }
0x89: {  	s3 =	sld [smem:$0x3FFE];
	_ =	sdelay $0x1  }
0x8a: {  	s1 =	srdreg.scid  }
0x8b: {  	s0 =	sand.u32 $0x1, s1  }
0x8c: {  	s17 =	sshll.u32 s0, $0xA;
	s2 =	sadd.s32 s3, s2  }
0x8d: {  	s2 =	sadd.s32 s2, s17  }
0x8e: {  	[smem:$0x3FC4] =	sst s2  }
0x8f: {  	_ = 	snop  }
0x90: {  	s2 =	sld [smem:$0x3FD0];
	(tm) =	ssettm $0x1  }
0x91: {  	s18 =	sld [smem:$0x3FFB];
	_ =	sdelay $0x3  }
0x92: {  	_ =	strace s18  }
0x93: {  	s3 =	sld [smem:$0x3FFC];
	_ =	sdelay $0x3  }
0x94: {  	_ =	strace s3  }
0x95: {  	s3 =	sld [smem:$0x3FFD];
	_ =	sdelay $0x3  }
0x96: {  	_ =	strace s3  }
0x97: {  	_ =	strace $0x8FFFFFFF  }
0x98: {  	s19 =	sld [smem:$0x3FDB];
	_ =	sdelay $0x1  }
0x99: {  	s4 =	simm.s32 $_scs_section_size  }
0x9a: {  	s5 =	simm.s32 $_size__tile_overlayer_lowered;
	s6 =	simm.s32 $_tile_overlayer_lowered  }
0x9b: {  	s22 =	simm.s32 $0x1BFF;
	s21 =	sshll.u32 s6, $0x1;
	s3 =	sadd.s32 s4, s19  }
0x9c: {  	s7 =	simm.s32 $0x0;
	s20 =	sshll.u32 s5, $0x1;
	s5 =	sadd.s32 s21, s3  }
0x9d: {  	[timem:s7], [sflag:s22] =	dma.local [hbm:s5], s20  }
0x9e: {  	_ =	swait.ge [sflag:s22], s20  }
0x9f: {  	s4 =	ssub.s32 $0x0, s20;
	[sflag:s22] =	ssyncset.done $0x0  }
0xa0: {  	[sflag:s22] =	ssyncadd.s32 s4;
	_ =	sdelay $0x1  }
0xa1: {  	s23 =	simm.s32 $0x1B8B  }
0xa2: {  	_ =	swait.ge [sflag:s23], $0x1  }
0xa3: {  	[sflag:s23] =	ssyncset.done $0x0  }
0xa4: {  	s25 =	simm.s32 $0x1B8E;
	s24 =	sld [smem:$0x3FFE];
	[sflag:s23] =	ssyncadd.s32 $0xFFFFFFFF  }
0xa5: {  	s26 =	simm.s32 $execute0_lowered;
	[smem:$0x3FD2] =	sst s25  }
0xa6: {  	s5 =	sshll.u32 s26, $0x1;
	_ =	strace $0x80000046;
	[dreg:$0x1] =	wrdreg $0xFFFFFFFF  }
0xa7: {  	s28 =	simm.s32 $_size_execute0_lowered;
	s3 =	sadd.s32 s3, s5;
	[dreg:$0x0] =	wrdreg $0x0  }
0xa8: {  	s5 =	sshll.u32 s28, $0x1;
	[dreg:$0x2] =	wrdreg s3  }
0xa9: {  	[dreg:$0x3] =	wrdreg s5  }
0xaa: {  	[dreg:$0x4] =	wrdreg $0xC0  }
0xab: {  	_ =	task [dreg:s7], $0x5FFFF  }
0xac: {  	[dreg:$0x1] =	wrdreg $0xFFFFFFFF  }
0xad: {  	[dreg:$0x0] =	wrdreg $0x60  }
0xae: {  	[dreg:$0x2] =	wrdreg s24  }
0xaf: {  	[dreg:$0x3] =	wrdreg s2  }
0xb0: {  	[dreg:$0x4] =	wrdreg $0x9  }
0xb1: {  	_ =	task.clear_ibuf [dreg:s7], $0x5FFFF;
	_ =	strace $0x90000046  }
0xb2: {  	s29 =	simm.s32 $0x9;
	_ =	strace $0x80000048  }
0xb3: {  	_ =	swait.ge [sflag:s29], $0x1  }
0xb4: {  	[sflag:s29] =	ssyncadd.s32 $0xFFFFFFFF  }
0xb5: {  	_ =	strace $0x90000048  }
0xb6: {  	_ =	sfence  }
0xb7: {  	s30 =	sld [smem:$0x0];
	_ =	sdelay $0x2  }
0xb8: {  	s31 =	sshll.u32 s1, $0xD;
	s1 =	sshrl.u32 s1, $0x2  }
0xb9: {  	s3 =	sand.u32 $0x4000, s31;
	s1 =	sadd.s32 s1, s30  }
0xba: {  	s0 =	sor.u32 s3, s0;
	s1 =	sshll.u32 s1, $0x11  }
0xbb: {  	s0 =	sor.u32 s1, s0  }
0xbc: {  	s0 =	sadd.s32 $0x8F2B, s0  }
0xbd: {  	[sflag:s0] =	ssyncadd.remote.s32 $0x1  }
0xbe: {  	_ =	sfence.sel $0xFFFF  }
0xbf: {  	[dreg:$0x0] =	wrdreg $0xFFFFFFFF;
	(pc) =	sbr.abs _section_cstart, $3  }
0xc0: {  	[dreg:$0x1] =	wrdreg $0xFFFFFFFF  }
0xc1: {  	_ =	task.clear_ibuf [dreg:s7], $0x2FFFF;
	_ =	strace $0x9FFFFFFF  }
0xc2: {  	(tm) =	ssettm $0x7FFFFFFF  }
0xc3: {  	_ =	shalt  }
tec
execute0_lowered:
.L_overlay_start_1:
0x0: {  	(tag) =	ssettag $0x1  }
0x1: {  	s0 =	srdreg.scid;
	s2 =	rddreg [dreg:$0x0]  }
0x2: {  	s3 =	rddreg [dreg:$0x1];
	s5 =	stileid.u32  }
0x3: {  	s4 =	simm.s32 $0x0;
	s12 =	simm.s32 $0x15;
	s17 =	simm.s32 $0x3  }
0x4: {  	s20 =	simm.s32 $0x80;
	s21 =	simm.s32 $0x4980;
	s22 =	simm.s32 $0x8980  }
0x5: {  	s23 =	simm.s32 $0xC980;
	s24 =	simm.s32 $0x10980;
	s0 =	sand.u32 $0x1, s0  }
0x6: {  	s25 =	simm.s32 $0x14980;
	s28 =	simm.s32 $0x1;
	s1 =	sshll.u32 s0, $0x4  }
0x7: {  	s29 =	simm.s32 $0x2;
	[smem:$0x7FF] =	sst s4;
	s1 =	sor.u32 s5, s1  }
0x8: {  	s6 =	sadd.s32 $0x9C400, s2;
	s30 =	sadd.s32 $0x30C800, s3;
	s5 =	smul.u32 $0x1880, s1  }
0x9: {  	s8 =	sadd.s32 $0x4E200, s2;
	s31 =	sadd.s32 $0x30D000, s3;
	_ =	strace $0x80000047  }
0xa: {  	s0 =	ssub.s32 $0x2, s0;
	[dreg:$0x4] =	wrdreg s30;
	s7 =	sshrl.u32 s5, $0x3  }
0xb: {  	[dreg:$0x5] =	wrdreg s31;
	s11 =	sadd.s32 s7, s2;
	s7 =	smul.u32 $0xC4000, s1  }
.Ltmp0:
0xc: {  	s9 =	sshrl.u32 s0, $0x1;
	p0 =	seq.s32 s1, $0x1F;
	(pc) =	sbr.rel .LBB2_1-.Ltmp0, $4  }
0xd: {  	s0 =	ssub.s32 s0, s9;
	s12 =	simm.s32 @!p0 $0x18;
	s13 =	sshrl.u32 s7, $0x3  }
0xe: {  	s16 =	smax.u32 s0, $0x1;
	s9 =	sadd.s32 $0xEA600, s11;
	s26 =	sadd.s32 s3, s13  }
0xf: {  	s10 =	sadd.s32 $0xF0800, s11;
	s11 =	sadd.s32 $0xF6A00, s11;
	s1 =	sadd.s32 $0x18000, s26  }
0x10: {  	s26 =	simm.s32 $0x18980;
	[dreg:$0x3] =	wrdreg s1;
	s1 =	simm.s32 $0x0  }
.LBB2_16:
0x11: {  	s1 =	sadd.s32 $0x1, s1  }
0x12: {  	p1 =	sne.s32 s1, s16  }
.Ltmp1:
0x13: {  	_ = 	snop;
	(pc) =	sbr.rel @!p1 .LBB2_17-.Ltmp1, $1  }
0x14: {  	_ =	sdelay $0x3  }
.LBB2_1:
0x15: {  	[tilespmem:s4], [sflag:$0x3] =	stream.linear.gather [hbm4b:s9+s4], $0x1880, $0x38;
	[tilespmem:$0x1C980] =	vst v63  }
0x16: {  	_ =	swait.ge [sflag:s17], $0x1880  }
0x17: {  	[sflag:s17] =	ssyncset.done $0x0  }
0x18: {  	s0 =	simm.s32 $0x1880;
	[sflag:s17] =	ssyncadd.s32 $0xFFFFE780  }
0x19: {  	[tilespmem:s0], [sflag:$0x3] =	stream.linear.gather [hbm4b:s10+s4], $0x1880, $0x38;
	[tilespmem:$0x1C980] =	vst v63  }
0x1a: {  	_ =	swait.ge [sflag:s17], $0x1880  }
0x1b: {  	[sflag:s17] =	ssyncset.done $0x0  }
0x1c: {  	s13 =	simm.s32 $0x3100;
	[sflag:s17] =	ssyncadd.s32 $0xFFFFE780  }
0x1d: {  	[tilespmem:s13], [sflag:$0x3] =	stream.linear.gather [hbm4b:s11+s4], $0x1880, $0x38;
	[tilespmem:$0x1C980] =	vst v63  }
0x1e: {  	_ =	swait.ge [sflag:s17], $0x1880  }
0x1f: {  	[sflag:s17] =	ssyncset.done $0x0  }
0x20: {  	[sflag:s17] =	ssyncadd.s32 $0xFFFFE780  }
0x21: {  	[tilespmem:s21], [sflag:$0x1] =	stream.indirect.gather [hbm4b:s6+s20], $0x80, s4, s20, $0xb8;
	[tilespmem:$0x1C980] =	vst v63  }
0x22: {  	_ = 	snop  }
0x23: {  	[tilespmem:s22], [sflag:$0x1] =	stream.indirect.gather [hbm4b:s8+s20], $0x80, s0, s20, $0xb8;
	[tilespmem:$0x1C980] =	vst v63  }
0x24: {  	s30 =	simm.s32 $0x0  }
0x25: {  	[tilespmem:s23], [sflag:$0x1] =	stream.indirect.gather [hbm4b:s2+s20], $0x80, s13, s20, $0xb8;
	[tilespmem:$0x1C980] =	vst v63  }
.LBB2_2:
0x26: {  	s0 =	sshll.u32 s30, $0x8  }
0x27: {  	s31 =	sor.u32 $0x80, s0  }
0x28: {  	[tilespmem:s24], [sflag:$0x2] =	stream.indirect.gather [hbm4b:s6+s20], $0x80, s31, s20, $0xb8;
	[tilespmem:$0x1C980] =	vst v63  }
0x29: {  	s13 =	sadd.s32 $0x1900, s0  }
0x2a: {  	[tilespmem:s25], [sflag:$0x2] =	stream.indirect.gather [hbm4b:s8+s20], $0x80, s13, s20, $0xb8;
	[tilespmem:$0x1C980] =	vst v63  }
0x2b: {  	s19 =	sadd.s32 $0x3180, s0  }
0x2c: {  	[tilespmem:s26], [sflag:$0x2] =	stream.indirect.gather [hbm4b:s2+s20], $0x80, s19, s20, $0xb8;
	[tilespmem:$0x1C980] =	vst v63  }
0x2d: {  	_ =	swait.ge [sflag:s28], $0x4000  }
0x2e: {  	[sflag:s28] =	ssyncset.done $0x0  }
0x2f: {  	[sflag:s28] =	ssyncadd.s32 $0xFFFFC000  }
0x30: {  	_ =	swait.ge [sflag:s28], $0x4000  }
0x31: {  	[sflag:s28] =	ssyncset.done $0x0  }
0x32: {  	[sflag:s28] =	ssyncadd.s32 $0xFFFFC000  }
0x33: {  	_ =	swait.ge [sflag:s28], $0x4000  }
0x34: {  	[sflag:s28] =	ssyncset.done $0x0  }
0x35: {  	s14 =	simm.s32 $0x4A00;
	[sflag:s28] =	ssyncadd.s32 $0xFFFFC000  }
0x36: {  	s13 =	simm.s32 $0x8A00;
	v0 =	vld [tilespmem:s14+$0xFFFFFF80]  }
0x37: {  	v1 =	vld [tilespmem:s13+$0xFFFFFF80]  }
0x38: {  	s15 =	simm.s32 $0xCA00  }
0x39: {  	v2 =	vld [tilespmem:s15+$0xFFFFFF80];
	_ =	sdelay $0x2  }
0x3a: {  	v0 =	vadd.f32 v1, v0;
	_ =	sdelay $0x1  }
0x3b: {  	v0 =	vadd.f32 v2, v0;
	_ =	sdelay $0x1  }
0x3c: {  	[tilespmem:s14+$0xFFFFFF80] =	vst v0;
	v0 =	vld [tilespmem:s14+$0xFFFFFF90]  }
0x3d: {  	v1 =	vld [tilespmem:s13+$0xFFFFFF90];
	_ =	sdelay $0x1  }
0x3e: {  	v2 =	vld [tilespmem:s15+$0xFFFFFF90];
	_ =	sdelay $0x2  }
0x3f: {  	v0 =	vadd.f32 v1, v0;
	_ =	sdelay $0x1  }
0x40: {  	v0 =	vadd.f32 v2, v0;
	_ =	sdelay $0x1  }
0x41: {  	[tilespmem:s14+$0xFFFFFF90] =	vst v0;
	v0 =	vld [tilespmem:s14+$0xFFFFFFA0]  }
0x42: {  	v1 =	vld [tilespmem:s13+$0xFFFFFFA0];
	_ =	sdelay $0x1  }
0x43: {  	v2 =	vld [tilespmem:s15+$0xFFFFFFA0];
	_ =	sdelay $0x2  }
0x44: {  	v0 =	vadd.f32 v1, v0;
	_ =	sdelay $0x1  }
0x45: {  	v0 =	vadd.f32 v2, v0;
	_ =	sdelay $0x1  }
0x46: {  	[tilespmem:s14+$0xFFFFFFA0] =	vst v0;
	v0 =	vld [tilespmem:s14+$0xFFFFFFB0]  }
0x47: {  	v1 =	vld [tilespmem:s13+$0xFFFFFFB0];
	_ =	sdelay $0x1  }
0x48: {  	v2 =	vld [tilespmem:s15+$0xFFFFFFB0];
	_ =	sdelay $0x2  }
0x49: {  	v0 =	vadd.f32 v1, v0;
	_ =	sdelay $0x1  }
0x4a: {  	v0 =	vadd.f32 v2, v0;
	_ =	sdelay $0x1  }
0x4b: {  	[tilespmem:s14+$0xFFFFFFB0] =	vst v0;
	v0 =	vld [tilespmem:s14+$0xFFFFFFC0]  }
0x4c: {  	v1 =	vld [tilespmem:s13+$0xFFFFFFC0];
	_ =	sdelay $0x1  }
0x4d: {  	v2 =	vld [tilespmem:s15+$0xFFFFFFC0];
	_ =	sdelay $0x2  }
0x4e: {  	v0 =	vadd.f32 v1, v0;
	_ =	sdelay $0x1  }
0x4f: {  	v0 =	vadd.f32 v2, v0;
	_ =	sdelay $0x1  }
0x50: {  	[tilespmem:s14+$0xFFFFFFC0] =	vst v0;
	v0 =	vld [tilespmem:s14+$0xFFFFFFD0]  }
0x51: {  	v1 =	vld [tilespmem:s13+$0xFFFFFFD0];
	_ =	sdelay $0x1  }
0x52: {  	v2 =	vld [tilespmem:s15+$0xFFFFFFD0];
	_ =	sdelay $0x2  }
0x53: {  	v0 =	vadd.f32 v1, v0;
	_ =	sdelay $0x1  }
0x54: {  	v0 =	vadd.f32 v2, v0;
	_ =	sdelay $0x1  }
0x55: {  	[tilespmem:s14+$0xFFFFFFD0] =	vst v0;
	v0 =	vld [tilespmem:s14+$0xFFFFFFE0]  }
0x56: {  	v1 =	vld [tilespmem:s13+$0xFFFFFFE0];
	_ =	sdelay $0x1  }
0x57: {  	v2 =	vld [tilespmem:s15+$0xFFFFFFE0];
	_ =	sdelay $0x2  }
0x58: {  	v0 =	vadd.f32 v1, v0;
	_ =	sdelay $0x1  }
0x59: {  	v0 =	vadd.f32 v2, v0;
	_ =	sdelay $0x1  }
0x5a: {  	[tilespmem:s14+$0xFFFFFFE0] =	vst v0;
	v0 =	vld [tilespmem:s14+$0xFFFFFFF0]  }
0x5b: {  	v1 =	vld [tilespmem:s13+$0xFFFFFFF0];
	_ =	sdelay $0x1  }
0x5c: {  	v2 =	vld [tilespmem:s15+$0xFFFFFFF0];
	_ =	sdelay $0x2  }
0x5d: {  	v0 =	vadd.f32 v1, v0;
	_ =	sdelay $0x1  }
0x5e: {  	v0 =	vadd.f32 v2, v0;
	_ =	sdelay $0x1  }
0x5f: {  	[tilespmem:s14+$0xFFFFFFF0] =	vst v0;
	v0 =	vld [tilespmem:s14+$0x0]  }
0x60: {  	v1 =	vld [tilespmem:s13+$0x0];
	_ =	sdelay $0x1  }
0x61: {  	v2 =	vld [tilespmem:s15+$0x0];
	_ =	sdelay $0x2  }
0x62: {  	v0 =	vadd.f32 v1, v0;
	_ =	sdelay $0x1  }
0x63: {  	v0 =	vadd.f32 v2, v0;
	_ =	sdelay $0x1  }
0x64: {  	[tilespmem:s14+$0x0] =	vst v0;
	v0 =	vld [tilespmem:s14+$0x10]  }
0x65: {  	v1 =	vld [tilespmem:s13+$0x10];
	_ =	sdelay $0x1  }
0x66: {  	v2 =	vld [tilespmem:s15+$0x10];
	_ =	sdelay $0x2  }
0x67: {  	v0 =	vadd.f32 v1, v0;
	_ =	sdelay $0x1  }
0x68: {  	v0 =	vadd.f32 v2, v0;
	_ =	sdelay $0x1  }
0x69: {  	[tilespmem:s14+$0x10] =	vst v0;
	v0 =	vld [tilespmem:s14+$0x20]  }
0x6a: {  	v1 =	vld [tilespmem:s13+$0x20];
	_ =	sdelay $0x1  }
0x6b: {  	v2 =	vld [tilespmem:s15+$0x20];
	_ =	sdelay $0x2  }
0x6c: {  	v0 =	vadd.f32 v1, v0;
	_ =	sdelay $0x1  }
0x6d: {  	v0 =	vadd.f32 v2, v0;
	_ =	sdelay $0x1  }
0x6e: {  	[tilespmem:s14+$0x20] =	vst v0;
	v0 =	vld [tilespmem:s14+$0x30]  }
0x6f: {  	v1 =	vld [tilespmem:s13+$0x30];
	_ =	sdelay $0x1  }
0x70: {  	v2 =	vld [tilespmem:s15+$0x30];
	_ =	sdelay $0x2  }
0x71: {  	v0 =	vadd.f32 v1, v0;
	_ =	sdelay $0x1  }
0x72: {  	v0 =	vadd.f32 v2, v0;
	_ =	sdelay $0x1  }
0x73: {  	[tilespmem:s14+$0x30] =	vst v0;
	v0 =	vld [tilespmem:s14+$0x40]  }
0x74: {  	v1 =	vld [tilespmem:s13+$0x40];
	_ =	sdelay $0x1  }
0x75: {  	v2 =	vld [tilespmem:s15+$0x40];
	_ =	sdelay $0x2  }
0x76: {  	v0 =	vadd.f32 v1, v0;
	_ =	sdelay $0x1  }
0x77: {  	v0 =	vadd.f32 v2, v0;
	_ =	sdelay $0x1  }
0x78: {  	[tilespmem:s14+$0x40] =	vst v0;
	v0 =	vld [tilespmem:s14+$0x50]  }
0x79: {  	v1 =	vld [tilespmem:s13+$0x50];
	_ =	sdelay $0x1  }
0x7a: {  	v2 =	vld [tilespmem:s15+$0x50];
	_ =	sdelay $0x2  }
0x7b: {  	v0 =	vadd.f32 v1, v0;
	_ =	sdelay $0x1  }
0x7c: {  	v0 =	vadd.f32 v2, v0;
	_ =	sdelay $0x1  }
0x7d: {  	[tilespmem:s14+$0x50] =	vst v0;
	v0 =	vld [tilespmem:s14+$0x60]  }
0x7e: {  	v1 =	vld [tilespmem:s13+$0x60];
	_ =	sdelay $0x1  }
0x7f: {  	v2 =	vld [tilespmem:s15+$0x60];
	_ =	sdelay $0x2  }
0x80: {  	v0 =	vadd.f32 v1, v0;
	_ =	sdelay $0x1  }
0x81: {  	v0 =	vadd.f32 v2, v0;
	_ =	sdelay $0x1  }
0x82: {  	[tilespmem:s14+$0x60] =	vst v0;
	v0 =	vld [tilespmem:s14+$0x70]  }
0x83: {  	v1 =	vld [tilespmem:s13+$0x70];
	_ =	sdelay $0x1  }
0x84: {  	v2 =	vld [tilespmem:s15+$0x70];
	_ =	sdelay $0x2  }
0x85: {  	v0 =	vadd.f32 v1, v0;
	_ =	sdelay $0x1  }
0x86: {  	v0 =	vadd.f32 v2, v0  }
0x87: {  	s18 =	simm.s32 $0x0;
	s19 =	simm.s32 $0x4B00  }
.LBB2_3:
0x88: {  	v1 =	vld [tilespmem:s19+$0xFFFFFF80];
	s18 =	sadd.s32 $0x2, s18;
	[tilespmem:s14+$0x70] =	vst v0;
	s15 =	sadd.s32 $0x100, s15;
	s13 =	sadd.s32 $0x100, s13  }
0x89: {  	s14 =	smov.u32 s19;
	v0 =	vld [tilespmem:s13+$0xFFFFFF80];
	p1 =	slt.u32 s18, $0x7E;
	_ =	sdelay $0x1  }
0x8a: {  	v2 =	vld [tilespmem:s15+$0xFFFFFF80];
	_ =	sdelay $0x2  }
0x8b: {  	v0 =	vadd.f32 v0, v1;
	_ =	sdelay $0x1  }
0x8c: {  	v0 =	vadd.f32 v2, v0;
	_ =	sdelay $0x1  }
0x8d: {  	[tilespmem:s19+$0xFFFFFF80] =	vst v0;
	v0 =	vld [tilespmem:s19+$0xFFFFFF90]  }
0x8e: {  	v1 =	vld [tilespmem:s13+$0xFFFFFF90];
	_ =	sdelay $0x1  }
0x8f: {  	v2 =	vld [tilespmem:s15+$0xFFFFFF90];
	_ =	sdelay $0x2  }
0x90: {  	v0 =	vadd.f32 v1, v0;
	_ =	sdelay $0x1  }
0x91: {  	v0 =	vadd.f32 v2, v0;
	_ =	sdelay $0x1  }
0x92: {  	[tilespmem:s19+$0xFFFFFF90] =	vst v0;
	v0 =	vld [tilespmem:s19+$0xFFFFFFA0]  }
0x93: {  	v1 =	vld [tilespmem:s13+$0xFFFFFFA0];
	_ =	sdelay $0x1  }
0x94: {  	v2 =	vld [tilespmem:s15+$0xFFFFFFA0];
	_ =	sdelay $0x2  }
0x95: {  	v0 =	vadd.f32 v1, v0;
	_ =	sdelay $0x1  }
0x96: {  	v0 =	vadd.f32 v2, v0;
	_ =	sdelay $0x1  }
0x97: {  	[tilespmem:s19+$0xFFFFFFA0] =	vst v0;
	v0 =	vld [tilespmem:s19+$0xFFFFFFB0]  }
0x98: {  	v1 =	vld [tilespmem:s13+$0xFFFFFFB0];
	_ =	sdelay $0x1  }
0x99: {  	v2 =	vld [tilespmem:s15+$0xFFFFFFB0];
	_ =	sdelay $0x2  }
0x9a: {  	v0 =	vadd.f32 v1, v0;
	_ =	sdelay $0x1  }
0x9b: {  	v0 =	vadd.f32 v2, v0;
	_ =	sdelay $0x1  }
0x9c: {  	[tilespmem:s19+$0xFFFFFFB0] =	vst v0;
	v0 =	vld [tilespmem:s19+$0xFFFFFFC0]  }
0x9d: {  	v1 =	vld [tilespmem:s13+$0xFFFFFFC0];
	_ =	sdelay $0x1  }
0x9e: {  	v2 =	vld [tilespmem:s15+$0xFFFFFFC0];
	_ =	sdelay $0x2  }
0x9f: {  	v0 =	vadd.f32 v1, v0;
	_ =	sdelay $0x1  }
0xa0: {  	v0 =	vadd.f32 v2, v0;
	_ =	sdelay $0x1  }
0xa1: {  	[tilespmem:s19+$0xFFFFFFC0] =	vst v0;
	v0 =	vld [tilespmem:s19+$0xFFFFFFD0]  }
0xa2: {  	v1 =	vld [tilespmem:s13+$0xFFFFFFD0];
	_ =	sdelay $0x1  }
0xa3: {  	v2 =	vld [tilespmem:s15+$0xFFFFFFD0];
	_ =	sdelay $0x2  }
0xa4: {  	v0 =	vadd.f32 v1, v0;
	_ =	sdelay $0x1  }
0xa5: {  	v0 =	vadd.f32 v2, v0;
	_ =	sdelay $0x1  }
0xa6: {  	[tilespmem:s19+$0xFFFFFFD0] =	vst v0;
	v0 =	vld [tilespmem:s19+$0xFFFFFFE0]  }
0xa7: {  	v1 =	vld [tilespmem:s13+$0xFFFFFFE0];
	_ =	sdelay $0x1  }
0xa8: {  	v2 =	vld [tilespmem:s15+$0xFFFFFFE0];
	_ =	sdelay $0x2  }
0xa9: {  	v0 =	vadd.f32 v1, v0;
	_ =	sdelay $0x1  }
0xaa: {  	v0 =	vadd.f32 v2, v0;
	_ =	sdelay $0x1  }
0xab: {  	[tilespmem:s19+$0xFFFFFFE0] =	vst v0;
	v0 =	vld [tilespmem:s19+$0xFFFFFFF0]  }
0xac: {  	v1 =	vld [tilespmem:s13+$0xFFFFFFF0];
	_ =	sdelay $0x1  }
0xad: {  	v2 =	vld [tilespmem:s15+$0xFFFFFFF0];
	_ =	sdelay $0x2  }
0xae: {  	v0 =	vadd.f32 v1, v0;
	_ =	sdelay $0x1  }
0xaf: {  	v0 =	vadd.f32 v2, v0;
	_ =	sdelay $0x1  }
0xb0: {  	[tilespmem:s19+$0xFFFFFFF0] =	vst v0;
	v0 =	vld [tilespmem:s19+$0x0]  }
0xb1: {  	v1 =	vld [tilespmem:s13+$0x0];
	_ =	sdelay $0x1  }
0xb2: {  	v2 =	vld [tilespmem:s15+$0x0];
	_ =	sdelay $0x2  }
0xb3: {  	v0 =	vadd.f32 v1, v0;
	_ =	sdelay $0x1  }
0xb4: {  	v0 =	vadd.f32 v2, v0;
	_ =	sdelay $0x1  }
0xb5: {  	[tilespmem:s19+$0x0] =	vst v0;
	v0 =	vld [tilespmem:s19+$0x10]  }
0xb6: {  	v1 =	vld [tilespmem:s13+$0x10]  }
0xb7: {  	v2 =	vld [tilespmem:s15+$0x10];
	_ =	sdelay $0x3  }
0xb8: {  	v0 =	vadd.f32 v1, v0;
	_ =	sdelay $0x1  }
0xb9: {  	v0 =	vadd.f32 v2, v0;
	_ =	sdelay $0x1  }
0xba: {  	[tilespmem:s19+$0x10] =	vst v0;
	v0 =	vld [tilespmem:s19+$0x20]  }
0xbb: {  	v1 =	vld [tilespmem:s13+$0x20]  }
0xbc: {  	v2 =	vld [tilespmem:s15+$0x20];
	_ =	sdelay $0x3  }
0xbd: {  	v0 =	vadd.f32 v1, v0;
	_ =	sdelay $0x1  }
0xbe: {  	v0 =	vadd.f32 v2, v0;
	_ =	sdelay $0x1  }
0xbf: {  	[tilespmem:s19+$0x20] =	vst v0;
	v0 =	vld [tilespmem:s19+$0x30]  }
0xc0: {  	v1 =	vld [tilespmem:s13+$0x30]  }
0xc1: {  	v2 =	vld [tilespmem:s15+$0x30];
	_ =	sdelay $0x3  }
0xc2: {  	v0 =	vadd.f32 v1, v0;
	_ =	sdelay $0x1  }
0xc3: {  	v0 =	vadd.f32 v2, v0;
	_ =	sdelay $0x1  }
0xc4: {  	[tilespmem:s19+$0x30] =	vst v0;
	v0 =	vld [tilespmem:s19+$0x40]  }
0xc5: {  	v1 =	vld [tilespmem:s13+$0x40]  }
0xc6: {  	v2 =	vld [tilespmem:s15+$0x40];
	_ =	sdelay $0x3  }
0xc7: {  	v0 =	vadd.f32 v1, v0;
	_ =	sdelay $0x1  }
0xc8: {  	v0 =	vadd.f32 v2, v0;
	_ =	sdelay $0x1  }
0xc9: {  	[tilespmem:s19+$0x40] =	vst v0;
	v0 =	vld [tilespmem:s19+$0x50]  }
0xca: {  	v1 =	vld [tilespmem:s13+$0x50]  }
0xcb: {  	v2 =	vld [tilespmem:s15+$0x50];
	_ =	sdelay $0x3  }
0xcc: {  	v0 =	vadd.f32 v1, v0;
	_ =	sdelay $0x1  }
0xcd: {  	v0 =	vadd.f32 v2, v0;
	_ =	sdelay $0x1  }
0xce: {  	[tilespmem:s19+$0x50] =	vst v0;
	v0 =	vld [tilespmem:s19+$0x60]  }
0xcf: {  	v1 =	vld [tilespmem:s13+$0x60]  }
0xd0: {  	v2 =	vld [tilespmem:s15+$0x60];
	_ =	sdelay $0x3  }
0xd1: {  	v0 =	vadd.f32 v1, v0;
	_ =	sdelay $0x1  }
0xd2: {  	v0 =	vadd.f32 v2, v0;
	_ =	sdelay $0x1  }
0xd3: {  	[tilespmem:s19+$0x60] =	vst v0;
	v0 =	vld [tilespmem:s19+$0x70]  }
0xd4: {  	v1 =	vld [tilespmem:s13+$0x70]  }
0xd5: {  	v2 =	vld [tilespmem:s15+$0x70];
	_ =	sdelay $0x2  }
.Ltmp2:
0xd6: {  	(pc) =	sbr.rel @p1 .LBB2_3-.Ltmp2, $3  }
0xd7: {  	v0 =	vadd.f32 v1, v0;
	_ =	sdelay $0x1  }
0xd8: {  	v0 =	vadd.f32 v2, v0  }
0xd9: {  	s19 =	sadd.s32 $0x100, s19  }
0xda: {  	s13 =	sshll.u32 s30, $0xF  }
0xdb: {  	s13 =	sadd.s32 s7, s13  }
0xdc: {  	s13 =	sshrl.u32 s13, $0x3  }
0xdd: {  	[tilespmem:s14+$0x70] =	vst v0;
	s13 =	sadd.s32 s3, s13  }
0xde: {  	[hbm4b:s13+s4] =	stream.linear.scatter [tilespmem:s21], [sflag:$0x3], $0x4000, $0x38;
	[tilespmem:$0x1C980] =	vst v63  }
0xdf: {  	_ =	swait.ge [sflag:s17], $0x4000  }
0xe0: {  	[sflag:s17] =	ssyncset.done $0x0  }
0xe1: {  	s15 =	sadd.s32 $0x100, s0;
	[sflag:s17] =	ssyncadd.s32 $0xFFFFC000  }
0xe2: {  	[tilespmem:s21], [sflag:$0x1] =	stream.indirect.gather [hbm4b:s6+s20], $0x80, s15, s20, $0xb8;
	[tilespmem:$0x1C980] =	vst v63  }
0xe3: {  	s18 =	sadd.s32 $0x1980, s0  }
0xe4: {  	[tilespmem:s22], [sflag:$0x1] =	stream.indirect.gather [hbm4b:s8+s20], $0x80, s18, s20, $0xb8;
	[tilespmem:$0x1C980] =	vst v63  }
0xe5: {  	s19 =	sadd.s32 $0x3200, s0  }
0xe6: {  	[tilespmem:s23], [sflag:$0x1] =	stream.indirect.gather [hbm4b:s2+s20], $0x80, s19, s20, $0xb8;
	[tilespmem:$0x1C980] =	vst v63  }
0xe7: {  	_ =	swait.ge [sflag:s29], $0x4000  }
0xe8: {  	[sflag:s29] =	ssyncset.done $0x0  }
0xe9: {  	[sflag:s29] =	ssyncadd.s32 $0xFFFFC000  }
0xea: {  	_ =	swait.ge [sflag:s29], $0x4000  }
0xeb: {  	[sflag:s29] =	ssyncset.done $0x0  }
0xec: {  	[sflag:s29] =	ssyncadd.s32 $0xFFFFC000  }
0xed: {  	_ =	swait.ge [sflag:s29], $0x4000  }
0xee: {  	[sflag:s29] =	ssyncset.done $0x0  }
0xef: {  	s13 =	simm.s32 $0x10A00;
	[sflag:s29] =	ssyncadd.s32 $0xFFFFC000  }
0xf0: {  	s0 =	simm.s32 $0x14A00;
	v0 =	vld [tilespmem:s13+$0xFFFFFF80]  }
0xf1: {  	v1 =	vld [tilespmem:s0+$0xFFFFFF80]  }
0xf2: {  	s14 =	simm.s32 $0x18A00  }
0xf3: {  	v2 =	vld [tilespmem:s14+$0xFFFFFF80];
	_ =	sdelay $0x2  }
0xf4: {  	v0 =	vadd.f32 v1, v0;
	_ =	sdelay $0x1  }
0xf5: {  	v0 =	vadd.f32 v2, v0;
	_ =	sdelay $0x1  }
0xf6: {  	[tilespmem:s13+$0xFFFFFF80] =	vst v0;
	v0 =	vld [tilespmem:s13+$0xFFFFFF90]  }
0xf7: {  	v1 =	vld [tilespmem:s0+$0xFFFFFF90];
	_ =	sdelay $0x1  }
0xf8: {  	v2 =	vld [tilespmem:s14+$0xFFFFFF90];
	_ =	sdelay $0x2  }
0xf9: {  	v0 =	vadd.f32 v1, v0;
	_ =	sdelay $0x1  }
0xfa: {  	v0 =	vadd.f32 v2, v0;
	_ =	sdelay $0x1  }
0xfb: {  	[tilespmem:s13+$0xFFFFFF90] =	vst v0;
	v0 =	vld [tilespmem:s13+$0xFFFFFFA0]  }
0xfc: {  	v1 =	vld [tilespmem:s0+$0xFFFFFFA0];
	_ =	sdelay $0x1  }
0xfd: {  	v2 =	vld [tilespmem:s14+$0xFFFFFFA0];
	_ =	sdelay $0x2  }
0xfe: {  	v0 =	vadd.f32 v1, v0;
	_ =	sdelay $0x1  }
0xff: {  	v0 =	vadd.f32 v2, v0;
	_ =	sdelay $0x1  }
0x100: {  	[tilespmem:s13+$0xFFFFFFA0] =	vst v0;
	v0 =	vld [tilespmem:s13+$0xFFFFFFB0]  }
0x101: {  	v1 =	vld [tilespmem:s0+$0xFFFFFFB0];
	_ =	sdelay $0x1  }
0x102: {  	v2 =	vld [tilespmem:s14+$0xFFFFFFB0];
	_ =	sdelay $0x2  }
0x103: {  	v0 =	vadd.f32 v1, v0;
	_ =	sdelay $0x1  }
0x104: {  	v0 =	vadd.f32 v2, v0;
	_ =	sdelay $0x1  }
0x105: {  	[tilespmem:s13+$0xFFFFFFB0] =	vst v0;
	v0 =	vld [tilespmem:s13+$0xFFFFFFC0]  }
0x106: {  	v1 =	vld [tilespmem:s0+$0xFFFFFFC0];
	_ =	sdelay $0x1  }
0x107: {  	v2 =	vld [tilespmem:s14+$0xFFFFFFC0];
	_ =	sdelay $0x2  }
0x108: {  	v0 =	vadd.f32 v1, v0;
	_ =	sdelay $0x1  }
0x109: {  	v0 =	vadd.f32 v2, v0;
	_ =	sdelay $0x1  }
0x10a: {  	[tilespmem:s13+$0xFFFFFFC0] =	vst v0;
	v0 =	vld [tilespmem:s13+$0xFFFFFFD0]  }
0x10b: {  	v1 =	vld [tilespmem:s0+$0xFFFFFFD0];
	_ =	sdelay $0x1  }
0x10c: {  	v2 =	vld [tilespmem:s14+$0xFFFFFFD0];
	_ =	sdelay $0x2  }
0x10d: {  	v0 =	vadd.f32 v1, v0;
	_ =	sdelay $0x1  }
0x10e: {  	v0 =	vadd.f32 v2, v0;
	_ =	sdelay $0x1  }
0x10f: {  	[tilespmem:s13+$0xFFFFFFD0] =	vst v0;
	v0 =	vld [tilespmem:s13+$0xFFFFFFE0]  }
0x110: {  	v1 =	vld [tilespmem:s0+$0xFFFFFFE0];
	_ =	sdelay $0x1  }
0x111: {  	v2 =	vld [tilespmem:s14+$0xFFFFFFE0];
	_ =	sdelay $0x2  }
0x112: {  	v0 =	vadd.f32 v1, v0;
	_ =	sdelay $0x1  }
0x113: {  	v0 =	vadd.f32 v2, v0;
	_ =	sdelay $0x1  }
0x114: {  	[tilespmem:s13+$0xFFFFFFE0] =	vst v0;
	v0 =	vld [tilespmem:s13+$0xFFFFFFF0]  }
0x115: {  	v1 =	vld [tilespmem:s0+$0xFFFFFFF0];
	_ =	sdelay $0x1  }
0x116: {  	v2 =	vld [tilespmem:s14+$0xFFFFFFF0];
	_ =	sdelay $0x2  }
0x117: {  	v0 =	vadd.f32 v1, v0;
	_ =	sdelay $0x1  }
0x118: {  	v0 =	vadd.f32 v2, v0;
	_ =	sdelay $0x1  }
0x119: {  	[tilespmem:s13+$0xFFFFFFF0] =	vst v0;
	v0 =	vld [tilespmem:s13+$0x0]  }
0x11a: {  	v1 =	vld [tilespmem:s0+$0x0];
	_ =	sdelay $0x1  }
0x11b: {  	v2 =	vld [tilespmem:s14+$0x0];
	_ =	sdelay $0x2  }
0x11c: {  	v0 =	vadd.f32 v1, v0;
	_ =	sdelay $0x1  }
0x11d: {  	v0 =	vadd.f32 v2, v0;
	_ =	sdelay $0x1  }
0x11e: {  	[tilespmem:s13+$0x0] =	vst v0;
	v0 =	vld [tilespmem:s13+$0x10]  }
0x11f: {  	v1 =	vld [tilespmem:s0+$0x10];
	_ =	sdelay $0x1  }
0x120: {  	v2 =	vld [tilespmem:s14+$0x10];
	_ =	sdelay $0x2  }
0x121: {  	v0 =	vadd.f32 v1, v0;
	_ =	sdelay $0x1  }
0x122: {  	v0 =	vadd.f32 v2, v0;
	_ =	sdelay $0x1  }
0x123: {  	[tilespmem:s13+$0x10] =	vst v0;
	v0 =	vld [tilespmem:s13+$0x20]  }
0x124: {  	v1 =	vld [tilespmem:s0+$0x20];
	_ =	sdelay $0x1  }
0x125: {  	v2 =	vld [tilespmem:s14+$0x20];
	_ =	sdelay $0x2  }
0x126: {  	v0 =	vadd.f32 v1, v0;
	_ =	sdelay $0x1  }
0x127: {  	v0 =	vadd.f32 v2, v0;
	_ =	sdelay $0x1  }
0x128: {  	[tilespmem:s13+$0x20] =	vst v0;
	v0 =	vld [tilespmem:s13+$0x30]  }
0x129: {  	v1 =	vld [tilespmem:s0+$0x30];
	_ =	sdelay $0x1  }
0x12a: {  	v2 =	vld [tilespmem:s14+$0x30];
	_ =	sdelay $0x2  }
0x12b: {  	v0 =	vadd.f32 v1, v0;
	_ =	sdelay $0x1  }
0x12c: {  	v0 =	vadd.f32 v2, v0;
	_ =	sdelay $0x1  }
0x12d: {  	[tilespmem:s13+$0x30] =	vst v0;
	v0 =	vld [tilespmem:s13+$0x40]  }
0x12e: {  	v1 =	vld [tilespmem:s0+$0x40];
	_ =	sdelay $0x1  }
0x12f: {  	v2 =	vld [tilespmem:s14+$0x40];
	_ =	sdelay $0x2  }
0x130: {  	v0 =	vadd.f32 v1, v0;
	_ =	sdelay $0x1  }
0x131: {  	v0 =	vadd.f32 v2, v0;
	_ =	sdelay $0x1  }
0x132: {  	[tilespmem:s13+$0x40] =	vst v0;
	v0 =	vld [tilespmem:s13+$0x50]  }
0x133: {  	v1 =	vld [tilespmem:s0+$0x50];
	_ =	sdelay $0x1  }
0x134: {  	v2 =	vld [tilespmem:s14+$0x50];
	_ =	sdelay $0x2  }
0x135: {  	v0 =	vadd.f32 v1, v0;
	_ =	sdelay $0x1  }
0x136: {  	v0 =	vadd.f32 v2, v0;
	_ =	sdelay $0x1  }
0x137: {  	[tilespmem:s13+$0x50] =	vst v0;
	v0 =	vld [tilespmem:s13+$0x60]  }
0x138: {  	v1 =	vld [tilespmem:s0+$0x60];
	_ =	sdelay $0x1  }
0x139: {  	v2 =	vld [tilespmem:s14+$0x60];
	_ =	sdelay $0x2  }
0x13a: {  	v0 =	vadd.f32 v1, v0;
	_ =	sdelay $0x1  }
0x13b: {  	v0 =	vadd.f32 v2, v0;
	_ =	sdelay $0x1  }
0x13c: {  	[tilespmem:s13+$0x60] =	vst v0;
	v0 =	vld [tilespmem:s13+$0x70]  }
0x13d: {  	v1 =	vld [tilespmem:s0+$0x70];
	_ =	sdelay $0x1  }
0x13e: {  	v2 =	vld [tilespmem:s14+$0x70];
	_ =	sdelay $0x2  }
0x13f: {  	v0 =	vadd.f32 v1, v0;
	_ =	sdelay $0x1  }
0x140: {  	v0 =	vadd.f32 v2, v0  }
0x141: {  	s15 =	simm.s32 $0x0;
	s18 =	simm.s32 $0x10B00  }
.LBB2_5:
0x142: {  	v1 =	vld [tilespmem:s18+$0xFFFFFF80];
	s15 =	sadd.s32 $0x2, s15;
	[tilespmem:s13+$0x70] =	vst v0;
	s14 =	sadd.s32 $0x100, s14;
	s0 =	sadd.s32 $0x100, s0  }
0x143: {  	s13 =	smov.u32 s18;
	v0 =	vld [tilespmem:s0+$0xFFFFFF80];
	p1 =	slt.u32 s15, $0x7E;
	_ =	sdelay $0x1  }
0x144: {  	v2 =	vld [tilespmem:s14+$0xFFFFFF80];
	_ =	sdelay $0x2  }
0x145: {  	v0 =	vadd.f32 v0, v1;
	_ =	sdelay $0x1  }
0x146: {  	v0 =	vadd.f32 v2, v0;
	_ =	sdelay $0x1  }
0x147: {  	[tilespmem:s18+$0xFFFFFF80] =	vst v0;
	v0 =	vld [tilespmem:s18+$0xFFFFFF90]  }
0x148: {  	v1 =	vld [tilespmem:s0+$0xFFFFFF90];
	_ =	sdelay $0x1  }
0x149: {  	v2 =	vld [tilespmem:s14+$0xFFFFFF90];
	_ =	sdelay $0x2  }
0x14a: {  	v0 =	vadd.f32 v1, v0;
	_ =	sdelay $0x1  }
0x14b: {  	v0 =	vadd.f32 v2, v0;
	_ =	sdelay $0x1  }
0x14c: {  	[tilespmem:s18+$0xFFFFFF90] =	vst v0;
	v0 =	vld [tilespmem:s18+$0xFFFFFFA0]  }
0x14d: {  	v1 =	vld [tilespmem:s0+$0xFFFFFFA0];
	_ =	sdelay $0x1  }
0x14e: {  	v2 =	vld [tilespmem:s14+$0xFFFFFFA0];
	_ =	sdelay $0x2  }
0x14f: {  	v0 =	vadd.f32 v1, v0;
	_ =	sdelay $0x1  }
0x150: {  	v0 =	vadd.f32 v2, v0;
	_ =	sdelay $0x1  }
0x151: {  	[tilespmem:s18+$0xFFFFFFA0] =	vst v0;
	v0 =	vld [tilespmem:s18+$0xFFFFFFB0]  }
0x152: {  	v1 =	vld [tilespmem:s0+$0xFFFFFFB0];
	_ =	sdelay $0x1  }
0x153: {  	v2 =	vld [tilespmem:s14+$0xFFFFFFB0];
	_ =	sdelay $0x2  }
0x154: {  	v0 =	vadd.f32 v1, v0;
	_ =	sdelay $0x1  }
0x155: {  	v0 =	vadd.f32 v2, v0;
	_ =	sdelay $0x1  }
0x156: {  	[tilespmem:s18+$0xFFFFFFB0] =	vst v0;
	v0 =	vld [tilespmem:s18+$0xFFFFFFC0]  }
0x157: {  	v1 =	vld [tilespmem:s0+$0xFFFFFFC0];
	_ =	sdelay $0x1  }
0x158: {  	v2 =	vld [tilespmem:s14+$0xFFFFFFC0];
	_ =	sdelay $0x2  }
0x159: {  	v0 =	vadd.f32 v1, v0;
	_ =	sdelay $0x1  }
0x15a: {  	v0 =	vadd.f32 v2, v0;
	_ =	sdelay $0x1  }
0x15b: {  	[tilespmem:s18+$0xFFFFFFC0] =	vst v0;
	v0 =	vld [tilespmem:s18+$0xFFFFFFD0]  }
0x15c: {  	v1 =	vld [tilespmem:s0+$0xFFFFFFD0];
	_ =	sdelay $0x1  }
0x15d: {  	v2 =	vld [tilespmem:s14+$0xFFFFFFD0];
	_ =	sdelay $0x2  }
0x15e: {  	v0 =	vadd.f32 v1, v0;
	_ =	sdelay $0x1  }
0x15f: {  	v0 =	vadd.f32 v2, v0;
	_ =	sdelay $0x1  }
0x160: {  	[tilespmem:s18+$0xFFFFFFD0] =	vst v0;
	v0 =	vld [tilespmem:s18+$0xFFFFFFE0]  }
0x161: {  	v1 =	vld [tilespmem:s0+$0xFFFFFFE0];
	_ =	sdelay $0x1  }
0x162: {  	v2 =	vld [tilespmem:s14+$0xFFFFFFE0];
	_ =	sdelay $0x2  }
0x163: {  	v0 =	vadd.f32 v1, v0;
	_ =	sdelay $0x1  }
0x164: {  	v0 =	vadd.f32 v2, v0;
	_ =	sdelay $0x1  }
0x165: {  	[tilespmem:s18+$0xFFFFFFE0] =	vst v0;
	v0 =	vld [tilespmem:s18+$0xFFFFFFF0]  }
0x166: {  	v1 =	vld [tilespmem:s0+$0xFFFFFFF0];
	_ =	sdelay $0x1  }
0x167: {  	v2 =	vld [tilespmem:s14+$0xFFFFFFF0];
	_ =	sdelay $0x2  }
0x168: {  	v0 =	vadd.f32 v1, v0;
	_ =	sdelay $0x1  }
0x169: {  	v0 =	vadd.f32 v2, v0;
	_ =	sdelay $0x1  }
0x16a: {  	[tilespmem:s18+$0xFFFFFFF0] =	vst v0;
	v0 =	vld [tilespmem:s18+$0x0]  }
0x16b: {  	v1 =	vld [tilespmem:s0+$0x0];
	_ =	sdelay $0x1  }
0x16c: {  	v2 =	vld [tilespmem:s14+$0x0];
	_ =	sdelay $0x2  }
0x16d: {  	v0 =	vadd.f32 v1, v0;
	_ =	sdelay $0x1  }
0x16e: {  	v0 =	vadd.f32 v2, v0;
	_ =	sdelay $0x1  }
0x16f: {  	[tilespmem:s18+$0x0] =	vst v0;
	v0 =	vld [tilespmem:s18+$0x10]  }
0x170: {  	v1 =	vld [tilespmem:s0+$0x10]  }
0x171: {  	v2 =	vld [tilespmem:s14+$0x10];
	_ =	sdelay $0x3  }
0x172: {  	v0 =	vadd.f32 v1, v0;
	_ =	sdelay $0x1  }
0x173: {  	v0 =	vadd.f32 v2, v0;
	_ =	sdelay $0x1  }
0x174: {  	[tilespmem:s18+$0x10] =	vst v0;
	v0 =	vld [tilespmem:s18+$0x20]  }
0x175: {  	v1 =	vld [tilespmem:s0+$0x20]  }
0x176: {  	v2 =	vld [tilespmem:s14+$0x20];
	_ =	sdelay $0x3  }
0x177: {  	v0 =	vadd.f32 v1, v0;
	_ =	sdelay $0x1  }
0x178: {  	v0 =	vadd.f32 v2, v0;
	_ =	sdelay $0x1  }
0x179: {  	[tilespmem:s18+$0x20] =	vst v0;
	v0 =	vld [tilespmem:s18+$0x30]  }
0x17a: {  	v1 =	vld [tilespmem:s0+$0x30]  }
0x17b: {  	v2 =	vld [tilespmem:s14+$0x30];
	_ =	sdelay $0x3  }
0x17c: {  	v0 =	vadd.f32 v1, v0;
	_ =	sdelay $0x1  }
0x17d: {  	v0 =	vadd.f32 v2, v0;
	_ =	sdelay $0x1  }
0x17e: {  	[tilespmem:s18+$0x30] =	vst v0;
	v0 =	vld [tilespmem:s18+$0x40]  }
0x17f: {  	v1 =	vld [tilespmem:s0+$0x40]  }
0x180: {  	v2 =	vld [tilespmem:s14+$0x40];
	_ =	sdelay $0x3  }
0x181: {  	v0 =	vadd.f32 v1, v0;
	_ =	sdelay $0x1  }
0x182: {  	v0 =	vadd.f32 v2, v0;
	_ =	sdelay $0x1  }
0x183: {  	[tilespmem:s18+$0x40] =	vst v0;
	v0 =	vld [tilespmem:s18+$0x50]  }
0x184: {  	v1 =	vld [tilespmem:s0+$0x50]  }
0x185: {  	v2 =	vld [tilespmem:s14+$0x50];
	_ =	sdelay $0x3  }
0x186: {  	v0 =	vadd.f32 v1, v0;
	_ =	sdelay $0x1  }
0x187: {  	v0 =	vadd.f32 v2, v0;
	_ =	sdelay $0x1  }
0x188: {  	[tilespmem:s18+$0x50] =	vst v0;
	v0 =	vld [tilespmem:s18+$0x60]  }
0x189: {  	v1 =	vld [tilespmem:s0+$0x60]  }
0x18a: {  	v2 =	vld [tilespmem:s14+$0x60];
	_ =	sdelay $0x3  }
0x18b: {  	v0 =	vadd.f32 v1, v0;
	_ =	sdelay $0x1  }
0x18c: {  	v0 =	vadd.f32 v2, v0;
	_ =	sdelay $0x1  }
0x18d: {  	[tilespmem:s18+$0x60] =	vst v0;
	v0 =	vld [tilespmem:s18+$0x70]  }
0x18e: {  	v1 =	vld [tilespmem:s0+$0x70]  }
0x18f: {  	v2 =	vld [tilespmem:s14+$0x70];
	_ =	sdelay $0x2  }
.Ltmp3:
0x190: {  	(pc) =	sbr.rel @p1 .LBB2_5-.Ltmp3, $3  }
0x191: {  	v0 =	vadd.f32 v1, v0;
	_ =	sdelay $0x1  }
0x192: {  	v0 =	vadd.f32 v2, v0  }
0x193: {  	s18 =	sadd.s32 $0x100, s18  }
0x194: {  	s0 =	sadd.s32 s5, s31;
	s30 =	sadd.s32 $0x1, s30  }
0x195: {  	s0 =	sshll.u32 s0, $0x4;
	p1 =	sne.s32 s30, s12  }
.Ltmp4:
0x196: {  	[tilespmem:s13+$0x70] =	vst v0;
	s0 =	sadd.s32 s3, s0;
	(pc) =	sbr.rel @p1 .LBB2_2-.Ltmp4, $4  }
0x197: {  	[hbm4b:s0+s4] =	stream.linear.scatter [tilespmem:s24], [sflag:$0x3], $0x4000, $0x38;
	[tilespmem:$0x1C980] =	vst v63  }
0x198: {  	_ =	swait.ge [sflag:s17], $0x4000  }
0x199: {  	[sflag:s17] =	ssyncset.done $0x0  }
0x19a: {  	[sflag:s17] =	ssyncadd.s32 $0xFFFFC000  }
0x19b: {  	_ =	swait.ge [sflag:s28], $0x4000  }
0x19c: {  	[sflag:s28] =	ssyncset.done $0x0  }
0x19d: {  	[sflag:s28] =	ssyncadd.s32 $0xFFFFC000  }
0x19e: {  	_ =	swait.ge [sflag:s28], $0x4000  }
.Ltmp5:
0x19f: {  	[sflag:s28] =	ssyncset.done $0x0;
	(pc) =	sbr.rel @!p0 .LBB2_8-.Ltmp5, $4  }
0x1a0: {  	[sflag:s28] =	ssyncadd.s32 $0xFFFFC000  }
0x1a1: {  	_ =	swait.ge [sflag:s28], $0x4000  }
0x1a2: {  	s30 =	simm.s32 $0xCA00;
	[sflag:s28] =	ssyncset.done $0x0  }
0x1a3: {  	s31 =	simm.s32 $0x8A00;
	s0 =	simm.s32 $0x4A00;
	[sflag:s28] =	ssyncadd.s32 $0xFFFFC000  }
0x1a4: {  	v0 =	vld [tilespmem:s0+$0xFFFFFF80]  }
0x1a5: {  	v1 =	vld [tilespmem:s31+$0xFFFFFF80];
	_ =	sdelay $0x1  }
0x1a6: {  	v2 =	vld [tilespmem:s30+$0xFFFFFF80];
	_ =	sdelay $0x2  }
0x1a7: {  	v0 =	vadd.f32 v1, v0;
	_ =	sdelay $0x1  }
0x1a8: {  	v0 =	vadd.f32 v2, v0;
	_ =	sdelay $0x1  }
0x1a9: {  	[tilespmem:s0+$0xFFFFFF80] =	vst v0;
	v0 =	vld [tilespmem:s0+$0xFFFFFF90]  }
0x1aa: {  	v1 =	vld [tilespmem:s31+$0xFFFFFF90];
	_ =	sdelay $0x1  }
0x1ab: {  	v2 =	vld [tilespmem:s30+$0xFFFFFF90];
	_ =	sdelay $0x2  }
0x1ac: {  	v0 =	vadd.f32 v1, v0;
	_ =	sdelay $0x1  }
0x1ad: {  	v0 =	vadd.f32 v2, v0;
	_ =	sdelay $0x1  }
0x1ae: {  	[tilespmem:s0+$0xFFFFFF90] =	vst v0;
	v0 =	vld [tilespmem:s0+$0xFFFFFFA0]  }
0x1af: {  	v1 =	vld [tilespmem:s31+$0xFFFFFFA0];
	_ =	sdelay $0x1  }
0x1b0: {  	v2 =	vld [tilespmem:s30+$0xFFFFFFA0];
	_ =	sdelay $0x2  }
0x1b1: {  	v0 =	vadd.f32 v1, v0;
	_ =	sdelay $0x1  }
0x1b2: {  	v0 =	vadd.f32 v2, v0;
	_ =	sdelay $0x1  }
0x1b3: {  	[tilespmem:s0+$0xFFFFFFA0] =	vst v0;
	v0 =	vld [tilespmem:s0+$0xFFFFFFB0]  }
0x1b4: {  	v1 =	vld [tilespmem:s31+$0xFFFFFFB0];
	_ =	sdelay $0x1  }
0x1b5: {  	v2 =	vld [tilespmem:s30+$0xFFFFFFB0];
	_ =	sdelay $0x2  }
0x1b6: {  	v0 =	vadd.f32 v1, v0;
	_ =	sdelay $0x1  }
0x1b7: {  	v0 =	vadd.f32 v2, v0;
	_ =	sdelay $0x1  }
0x1b8: {  	[tilespmem:s0+$0xFFFFFFB0] =	vst v0;
	v0 =	vld [tilespmem:s0+$0xFFFFFFC0]  }
0x1b9: {  	v1 =	vld [tilespmem:s31+$0xFFFFFFC0];
	_ =	sdelay $0x1  }
0x1ba: {  	v2 =	vld [tilespmem:s30+$0xFFFFFFC0];
	_ =	sdelay $0x2  }
0x1bb: {  	v0 =	vadd.f32 v1, v0;
	_ =	sdelay $0x1  }
0x1bc: {  	v0 =	vadd.f32 v2, v0;
	_ =	sdelay $0x1  }
0x1bd: {  	[tilespmem:s0+$0xFFFFFFC0] =	vst v0;
	v0 =	vld [tilespmem:s0+$0xFFFFFFD0]  }
0x1be: {  	v1 =	vld [tilespmem:s31+$0xFFFFFFD0];
	_ =	sdelay $0x1  }
0x1bf: {  	v2 =	vld [tilespmem:s30+$0xFFFFFFD0];
	_ =	sdelay $0x2  }
0x1c0: {  	v0 =	vadd.f32 v1, v0;
	_ =	sdelay $0x1  }
0x1c1: {  	v0 =	vadd.f32 v2, v0;
	_ =	sdelay $0x1  }
0x1c2: {  	[tilespmem:s0+$0xFFFFFFD0] =	vst v0;
	v0 =	vld [tilespmem:s0+$0xFFFFFFE0]  }
0x1c3: {  	v1 =	vld [tilespmem:s31+$0xFFFFFFE0];
	_ =	sdelay $0x1  }
0x1c4: {  	v2 =	vld [tilespmem:s30+$0xFFFFFFE0];
	_ =	sdelay $0x2  }
0x1c5: {  	v0 =	vadd.f32 v1, v0;
	_ =	sdelay $0x1  }
0x1c6: {  	v0 =	vadd.f32 v2, v0;
	_ =	sdelay $0x1  }
0x1c7: {  	[tilespmem:s0+$0xFFFFFFE0] =	vst v0;
	v0 =	vld [tilespmem:s0+$0xFFFFFFF0]  }
0x1c8: {  	v1 =	vld [tilespmem:s31+$0xFFFFFFF0];
	_ =	sdelay $0x1  }
0x1c9: {  	v2 =	vld [tilespmem:s30+$0xFFFFFFF0];
	_ =	sdelay $0x2  }
0x1ca: {  	v0 =	vadd.f32 v1, v0;
	_ =	sdelay $0x1  }
0x1cb: {  	v0 =	vadd.f32 v2, v0;
	_ =	sdelay $0x1  }
0x1cc: {  	[tilespmem:s0+$0xFFFFFFF0] =	vst v0;
	v0 =	vld [tilespmem:s0+$0x0]  }
0x1cd: {  	v1 =	vld [tilespmem:s31+$0x0];
	_ =	sdelay $0x1  }
0x1ce: {  	v2 =	vld [tilespmem:s30+$0x0];
	_ =	sdelay $0x2  }
0x1cf: {  	v0 =	vadd.f32 v1, v0;
	_ =	sdelay $0x1  }
0x1d0: {  	v0 =	vadd.f32 v2, v0;
	_ =	sdelay $0x1  }
0x1d1: {  	[tilespmem:s0+$0x0] =	vst v0;
	v0 =	vld [tilespmem:s0+$0x10]  }
0x1d2: {  	v1 =	vld [tilespmem:s31+$0x10];
	_ =	sdelay $0x1  }
0x1d3: {  	v2 =	vld [tilespmem:s30+$0x10];
	_ =	sdelay $0x2  }
0x1d4: {  	v0 =	vadd.f32 v1, v0;
	_ =	sdelay $0x1  }
0x1d5: {  	v0 =	vadd.f32 v2, v0;
	_ =	sdelay $0x1  }
0x1d6: {  	[tilespmem:s0+$0x10] =	vst v0;
	v0 =	vld [tilespmem:s0+$0x20]  }
0x1d7: {  	v1 =	vld [tilespmem:s31+$0x20];
	_ =	sdelay $0x1  }
0x1d8: {  	v2 =	vld [tilespmem:s30+$0x20];
	_ =	sdelay $0x2  }
0x1d9: {  	v0 =	vadd.f32 v1, v0;
	_ =	sdelay $0x1  }
0x1da: {  	v0 =	vadd.f32 v2, v0;
	_ =	sdelay $0x1  }
0x1db: {  	[tilespmem:s0+$0x20] =	vst v0;
	v0 =	vld [tilespmem:s0+$0x30]  }
0x1dc: {  	v1 =	vld [tilespmem:s31+$0x30];
	_ =	sdelay $0x1  }
0x1dd: {  	v2 =	vld [tilespmem:s30+$0x30];
	_ =	sdelay $0x2  }
0x1de: {  	v0 =	vadd.f32 v1, v0;
	_ =	sdelay $0x1  }
0x1df: {  	v0 =	vadd.f32 v2, v0;
	_ =	sdelay $0x1  }
0x1e0: {  	[tilespmem:s0+$0x30] =	vst v0;
	v0 =	vld [tilespmem:s0+$0x40]  }
0x1e1: {  	v1 =	vld [tilespmem:s31+$0x40];
	_ =	sdelay $0x1  }
0x1e2: {  	v2 =	vld [tilespmem:s30+$0x40];
	_ =	sdelay $0x2  }
0x1e3: {  	v0 =	vadd.f32 v1, v0;
	_ =	sdelay $0x1  }
0x1e4: {  	v0 =	vadd.f32 v2, v0;
	_ =	sdelay $0x1  }
0x1e5: {  	[tilespmem:s0+$0x40] =	vst v0;
	v0 =	vld [tilespmem:s0+$0x50]  }
0x1e6: {  	v1 =	vld [tilespmem:s31+$0x50];
	_ =	sdelay $0x1  }
0x1e7: {  	v2 =	vld [tilespmem:s30+$0x50];
	_ =	sdelay $0x2  }
0x1e8: {  	v0 =	vadd.f32 v1, v0;
	_ =	sdelay $0x1  }
0x1e9: {  	v0 =	vadd.f32 v2, v0;
	_ =	sdelay $0x1  }
0x1ea: {  	[tilespmem:s0+$0x50] =	vst v0;
	v0 =	vld [tilespmem:s0+$0x60]  }
0x1eb: {  	v1 =	vld [tilespmem:s31+$0x60];
	_ =	sdelay $0x1  }
0x1ec: {  	v2 =	vld [tilespmem:s30+$0x60];
	_ =	sdelay $0x2  }
0x1ed: {  	v0 =	vadd.f32 v1, v0;
	_ =	sdelay $0x1  }
0x1ee: {  	v0 =	vadd.f32 v2, v0;
	_ =	sdelay $0x1  }
0x1ef: {  	[tilespmem:s0+$0x60] =	vst v0;
	v0 =	vld [tilespmem:s0+$0x70]  }
0x1f0: {  	v1 =	vld [tilespmem:s31+$0x70];
	_ =	sdelay $0x1  }
0x1f1: {  	v2 =	vld [tilespmem:s30+$0x70];
	_ =	sdelay $0x2  }
0x1f2: {  	v0 =	vadd.f32 v1, v0;
	_ =	sdelay $0x1  }
0x1f3: {  	v0 =	vadd.f32 v2, v0  }
0x1f4: {  	s13 =	simm.s32 $0x0;
	s14 =	simm.s32 $0x4B00  }
.LBB2_12:
0x1f5: {  	v1 =	vld [tilespmem:s14+$0xFFFFFF80];
	s13 =	sadd.s32 $0x2, s13;
	[tilespmem:s0+$0x70] =	vst v0;
	s30 =	sadd.s32 $0x100, s30;
	s31 =	sadd.s32 $0x100, s31  }
0x1f6: {  	s0 =	smov.u32 s14;
	v0 =	vld [tilespmem:s31+$0xFFFFFF80];
	p1 =	slt.u32 s13, $0x7E;
	_ =	sdelay $0x1  }
0x1f7: {  	v2 =	vld [tilespmem:s30+$0xFFFFFF80];
	_ =	sdelay $0x2  }
0x1f8: {  	v0 =	vadd.f32 v0, v1;
	_ =	sdelay $0x1  }
0x1f9: {  	v0 =	vadd.f32 v2, v0;
	_ =	sdelay $0x1  }
0x1fa: {  	[tilespmem:s14+$0xFFFFFF80] =	vst v0;
	v0 =	vld [tilespmem:s14+$0xFFFFFF90]  }
0x1fb: {  	v1 =	vld [tilespmem:s31+$0xFFFFFF90];
	_ =	sdelay $0x1  }
0x1fc: {  	v2 =	vld [tilespmem:s30+$0xFFFFFF90];
	_ =	sdelay $0x2  }
0x1fd: {  	v0 =	vadd.f32 v1, v0;
	_ =	sdelay $0x1  }
0x1fe: {  	v0 =	vadd.f32 v2, v0;
	_ =	sdelay $0x1  }
0x1ff: {  	[tilespmem:s14+$0xFFFFFF90] =	vst v0;
	v0 =	vld [tilespmem:s14+$0xFFFFFFA0]  }
0x200: {  	v1 =	vld [tilespmem:s31+$0xFFFFFFA0];
	_ =	sdelay $0x1  }
0x201: {  	v2 =	vld [tilespmem:s30+$0xFFFFFFA0];
	_ =	sdelay $0x2  }
0x202: {  	v0 =	vadd.f32 v1, v0;
	_ =	sdelay $0x1  }
0x203: {  	v0 =	vadd.f32 v2, v0;
	_ =	sdelay $0x1  }
0x204: {  	[tilespmem:s14+$0xFFFFFFA0] =	vst v0;
	v0 =	vld [tilespmem:s14+$0xFFFFFFB0]  }
0x205: {  	v1 =	vld [tilespmem:s31+$0xFFFFFFB0];
	_ =	sdelay $0x1  }
0x206: {  	v2 =	vld [tilespmem:s30+$0xFFFFFFB0];
	_ =	sdelay $0x2  }
0x207: {  	v0 =	vadd.f32 v1, v0;
	_ =	sdelay $0x1  }
0x208: {  	v0 =	vadd.f32 v2, v0;
	_ =	sdelay $0x1  }
0x209: {  	[tilespmem:s14+$0xFFFFFFB0] =	vst v0;
	v0 =	vld [tilespmem:s14+$0xFFFFFFC0]  }
0x20a: {  	v1 =	vld [tilespmem:s31+$0xFFFFFFC0];
	_ =	sdelay $0x1  }
0x20b: {  	v2 =	vld [tilespmem:s30+$0xFFFFFFC0];
	_ =	sdelay $0x2  }
0x20c: {  	v0 =	vadd.f32 v1, v0;
	_ =	sdelay $0x1  }
0x20d: {  	v0 =	vadd.f32 v2, v0;
	_ =	sdelay $0x1  }
0x20e: {  	[tilespmem:s14+$0xFFFFFFC0] =	vst v0;
	v0 =	vld [tilespmem:s14+$0xFFFFFFD0]  }
0x20f: {  	v1 =	vld [tilespmem:s31+$0xFFFFFFD0];
	_ =	sdelay $0x1  }
0x210: {  	v2 =	vld [tilespmem:s30+$0xFFFFFFD0];
	_ =	sdelay $0x2  }
0x211: {  	v0 =	vadd.f32 v1, v0;
	_ =	sdelay $0x1  }
0x212: {  	v0 =	vadd.f32 v2, v0;
	_ =	sdelay $0x1  }
0x213: {  	[tilespmem:s14+$0xFFFFFFD0] =	vst v0;
	v0 =	vld [tilespmem:s14+$0xFFFFFFE0]  }
0x214: {  	v1 =	vld [tilespmem:s31+$0xFFFFFFE0];
	_ =	sdelay $0x1  }
0x215: {  	v2 =	vld [tilespmem:s30+$0xFFFFFFE0];
	_ =	sdelay $0x2  }
0x216: {  	v0 =	vadd.f32 v1, v0;
	_ =	sdelay $0x1  }
0x217: {  	v0 =	vadd.f32 v2, v0;
	_ =	sdelay $0x1  }
0x218: {  	[tilespmem:s14+$0xFFFFFFE0] =	vst v0;
	v0 =	vld [tilespmem:s14+$0xFFFFFFF0]  }
0x219: {  	v1 =	vld [tilespmem:s31+$0xFFFFFFF0];
	_ =	sdelay $0x1  }
0x21a: {  	v2 =	vld [tilespmem:s30+$0xFFFFFFF0];
	_ =	sdelay $0x2  }
0x21b: {  	v0 =	vadd.f32 v1, v0;
	_ =	sdelay $0x1  }
0x21c: {  	v0 =	vadd.f32 v2, v0;
	_ =	sdelay $0x1  }
0x21d: {  	[tilespmem:s14+$0xFFFFFFF0] =	vst v0;
	v0 =	vld [tilespmem:s14+$0x0]  }
0x21e: {  	v1 =	vld [tilespmem:s31+$0x0];
	_ =	sdelay $0x1  }
0x21f: {  	v2 =	vld [tilespmem:s30+$0x0];
	_ =	sdelay $0x2  }
0x220: {  	v0 =	vadd.f32 v1, v0;
	_ =	sdelay $0x1  }
0x221: {  	v0 =	vadd.f32 v2, v0;
	_ =	sdelay $0x1  }
0x222: {  	[tilespmem:s14+$0x0] =	vst v0;
	v0 =	vld [tilespmem:s14+$0x10]  }
0x223: {  	v1 =	vld [tilespmem:s31+$0x10]  }
0x224: {  	v2 =	vld [tilespmem:s30+$0x10];
	_ =	sdelay $0x3  }
0x225: {  	v0 =	vadd.f32 v1, v0;
	_ =	sdelay $0x1  }
0x226: {  	v0 =	vadd.f32 v2, v0;
	_ =	sdelay $0x1  }
0x227: {  	[tilespmem:s14+$0x10] =	vst v0;
	v0 =	vld [tilespmem:s14+$0x20]  }
0x228: {  	v1 =	vld [tilespmem:s31+$0x20]  }
0x229: {  	v2 =	vld [tilespmem:s30+$0x20];
	_ =	sdelay $0x3  }
0x22a: {  	v0 =	vadd.f32 v1, v0;
	_ =	sdelay $0x1  }
0x22b: {  	v0 =	vadd.f32 v2, v0;
	_ =	sdelay $0x1  }
0x22c: {  	[tilespmem:s14+$0x20] =	vst v0;
	v0 =	vld [tilespmem:s14+$0x30]  }
0x22d: {  	v1 =	vld [tilespmem:s31+$0x30]  }
0x22e: {  	v2 =	vld [tilespmem:s30+$0x30];
	_ =	sdelay $0x3  }
0x22f: {  	v0 =	vadd.f32 v1, v0;
	_ =	sdelay $0x1  }
0x230: {  	v0 =	vadd.f32 v2, v0;
	_ =	sdelay $0x1  }
0x231: {  	[tilespmem:s14+$0x30] =	vst v0;
	v0 =	vld [tilespmem:s14+$0x40]  }
0x232: {  	v1 =	vld [tilespmem:s31+$0x40]  }
0x233: {  	v2 =	vld [tilespmem:s30+$0x40];
	_ =	sdelay $0x3  }
0x234: {  	v0 =	vadd.f32 v1, v0;
	_ =	sdelay $0x1  }
0x235: {  	v0 =	vadd.f32 v2, v0;
	_ =	sdelay $0x1  }
0x236: {  	[tilespmem:s14+$0x40] =	vst v0;
	v0 =	vld [tilespmem:s14+$0x50]  }
0x237: {  	v1 =	vld [tilespmem:s31+$0x50]  }
0x238: {  	v2 =	vld [tilespmem:s30+$0x50];
	_ =	sdelay $0x3  }
0x239: {  	v0 =	vadd.f32 v1, v0;
	_ =	sdelay $0x1  }
0x23a: {  	v0 =	vadd.f32 v2, v0;
	_ =	sdelay $0x1  }
0x23b: {  	[tilespmem:s14+$0x50] =	vst v0;
	v0 =	vld [tilespmem:s14+$0x60]  }
0x23c: {  	v1 =	vld [tilespmem:s31+$0x60]  }
0x23d: {  	v2 =	vld [tilespmem:s30+$0x60];
	_ =	sdelay $0x3  }
0x23e: {  	v0 =	vadd.f32 v1, v0;
	_ =	sdelay $0x1  }
0x23f: {  	v0 =	vadd.f32 v2, v0;
	_ =	sdelay $0x1  }
0x240: {  	[tilespmem:s14+$0x60] =	vst v0;
	v0 =	vld [tilespmem:s14+$0x70]  }
0x241: {  	v1 =	vld [tilespmem:s31+$0x70]  }
0x242: {  	v2 =	vld [tilespmem:s30+$0x70];
	_ =	sdelay $0x2  }
.Ltmp6:
0x243: {  	(pc) =	sbr.rel @p1 .LBB2_12-.Ltmp6, $3  }
0x244: {  	v0 =	vadd.f32 v1, v0;
	_ =	sdelay $0x1  }
0x245: {  	v0 =	vadd.f32 v2, v0  }
0x246: {  	s14 =	sadd.s32 $0x100, s14  }
0x247: {  	[tilespmem:s0+$0x70] =	vst v0;
	s18 =	rddreg [dreg:$0x4]  }
0x248: {  	[hbm4b:s18+s4] =	stream.linear.scatter [tilespmem:s21], [sflag:$0x3], $0x4000, $0x38;
	[tilespmem:$0x1C980] =	vst v63  }
0x249: {  	_ =	swait.ge [sflag:s17], $0x4000  }
0x24a: {  	[sflag:s17] =	ssyncset.done $0x0  }
0x24b: {  	s19 =	simm.s32 $0x1580;
	[sflag:s17] =	ssyncadd.s32 $0xFFFFC000  }
0x24c: {  	[tilespmem:s24], [sflag:$0x2] =	stream.indirect.gather [hbm4b:s6+s20], $0x80, s19, s20, $0xb8;
	[tilespmem:$0x1C980] =	vst v63  }
0x24d: {  	s30 =	simm.s32 $0x2E00  }
0x24e: {  	[tilespmem:s25], [sflag:$0x2] =	stream.indirect.gather [hbm4b:s8+s20], $0x80, s30, s20, $0xb8;
	[tilespmem:$0x1C980] =	vst v63  }
0x24f: {  	s31 =	simm.s32 $0x4680  }
0x250: {  	[tilespmem:s26], [sflag:$0x2] =	stream.indirect.gather [hbm4b:s2+s20], $0x80, s31, s20, $0xb8;
	[tilespmem:$0x1C980] =	vst v63  }
0x251: {  	_ =	swait.ge [sflag:s29], $0x4000  }
0x252: {  	[sflag:s29] =	ssyncset.done $0x0  }
0x253: {  	[sflag:s29] =	ssyncadd.s32 $0xFFFFC000  }
0x254: {  	_ =	swait.ge [sflag:s29], $0x4000  }
0x255: {  	[sflag:s29] =	ssyncset.done $0x0  }
0x256: {  	[sflag:s29] =	ssyncadd.s32 $0xFFFFC000  }
0x257: {  	_ =	swait.ge [sflag:s29], $0x4000  }
0x258: {  	[sflag:s29] =	ssyncset.done $0x0  }
0x259: {  	s14 =	simm.s32 $0x10A00;
	[sflag:s29] =	ssyncadd.s32 $0xFFFFC000  }
0x25a: {  	s0 =	simm.s32 $0x14A00;
	v0 =	vld [tilespmem:s14+$0xFFFFFF80]  }
0x25b: {  	v1 =	vld [tilespmem:s0+$0xFFFFFF80]  }
0x25c: {  	s13 =	simm.s32 $0x18A00  }
0x25d: {  	v2 =	vld [tilespmem:s13+$0xFFFFFF80];
	_ =	sdelay $0x2  }
0x25e: {  	v0 =	vadd.f32 v1, v0;
	_ =	sdelay $0x1  }
0x25f: {  	v0 =	vadd.f32 v2, v0;
	_ =	sdelay $0x1  }
0x260: {  	[tilespmem:s14+$0xFFFFFF80] =	vst v0;
	v0 =	vld [tilespmem:s14+$0xFFFFFF90]  }
0x261: {  	v1 =	vld [tilespmem:s0+$0xFFFFFF90];
	_ =	sdelay $0x1  }
0x262: {  	v2 =	vld [tilespmem:s13+$0xFFFFFF90];
	_ =	sdelay $0x2  }
0x263: {  	v0 =	vadd.f32 v1, v0;
	_ =	sdelay $0x1  }
0x264: {  	v0 =	vadd.f32 v2, v0;
	_ =	sdelay $0x1  }
0x265: {  	[tilespmem:s14+$0xFFFFFF90] =	vst v0;
	v0 =	vld [tilespmem:s14+$0xFFFFFFA0]  }
0x266: {  	v1 =	vld [tilespmem:s0+$0xFFFFFFA0];
	_ =	sdelay $0x1  }
0x267: {  	v2 =	vld [tilespmem:s13+$0xFFFFFFA0];
	_ =	sdelay $0x2  }
0x268: {  	v0 =	vadd.f32 v1, v0;
	_ =	sdelay $0x1  }
0x269: {  	v0 =	vadd.f32 v2, v0;
	_ =	sdelay $0x1  }
0x26a: {  	[tilespmem:s14+$0xFFFFFFA0] =	vst v0;
	v0 =	vld [tilespmem:s14+$0xFFFFFFB0]  }
0x26b: {  	v1 =	vld [tilespmem:s0+$0xFFFFFFB0];
	_ =	sdelay $0x1  }
0x26c: {  	v2 =	vld [tilespmem:s13+$0xFFFFFFB0];
	_ =	sdelay $0x2  }
0x26d: {  	v0 =	vadd.f32 v1, v0;
	_ =	sdelay $0x1  }
0x26e: {  	v0 =	vadd.f32 v2, v0;
	_ =	sdelay $0x1  }
0x26f: {  	[tilespmem:s14+$0xFFFFFFB0] =	vst v0;
	v0 =	vld [tilespmem:s14+$0xFFFFFFC0]  }
0x270: {  	v1 =	vld [tilespmem:s0+$0xFFFFFFC0];
	_ =	sdelay $0x1  }
0x271: {  	v2 =	vld [tilespmem:s13+$0xFFFFFFC0];
	_ =	sdelay $0x2  }
0x272: {  	v0 =	vadd.f32 v1, v0;
	_ =	sdelay $0x1  }
0x273: {  	v0 =	vadd.f32 v2, v0;
	_ =	sdelay $0x1  }
0x274: {  	[tilespmem:s14+$0xFFFFFFC0] =	vst v0;
	v0 =	vld [tilespmem:s14+$0xFFFFFFD0]  }
0x275: {  	v1 =	vld [tilespmem:s0+$0xFFFFFFD0];
	_ =	sdelay $0x1  }
0x276: {  	v2 =	vld [tilespmem:s13+$0xFFFFFFD0];
	_ =	sdelay $0x2  }
0x277: {  	v0 =	vadd.f32 v1, v0;
	_ =	sdelay $0x1  }
0x278: {  	v0 =	vadd.f32 v2, v0;
	_ =	sdelay $0x1  }
0x279: {  	[tilespmem:s14+$0xFFFFFFD0] =	vst v0;
	v0 =	vld [tilespmem:s14+$0xFFFFFFE0]  }
0x27a: {  	v1 =	vld [tilespmem:s0+$0xFFFFFFE0];
	_ =	sdelay $0x1  }
0x27b: {  	v2 =	vld [tilespmem:s13+$0xFFFFFFE0];
	_ =	sdelay $0x2  }
0x27c: {  	v0 =	vadd.f32 v1, v0;
	_ =	sdelay $0x1  }
0x27d: {  	v0 =	vadd.f32 v2, v0;
	_ =	sdelay $0x1  }
0x27e: {  	[tilespmem:s14+$0xFFFFFFE0] =	vst v0;
	v0 =	vld [tilespmem:s14+$0xFFFFFFF0]  }
0x27f: {  	v1 =	vld [tilespmem:s0+$0xFFFFFFF0];
	_ =	sdelay $0x1  }
0x280: {  	v2 =	vld [tilespmem:s13+$0xFFFFFFF0];
	_ =	sdelay $0x2  }
0x281: {  	v0 =	vadd.f32 v1, v0;
	_ =	sdelay $0x1  }
0x282: {  	v0 =	vadd.f32 v2, v0;
	_ =	sdelay $0x1  }
0x283: {  	[tilespmem:s14+$0xFFFFFFF0] =	vst v0;
	v0 =	vld [tilespmem:s14+$0x0]  }
0x284: {  	v1 =	vld [tilespmem:s0+$0x0];
	_ =	sdelay $0x1  }
0x285: {  	v2 =	vld [tilespmem:s13+$0x0];
	_ =	sdelay $0x2  }
0x286: {  	v0 =	vadd.f32 v1, v0;
	_ =	sdelay $0x1  }
0x287: {  	v0 =	vadd.f32 v2, v0;
	_ =	sdelay $0x1  }
0x288: {  	[tilespmem:s14+$0x0] =	vst v0;
	v0 =	vld [tilespmem:s14+$0x10]  }
0x289: {  	v1 =	vld [tilespmem:s0+$0x10];
	_ =	sdelay $0x1  }
0x28a: {  	v2 =	vld [tilespmem:s13+$0x10];
	_ =	sdelay $0x2  }
0x28b: {  	v0 =	vadd.f32 v1, v0;
	_ =	sdelay $0x1  }
0x28c: {  	v0 =	vadd.f32 v2, v0;
	_ =	sdelay $0x1  }
0x28d: {  	[tilespmem:s14+$0x10] =	vst v0;
	v0 =	vld [tilespmem:s14+$0x20]  }
0x28e: {  	v1 =	vld [tilespmem:s0+$0x20];
	_ =	sdelay $0x1  }
0x28f: {  	v2 =	vld [tilespmem:s13+$0x20];
	_ =	sdelay $0x2  }
0x290: {  	v0 =	vadd.f32 v1, v0;
	_ =	sdelay $0x1  }
0x291: {  	v0 =	vadd.f32 v2, v0;
	_ =	sdelay $0x1  }
0x292: {  	[tilespmem:s14+$0x20] =	vst v0;
	v0 =	vld [tilespmem:s14+$0x30]  }
0x293: {  	v1 =	vld [tilespmem:s0+$0x30];
	_ =	sdelay $0x1  }
0x294: {  	v2 =	vld [tilespmem:s13+$0x30];
	_ =	sdelay $0x2  }
0x295: {  	v0 =	vadd.f32 v1, v0;
	_ =	sdelay $0x1  }
0x296: {  	v0 =	vadd.f32 v2, v0;
	_ =	sdelay $0x1  }
0x297: {  	[tilespmem:s14+$0x30] =	vst v0;
	v0 =	vld [tilespmem:s14+$0x40]  }
0x298: {  	v1 =	vld [tilespmem:s0+$0x40];
	_ =	sdelay $0x1  }
0x299: {  	v2 =	vld [tilespmem:s13+$0x40];
	_ =	sdelay $0x2  }
0x29a: {  	v0 =	vadd.f32 v1, v0;
	_ =	sdelay $0x1  }
0x29b: {  	v0 =	vadd.f32 v2, v0;
	_ =	sdelay $0x1  }
0x29c: {  	[tilespmem:s14+$0x40] =	vst v0;
	v0 =	vld [tilespmem:s14+$0x50]  }
0x29d: {  	v1 =	vld [tilespmem:s0+$0x50];
	_ =	sdelay $0x1  }
0x29e: {  	v2 =	vld [tilespmem:s13+$0x50];
	_ =	sdelay $0x2  }
0x29f: {  	v0 =	vadd.f32 v1, v0;
	_ =	sdelay $0x1  }
0x2a0: {  	v0 =	vadd.f32 v2, v0;
	_ =	sdelay $0x1  }
0x2a1: {  	[tilespmem:s14+$0x50] =	vst v0;
	v0 =	vld [tilespmem:s14+$0x60]  }
0x2a2: {  	v1 =	vld [tilespmem:s0+$0x60];
	_ =	sdelay $0x1  }
0x2a3: {  	v2 =	vld [tilespmem:s13+$0x60];
	_ =	sdelay $0x2  }
0x2a4: {  	v0 =	vadd.f32 v1, v0;
	_ =	sdelay $0x1  }
0x2a5: {  	v0 =	vadd.f32 v2, v0;
	_ =	sdelay $0x1  }
0x2a6: {  	[tilespmem:s14+$0x60] =	vst v0;
	v0 =	vld [tilespmem:s14+$0x70]  }
0x2a7: {  	v1 =	vld [tilespmem:s0+$0x70];
	_ =	sdelay $0x1  }
0x2a8: {  	v2 =	vld [tilespmem:s13+$0x70];
	_ =	sdelay $0x2  }
0x2a9: {  	v0 =	vadd.f32 v1, v0;
	_ =	sdelay $0x1  }
0x2aa: {  	v0 =	vadd.f32 v2, v0  }
0x2ab: {  	s15 =	simm.s32 $0x0;
	s18 =	simm.s32 $0x10B00  }
.LBB2_14:
0x2ac: {  	v1 =	vld [tilespmem:s18+$0xFFFFFF80];
	s15 =	sadd.s32 $0x2, s15;
	[tilespmem:s14+$0x70] =	vst v0;
	s13 =	sadd.s32 $0x100, s13;
	s0 =	sadd.s32 $0x100, s0  }
0x2ad: {  	s14 =	smov.u32 s18;
	v0 =	vld [tilespmem:s0+$0xFFFFFF80];
	p1 =	slt.u32 s15, $0x3E;
	_ =	sdelay $0x1  }
0x2ae: {  	v2 =	vld [tilespmem:s13+$0xFFFFFF80];
	_ =	sdelay $0x2  }
0x2af: {  	v0 =	vadd.f32 v0, v1;
	_ =	sdelay $0x1  }
0x2b0: {  	v0 =	vadd.f32 v2, v0;
	_ =	sdelay $0x1  }
0x2b1: {  	[tilespmem:s18+$0xFFFFFF80] =	vst v0;
	v0 =	vld [tilespmem:s18+$0xFFFFFF90]  }
0x2b2: {  	v1 =	vld [tilespmem:s0+$0xFFFFFF90];
	_ =	sdelay $0x1  }
0x2b3: {  	v2 =	vld [tilespmem:s13+$0xFFFFFF90];
	_ =	sdelay $0x2  }
0x2b4: {  	v0 =	vadd.f32 v1, v0;
	_ =	sdelay $0x1  }
0x2b5: {  	v0 =	vadd.f32 v2, v0;
	_ =	sdelay $0x1  }
0x2b6: {  	[tilespmem:s18+$0xFFFFFF90] =	vst v0;
	v0 =	vld [tilespmem:s18+$0xFFFFFFA0]  }
0x2b7: {  	v1 =	vld [tilespmem:s0+$0xFFFFFFA0];
	_ =	sdelay $0x1  }
0x2b8: {  	v2 =	vld [tilespmem:s13+$0xFFFFFFA0];
	_ =	sdelay $0x2  }
0x2b9: {  	v0 =	vadd.f32 v1, v0;
	_ =	sdelay $0x1  }
0x2ba: {  	v0 =	vadd.f32 v2, v0;
	_ =	sdelay $0x1  }
0x2bb: {  	[tilespmem:s18+$0xFFFFFFA0] =	vst v0;
	v0 =	vld [tilespmem:s18+$0xFFFFFFB0]  }
0x2bc: {  	v1 =	vld [tilespmem:s0+$0xFFFFFFB0];
	_ =	sdelay $0x1  }
0x2bd: {  	v2 =	vld [tilespmem:s13+$0xFFFFFFB0];
	_ =	sdelay $0x2  }
0x2be: {  	v0 =	vadd.f32 v1, v0;
	_ =	sdelay $0x1  }
0x2bf: {  	v0 =	vadd.f32 v2, v0;
	_ =	sdelay $0x1  }
0x2c0: {  	[tilespmem:s18+$0xFFFFFFB0] =	vst v0;
	v0 =	vld [tilespmem:s18+$0xFFFFFFC0]  }
0x2c1: {  	v1 =	vld [tilespmem:s0+$0xFFFFFFC0];
	_ =	sdelay $0x1  }
0x2c2: {  	v2 =	vld [tilespmem:s13+$0xFFFFFFC0];
	_ =	sdelay $0x2  }
0x2c3: {  	v0 =	vadd.f32 v1, v0;
	_ =	sdelay $0x1  }
0x2c4: {  	v0 =	vadd.f32 v2, v0;
	_ =	sdelay $0x1  }
0x2c5: {  	[tilespmem:s18+$0xFFFFFFC0] =	vst v0;
	v0 =	vld [tilespmem:s18+$0xFFFFFFD0]  }
0x2c6: {  	v1 =	vld [tilespmem:s0+$0xFFFFFFD0];
	_ =	sdelay $0x1  }
0x2c7: {  	v2 =	vld [tilespmem:s13+$0xFFFFFFD0];
	_ =	sdelay $0x2  }
0x2c8: {  	v0 =	vadd.f32 v1, v0;
	_ =	sdelay $0x1  }
0x2c9: {  	v0 =	vadd.f32 v2, v0;
	_ =	sdelay $0x1  }
0x2ca: {  	[tilespmem:s18+$0xFFFFFFD0] =	vst v0;
	v0 =	vld [tilespmem:s18+$0xFFFFFFE0]  }
0x2cb: {  	v1 =	vld [tilespmem:s0+$0xFFFFFFE0];
	_ =	sdelay $0x1  }
0x2cc: {  	v2 =	vld [tilespmem:s13+$0xFFFFFFE0];
	_ =	sdelay $0x2  }
0x2cd: {  	v0 =	vadd.f32 v1, v0;
	_ =	sdelay $0x1  }
0x2ce: {  	v0 =	vadd.f32 v2, v0;
	_ =	sdelay $0x1  }
0x2cf: {  	[tilespmem:s18+$0xFFFFFFE0] =	vst v0;
	v0 =	vld [tilespmem:s18+$0xFFFFFFF0]  }
0x2d0: {  	v1 =	vld [tilespmem:s0+$0xFFFFFFF0];
	_ =	sdelay $0x1  }
0x2d1: {  	v2 =	vld [tilespmem:s13+$0xFFFFFFF0];
	_ =	sdelay $0x2  }
0x2d2: {  	v0 =	vadd.f32 v1, v0;
	_ =	sdelay $0x1  }
0x2d3: {  	v0 =	vadd.f32 v2, v0;
	_ =	sdelay $0x1  }
0x2d4: {  	[tilespmem:s18+$0xFFFFFFF0] =	vst v0;
	v0 =	vld [tilespmem:s18+$0x0]  }
0x2d5: {  	v1 =	vld [tilespmem:s0+$0x0];
	_ =	sdelay $0x1  }
0x2d6: {  	v2 =	vld [tilespmem:s13+$0x0];
	_ =	sdelay $0x2  }
0x2d7: {  	v0 =	vadd.f32 v1, v0;
	_ =	sdelay $0x1  }
0x2d8: {  	v0 =	vadd.f32 v2, v0;
	_ =	sdelay $0x1  }
0x2d9: {  	[tilespmem:s18+$0x0] =	vst v0;
	v0 =	vld [tilespmem:s18+$0x10]  }
0x2da: {  	v1 =	vld [tilespmem:s0+$0x10]  }
0x2db: {  	v2 =	vld [tilespmem:s13+$0x10];
	_ =	sdelay $0x3  }
0x2dc: {  	v0 =	vadd.f32 v1, v0;
	_ =	sdelay $0x1  }
0x2dd: {  	v0 =	vadd.f32 v2, v0;
	_ =	sdelay $0x1  }
0x2de: {  	[tilespmem:s18+$0x10] =	vst v0;
	v0 =	vld [tilespmem:s18+$0x20]  }
0x2df: {  	v1 =	vld [tilespmem:s0+$0x20]  }
0x2e0: {  	v2 =	vld [tilespmem:s13+$0x20];
	_ =	sdelay $0x3  }
0x2e1: {  	v0 =	vadd.f32 v1, v0;
	_ =	sdelay $0x1  }
0x2e2: {  	v0 =	vadd.f32 v2, v0;
	_ =	sdelay $0x1  }
0x2e3: {  	[tilespmem:s18+$0x20] =	vst v0;
	v0 =	vld [tilespmem:s18+$0x30]  }
0x2e4: {  	v1 =	vld [tilespmem:s0+$0x30]  }
0x2e5: {  	v2 =	vld [tilespmem:s13+$0x30];
	_ =	sdelay $0x3  }
0x2e6: {  	v0 =	vadd.f32 v1, v0;
	_ =	sdelay $0x1  }
0x2e7: {  	v0 =	vadd.f32 v2, v0;
	_ =	sdelay $0x1  }
0x2e8: {  	[tilespmem:s18+$0x30] =	vst v0;
	v0 =	vld [tilespmem:s18+$0x40]  }
0x2e9: {  	v1 =	vld [tilespmem:s0+$0x40]  }
0x2ea: {  	v2 =	vld [tilespmem:s13+$0x40];
	_ =	sdelay $0x3  }
0x2eb: {  	v0 =	vadd.f32 v1, v0;
	_ =	sdelay $0x1  }
0x2ec: {  	v0 =	vadd.f32 v2, v0;
	_ =	sdelay $0x1  }
0x2ed: {  	[tilespmem:s18+$0x40] =	vst v0;
	v0 =	vld [tilespmem:s18+$0x50]  }
0x2ee: {  	v1 =	vld [tilespmem:s0+$0x50]  }
0x2ef: {  	v2 =	vld [tilespmem:s13+$0x50];
	_ =	sdelay $0x3  }
0x2f0: {  	v0 =	vadd.f32 v1, v0;
	_ =	sdelay $0x1  }
0x2f1: {  	v0 =	vadd.f32 v2, v0;
	_ =	sdelay $0x1  }
0x2f2: {  	[tilespmem:s18+$0x50] =	vst v0;
	v0 =	vld [tilespmem:s18+$0x60]  }
0x2f3: {  	v1 =	vld [tilespmem:s0+$0x60]  }
0x2f4: {  	v2 =	vld [tilespmem:s13+$0x60];
	_ =	sdelay $0x3  }
0x2f5: {  	v0 =	vadd.f32 v1, v0;
	_ =	sdelay $0x1  }
0x2f6: {  	v0 =	vadd.f32 v2, v0;
	_ =	sdelay $0x1  }
0x2f7: {  	[tilespmem:s18+$0x60] =	vst v0;
	v0 =	vld [tilespmem:s18+$0x70]  }
0x2f8: {  	v1 =	vld [tilespmem:s0+$0x70]  }
0x2f9: {  	v2 =	vld [tilespmem:s13+$0x70];
	_ =	sdelay $0x2  }
.Ltmp7:
0x2fa: {  	(pc) =	sbr.rel @p1 .LBB2_14-.Ltmp7, $3  }
0x2fb: {  	v0 =	vadd.f32 v1, v0;
	_ =	sdelay $0x1  }
0x2fc: {  	v0 =	vadd.f32 v2, v0  }
0x2fd: {  	s18 =	sadd.s32 $0x100, s18  }
.Ltmp8:
0x2fe: {  	[tilespmem:s14+$0x70] =	vst v0;
	s0 =	rddreg [dreg:$0x5];
	(pc) =	sbr.rel .LBB2_16-.Ltmp8, $4  }
0x2ff: {  	[hbm4b:s0+s4] =	stream.linear.scatter [tilespmem:s24], [sflag:$0x3], $0x2000, $0x38;
	[tilespmem:$0x1C980] =	vst v63  }
0x300: {  	_ =	swait.ge [sflag:s17], $0x2000  }
0x301: {  	[sflag:s17] =	ssyncset.done $0x0  }
0x302: {  	[sflag:s17] =	ssyncadd.s32 $0xFFFFE000  }
.LBB2_8:
0x303: {  	v0 =	vld [tilespmem:s0+$0xFFFFFF80]  }
0x304: {  	v1 =	vld [tilespmem:s31+$0xFFFFFF80];
	_ =	sdelay $0x1  }
0x305: {  	v2 =	vld [tilespmem:s30+$0xFFFFFF80];
	_ =	sdelay $0x2  }
0x306: {  	v0 =	vadd.f32 v1, v0;
	_ =	sdelay $0x1  }
0x307: {  	v0 =	vadd.f32 v2, v0;
	_ =	sdelay $0x1  }
0x308: {  	[tilespmem:s0+$0xFFFFFF80] =	vst v0;
	v0 =	vld [tilespmem:s0+$0xFFFFFF90]  }
0x309: {  	v1 =	vld [tilespmem:s31+$0xFFFFFF90];
	_ =	sdelay $0x1  }
0x30a: {  	v2 =	vld [tilespmem:s30+$0xFFFFFF90];
	_ =	sdelay $0x2  }
0x30b: {  	v0 =	vadd.f32 v1, v0;
	_ =	sdelay $0x1  }
0x30c: {  	v0 =	vadd.f32 v2, v0;
	_ =	sdelay $0x1  }
0x30d: {  	[tilespmem:s0+$0xFFFFFF90] =	vst v0;
	v0 =	vld [tilespmem:s0+$0xFFFFFFA0]  }
0x30e: {  	v1 =	vld [tilespmem:s31+$0xFFFFFFA0];
	_ =	sdelay $0x1  }
0x30f: {  	v2 =	vld [tilespmem:s30+$0xFFFFFFA0];
	_ =	sdelay $0x2  }
0x310: {  	v0 =	vadd.f32 v1, v0;
	_ =	sdelay $0x1  }
0x311: {  	v0 =	vadd.f32 v2, v0;
	_ =	sdelay $0x1  }
0x312: {  	[tilespmem:s0+$0xFFFFFFA0] =	vst v0;
	v0 =	vld [tilespmem:s0+$0xFFFFFFB0]  }
0x313: {  	v1 =	vld [tilespmem:s31+$0xFFFFFFB0];
	_ =	sdelay $0x1  }
0x314: {  	v2 =	vld [tilespmem:s30+$0xFFFFFFB0];
	_ =	sdelay $0x2  }
0x315: {  	v0 =	vadd.f32 v1, v0;
	_ =	sdelay $0x1  }
0x316: {  	v0 =	vadd.f32 v2, v0;
	_ =	sdelay $0x1  }
0x317: {  	[tilespmem:s0+$0xFFFFFFB0] =	vst v0;
	v0 =	vld [tilespmem:s0+$0xFFFFFFC0]  }
0x318: {  	v1 =	vld [tilespmem:s31+$0xFFFFFFC0];
	_ =	sdelay $0x1  }
0x319: {  	v2 =	vld [tilespmem:s30+$0xFFFFFFC0];
	_ =	sdelay $0x2  }
0x31a: {  	v0 =	vadd.f32 v1, v0;
	_ =	sdelay $0x1  }
0x31b: {  	v0 =	vadd.f32 v2, v0;
	_ =	sdelay $0x1  }
0x31c: {  	[tilespmem:s0+$0xFFFFFFC0] =	vst v0;
	v0 =	vld [tilespmem:s0+$0xFFFFFFD0]  }
0x31d: {  	v1 =	vld [tilespmem:s31+$0xFFFFFFD0];
	_ =	sdelay $0x1  }
0x31e: {  	v2 =	vld [tilespmem:s30+$0xFFFFFFD0];
	_ =	sdelay $0x2  }
0x31f: {  	v0 =	vadd.f32 v1, v0;
	_ =	sdelay $0x1  }
0x320: {  	v0 =	vadd.f32 v2, v0;
	_ =	sdelay $0x1  }
0x321: {  	[tilespmem:s0+$0xFFFFFFD0] =	vst v0;
	v0 =	vld [tilespmem:s0+$0xFFFFFFE0]  }
0x322: {  	v1 =	vld [tilespmem:s31+$0xFFFFFFE0];
	_ =	sdelay $0x1  }
0x323: {  	v2 =	vld [tilespmem:s30+$0xFFFFFFE0];
	_ =	sdelay $0x2  }
0x324: {  	v0 =	vadd.f32 v1, v0;
	_ =	sdelay $0x1  }
0x325: {  	v0 =	vadd.f32 v2, v0;
	_ =	sdelay $0x1  }
0x326: {  	[tilespmem:s0+$0xFFFFFFE0] =	vst v0;
	v0 =	vld [tilespmem:s0+$0xFFFFFFF0]  }
0x327: {  	v1 =	vld [tilespmem:s31+$0xFFFFFFF0];
	_ =	sdelay $0x1  }
0x328: {  	v2 =	vld [tilespmem:s30+$0xFFFFFFF0];
	_ =	sdelay $0x2  }
0x329: {  	v0 =	vadd.f32 v1, v0;
	_ =	sdelay $0x1  }
0x32a: {  	v0 =	vadd.f32 v2, v0;
	_ =	sdelay $0x1  }
0x32b: {  	[tilespmem:s0+$0xFFFFFFF0] =	vst v0;
	v0 =	vld [tilespmem:s0+$0x0]  }
0x32c: {  	v1 =	vld [tilespmem:s31+$0x0];
	_ =	sdelay $0x1  }
0x32d: {  	v2 =	vld [tilespmem:s30+$0x0];
	_ =	sdelay $0x2  }
0x32e: {  	v0 =	vadd.f32 v1, v0;
	_ =	sdelay $0x1  }
0x32f: {  	v0 =	vadd.f32 v2, v0;
	_ =	sdelay $0x1  }
0x330: {  	[tilespmem:s0+$0x0] =	vst v0;
	v0 =	vld [tilespmem:s0+$0x10]  }
0x331: {  	v1 =	vld [tilespmem:s31+$0x10];
	_ =	sdelay $0x1  }
0x332: {  	v2 =	vld [tilespmem:s30+$0x10];
	_ =	sdelay $0x2  }
0x333: {  	v0 =	vadd.f32 v1, v0;
	_ =	sdelay $0x1  }
0x334: {  	v0 =	vadd.f32 v2, v0;
	_ =	sdelay $0x1  }
0x335: {  	[tilespmem:s0+$0x10] =	vst v0;
	v0 =	vld [tilespmem:s0+$0x20]  }
0x336: {  	v1 =	vld [tilespmem:s31+$0x20];
	_ =	sdelay $0x1  }
0x337: {  	v2 =	vld [tilespmem:s30+$0x20];
	_ =	sdelay $0x2  }
0x338: {  	v0 =	vadd.f32 v1, v0;
	_ =	sdelay $0x1  }
0x339: {  	v0 =	vadd.f32 v2, v0;
	_ =	sdelay $0x1  }
0x33a: {  	[tilespmem:s0+$0x20] =	vst v0;
	v0 =	vld [tilespmem:s0+$0x30]  }
0x33b: {  	v1 =	vld [tilespmem:s31+$0x30];
	_ =	sdelay $0x1  }
0x33c: {  	v2 =	vld [tilespmem:s30+$0x30];
	_ =	sdelay $0x2  }
0x33d: {  	v0 =	vadd.f32 v1, v0;
	_ =	sdelay $0x1  }
0x33e: {  	v0 =	vadd.f32 v2, v0;
	_ =	sdelay $0x1  }
0x33f: {  	[tilespmem:s0+$0x30] =	vst v0;
	v0 =	vld [tilespmem:s0+$0x40]  }
0x340: {  	v1 =	vld [tilespmem:s31+$0x40];
	_ =	sdelay $0x1  }
0x341: {  	v2 =	vld [tilespmem:s30+$0x40];
	_ =	sdelay $0x2  }
0x342: {  	v0 =	vadd.f32 v1, v0;
	_ =	sdelay $0x1  }
0x343: {  	v0 =	vadd.f32 v2, v0;
	_ =	sdelay $0x1  }
0x344: {  	[tilespmem:s0+$0x40] =	vst v0;
	v0 =	vld [tilespmem:s0+$0x50]  }
0x345: {  	v1 =	vld [tilespmem:s31+$0x50];
	_ =	sdelay $0x1  }
0x346: {  	v2 =	vld [tilespmem:s30+$0x50];
	_ =	sdelay $0x2  }
0x347: {  	v0 =	vadd.f32 v1, v0;
	_ =	sdelay $0x1  }
0x348: {  	v0 =	vadd.f32 v2, v0;
	_ =	sdelay $0x1  }
0x349: {  	[tilespmem:s0+$0x50] =	vst v0;
	v0 =	vld [tilespmem:s0+$0x60]  }
0x34a: {  	v1 =	vld [tilespmem:s31+$0x60];
	_ =	sdelay $0x1  }
0x34b: {  	v2 =	vld [tilespmem:s30+$0x60];
	_ =	sdelay $0x2  }
0x34c: {  	v0 =	vadd.f32 v1, v0;
	_ =	sdelay $0x1  }
0x34d: {  	v0 =	vadd.f32 v2, v0;
	_ =	sdelay $0x1  }
0x34e: {  	[tilespmem:s0+$0x60] =	vst v0;
	v0 =	vld [tilespmem:s0+$0x70]  }
0x34f: {  	v1 =	vld [tilespmem:s31+$0x70];
	_ =	sdelay $0x1  }
0x350: {  	v2 =	vld [tilespmem:s30+$0x70];
	_ =	sdelay $0x2  }
0x351: {  	v0 =	vadd.f32 v1, v0;
	_ =	sdelay $0x1  }
0x352: {  	v0 =	vadd.f32 v2, v0  }
0x353: {  	s13 =	simm.s32 $0x0;
	s14 =	simm.s32 $0x4B00  }
.LBB2_9:
0x354: {  	v1 =	vld [tilespmem:s14+$0xFFFFFF80];
	s13 =	sadd.s32 $0x2, s13;
	[tilespmem:s0+$0x70] =	vst v0;
	s30 =	sadd.s32 $0x100, s30;
	s31 =	sadd.s32 $0x100, s31  }
0x355: {  	s0 =	smov.u32 s14;
	v0 =	vld [tilespmem:s31+$0xFFFFFF80];
	p1 =	slt.u32 s13, $0x7E;
	_ =	sdelay $0x1  }
0x356: {  	v2 =	vld [tilespmem:s30+$0xFFFFFF80];
	_ =	sdelay $0x2  }
0x357: {  	v0 =	vadd.f32 v0, v1;
	_ =	sdelay $0x1  }
0x358: {  	v0 =	vadd.f32 v2, v0;
	_ =	sdelay $0x1  }
0x359: {  	[tilespmem:s14+$0xFFFFFF80] =	vst v0;
	v0 =	vld [tilespmem:s14+$0xFFFFFF90]  }
0x35a: {  	v1 =	vld [tilespmem:s31+$0xFFFFFF90];
	_ =	sdelay $0x1  }
0x35b: {  	v2 =	vld [tilespmem:s30+$0xFFFFFF90];
	_ =	sdelay $0x2  }
0x35c: {  	v0 =	vadd.f32 v1, v0;
	_ =	sdelay $0x1  }
0x35d: {  	v0 =	vadd.f32 v2, v0;
	_ =	sdelay $0x1  }
0x35e: {  	[tilespmem:s14+$0xFFFFFF90] =	vst v0;
	v0 =	vld [tilespmem:s14+$0xFFFFFFA0]  }
0x35f: {  	v1 =	vld [tilespmem:s31+$0xFFFFFFA0];
	_ =	sdelay $0x1  }
0x360: {  	v2 =	vld [tilespmem:s30+$0xFFFFFFA0];
	_ =	sdelay $0x2  }
0x361: {  	v0 =	vadd.f32 v1, v0;
	_ =	sdelay $0x1  }
0x362: {  	v0 =	vadd.f32 v2, v0;
	_ =	sdelay $0x1  }
0x363: {  	[tilespmem:s14+$0xFFFFFFA0] =	vst v0;
	v0 =	vld [tilespmem:s14+$0xFFFFFFB0]  }
0x364: {  	v1 =	vld [tilespmem:s31+$0xFFFFFFB0];
	_ =	sdelay $0x1  }
0x365: {  	v2 =	vld [tilespmem:s30+$0xFFFFFFB0];
	_ =	sdelay $0x2  }
0x366: {  	v0 =	vadd.f32 v1, v0;
	_ =	sdelay $0x1  }
0x367: {  	v0 =	vadd.f32 v2, v0;
	_ =	sdelay $0x1  }
0x368: {  	[tilespmem:s14+$0xFFFFFFB0] =	vst v0;
	v0 =	vld [tilespmem:s14+$0xFFFFFFC0]  }
0x369: {  	v1 =	vld [tilespmem:s31+$0xFFFFFFC0];
	_ =	sdelay $0x1  }
0x36a: {  	v2 =	vld [tilespmem:s30+$0xFFFFFFC0];
	_ =	sdelay $0x2  }
0x36b: {  	v0 =	vadd.f32 v1, v0;
	_ =	sdelay $0x1  }
0x36c: {  	v0 =	vadd.f32 v2, v0;
	_ =	sdelay $0x1  }
0x36d: {  	[tilespmem:s14+$0xFFFFFFC0] =	vst v0;
	v0 =	vld [tilespmem:s14+$0xFFFFFFD0]  }
0x36e: {  	v1 =	vld [tilespmem:s31+$0xFFFFFFD0];
	_ =	sdelay $0x1  }
0x36f: {  	v2 =	vld [tilespmem:s30+$0xFFFFFFD0];
	_ =	sdelay $0x2  }
0x370: {  	v0 =	vadd.f32 v1, v0;
	_ =	sdelay $0x1  }
0x371: {  	v0 =	vadd.f32 v2, v0;
	_ =	sdelay $0x1  }
0x372: {  	[tilespmem:s14+$0xFFFFFFD0] =	vst v0;
	v0 =	vld [tilespmem:s14+$0xFFFFFFE0]  }
0x373: {  	v1 =	vld [tilespmem:s31+$0xFFFFFFE0];
	_ =	sdelay $0x1  }
0x374: {  	v2 =	vld [tilespmem:s30+$0xFFFFFFE0];
	_ =	sdelay $0x2  }
0x375: {  	v0 =	vadd.f32 v1, v0;
	_ =	sdelay $0x1  }
0x376: {  	v0 =	vadd.f32 v2, v0;
	_ =	sdelay $0x1  }
0x377: {  	[tilespmem:s14+$0xFFFFFFE0] =	vst v0;
	v0 =	vld [tilespmem:s14+$0xFFFFFFF0]  }
0x378: {  	v1 =	vld [tilespmem:s31+$0xFFFFFFF0];
	_ =	sdelay $0x1  }
0x379: {  	v2 =	vld [tilespmem:s30+$0xFFFFFFF0];
	_ =	sdelay $0x2  }
0x37a: {  	v0 =	vadd.f32 v1, v0;
	_ =	sdelay $0x1  }
0x37b: {  	v0 =	vadd.f32 v2, v0;
	_ =	sdelay $0x1  }
0x37c: {  	[tilespmem:s14+$0xFFFFFFF0] =	vst v0;
	v0 =	vld [tilespmem:s14+$0x0]  }
0x37d: {  	v1 =	vld [tilespmem:s31+$0x0];
	_ =	sdelay $0x1  }
0x37e: {  	v2 =	vld [tilespmem:s30+$0x0];
	_ =	sdelay $0x2  }
0x37f: {  	v0 =	vadd.f32 v1, v0;
	_ =	sdelay $0x1  }
0x380: {  	v0 =	vadd.f32 v2, v0;
	_ =	sdelay $0x1  }
0x381: {  	[tilespmem:s14+$0x0] =	vst v0;
	v0 =	vld [tilespmem:s14+$0x10]  }
0x382: {  	v1 =	vld [tilespmem:s31+$0x10]  }
0x383: {  	v2 =	vld [tilespmem:s30+$0x10];
	_ =	sdelay $0x3  }
0x384: {  	v0 =	vadd.f32 v1, v0;
	_ =	sdelay $0x1  }
0x385: {  	v0 =	vadd.f32 v2, v0;
	_ =	sdelay $0x1  }
0x386: {  	[tilespmem:s14+$0x10] =	vst v0;
	v0 =	vld [tilespmem:s14+$0x20]  }
0x387: {  	v1 =	vld [tilespmem:s31+$0x20]  }
0x388: {  	v2 =	vld [tilespmem:s30+$0x20];
	_ =	sdelay $0x3  }
0x389: {  	v0 =	vadd.f32 v1, v0;
	_ =	sdelay $0x1  }
0x38a: {  	v0 =	vadd.f32 v2, v0;
	_ =	sdelay $0x1  }
0x38b: {  	[tilespmem:s14+$0x20] =	vst v0;
	v0 =	vld [tilespmem:s14+$0x30]  }
0x38c: {  	v1 =	vld [tilespmem:s31+$0x30]  }
0x38d: {  	v2 =	vld [tilespmem:s30+$0x30];
	_ =	sdelay $0x3  }
0x38e: {  	v0 =	vadd.f32 v1, v0;
	_ =	sdelay $0x1  }
0x38f: {  	v0 =	vadd.f32 v2, v0;
	_ =	sdelay $0x1  }
0x390: {  	[tilespmem:s14+$0x30] =	vst v0;
	v0 =	vld [tilespmem:s14+$0x40]  }
0x391: {  	v1 =	vld [tilespmem:s31+$0x40]  }
0x392: {  	v2 =	vld [tilespmem:s30+$0x40];
	_ =	sdelay $0x3  }
0x393: {  	v0 =	vadd.f32 v1, v0;
	_ =	sdelay $0x1  }
0x394: {  	v0 =	vadd.f32 v2, v0;
	_ =	sdelay $0x1  }
0x395: {  	[tilespmem:s14+$0x40] =	vst v0;
	v0 =	vld [tilespmem:s14+$0x50]  }
0x396: {  	v1 =	vld [tilespmem:s31+$0x50]  }
0x397: {  	v2 =	vld [tilespmem:s30+$0x50];
	_ =	sdelay $0x3  }
0x398: {  	v0 =	vadd.f32 v1, v0;
	_ =	sdelay $0x1  }
0x399: {  	v0 =	vadd.f32 v2, v0;
	_ =	sdelay $0x1  }
0x39a: {  	[tilespmem:s14+$0x50] =	vst v0;
	v0 =	vld [tilespmem:s14+$0x60]  }
0x39b: {  	v1 =	vld [tilespmem:s31+$0x60]  }
0x39c: {  	v2 =	vld [tilespmem:s30+$0x60];
	_ =	sdelay $0x3  }
0x39d: {  	v0 =	vadd.f32 v1, v0;
	_ =	sdelay $0x1  }
0x39e: {  	v0 =	vadd.f32 v2, v0;
	_ =	sdelay $0x1  }
0x39f: {  	[tilespmem:s14+$0x60] =	vst v0;
	v0 =	vld [tilespmem:s14+$0x70]  }
0x3a0: {  	v1 =	vld [tilespmem:s31+$0x70]  }
0x3a1: {  	v2 =	vld [tilespmem:s30+$0x70];
	_ =	sdelay $0x2  }
.Ltmp9:
0x3a2: {  	(pc) =	sbr.rel @p1 .LBB2_9-.Ltmp9, $3  }
0x3a3: {  	v0 =	vadd.f32 v1, v0;
	_ =	sdelay $0x1  }
0x3a4: {  	v0 =	vadd.f32 v2, v0  }
0x3a5: {  	s14 =	sadd.s32 $0x100, s14  }
.Ltmp10:
0x3a6: {  	[tilespmem:s0+$0x70] =	vst v0;
	s31 =	rddreg [dreg:$0x3];
	(pc) =	sbr.rel .LBB2_16-.Ltmp10, $4  }
0x3a7: {  	[hbm4b:s31+s4] =	stream.linear.scatter [tilespmem:s21], [sflag:$0x3], $0x4000, $0x38;
	[tilespmem:$0x1C980] =	vst v63  }
0x3a8: {  	_ =	swait.ge [sflag:s17], $0x4000  }
0x3a9: {  	[sflag:s17] =	ssyncset.done $0x0  }
0x3aa: {  	[sflag:s17] =	ssyncadd.s32 $0xFFFFC000  }
.LBB2_17:
0x3ab: {  	_ =	sfence.sel $0x180000  }
0x3ac: {  	[bflag:$0x0] =	sbarrier.arrive $0xFFFF  }
0x3ad: {  	_ =	strace $0x90000047  }
0x3ae: {  	s0 =	stileid.u32;
	[bflag:$0x2] =	sbarrier.arrive $0xFFFF  }
0x3af: {  	p0 =	sne.s32 s0, $0x0;
	s0 =	rddreg [dreg:$0x2]  }
0x3b0: {  	s0 =	sadd.s32 @!p0 $0x100000, s0  }
0x3b1: {  	[sflag:s0] =	ssyncadd.tile.s32 @!p0 $0x1;
	_ =	shalt  }
.Lfunc_end2:
_tile_overlayer_lowered:
.L_overlay_start_2:
0x3b2: {  	(tag) =	ssettag $0x2  }
0x3b3: {  	s0 =	rddreg [dreg:$0x0];
	s2 =	stileid.u32  }
0x3b4: {  	s1 =	rddreg [dreg:$0x1];
	p0 =	sne.s32 s2, $0x0  }
0x3b5: {  	s3 =	rddreg [dreg:$0x2];
	[bflag:$0x3] =	sbarrier.arrive $0xFFFF;
	s2 =	simm.s32 @!p0 $0x1C03  }
0x3b6: {  	[timem:s3], [sflag:s2] =	dma.local @!p0 [hbm:s0], s1  }
0x3b7: {  	s0 =	simm.s32 @!p0 $0x3  }
0x3b8: {  	_ =	swait.ge @!p0 [sflag:s0], s1  }
0x3b9: {  	s1 =	ssub.s32 @!p0 $0x0, s1;
	[sflag:s0] =	ssyncset.done @!p0 $0x0  }
0x3ba: {  	[sflag:s0] =	ssyncadd.s32 @!p0 s1  }
0x3bb: {  	[bflag:$0x3] =	sbarrier.arrive $0xFFFF  }
0x3bc: {  	_ =	shalt  }

</sc_bundles>
